<compile_context>
chip_gen: v7x
topology: tpu7x:2x2x1
jax: 0.10.2.dev20260603
libtpu: 0.0.44.dev20260713+nightly
codegen_flags: <defaults>
</compile_context>

<pallas_src>
import functools

import jax
import jax.numpy as jnp
from jax import lax
from jax.experimental import pallas as pl
from jax.experimental.pallas import tpu as pltpu
from jax.experimental.pallas import tpu_sc as plsc

N = 10000
E = 320000
D = 128
EPS = 1e-5

NC = 2
NS = 16
L = 16

NP8 = 10240
RPT = NP8 // NS
NBUF = 4

CHUNK = 80
EPT = E // (NC * NS)
NCH = EPT // CHUNK
EPS_ = NC * NS * EPT

CHD = 128
EPTD = 10112
NCHD = EPTD // CHD
EP = NC * NS * EPTD
DUMMY = N + 16

_MESH = plsc.VectorSubcoreMesh(
    core_axis_name="c", subcore_axis_name="s", num_cores=NC, num_subcores=NS)


def _zero_fill(buf, nrows):
    def fz(i, carry):
        for t in range(D // L):
            buf[i, pl.ds(t * L, L)] = jnp.zeros((L,), jnp.float32)
        return carry
    lax.fori_loop(0, nrows, fz, 0)


NBD = 8
PFD = 4


@functools.partial(
    pl.kernel,
    out_type=jax.ShapeDtypeStruct((NC, NP8, D), jnp.float32),
    mesh=_MESH,
    scratch_types=[
        pltpu.VMEM_SHARED((NP8, D), jnp.float32),
        pltpu.VMEM((CHD, D), jnp.float32),
    ] + [pltpu.VMEM((CHD,), jnp.int32)] * NBD
      + [pltpu.SemaphoreType.DMA] * NBD
      + [pltpu.SemaphoreType.DMA] * NBD,
)
def _deg_kernel(dst_hbm, out_hbm, acc, ones_v, *bufs):
    c = lax.axis_index("c")
    s = lax.axis_index("s")
    db = bufs[0:NBD]
    dsem = bufs[NBD:2 * NBD]
    ssem = bufs[2 * NBD:3 * NBD]

    _zero_fill(ones_v, CHD)
    for t in range(RPT // CHD):
        pltpu.sync_copy(ones_v, acc.at[pl.ds(s * RPT + t * CHD, CHD)])

    def fo(i, carry):
        for t in range(D // L):
            ones_v[i, pl.ds(t * L, L)] = jnp.zeros((L,), jnp.float32) + 1.0
        return carry
    lax.fori_loop(0, CHD, fo, 0)
    plsc.subcore_barrier()

    base = (c * NS + s) * EPTD
    for b in range(PFD):
        pltpu.async_copy(dst_hbm.at[pl.ds(base + b * CHD, CHD)],
                         db[b], dsem[b])

    def oct_(q, carry):
        for b in range(NBD):
            t = q * NBD + b
            bp = (b + PFD) % NBD

            @pl.when(t < NCHD)
            def _body():
                pltpu.make_async_copy(
                    dst_hbm.at[pl.ds(base + t * CHD, CHD)],
                    db[b], dsem[b]).wait()
                pltpu.async_copy(ones_v, acc.at[db[b]], ssem[b], add=True)
                tp = t + PFD

                @pl.when(tp < NCHD)
                def _pf():
                    @pl.when(t >= PFD)
                    def _ws():
                        pltpu.make_async_copy(
                            ones_v, acc.at[db[bp]], ssem[bp]).wait()
                    pltpu.async_copy(
                        dst_hbm.at[pl.ds(base + tp * CHD, CHD)],
                        db[bp], dsem[bp])
        return carry

    lax.fori_loop(0, (NCHD + NBD - 1) // NBD, oct_, 0)
    for b in range(NBD):
        t = NCHD - NBD + b
        pltpu.make_async_copy(ones_v, acc.at[db[t % NBD]],
                              ssem[t % NBD]).wait()
    plsc.subcore_barrier()
    pltpu.sync_copy(acc.at[pl.ds(s * RPT, RPT)],
                    out_hbm.at[c, pl.ds(s * RPT, RPT)])


NBR = 4
NBI = 8


@functools.partial(
    pl.kernel,
    out_type=jax.ShapeDtypeStruct((NC, NP8, D), jnp.float32),
    mesh=_MESH,
    scratch_types=[
        pltpu.VMEM_SHARED((NP8, D), jnp.float32),
    ] + [pltpu.VMEM((CHUNK, D), jnp.float32)] * NBR
      + [pltpu.VMEM((CHUNK,), jnp.int32)] * (2 * NBI)
      + [pltpu.SemaphoreType.DMA] * (2 * NBR + 2 * NBI),
)
def _scatter_kernel(y_hbm, src_hbm, dst_hbm, out_hbm, acc, *bufs):
    c = lax.axis_index("c")
    s = lax.axis_index("s")
    rows = bufs[0:NBR]
    sb = bufs[NBR:NBR + NBI]
    db = bufs[NBR + NBI:NBR + 2 * NBI]
    o = NBR + 2 * NBI
    gsem = bufs[o:o + NBR]
    ssem = bufs[o + NBR:o + 2 * NBR]
    esem = bufs[o + 2 * NBR:o + 2 * NBR + NBI]
    dsem = bufs[o + 2 * NBR + NBI:o + 2 * NBR + 2 * NBI]

    _zero_fill(rows[0], CHUNK)
    for t in range(RPT // CHUNK):
        pltpu.sync_copy(rows[0], acc.at[pl.ds(s * RPT + t * CHUNK, CHUNK)])
    plsc.subcore_barrier()

    base = (c * NS + s) * EPT
    for b in range(3):
        off = base + b * CHUNK
        pltpu.async_copy(src_hbm.at[pl.ds(off, CHUNK)], sb[b], esem[b])
        pltpu.async_copy(dst_hbm.at[pl.ds(off, CHUNK)], db[b], dsem[b])
    for b in range(2):
        off = base + b * CHUNK
        pltpu.make_async_copy(src_hbm.at[pl.ds(off, CHUNK)], sb[b],
                              esem[b]).wait()
        pltpu.async_copy(y_hbm.at[sb[b]], rows[b], gsem[b])

    def hex_(q, carry):
        for b in range(NBI):
            t = q * NBI + b
            br = b % NBR
            bp = (b + 3) % NBI
            bg = (b + 2) % NBI
            bw = (b + 2) % NBR

            @pl.when(t < NCH)
            def _body():
                pltpu.make_async_copy(
                    dst_hbm.at[pl.ds(base + t * CHUNK, CHUNK)],
                    db[b], dsem[b]).wait()
                pltpu.make_async_copy(y_hbm.at[sb[b]], rows[br],
                                      gsem[br]).wait()
                pltpu.async_copy(rows[br], acc.at[db[b]], ssem[br],
                                 add=True)
                tp = t + 3

                @pl.when(tp < NCH)
                def _pf():
                    off = base + tp * CHUNK
                    pltpu.async_copy(src_hbm.at[pl.ds(off, CHUNK)],
                                     sb[bp], esem[bp])
                    pltpu.async_copy(dst_hbm.at[pl.ds(off, CHUNK)],
                                     db[bp], dsem[bp])
                tg = t + 2

                @pl.when(tg < NCH)
                def _pg():
                    @pl.when(t >= 2)
                    def _ws():
                        pltpu.make_async_copy(
                            rows[bw], acc.at[db[bg]], ssem[bw]).wait()
                    pltpu.make_async_copy(
                        src_hbm.at[pl.ds(base + tg * CHUNK, CHUNK)],
                        sb[bg], esem[bg]).wait()
                    pltpu.async_copy(y_hbm.at[sb[bg]], rows[bw], gsem[bw])
        return carry

    lax.fori_loop(0, (NCH + NBI - 1) // NBI, hex_, 0)
    for b in range(NBR):
        t = NCH - NBR + b
        pltpu.make_async_copy(rows[t % NBR], acc.at[db[t % NBI]],
                              ssem[t % NBR]).wait()
    plsc.subcore_barrier()
    pltpu.sync_copy(acc.at[pl.ds(s * RPT, RPT)],
                    out_hbm.at[c, pl.ds(s * RPT, RPT)])


BN = 2000


def _prep_body(deg_ref, x_ref, dinv_ref, y_ref):
    deg = deg_ref[0, :, 0:1] + deg_ref[1, :, 0:1] + 1.0
    dinv = lax.rsqrt(jnp.maximum(deg, 1.0))
    dinv_ref[...] = dinv
    y_ref[...] = x_ref[...] * dinv


def _layer_body(acc_ref, y_ref, dinv_ref, w_ref, b_ref, g_ref, beta_ref,
                out_ref):
    dinv = dinv_ref[...]
    agg = (y_ref[...] + acc_ref[0] + acc_ref[1]) * dinv
    h = jnp.dot(agg, w_ref[...], preferred_element_type=jnp.float32)
    h = jnp.maximum(h + b_ref[...], 0.0)
    mu = jnp.mean(h, axis=1, keepdims=True)
    var = jnp.mean((h - mu) * (h - mu), axis=1, keepdims=True)
    ln = (h - mu) * lax.rsqrt(var + EPS) * g_ref[...] + beta_ref[...]
    out_ref[...] = ln * dinv


def _final_body(acc_ref, y_ref, dinv_ref, w_ref, b_ref, g_ref, beta_ref,
                wout_ref, out_ref):
    dinv = dinv_ref[...]
    agg = (y_ref[...] + acc_ref[0] + acc_ref[1]) * dinv
    h = jnp.dot(agg, w_ref[...], preferred_element_type=jnp.float32)
    h = jnp.maximum(h + b_ref[...], 0.0)
    mu = jnp.mean(h, axis=1, keepdims=True)
    var = jnp.mean((h - mu) * (h - mu), axis=1, keepdims=True)
    ln = (h - mu) * lax.rsqrt(var + EPS) * g_ref[...] + beta_ref[...]
    out_ref[...] = jnp.dot(ln, wout_ref[...],
                           preferred_element_type=jnp.float32)


_ROWS = pl.BlockSpec((BN, D), lambda i: (i, 0))
_ACC = pl.BlockSpec((NC, BN, D), lambda i: (0, i, 0))
_DINV = pl.BlockSpec((BN, 1), lambda i: (i, 0))
_MAT = pl.BlockSpec((D, D), lambda i: (0, 0))
_VEC = pl.BlockSpec((1, D), lambda i: (0, 0))

_prep_call = pl.pallas_call(
    _prep_body,
    grid=(N // BN,),
    in_specs=[_ACC, _ROWS],
    out_specs=[_DINV, _ROWS],
    out_shape=[jax.ShapeDtypeStruct((N, 1), jnp.float32),
               jax.ShapeDtypeStruct((N, D), jnp.float32)],
)

_layer_call = pl.pallas_call(
    _layer_body,
    grid=(N // BN,),
    in_specs=[_ACC, _ROWS, _DINV, _MAT, _VEC, _VEC, _VEC],
    out_specs=_ROWS,
    out_shape=jax.ShapeDtypeStruct((N, D), jnp.float32),
)

_final_call = pl.pallas_call(
    _final_body,
    grid=(N // BN,),
    in_specs=[_ACC, _ROWS, _DINV, _MAT, _VEC, _VEC, _VEC, _MAT],
    out_specs=_ROWS,
    out_shape=jax.ShapeDtypeStruct((N, D), jnp.float32),
)


def kernel(x, edge_index, W0, b0, g0, beta0, W1, b1, g1, beta1,
           W2, b2, g2, beta2, W_out):
    ept0 = E // (NC * NS)
    src2 = edge_index[0].reshape(NC * NS, ept0)
    dst2 = edge_index[1].reshape(NC * NS, ept0)
    src = jnp.pad(src2, ((0, 0), (0, EPT - ept0))).reshape(EPS_)
    dst = jnp.pad(dst2, ((0, 0), (0, EPT - ept0)),
                  constant_values=DUMMY).reshape(EPS_)
    dstd = jnp.pad(dst2, ((0, 0), (0, EPTD - ept0)),
                   constant_values=DUMMY).reshape(EP)
    deg2 = _deg_kernel(dstd)
    dinv, y = _prep_call(deg2, x)
    params = [(W0, b0, g0, beta0), (W1, b1, g1, beta1), (W2, b2, g2, beta2)]
    for k, (W, b, g, beta) in enumerate(params):
        acc2 = _scatter_kernel(y, src, dst)
        bv = b.reshape(1, D)
        gv = g.reshape(1, D)
        betav = beta.reshape(1, D)
        if k < 2:
            y = _layer_call(acc2, y, dinv, W, bv, gv, betav)
        else:
            out = _final_call(acc2, y, dinv, W, bv, gv, betav, W_out)
    return out

# --- scband reference (transcript-rebuilt; emitter-appended) ---
"""Pipeline reference for scband-graph-model-19877108646647 (READ-ONLY COPY).

The authoritative reference and input builder live on the scoring server;
editing this copy changes nothing except your own understanding.
"""

import jax, jax.numpy as jnp
import numpy as np

N = 10000
E = 320000
D = 128
NUM_LAYERS = 3
EPS = 1e-5


def setup_inputs(seed: int = 0) -> dict:
    key = jax.random.key(seed)
    ks = jax.random.split(key, 12)
    s = 1.0 / np.sqrt(D)
    inp = {
        'x': jax.random.normal(ks[0], (N, D), dtype=jnp.float32),
        'edge_index': jax.random.randint(ks[1], (2, E), 0, N, dtype=jnp.int32),
    }
    for i in range(NUM_LAYERS):
        inp[f'W{i}'] = jax.random.normal(ks[2 + i], (D, D), dtype=jnp.float32) * s
        inp[f'b{i}'] = jnp.zeros((D,), dtype=jnp.float32)
        inp[f'g{i}'] = jnp.ones((D,), dtype=jnp.float32)
        inp[f'beta{i}'] = jnp.zeros((D,), dtype=jnp.float32)
    inp['W_out'] = jax.random.normal(ks[10], (D, D), dtype=jnp.float32) * s
    return inp


def _layer_norm(h, g, b):
    mu = jnp.mean(h, axis=-1, keepdims=True)
    var = jnp.var(h, axis=-1, keepdims=True)
    return (h - mu) * jax.lax.rsqrt(var + EPS) * g + b


def _forward(x, edge_index, params, W_out):
    n = x.shape[0]
    loop = jnp.arange(n, dtype=edge_index.dtype)
    src = jnp.concatenate([edge_index[0], loop])
    dst = jnp.concatenate([edge_index[1], loop])
    # symmetric degree normalization (GCN) with self-loops
    deg = jnp.zeros((n,), dtype=x.dtype).at[dst].add(1.0)
    dinv = jax.lax.rsqrt(jnp.maximum(deg, 1.0))
    norm = dinv[src] * dinv[dst]
    for (W, b, g, beta) in params:
        msgs = x[src] * norm[:, None]                      # gather (SparseCore)
        agg = jnp.zeros_like(x).at[dst].add(msgs)          # scatter-add (SparseCore)
        h = agg @ W + b
        h = jax.nn.relu(h)
        x = _layer_norm(h, g, beta)
    return x @ W_out


def reference(x, edge_index, W0, b0, g0, beta0, W1, b1, g1, beta1, W2, b2, g2, beta2, W_out):
    params = [(W0, b0, g0, beta0), (W1, b1, g1, beta1), (W2, b2, g2, beta2)]
    return _forward(x, edge_index, params, W_out)

if __name__ == "__main__":
    import jax
    _d = setup_inputs()
    print(jax.jit(kernel)(*tuple(_d.values())))

</pallas_src>

<mosaic_0001>
#map = affine_map<(d0, d1) -> (0)>
#map1 = affine_map<(d0, d1) -> (0, 0, 0)>
module attributes {stable_mosaic.version = 14 : i64} {
  func.func @_deg_kernel(%arg0: i32, %arg1: i32, %arg2: memref<323584xi32, #tpu.memory_space<hbm>>, %arg3: memref<2x10240x128xf32, #tpu.memory_space<hbm>>, %arg4: memref<10240x128xf32, #tpu.memory_space<vmem_shared>>, %arg5: memref<128x128xf32, #tpu.memory_space<vmem>>, %arg6: memref<128xi32, #tpu.memory_space<vmem>>, %arg7: memref<128xi32, #tpu.memory_space<vmem>>, %arg8: memref<128xi32, #tpu.memory_space<vmem>>, %arg9: memref<128xi32, #tpu.memory_space<vmem>>, %arg10: memref<128xi32, #tpu.memory_space<vmem>>, %arg11: memref<128xi32, #tpu.memory_space<vmem>>, %arg12: memref<128xi32, #tpu.memory_space<vmem>>, %arg13: memref<128xi32, #tpu.memory_space<vmem>>, %arg14: memref<!tpu.dma_semaphore, #tpu.memory_space<semaphore_mem>>, %arg15: memref<!tpu.dma_semaphore, #tpu.memory_space<semaphore_mem>>, %arg16: memref<!tpu.dma_semaphore, #tpu.memory_space<semaphore_mem>>, %arg17: memref<!tpu.dma_semaphore, #tpu.memory_space<semaphore_mem>>, %arg18: memref<!tpu.dma_semaphore, #tpu.memory_space<semaphore_mem>>, %arg19: memref<!tpu.dma_semaphore, #tpu.memory_space<semaphore_mem>>, %arg20: memref<!tpu.dma_semaphore, #tpu.memory_space<semaphore_mem>>, %arg21: memref<!tpu.dma_semaphore, #tpu.memory_space<semaphore_mem>>, %arg22: memref<!tpu.dma_semaphore, #tpu.memory_space<semaphore_mem>>, %arg23: memref<!tpu.dma_semaphore, #tpu.memory_space<semaphore_mem>>, %arg24: memref<!tpu.dma_semaphore, #tpu.memory_space<semaphore_mem>>, %arg25: memref<!tpu.dma_semaphore, #tpu.memory_space<semaphore_mem>>, %arg26: memref<!tpu.dma_semaphore, #tpu.memory_space<semaphore_mem>>, %arg27: memref<!tpu.dma_semaphore, #tpu.memory_space<semaphore_mem>>, %arg28: memref<!tpu.dma_semaphore, #tpu.memory_space<semaphore_mem>>, %arg29: memref<!tpu.dma_semaphore, #tpu.memory_space<semaphore_mem>>) attributes {dimension_semantics = [#tpu.dimension_semantics<core_parallel>, #tpu.dimension_semantics<subcore_parallel>], iteration_bounds = array<i64: 2, 16>, scalar_prefetch = 0 : i64, scratch_operands = 26 : i64, tpu.core_type = #tpu.core_type<sc_vector_subcore>, window_params = [{transform_indices = #map}, {transform_indices = #map1}]} {
    %scan3A = arith.constant 0 : i32
    %scan3A_0 = arith.constant 0 : i32
    %scan3A_1 = arith.constant 128 : i32
    %scan3A_2 = arith.addi %scan3A_0, %scan3A_1 : i32
    %scan3A_3 = arith.constant 1 : i32
    scf.for %scan3A_83 = %scan3A_0 to %scan3A_2 step %scan3A_3  : i32 {
      %broadcast_in_dim3A = arith.constant 0.000000e+00 : f32
      %broadcast_in_dim3A_84 = vector.broadcast %broadcast_in_dim3A : f32 to vector<16xf32>
      %swap3A = arith.index_cast %scan3A_83 : i32 to index
      %swap3A_85 = arith.constant 0 : index
      %swap3A_86 = tpu.vector_load %arg5[%swap3A, %swap3A_85] {strides = array<i32>} : memref<128x128xf32, #tpu.memory_space<vmem>>, vector<1x16xf32>,
      %swap3A_87 = vector.shape_cast %swap3A_86 : vector<1x16xf32> to vector<16xf32>
      %swap3A_88 = vector.shape_cast %broadcast_in_dim3A_84 : vector<16xf32> to vector<1x16xf32>
      tpu.vector_store %arg5[%swap3A, %swap3A_85], %swap3A_88 {strides = array<i32>} : memref<128x128xf32, #tpu.memory_space<vmem>>, vector<1x16xf32>,
      %broadcast_in_dim3A_89 = arith.constant 0.000000e+00 : f32
      %broadcast_in_dim3A_90 = vector.broadcast %broadcast_in_dim3A_89 : f32 to vector<16xf32>
      %swap3A_91 = arith.index_cast %scan3A_83 : i32 to index
      %swap3A_92 = arith.constant 16 : index
      %swap3A_93 = tpu.vector_load %arg5[%swap3A_91, %swap3A_92] {strides = array<i32>} : memref<128x128xf32, #tpu.memory_space<vmem>>, vector<1x16xf32>,
      %swap3A_94 = vector.shape_cast %swap3A_93 : vector<1x16xf32> to vector<16xf32>
      %swap3A_95 = vector.shape_cast %broadcast_in_dim3A_90 : vector<16xf32> to vector<1x16xf32>
      tpu.vector_store %arg5[%swap3A_91, %swap3A_92], %swap3A_95 {strides = array<i32>} : memref<128x128xf32, #tpu.memory_space<vmem>>, vector<1x16xf32>,
      %broadcast_in_dim3A_96 = arith.constant 0.000000e+00 : f32
      %broadcast_in_dim3A_97 = vector.broadcast %broadcast_in_dim3A_96 : f32 to vector<16xf32>
      %swap3A_98 = arith.index_cast %scan3A_83 : i32 to index
      %swap3A_99 = arith.constant 32 : index
      %swap3A_100 = tpu.vector_load %arg5[%swap3A_98, %swap3A_99] {strides = array<i32>} : memref<128x128xf32, #tpu.memory_space<vmem>>, vector<1x16xf32>,
      %swap3A_101 = vector.shape_cast %swap3A_100 : vector<1x16xf32> to vector<16xf32>
      %swap3A_102 = vector.shape_cast %broadcast_in_dim3A_97 : vector<16xf32> to vector<1x16xf32>
      tpu.vector_store %arg5[%swap3A_98, %swap3A_99], %swap3A_102 {strides = array<i32>} : memref<128x128xf32, #tpu.memory_space<vmem>>, vector<1x16xf32>,
      %broadcast_in_dim3A_103 = arith.constant 0.000000e+00 : f32
      %broadcast_in_dim3A_104 = vector.broadcast %broadcast_in_dim3A_103 : f32 to vector<16xf32>
      %swap3A_105 = arith.index_cast %scan3A_83 : i32 to index
      %swap3A_106 = arith.constant 48 : index
      %swap3A_107 = tpu.vector_load %arg5[%swap3A_105, %swap3A_106] {strides = array<i32>} : memref<128x128xf32, #tpu.memory_space<vmem>>, vector<1x16xf32>,
      %swap3A_108 = vector.shape_cast %swap3A_107 : vector<1x16xf32> to vector<16xf32>
      %swap3A_109 = vector.shape_cast %broadcast_in_dim3A_104 : vector<16xf32> to vector<1x16xf32>
      tpu.vector_store %arg5[%swap3A_105, %swap3A_106], %swap3A_109 {strides = array<i32>} : memref<128x128xf32, #tpu.memory_space<vmem>>, vector<1x16xf32>,
      %broadcast_in_dim3A_110 = arith.constant 0.000000e+00 : f32
      %broadcast_in_dim3A_111 = vector.broadcast %broadcast_in_dim3A_110 : f32 to vector<16xf32>
      %swap3A_112 = arith.index_cast %scan3A_83 : i32 to index
      %swap3A_113 = arith.constant 64 : index
      %swap3A_114 = tpu.vector_load %arg5[%swap3A_112, %swap3A_113] {strides = array<i32>} : memref<128x128xf32, #tpu.memory_space<vmem>>, vector<1x16xf32>,
      %swap3A_115 = vector.shape_cast %swap3A_114 : vector<1x16xf32> to vector<16xf32>
      %swap3A_116 = vector.shape_cast %broadcast_in_dim3A_111 : vector<16xf32> to vector<1x16xf32>
      tpu.vector_store %arg5[%swap3A_112, %swap3A_113], %swap3A_116 {strides = array<i32>} : memref<128x128xf32, #tpu.memory_space<vmem>>, vector<1x16xf32>,
      %broadcast_in_dim3A_117 = arith.constant 0.000000e+00 : f32
      %broadcast_in_dim3A_118 = vector.broadcast %broadcast_in_dim3A_117 : f32 to vector<16xf32>
      %swap3A_119 = arith.index_cast %scan3A_83 : i32 to index
      %swap3A_120 = arith.constant 80 : index
      %swap3A_121 = tpu.vector_load %arg5[%swap3A_119, %swap3A_120] {strides = array<i32>} : memref<128x128xf32, #tpu.memory_space<vmem>>, vector<1x16xf32>,
      %swap3A_122 = vector.shape_cast %swap3A_121 : vector<1x16xf32> to vector<16xf32>
      %swap3A_123 = vector.shape_cast %broadcast_in_dim3A_118 : vector<16xf32> to vector<1x16xf32>
      tpu.vector_store %arg5[%swap3A_119, %swap3A_120], %swap3A_123 {strides = array<i32>} : memref<128x128xf32, #tpu.memory_space<vmem>>, vector<1x16xf32>,
      %broadcast_in_dim3A_124 = arith.constant 0.000000e+00 : f32
      %broadcast_in_dim3A_125 = vector.broadcast %broadcast_in_dim3A_124 : f32 to vector<16xf32>
      %swap3A_126 = arith.index_cast %scan3A_83 : i32 to index
      %swap3A_127 = arith.constant 96 : index
      %swap3A_128 = tpu.vector_load %arg5[%swap3A_126, %swap3A_127] {strides = array<i32>} : memref<128x128xf32, #tpu.memory_space<vmem>>, vector<1x16xf32>,
      %swap3A_129 = vector.shape_cast %swap3A_128 : vector<1x16xf32> to vector<16xf32>
      %swap3A_130 = vector.shape_cast %broadcast_in_dim3A_125 : vector<16xf32> to vector<1x16xf32>
      tpu.vector_store %arg5[%swap3A_126, %swap3A_127], %swap3A_130 {strides = array<i32>} : memref<128x128xf32, #tpu.memory_space<vmem>>, vector<1x16xf32>,
      %broadcast_in_dim3A_131 = arith.constant 0.000000e+00 : f32
      %broadcast_in_dim3A_132 = vector.broadcast %broadcast_in_dim3A_131 : f32 to vector<16xf32>
      %swap3A_133 = arith.index_cast %scan3A_83 : i32 to index
      %swap3A_134 = arith.constant 112 : index
      %swap3A_135 = tpu.vector_load %arg5[%swap3A_133, %swap3A_134] {strides = array<i32>} : memref<128x128xf32, #tpu.memory_space<vmem>>, vector<1x16xf32>,
      %swap3A_136 = vector.shape_cast %swap3A_135 : vector<1x16xf32> to vector<16xf32>
      %swap3A_137 = vector.shape_cast %broadcast_in_dim3A_132 : vector<16xf32> to vector<1x16xf32>
      tpu.vector_store %arg5[%swap3A_133, %swap3A_134], %swap3A_137 {strides = array<i32>} : memref<128x128xf32, #tpu.memory_space<vmem>>, vector<1x16xf32>,
    }
    %scan3A_4 = arith.constant 128 : i32
    %mul3A = arith.constant 640 : i32
    %mul3A_5 = arith.muli %arg1, %mul3A : i32
    %add3A = arith.constant 0 : i32
    %add3A_6 = arith.addi %mul3A_5, %add3A : i32
    "tpu.region"() ({
      %run_scoped3A = tpu.sem_alloc : memref<!tpu.dma_semaphore, #tpu.memory_space<semaphore_mem>>
      %dma_start3A_83 = arith.constant 0 : i32
      %dma_start3A_84 = tpu.memref_slice %arg4[%add3A_6, %dma_start3A_83] : memref<10240x128xf32, #tpu.memory_space<vmem_shared>> -> memref<128x128xf32, #tpu.memory_space<vmem_shared>>
      %dma_start3A_85 = arith.constant 0 : i32
      %dma_start3A_86 = tpu.memref_slice %arg4[%add3A_6, %dma_start3A_85] : memref<10240x128xf32, #tpu.memory_space<vmem_shared>> -> memref<128x128xf32, #tpu.memory_space<vmem_shared>>
      tpu.enqueue_dma source(%arg5 : memref<128x128xf32, #tpu.memory_space<vmem>>) target(%dma_start3A_86 : memref<128x128xf32, #tpu.memory_space<vmem_shared>>) target_semaphore(%run_scoped3A : memref<!tpu.dma_semaphore, #tpu.memory_space<semaphore_mem>>)
      %dma_wait3A_87 = arith.constant 0 : i32
      %dma_wait3A_88 = tpu.memref_slice %arg4[%add3A_6, %dma_wait3A_87] : memref<10240x128xf32, #tpu.memory_space<vmem_shared>> -> memref<128x128xf32, #tpu.memory_space<vmem_shared>>
      %dma_wait3A_89 = arith.constant 0 : i32
      %dma_wait3A_90 = tpu.memref_slice %arg4[%add3A_6, %dma_wait3A_89] : memref<10240x128xf32, #tpu.memory_space<vmem_shared>> -> memref<128x128xf32, #tpu.memory_space<vmem_shared>>
      tpu.wait_dma2 semaphore(%run_scoped3A : memref<!tpu.dma_semaphore, #tpu.memory_space<semaphore_mem>>) src(%arg5 : memref<128x128xf32, #tpu.memory_space<vmem>>) dst(%dma_wait3A_90 : memref<128x128xf32, #tpu.memory_space<vmem_shared>>)
      tpu.yield
    }) : () -> ()
    %mul3A_7 = arith.constant 640 : i32
    %mul3A_8 = arith.muli %arg1, %mul3A_7 : i32
    %add3A_9 = arith.constant 128 : i32
    %add3A_10 = arith.addi %mul3A_8, %add3A_9 : i32
    "tpu.region"() ({
      %run_scoped3A = tpu.sem_alloc : memref<!tpu.dma_semaphore, #tpu.memory_space<semaphore_mem>>
      %dma_start3A_83 = arith.constant 0 : i32
      %dma_start3A_84 = tpu.memref_slice %arg4[%add3A_10, %dma_start3A_83] : memref<10240x128xf32, #tpu.memory_space<vmem_shared>> -> memref<128x128xf32, #tpu.memory_space<vmem_shared>>
      %dma_start3A_85 = arith.constant 0 : i32
      %dma_start3A_86 = tpu.memref_slice %arg4[%add3A_10, %dma_start3A_85] : memref<10240x128xf32, #tpu.memory_space<vmem_shared>> -> memref<128x128xf32, #tpu.memory_space<vmem_shared>>
      tpu.enqueue_dma source(%arg5 : memref<128x128xf32, #tpu.memory_space<vmem>>) target(%dma_start3A_86 : memref<128x128xf32, #tpu.memory_space<vmem_shared>>) target_semaphore(%run_scoped3A : memref<!tpu.dma_semaphore, #tpu.memory_space<semaphore_mem>>)
      %dma_wait3A_87 = arith.constant 0 : i32
      %dma_wait3A_88 = tpu.memref_slice %arg4[%add3A_10, %dma_wait3A_87] : memref<10240x128xf32, #tpu.memory_space<vmem_shared>> -> memref<128x128xf32, #tpu.memory_space<vmem_shared>>
      %dma_wait3A_89 = arith.constant 0 : i32
      %dma_wait3A_90 = tpu.memref_slice %arg4[%add3A_10, %dma_wait3A_89] : memref<10240x128xf32, #tpu.memory_space<vmem_shared>> -> memref<128x128xf32, #tpu.memory_space<vmem_shared>>
      tpu.wait_dma2 semaphore(%run_scoped3A : memref<!tpu.dma_semaphore, #tpu.memory_space<semaphore_mem>>) src(%arg5 : memref<128x128xf32, #tpu.memory_space<vmem>>) dst(%dma_wait3A_90 : memref<128x128xf32, #tpu.memory_space<vmem_shared>>)
      tpu.yield
    }) : () -> ()
    %mul3A_11 = arith.constant 640 : i32
    %mul3A_12 = arith.muli %arg1, %mul3A_11 : i32
    %add3A_13 = arith.constant 256 : i32
    %add3A_14 = arith.addi %mul3A_12, %add3A_13 : i32
    "tpu.region"() ({
      %run_scoped3A = tpu.sem_alloc : memref<!tpu.dma_semaphore, #tpu.memory_space<semaphore_mem>>
      %dma_start3A_83 = arith.constant 0 : i32
      %dma_start3A_84 = tpu.memref_slice %arg4[%add3A_14, %dma_start3A_83] : memref<10240x128xf32, #tpu.memory_space<vmem_shared>> -> memref<128x128xf32, #tpu.memory_space<vmem_shared>>
      %dma_start3A_85 = arith.constant 0 : i32
      %dma_start3A_86 = tpu.memref_slice %arg4[%add3A_14, %dma_start3A_85] : memref<10240x128xf32, #tpu.memory_space<vmem_shared>> -> memref<128x128xf32, #tpu.memory_space<vmem_shared>>
      tpu.enqueue_dma source(%arg5 : memref<128x128xf32, #tpu.memory_space<vmem>>) target(%dma_start3A_86 : memref<128x128xf32, #tpu.memory_space<vmem_shared>>) target_semaphore(%run_scoped3A : memref<!tpu.dma_semaphore, #tpu.memory_space<semaphore_mem>>)
      %dma_wait3A_87 = arith.constant 0 : i32
      %dma_wait3A_88 = tpu.memref_slice %arg4[%add3A_14, %dma_wait3A_87] : memref<10240x128xf32, #tpu.memory_space<vmem_shared>> -> memref<128x128xf32, #tpu.memory_space<vmem_shared>>
      %dma_wait3A_89 = arith.constant 0 : i32
      %dma_wait3A_90 = tpu.memref_slice %arg4[%add3A_14, %dma_wait3A_89] : memref<10240x128xf32, #tpu.memory_space<vmem_shared>> -> memref<128x128xf32, #tpu.memory_space<vmem_shared>>
      tpu.wait_dma2 semaphore(%run_scoped3A : memref<!tpu.dma_semaphore, #tpu.memory_space<semaphore_mem>>) src(%arg5 : memref<128x128xf32, #tpu.memory_space<vmem>>) dst(%dma_wait3A_90 : memref<128x128xf32, #tpu.memory_space<vmem_shared>>)
      tpu.yield
    }) : () -> ()
    %mul3A_15 = arith.constant 640 : i32
    %mul3A_16 = arith.muli %arg1, %mul3A_15 : i32
    %add3A_17 = arith.constant 384 : i32
    %add3A_18 = arith.addi %mul3A_16, %add3A_17 : i32
    "tpu.region"() ({
      %run_scoped3A = tpu.sem_alloc : memref<!tpu.dma_semaphore, #tpu.memory_space<semaphore_mem>>
      %dma_start3A_83 = arith.constant 0 : i32
      %dma_start3A_84 = tpu.memref_slice %arg4[%add3A_18, %dma_start3A_83] : memref<10240x128xf32, #tpu.memory_space<vmem_shared>> -> memref<128x128xf32, #tpu.memory_space<vmem_shared>>
      %dma_start3A_85 = arith.constant 0 : i32
      %dma_start3A_86 = tpu.memref_slice %arg4[%add3A_18, %dma_start3A_85] : memref<10240x128xf32, #tpu.memory_space<vmem_shared>> -> memref<128x128xf32, #tpu.memory_space<vmem_shared>>
      tpu.enqueue_dma source(%arg5 : memref<128x128xf32, #tpu.memory_space<vmem>>) target(%dma_start3A_86 : memref<128x128xf32, #tpu.memory_space<vmem_shared>>) target_semaphore(%run_scoped3A : memref<!tpu.dma_semaphore, #tpu.memory_space<semaphore_mem>>)
      %dma_wait3A_87 = arith.constant 0 : i32
      %dma_wait3A_88 = tpu.memref_slice %arg4[%add3A_18, %dma_wait3A_87] : memref<10240x128xf32, #tpu.memory_space<vmem_shared>> -> memref<128x128xf32, #tpu.memory_space<vmem_shared>>
      %dma_wait3A_89 = arith.constant 0 : i32
      %dma_wait3A_90 = tpu.memref_slice %arg4[%add3A_18, %dma_wait3A_89] : memref<10240x128xf32, #tpu.memory_space<vmem_shared>> -> memref<128x128xf32, #tpu.memory_space<vmem_shared>>
      tpu.wait_dma2 semaphore(%run_scoped3A : memref<!tpu.dma_semaphore, #tpu.memory_space<semaphore_mem>>) src(%arg5 : memref<128x128xf32, #tpu.memory_space<vmem>>) dst(%dma_wait3A_90 : memref<128x128xf32, #tpu.memory_space<vmem_shared>>)
      tpu.yield
    }) : () -> ()
    %mul3A_19 = arith.constant 640 : i32
    %mul3A_20 = arith.muli %arg1, %mul3A_19 : i32
    %add3A_21 = arith.constant 512 : i32
    %add3A_22 = arith.addi %mul3A_20, %add3A_21 : i32
    "tpu.region"() ({
      %run_scoped3A = tpu.sem_alloc : memref<!tpu.dma_semaphore, #tpu.memory_space<semaphore_mem>>
      %dma_start3A_83 = arith.constant 0 : i32
      %dma_start3A_84 = tpu.memref_slice %arg4[%add3A_22, %dma_start3A_83] : memref<10240x128xf32, #tpu.memory_space<vmem_shared>> -> memref<128x128xf32, #tpu.memory_space<vmem_shared>>
      %dma_start3A_85 = arith.constant 0 : i32
      %dma_start3A_86 = tpu.memref_slice %arg4[%add3A_22, %dma_start3A_85] : memref<10240x128xf32, #tpu.memory_space<vmem_shared>> -> memref<128x128xf32, #tpu.memory_space<vmem_shared>>
      tpu.enqueue_dma source(%arg5 : memref<128x128xf32, #tpu.memory_space<vmem>>) target(%dma_start3A_86 : memref<128x128xf32, #tpu.memory_space<vmem_shared>>) target_semaphore(%run_scoped3A : memref<!tpu.dma_semaphore, #tpu.memory_space<semaphore_mem>>)
      %dma_wait3A_87 = arith.constant 0 : i32
      %dma_wait3A_88 = tpu.memref_slice %arg4[%add3A_22, %dma_wait3A_87] : memref<10240x128xf32, #tpu.memory_space<vmem_shared>> -> memref<128x128xf32, #tpu.memory_space<vmem_shared>>
      %dma_wait3A_89 = arith.constant 0 : i32
      %dma_wait3A_90 = tpu.memref_slice %arg4[%add3A_22, %dma_wait3A_89] : memref<10240x128xf32, #tpu.memory_space<vmem_shared>> -> memref<128x128xf32, #tpu.memory_space<vmem_shared>>
      tpu.wait_dma2 semaphore(%run_scoped3A : memref<!tpu.dma_semaphore, #tpu.memory_space<semaphore_mem>>) src(%arg5 : memref<128x128xf32, #tpu.memory_space<vmem>>) dst(%dma_wait3A_90 : memref<128x128xf32, #tpu.memory_space<vmem_shared>>)
      tpu.yield
    }) : () -> ()
    %scan3A_23 = arith.constant 0 : i32
    %scan3A_24 = arith.constant 0 : i32
    %scan3A_25 = arith.constant 128 : i32
    %scan3A_26 = arith.addi %scan3A_24, %scan3A_25 : i32
    %scan3A_27 = arith.constant 1 : i32
    scf.for %scan3A_83 = %scan3A_24 to %scan3A_26 step %scan3A_27  : i32 {
      %broadcast_in_dim3A = arith.constant 0.000000e+00 : f32
      %broadcast_in_dim3A_84 = vector.broadcast %broadcast_in_dim3A : f32 to vector<16xf32>
      %add3A_85 = arith.constant 1.000000e+00 : f32
      %add3A_86 = vector.broadcast %add3A_85 : f32 to vector<16xf32>
      %add3A_87 = arith.addf %broadcast_in_dim3A_84, %add3A_86 : vector<16xf32>
      %swap3A = arith.index_cast %scan3A_83 : i32 to index
      %swap3A_88 = arith.constant 0 : index
      %swap3A_89 = tpu.vector_load %arg5[%swap3A, %swap3A_88] {strides = array<i32>} : memref<128x128xf32, #tpu.memory_space<vmem>>, vector<1x16xf32>,
      %swap3A_90 = vector.shape_cast %swap3A_89 : vector<1x16xf32> to vector<16xf32>
      %swap3A_91 = vector.shape_cast %add3A_87 : vector<16xf32> to vector<1x16xf32>
      tpu.vector_store %arg5[%swap3A, %swap3A_88], %swap3A_91 {strides = array<i32>} : memref<128x128xf32, #tpu.memory_space<vmem>>, vector<1x16xf32>,
      %broadcast_in_dim3A_92 = arith.constant 0.000000e+00 : f32
      %broadcast_in_dim3A_93 = vector.broadcast %broadcast_in_dim3A_92 : f32 to vector<16xf32>
      %add3A_94 = arith.constant 1.000000e+00 : f32
      %add3A_95 = vector.broadcast %add3A_94 : f32 to vector<16xf32>
      %add3A_96 = arith.addf %broadcast_in_dim3A_93, %add3A_95 : vector<16xf32>
      %swap3A_97 = arith.index_cast %scan3A_83 : i32 to index
      %swap3A_98 = arith.constant 16 : index
      %swap3A_99 = tpu.vector_load %arg5[%swap3A_97, %swap3A_98] {strides = array<i32>} : memref<128x128xf32, #tpu.memory_space<vmem>>, vector<1x16xf32>,
      %swap3A_100 = vector.shape_cast %swap3A_99 : vector<1x16xf32> to vector<16xf32>
      %swap3A_101 = vector.shape_cast %add3A_96 : vector<16xf32> to vector<1x16xf32>
      tpu.vector_store %arg5[%swap3A_97, %swap3A_98], %swap3A_101 {strides = array<i32>} : memref<128x128xf32, #tpu.memory_space<vmem>>, vector<1x16xf32>,
      %broadcast_in_dim3A_102 = arith.constant 0.000000e+00 : f32
      %broadcast_in_dim3A_103 = vector.broadcast %broadcast_in_dim3A_102 : f32 to vector<16xf32>
      %add3A_104 = arith.constant 1.000000e+00 : f32
      %add3A_105 = vector.broadcast %add3A_104 : f32 to vector<16xf32>
      %add3A_106 = arith.addf %broadcast_in_dim3A_103, %add3A_105 : vector<16xf32>
      %swap3A_107 = arith.index_cast %scan3A_83 : i32 to index
      %swap3A_108 = arith.constant 32 : index
      %swap3A_109 = tpu.vector_load %arg5[%swap3A_107, %swap3A_108] {strides = array<i32>} : memref<128x128xf32, #tpu.memory_space<vmem>>, vector<1x16xf32>,
      %swap3A_110 = vector.shape_cast %swap3A_109 : vector<1x16xf32> to vector<16xf32>
      %swap3A_111 = vector.shape_cast %add3A_106 : vector<16xf32> to vector<1x16xf32>
      tpu.vector_store %arg5[%swap3A_107, %swap3A_108], %swap3A_111 {strides = array<i32>} : memref<128x128xf32, #tpu.memory_space<vmem>>, vector<1x16xf32>,
      %broadcast_in_dim3A_112 = arith.constant 0.000000e+00 : f32
      %broadcast_in_dim3A_113 = vector.broadcast %broadcast_in_dim3A_112 : f32 to vector<16xf32>
      %add3A_114 = arith.constant 1.000000e+00 : f32
      %add3A_115 = vector.broadcast %add3A_114 : f32 to vector<16xf32>
      %add3A_116 = arith.addf %broadcast_in_dim3A_113, %add3A_115 : vector<16xf32>
      %swap3A_117 = arith.index_cast %scan3A_83 : i32 to index
      %swap3A_118 = arith.constant 48 : index
      %swap3A_119 = tpu.vector_load %arg5[%swap3A_117, %swap3A_118] {strides = array<i32>} : memref<128x128xf32, #tpu.memory_space<vmem>>, vector<1x16xf32>,
      %swap3A_120 = vector.shape_cast %swap3A_119 : vector<1x16xf32> to vector<16xf32>
      %swap3A_121 = vector.shape_cast %add3A_116 : vector<16xf32> to vector<1x16xf32>
      tpu.vector_store %arg5[%swap3A_117, %swap3A_118], %swap3A_121 {strides = array<i32>} : memref<128x128xf32, #tpu.memory_space<vmem>>, vector<1x16xf32>,
      %broadcast_in_dim3A_122 = arith.constant 0.000000e+00 : f32
      %broadcast_in_dim3A_123 = vector.broadcast %broadcast_in_dim3A_122 : f32 to vector<16xf32>
      %add3A_124 = arith.constant 1.000000e+00 : f32
      %add3A_125 = vector.broadcast %add3A_124 : f32 to vector<16xf32>
      %add3A_126 = arith.addf %broadcast_in_dim3A_123, %add3A_125 : vector<16xf32>
      %swap3A_127 = arith.index_cast %scan3A_83 : i32 to index
      %swap3A_128 = arith.constant 64 : index
      %swap3A_129 = tpu.vector_load %arg5[%swap3A_127, %swap3A_128] {strides = array<i32>} : memref<128x128xf32, #tpu.memory_space<vmem>>, vector<1x16xf32>,
      %swap3A_130 = vector.shape_cast %swap3A_129 : vector<1x16xf32> to vector<16xf32>
      %swap3A_131 = vector.shape_cast %add3A_126 : vector<16xf32> to vector<1x16xf32>
      tpu.vector_store %arg5[%swap3A_127, %swap3A_128], %swap3A_131 {strides = array<i32>} : memref<128x128xf32, #tpu.memory_space<vmem>>, vector<1x16xf32>,
      %broadcast_in_dim3A_132 = arith.constant 0.000000e+00 : f32
      %broadcast_in_dim3A_133 = vector.broadcast %broadcast_in_dim3A_132 : f32 to vector<16xf32>
      %add3A_134 = arith.constant 1.000000e+00 : f32
      %add3A_135 = vector.broadcast %add3A_134 : f32 to vector<16xf32>
      %add3A_136 = arith.addf %broadcast_in_dim3A_133, %add3A_135 : vector<16xf32>
      %swap3A_137 = arith.index_cast %scan3A_83 : i32 to index
      %swap3A_138 = arith.constant 80 : index
      %swap3A_139 = tpu.vector_load %arg5[%swap3A_137, %swap3A_138] {strides = array<i32>} : memref<128x128xf32, #tpu.memory_space<vmem>>, vector<1x16xf32>,
      %swap3A_140 = vector.shape_cast %swap3A_139 : vector<1x16xf32> to vector<16xf32>
      %swap3A_141 = vector.shape_cast %add3A_136 : vector<16xf32> to vector<1x16xf32>
      tpu.vector_store %arg5[%swap3A_137, %swap3A_138], %swap3A_141 {strides = array<i32>} : memref<128x128xf32, #tpu.memory_space<vmem>>, vector<1x16xf32>,
      %broadcast_in_dim3A_142 = arith.constant 0.000000e+00 : f32
      %broadcast_in_dim3A_143 = vector.broadcast %broadcast_in_dim3A_142 : f32 to vector<16xf32>
      %add3A_144 = arith.constant 1.000000e+00 : f32
      %add3A_145 = vector.broadcast %add3A_144 : f32 to vector<16xf32>
      %add3A_146 = arith.addf %broadcast_in_dim3A_143, %add3A_145 : vector<16xf32>
      %swap3A_147 = arith.index_cast %scan3A_83 : i32 to index
      %swap3A_148 = arith.constant 96 : index
      %swap3A_149 = tpu.vector_load %arg5[%swap3A_147, %swap3A_148] {strides = array<i32>} : memref<128x128xf32, #tpu.memory_space<vmem>>, vector<1x16xf32>,
      %swap3A_150 = vector.shape_cast %swap3A_149 : vector<1x16xf32> to vector<16xf32>
      %swap3A_151 = vector.shape_cast %add3A_146 : vector<16xf32> to vector<1x16xf32>
      tpu.vector_store %arg5[%swap3A_147, %swap3A_148], %swap3A_151 {strides = array<i32>} : memref<128x128xf32, #tpu.memory_space<vmem>>, vector<1x16xf32>,
      %broadcast_in_dim3A_152 = arith.constant 0.000000e+00 : f32
      %broadcast_in_dim3A_153 = vector.broadcast %broadcast_in_dim3A_152 : f32 to vector<16xf32>
      %add3A_154 = arith.constant 1.000000e+00 : f32
      %add3A_155 = vector.broadcast %add3A_154 : f32 to vector<16xf32>
      %add3A_156 = arith.addf %broadcast_in_dim3A_153, %add3A_155 : vector<16xf32>
      %swap3A_157 = arith.index_cast %scan3A_83 : i32 to index
      %swap3A_158 = arith.constant 112 : index
      %swap3A_159 = tpu.vector_load %arg5[%swap3A_157, %swap3A_158] {strides = array<i32>} : memref<128x128xf32, #tpu.memory_space<vmem>>, vector<1x16xf32>,
      %swap3A_160 = vector.shape_cast %swap3A_159 : vector<1x16xf32> to vector<16xf32>
      %swap3A_161 = vector.shape_cast %add3A_156 : vector<16xf32> to vector<1x16xf32>
      tpu.vector_store %arg5[%swap3A_157, %swap3A_158], %swap3A_161 {strides = array<i32>} : memref<128x128xf32, #tpu.memory_space<vmem>>, vector<1x16xf32>,
    }
    %scan3A_28 = arith.constant 128 : i32
    %barrier3A = arith.constant 0 : index
    tpu.barrier barrier_id(%barrier3A)
    %mul3A_29 = arith.constant 16 : i32
    %mul3A_30 = arith.muli %arg0, %mul3A_29 : i32
    %add3A_31 = arith.addi %mul3A_30, %arg1 : i32
    %mul3A_32 = arith.constant 10112 : i32
    %mul3A_33 = arith.muli %add3A_31, %mul3A_32 : i32
    %add3A_34 = arith.constant 0 : i32
    %add3A_35 = arith.addi %mul3A_33, %add3A_34 : i32
    %dma_start3A = tpu.memref_slice %arg2[%add3A_35] : memref<323584xi32, #tpu.memory_space<hbm>> -> memref<128xi32, #tpu.memory_space<hbm>>
    %dma_start3A_36 = tpu.memref_slice %arg2[%add3A_35] : memref<323584xi32, #tpu.memory_space<hbm>> -> memref<128xi32, #tpu.memory_space<hbm>>
    tpu.enqueue_dma source(%dma_start3A_36 : memref<128xi32, #tpu.memory_space<hbm>>) target(%arg6 : memref<128xi32, #tpu.memory_space<vmem>>) target_semaphore(%arg14 : memref<!tpu.dma_semaphore, #tpu.memory_space<semaphore_mem>>)
    %add3A_37 = arith.constant 128 : i32
    %add3A_38 = arith.addi %mul3A_33, %add3A_37 : i32
    %dma_start3A_39 = tpu.memref_slice %arg2[%add3A_38] : memref<323584xi32, #tpu.memory_space<hbm>> -> memref<128xi32, #tpu.memory_space<hbm>>
    %dma_start3A_40 = tpu.memref_slice %arg2[%add3A_38] : memref<323584xi32, #tpu.memory_space<hbm>> -> memref<128xi32, #tpu.memory_space<hbm>>
    tpu.enqueue_dma source(%dma_start3A_40 : memref<128xi32, #tpu.memory_space<hbm>>) target(%arg7 : memref<128xi32, #tpu.memory_space<vmem>>) target_semaphore(%arg15 : memref<!tpu.dma_semaphore, #tpu.memory_space<semaphore_mem>>)
    %add3A_41 = arith.constant 256 : i32
    %add3A_42 = arith.addi %mul3A_33, %add3A_41 : i32
    %dma_start3A_43 = tpu.memref_slice %arg2[%add3A_42] : memref<323584xi32, #tpu.memory_space<hbm>> -> memref<128xi32, #tpu.memory_space<hbm>>
    %dma_start3A_44 = tpu.memref_slice %arg2[%add3A_42] : memref<323584xi32, #tpu.memory_space<hbm>> -> memref<128xi32, #tpu.memory_space<hbm>>
    tpu.enqueue_dma source(%dma_start3A_44 : memref<128xi32, #tpu.memory_space<hbm>>) target(%arg8 : memref<128xi32, #tpu.memory_space<vmem>>) target_semaphore(%arg16 : memref<!tpu.dma_semaphore, #tpu.memory_space<semaphore_mem>>)
    %add3A_45 = arith.constant 384 : i32
    %add3A_46 = arith.addi %mul3A_33, %add3A_45 : i32
    %dma_start3A_47 = tpu.memref_slice %arg2[%add3A_46] : memref<323584xi32, #tpu.memory_space<hbm>> -> memref<128xi32, #tpu.memory_space<hbm>>
    %dma_start3A_48 = tpu.memref_slice %arg2[%add3A_46] : memref<323584xi32, #tpu.memory_space<hbm>> -> memref<128xi32, #tpu.memory_space<hbm>>
    tpu.enqueue_dma source(%dma_start3A_48 : memref<128xi32, #tpu.memory_space<hbm>>) target(%arg9 : memref<128xi32, #tpu.memory_space<vmem>>) target_semaphore(%arg17 : memref<!tpu.dma_semaphore, #tpu.memory_space<semaphore_mem>>)
    %scan3A_49 = arith.constant 0 : i32
    %scan3A_50 = arith.constant 0 : i32
    %scan3A_51 = arith.constant 10 : i32
    %scan3A_52 = arith.addi %scan3A_50, %scan3A_51 : i32
    %scan3A_53 = arith.constant 1 : i32
    scf.for %scan3A_83 = %scan3A_50 to %scan3A_52 step %scan3A_53  : i32 {
      %mul3A_84 = arith.constant 8 : i32
      %mul3A_85 = arith.muli %scan3A_83, %mul3A_84 : i32
      %add3A_86 = arith.constant 0 : i32
      %add3A_87 = arith.addi %mul3A_85, %add3A_86 : i32
      %lt3A = arith.constant 79 : i32
      %lt3A_88 = arith.cmpi slt, %add3A_87, %lt3A : i32
      %convert_element_type3A = arith.extui %lt3A_88 : i1 to i32
      %cond3A = arith.constant 0 : i32
      %cond3A_89 = arith.cmpi ne, %convert_element_type3A, %cond3A : i32
      scf.if %cond3A_89 {
        %mul3A_153 = arith.constant 128 : i32
        %mul3A_154 = arith.muli %add3A_87, %mul3A_153 : i32
        %add3A_155 = arith.addi %mul3A_33, %mul3A_154 : i32
        %dma_wait3A_156 = tpu.memref_slice %arg2[%add3A_155] : memref<323584xi32, #tpu.memory_space<hbm>> -> memref<128xi32, #tpu.memory_space<hbm>>
        %dma_wait3A_157 = tpu.memref_slice %arg2[%add3A_155] : memref<323584xi32, #tpu.memory_space<hbm>> -> memref<128xi32, #tpu.memory_space<hbm>>
        tpu.wait_dma2 semaphore(%arg14 : memref<!tpu.dma_semaphore, #tpu.memory_space<semaphore_mem>>) src(%dma_wait3A_157 : memref<128xi32, #tpu.memory_space<hbm>>) dst(%arg6 : memref<128xi32, #tpu.memory_space<vmem>>)
        %dma_start3A_158 = arith.constant 0 : i32
        %dma_start3A_159 = arith.constant 0 : i32
        %dma_start3A_160 = tpu.memref_slice %arg4[%dma_start3A_158, %dma_start3A_159] : memref<10240x128xf32, #tpu.memory_space<vmem_shared>> -> memref<10240x128xf32, #tpu.memory_space<vmem_shared>>
        tpu.enqueue_indirect_dma source(%arg5 : memref<128x128xf32, #tpu.memory_space<vmem>>) target(%dma_start3A_160 : memref<10240x128xf32, #tpu.memory_space<vmem_shared>>) offsets(%arg6 : memref<128xi32, #tpu.memory_space<vmem>>) semaphore(%arg22 : memref<!tpu.dma_semaphore, #tpu.memory_space<semaphore_mem>>) {add = true}
        %add3A_161 = arith.constant 4 : i32
        %add3A_162 = arith.addi %add3A_87, %add3A_161 : i32
        %lt3A_163 = arith.constant 79 : i32
        %lt3A_164 = arith.cmpi slt, %add3A_162, %lt3A_163 : i32
        %convert_element_type3A_165 = arith.extui %lt3A_164 : i1 to i32
        %cond3A_166 = arith.constant 0 : i32
        %cond3A_167 = arith.cmpi ne, %convert_element_type3A_165, %cond3A_166 : i32
        scf.if %cond3A_167 {
          %ge3A = arith.constant 4 : i32
          %ge3A_168 = arith.cmpi sge, %add3A_87, %ge3A : i32
          %convert_element_type3A_169 = arith.extui %ge3A_168 : i1 to i32
          %cond3A_170 = arith.constant 0 : i32
          %cond3A_171 = arith.cmpi ne, %convert_element_type3A_169, %cond3A_170 : i32
          scf.if %cond3A_171 {
            %dma_wait3A_177 = arith.constant 0 : i32
            %dma_wait3A_178 = arith.constant 0 : i32
            %dma_wait3A_179 = tpu.memref_slice %arg4[%dma_wait3A_177, %dma_wait3A_178] : memref<10240x128xf32, #tpu.memory_space<vmem_shared>> -> memref<10240x128xf32, #tpu.memory_space<vmem_shared>>
            tpu.wait_indirect_dma semaphore(%arg26 : memref<!tpu.dma_semaphore, #tpu.memory_space<semaphore_mem>>) src(%arg5 : memref<128x128xf32, #tpu.memory_space<vmem>>) dst(%dma_wait3A_179 : memref<10240x128xf32, #tpu.memory_space<vmem_shared>>)
          } else {
          }
          %mul3A_172 = arith.constant 128 : i32
          %mul3A_173 = arith.muli %add3A_162, %mul3A_172 : i32
          %add3A_174 = arith.addi %mul3A_33, %mul3A_173 : i32
          %dma_start3A_175 = tpu.memref_slice %arg2[%add3A_174] : memref<323584xi32, #tpu.memory_space<hbm>> -> memref<128xi32, #tpu.memory_space<hbm>>
          %dma_start3A_176 = tpu.memref_slice %arg2[%add3A_174] : memref<323584xi32, #tpu.memory_space<hbm>> -> memref<128xi32, #tpu.memory_space<hbm>>
          tpu.enqueue_dma source(%dma_start3A_176 : memref<128xi32, #tpu.memory_space<hbm>>) target(%arg10 : memref<128xi32, #tpu.memory_space<vmem>>) target_semaphore(%arg18 : memref<!tpu.dma_semaphore, #tpu.memory_space<semaphore_mem>>)
        } else {
        }
      } else {
      }
      %mul3A_90 = arith.constant 8 : i32
      %mul3A_91 = arith.muli %scan3A_83, %mul3A_90 : i32
      %add3A_92 = arith.constant 1 : i32
      %add3A_93 = arith.addi %mul3A_91, %add3A_92 : i32
      %lt3A_94 = arith.constant 79 : i32
      %lt3A_95 = arith.cmpi slt, %add3A_93, %lt3A_94 : i32
      %convert_element_type3A_96 = arith.extui %lt3A_95 : i1 to i32
      %cond3A_97 = arith.constant 0 : i32
      %cond3A_98 = arith.cmpi ne, %convert_element_type3A_96, %cond3A_97 : i32
      scf.if %cond3A_98 {
        %mul3A_153 = arith.constant 128 : i32
        %mul3A_154 = arith.muli %add3A_93, %mul3A_153 : i32
        %add3A_155 = arith.addi %mul3A_33, %mul3A_154 : i32
        %dma_wait3A_156 = tpu.memref_slice %arg2[%add3A_155] : memref<323584xi32, #tpu.memory_space<hbm>> -> memref<128xi32, #tpu.memory_space<hbm>>
        %dma_wait3A_157 = tpu.memref_slice %arg2[%add3A_155] : memref<323584xi32, #tpu.memory_space<hbm>> -> memref<128xi32, #tpu.memory_space<hbm>>
        tpu.wait_dma2 semaphore(%arg15 : memref<!tpu.dma_semaphore, #tpu.memory_space<semaphore_mem>>) src(%dma_wait3A_157 : memref<128xi32, #tpu.memory_space<hbm>>) dst(%arg7 : memref<128xi32, #tpu.memory_space<vmem>>)
        %dma_start3A_158 = arith.constant 0 : i32
        %dma_start3A_159 = arith.constant 0 : i32
        %dma_start3A_160 = tpu.memref_slice %arg4[%dma_start3A_158, %dma_start3A_159] : memref<10240x128xf32, #tpu.memory_space<vmem_shared>> -> memref<10240x128xf32, #tpu.memory_space<vmem_shared>>
        tpu.enqueue_indirect_dma source(%arg5 : memref<128x128xf32, #tpu.memory_space<vmem>>) target(%dma_start3A_160 : memref<10240x128xf32, #tpu.memory_space<vmem_shared>>) offsets(%arg7 : memref<128xi32, #tpu.memory_space<vmem>>) semaphore(%arg23 : memref<!tpu.dma_semaphore, #tpu.memory_space<semaphore_mem>>) {add = true}
        %add3A_161 = arith.constant 4 : i32
        %add3A_162 = arith.addi %add3A_93, %add3A_161 : i32
        %lt3A_163 = arith.constant 79 : i32
        %lt3A_164 = arith.cmpi slt, %add3A_162, %lt3A_163 : i32
        %convert_element_type3A_165 = arith.extui %lt3A_164 : i1 to i32
        %cond3A_166 = arith.constant 0 : i32
        %cond3A_167 = arith.cmpi ne, %convert_element_type3A_165, %cond3A_166 : i32
        scf.if %cond3A_167 {
          %ge3A = arith.constant 4 : i32
          %ge3A_168 = arith.cmpi sge, %add3A_93, %ge3A : i32
          %convert_element_type3A_169 = arith.extui %ge3A_168 : i1 to i32
          %cond3A_170 = arith.constant 0 : i32
          %cond3A_171 = arith.cmpi ne, %convert_element_type3A_169, %cond3A_170 : i32
          scf.if %cond3A_171 {
            %dma_wait3A_177 = arith.constant 0 : i32
            %dma_wait3A_178 = arith.constant 0 : i32
            %dma_wait3A_179 = tpu.memref_slice %arg4[%dma_wait3A_177, %dma_wait3A_178] : memref<10240x128xf32, #tpu.memory_space<vmem_shared>> -> memref<10240x128xf32, #tpu.memory_space<vmem_shared>>
            tpu.wait_indirect_dma semaphore(%arg27 : memref<!tpu.dma_semaphore, #tpu.memory_space<semaphore_mem>>) src(%arg5 : memref<128x128xf32, #tpu.memory_space<vmem>>) dst(%dma_wait3A_179 : memref<10240x128xf32, #tpu.memory_space<vmem_shared>>)
          } else {
          }
          %mul3A_172 = arith.constant 128 : i32
          %mul3A_173 = arith.muli %add3A_162, %mul3A_172 : i32
          %add3A_174 = arith.addi %mul3A_33, %mul3A_173 : i32
          %dma_start3A_175 = tpu.memref_slice %arg2[%add3A_174] : memref<323584xi32, #tpu.memory_space<hbm>> -> memref<128xi32, #tpu.memory_space<hbm>>
          %dma_start3A_176 = tpu.memref_slice %arg2[%add3A_174] : memref<323584xi32, #tpu.memory_space<hbm>> -> memref<128xi32, #tpu.memory_space<hbm>>
          tpu.enqueue_dma source(%dma_start3A_176 : memref<128xi32, #tpu.memory_space<hbm>>) target(%arg11 : memref<128xi32, #tpu.memory_space<vmem>>) target_semaphore(%arg19 : memref<!tpu.dma_semaphore, #tpu.memory_space<semaphore_mem>>)
        } else {
        }
      } else {
      }
      %mul3A_99 = arith.constant 8 : i32
      %mul3A_100 = arith.muli %scan3A_83, %mul3A_99 : i32
      %add3A_101 = arith.constant 2 : i32
      %add3A_102 = arith.addi %mul3A_100, %add3A_101 : i32
      %lt3A_103 = arith.constant 79 : i32
      %lt3A_104 = arith.cmpi slt, %add3A_102, %lt3A_103 : i32
      %convert_element_type3A_105 = arith.extui %lt3A_104 : i1 to i32
      %cond3A_106 = arith.constant 0 : i32
      %cond3A_107 = arith.cmpi ne, %convert_element_type3A_105, %cond3A_106 : i32
      scf.if %cond3A_107 {
        %mul3A_153 = arith.constant 128 : i32
        %mul3A_154 = arith.muli %add3A_102, %mul3A_153 : i32
        %add3A_155 = arith.addi %mul3A_33, %mul3A_154 : i32
        %dma_wait3A_156 = tpu.memref_slice %arg2[%add3A_155] : memref<323584xi32, #tpu.memory_space<hbm>> -> memref<128xi32, #tpu.memory_space<hbm>>
        %dma_wait3A_157 = tpu.memref_slice %arg2[%add3A_155] : memref<323584xi32, #tpu.memory_space<hbm>> -> memref<128xi32, #tpu.memory_space<hbm>>
        tpu.wait_dma2 semaphore(%arg16 : memref<!tpu.dma_semaphore, #tpu.memory_space<semaphore_mem>>) src(%dma_wait3A_157 : memref<128xi32, #tpu.memory_space<hbm>>) dst(%arg8 : memref<128xi32, #tpu.memory_space<vmem>>)
        %dma_start3A_158 = arith.constant 0 : i32
        %dma_start3A_159 = arith.constant 0 : i32
        %dma_start3A_160 = tpu.memref_slice %arg4[%dma_start3A_158, %dma_start3A_159] : memref<10240x128xf32, #tpu.memory_space<vmem_shared>> -> memref<10240x128xf32, #tpu.memory_space<vmem_shared>>
        tpu.enqueue_indirect_dma source(%arg5 : memref<128x128xf32, #tpu.memory_space<vmem>>) target(%dma_start3A_160 : memref<10240x128xf32, #tpu.memory_space<vmem_shared>>) offsets(%arg8 : memref<128xi32, #tpu.memory_space<vmem>>) semaphore(%arg24 : memref<!tpu.dma_semaphore, #tpu.memory_space<semaphore_mem>>) {add = true}
        %add3A_161 = arith.constant 4 : i32
        %add3A_162 = arith.addi %add3A_102, %add3A_161 : i32
        %lt3A_163 = arith.constant 79 : i32
        %lt3A_164 = arith.cmpi slt, %add3A_162, %lt3A_163 : i32
        %convert_element_type3A_165 = arith.extui %lt3A_164 : i1 to i32
        %cond3A_166 = arith.constant 0 : i32
        %cond3A_167 = arith.cmpi ne, %convert_element_type3A_165, %cond3A_166 : i32
        scf.if %cond3A_167 {
          %ge3A = arith.constant 4 : i32
          %ge3A_168 = arith.cmpi sge, %add3A_102, %ge3A : i32
          %convert_element_type3A_169 = arith.extui %ge3A_168 : i1 to i32
          %cond3A_170 = arith.constant 0 : i32
          %cond3A_171 = arith.cmpi ne, %convert_element_type3A_169, %cond3A_170 : i32
          scf.if %cond3A_171 {
            %dma_wait3A_177 = arith.constant 0 : i32
            %dma_wait3A_178 = arith.constant 0 : i32
            %dma_wait3A_179 = tpu.memref_slice %arg4[%dma_wait3A_177, %dma_wait3A_178] : memref<10240x128xf32, #tpu.memory_space<vmem_shared>> -> memref<10240x128xf32, #tpu.memory_space<vmem_shared>>
            tpu.wait_indirect_dma semaphore(%arg28 : memref<!tpu.dma_semaphore, #tpu.memory_space<semaphore_mem>>) src(%arg5 : memref<128x128xf32, #tpu.memory_space<vmem>>) dst(%dma_wait3A_179 : memref<10240x128xf32, #tpu.memory_space<vmem_shared>>)
          } else {
          }
          %mul3A_172 = arith.constant 128 : i32
          %mul3A_173 = arith.muli %add3A_162, %mul3A_172 : i32
          %add3A_174 = arith.addi %mul3A_33, %mul3A_173 : i32
          %dma_start3A_175 = tpu.memref_slice %arg2[%add3A_174] : memref<323584xi32, #tpu.memory_space<hbm>> -> memref<128xi32, #tpu.memory_space<hbm>>
          %dma_start3A_176 = tpu.memref_slice %arg2[%add3A_174] : memref<323584xi32, #tpu.memory_space<hbm>> -> memref<128xi32, #tpu.memory_space<hbm>>
          tpu.enqueue_dma source(%dma_start3A_176 : memref<128xi32, #tpu.memory_space<hbm>>) target(%arg12 : memref<128xi32, #tpu.memory_space<vmem>>) target_semaphore(%arg20 : memref<!tpu.dma_semaphore, #tpu.memory_space<semaphore_mem>>)
        } else {
        }
      } else {
      }
      %mul3A_108 = arith.constant 8 : i32
      %mul3A_109 = arith.muli %scan3A_83, %mul3A_108 : i32
      %add3A_110 = arith.constant 3 : i32
      %add3A_111 = arith.addi %mul3A_109, %add3A_110 : i32
      %lt3A_112 = arith.constant 79 : i32
      %lt3A_113 = arith.cmpi slt, %add3A_111, %lt3A_112 : i32
      %convert_element_type3A_114 = arith.extui %lt3A_113 : i1 to i32
      %cond3A_115 = arith.constant 0 : i32
      %cond3A_116 = arith.cmpi ne, %convert_element_type3A_114, %cond3A_115 : i32
      scf.if %cond3A_116 {
        %mul3A_153 = arith.constant 128 : i32
        %mul3A_154 = arith.muli %add3A_111, %mul3A_153 : i32
        %add3A_155 = arith.addi %mul3A_33, %mul3A_154 : i32
        %dma_wait3A_156 = tpu.memref_slice %arg2[%add3A_155] : memref<323584xi32, #tpu.memory_space<hbm>> -> memref<128xi32, #tpu.memory_space<hbm>>
        %dma_wait3A_157 = tpu.memref_slice %arg2[%add3A_155] : memref<323584xi32, #tpu.memory_space<hbm>> -> memref<128xi32, #tpu.memory_space<hbm>>
        tpu.wait_dma2 semaphore(%arg17 : memref<!tpu.dma_semaphore, #tpu.memory_space<semaphore_mem>>) src(%dma_wait3A_157 : memref<128xi32, #tpu.memory_space<hbm>>) dst(%arg9 : memref<128xi32, #tpu.memory_space<vmem>>)
        %dma_start3A_158 = arith.constant 0 : i32
        %dma_start3A_159 = arith.constant 0 : i32
        %dma_start3A_160 = tpu.memref_slice %arg4[%dma_start3A_158, %dma_start3A_159] : memref<10240x128xf32, #tpu.memory_space<vmem_shared>> -> memref<10240x128xf32, #tpu.memory_space<vmem_shared>>
        tpu.enqueue_indirect_dma source(%arg5 : memref<128x128xf32, #tpu.memory_space<vmem>>) target(%dma_start3A_160 : memref<10240x128xf32, #tpu.memory_space<vmem_shared>>) offsets(%arg9 : memref<128xi32, #tpu.memory_space<vmem>>) semaphore(%arg25 : memref<!tpu.dma_semaphore, #tpu.memory_space<semaphore_mem>>) {add = true}
        %add3A_161 = arith.constant 4 : i32
        %add3A_162 = arith.addi %add3A_111, %add3A_161 : i32
        %lt3A_163 = arith.constant 79 : i32
        %lt3A_164 = arith.cmpi slt, %add3A_162, %lt3A_163 : i32
        %convert_element_type3A_165 = arith.extui %lt3A_164 : i1 to i32
        %cond3A_166 = arith.constant 0 : i32
        %cond3A_167 = arith.cmpi ne, %convert_element_type3A_165, %cond3A_166 : i32
        scf.if %cond3A_167 {
          %ge3A = arith.constant 4 : i32
          %ge3A_168 = arith.cmpi sge, %add3A_111, %ge3A : i32
          %convert_element_type3A_169 = arith.extui %ge3A_168 : i1 to i32
          %cond3A_170 = arith.constant 0 : i32
          %cond3A_171 = arith.cmpi ne, %convert_element_type3A_169, %cond3A_170 : i32
          scf.if %cond3A_171 {
            %dma_wait3A_177 = arith.constant 0 : i32
            %dma_wait3A_178 = arith.constant 0 : i32
            %dma_wait3A_179 = tpu.memref_slice %arg4[%dma_wait3A_177, %dma_wait3A_178] : memref<10240x128xf32, #tpu.memory_space<vmem_shared>> -> memref<10240x128xf32, #tpu.memory_space<vmem_shared>>
            tpu.wait_indirect_dma semaphore(%arg29 : memref<!tpu.dma_semaphore, #tpu.memory_space<semaphore_mem>>) src(%arg5 : memref<128x128xf32, #tpu.memory_space<vmem>>) dst(%dma_wait3A_179 : memref<10240x128xf32, #tpu.memory_space<vmem_shared>>)
          } else {
          }
          %mul3A_172 = arith.constant 128 : i32
          %mul3A_173 = arith.muli %add3A_162, %mul3A_172 : i32
          %add3A_174 = arith.addi %mul3A_33, %mul3A_173 : i32
          %dma_start3A_175 = tpu.memref_slice %arg2[%add3A_174] : memref<323584xi32, #tpu.memory_space<hbm>> -> memref<128xi32, #tpu.memory_space<hbm>>
          %dma_start3A_176 = tpu.memref_slice %arg2[%add3A_174] : memref<323584xi32, #tpu.memory_space<hbm>> -> memref<128xi32, #tpu.memory_space<hbm>>
          tpu.enqueue_dma source(%dma_start3A_176 : memref<128xi32, #tpu.memory_space<hbm>>) target(%arg13 : memref<128xi32, #tpu.memory_space<vmem>>) target_semaphore(%arg21 : memref<!tpu.dma_semaphore, #tpu.memory_space<semaphore_mem>>)
        } else {
        }
      } else {
      }
      %mul3A_117 = arith.constant 8 : i32
      %mul3A_118 = arith.muli %scan3A_83, %mul3A_117 : i32
      %add3A_119 = arith.constant 4 : i32
      %add3A_120 = arith.addi %mul3A_118, %add3A_119 : i32
      %lt3A_121 = arith.constant 79 : i32
      %lt3A_122 = arith.cmpi slt, %add3A_120, %lt3A_121 : i32
      %convert_element_type3A_123 = arith.extui %lt3A_122 : i1 to i32
      %cond3A_124 = arith.constant 0 : i32
      %cond3A_125 = arith.cmpi ne, %convert_element_type3A_123, %cond3A_124 : i32
      scf.if %cond3A_125 {
        %mul3A_153 = arith.constant 128 : i32
        %mul3A_154 = arith.muli %add3A_120, %mul3A_153 : i32
        %add3A_155 = arith.addi %mul3A_33, %mul3A_154 : i32
        %dma_wait3A_156 = tpu.memref_slice %arg2[%add3A_155] : memref<323584xi32, #tpu.memory_space<hbm>> -> memref<128xi32, #tpu.memory_space<hbm>>
        %dma_wait3A_157 = tpu.memref_slice %arg2[%add3A_155] : memref<323584xi32, #tpu.memory_space<hbm>> -> memref<128xi32, #tpu.memory_space<hbm>>
        tpu.wait_dma2 semaphore(%arg18 : memref<!tpu.dma_semaphore, #tpu.memory_space<semaphore_mem>>) src(%dma_wait3A_157 : memref<128xi32, #tpu.memory_space<hbm>>) dst(%arg10 : memref<128xi32, #tpu.memory_space<vmem>>)
        %dma_start3A_158 = arith.constant 0 : i32
        %dma_start3A_159 = arith.constant 0 : i32
        %dma_start3A_160 = tpu.memref_slice %arg4[%dma_start3A_158, %dma_start3A_159] : memref<10240x128xf32, #tpu.memory_space<vmem_shared>> -> memref<10240x128xf32, #tpu.memory_space<vmem_shared>>
        tpu.enqueue_indirect_dma source(%arg5 : memref<128x128xf32, #tpu.memory_space<vmem>>) target(%dma_start3A_160 : memref<10240x128xf32, #tpu.memory_space<vmem_shared>>) offsets(%arg10 : memref<128xi32, #tpu.memory_space<vmem>>) semaphore(%arg26 : memref<!tpu.dma_semaphore, #tpu.memory_space<semaphore_mem>>) {add = true}
        %add3A_161 = arith.constant 4 : i32
        %add3A_162 = arith.addi %add3A_120, %add3A_161 : i32
        %lt3A_163 = arith.constant 79 : i32
        %lt3A_164 = arith.cmpi slt, %add3A_162, %lt3A_163 : i32
        %convert_element_type3A_165 = arith.extui %lt3A_164 : i1 to i32
        %cond3A_166 = arith.constant 0 : i32
        %cond3A_167 = arith.cmpi ne, %convert_element_type3A_165, %cond3A_166 : i32
        scf.if %cond3A_167 {
          %ge3A = arith.constant 4 : i32
          %ge3A_168 = arith.cmpi sge, %add3A_120, %ge3A : i32
          %convert_element_type3A_169 = arith.extui %ge3A_168 : i1 to i32
          %cond3A_170 = arith.constant 0 : i32
          %cond3A_171 = arith.cmpi ne, %convert_element_type3A_169, %cond3A_170 : i32
          scf.if %cond3A_171 {
            %dma_wait3A_177 = arith.constant 0 : i32
            %dma_wait3A_178 = arith.constant 0 : i32
            %dma_wait3A_179 = tpu.memref_slice %arg4[%dma_wait3A_177, %dma_wait3A_178] : memref<10240x128xf32, #tpu.memory_space<vmem_shared>> -> memref<10240x128xf32, #tpu.memory_space<vmem_shared>>
            tpu.wait_indirect_dma semaphore(%arg22 : memref<!tpu.dma_semaphore, #tpu.memory_space<semaphore_mem>>) src(%arg5 : memref<128x128xf32, #tpu.memory_space<vmem>>) dst(%dma_wait3A_179 : memref<10240x128xf32, #tpu.memory_space<vmem_shared>>)
          } else {
          }
          %mul3A_172 = arith.constant 128 : i32
          %mul3A_173 = arith.muli %add3A_162, %mul3A_172 : i32
          %add3A_174 = arith.addi %mul3A_33, %mul3A_173 : i32
          %dma_start3A_175 = tpu.memref_slice %arg2[%add3A_174] : memref<323584xi32, #tpu.memory_space<hbm>> -> memref<128xi32, #tpu.memory_space<hbm>>
          %dma_start3A_176 = tpu.memref_slice %arg2[%add3A_174] : memref<323584xi32, #tpu.memory_space<hbm>> -> memref<128xi32, #tpu.memory_space<hbm>>
          tpu.enqueue_dma source(%dma_start3A_176 : memref<128xi32, #tpu.memory_space<hbm>>) target(%arg6 : memref<128xi32, #tpu.memory_space<vmem>>) target_semaphore(%arg14 : memref<!tpu.dma_semaphore, #tpu.memory_space<semaphore_mem>>)
        } else {
        }
      } else {
      }
      %mul3A_126 = arith.constant 8 : i32
      %mul3A_127 = arith.muli %scan3A_83, %mul3A_126 : i32
      %add3A_128 = arith.constant 5 : i32
      %add3A_129 = arith.addi %mul3A_127, %add3A_128 : i32
      %lt3A_130 = arith.constant 79 : i32
      %lt3A_131 = arith.cmpi slt, %add3A_129, %lt3A_130 : i32
      %convert_element_type3A_132 = arith.extui %lt3A_131 : i1 to i32
      %cond3A_133 = arith.constant 0 : i32
      %cond3A_134 = arith.cmpi ne, %convert_element_type3A_132, %cond3A_133 : i32
      scf.if %cond3A_134 {
        %mul3A_153 = arith.constant 128 : i32
        %mul3A_154 = arith.muli %add3A_129, %mul3A_153 : i32
        %add3A_155 = arith.addi %mul3A_33, %mul3A_154 : i32
        %dma_wait3A_156 = tpu.memref_slice %arg2[%add3A_155] : memref<323584xi32, #tpu.memory_space<hbm>> -> memref<128xi32, #tpu.memory_space<hbm>>
        %dma_wait3A_157 = tpu.memref_slice %arg2[%add3A_155] : memref<323584xi32, #tpu.memory_space<hbm>> -> memref<128xi32, #tpu.memory_space<hbm>>
        tpu.wait_dma2 semaphore(%arg19 : memref<!tpu.dma_semaphore, #tpu.memory_space<semaphore_mem>>) src(%dma_wait3A_157 : memref<128xi32, #tpu.memory_space<hbm>>) dst(%arg11 : memref<128xi32, #tpu.memory_space<vmem>>)
        %dma_start3A_158 = arith.constant 0 : i32
        %dma_start3A_159 = arith.constant 0 : i32
        %dma_start3A_160 = tpu.memref_slice %arg4[%dma_start3A_158, %dma_start3A_159] : memref<10240x128xf32, #tpu.memory_space<vmem_shared>> -> memref<10240x128xf32, #tpu.memory_space<vmem_shared>>
        tpu.enqueue_indirect_dma source(%arg5 : memref<128x128xf32, #tpu.memory_space<vmem>>) target(%dma_start3A_160 : memref<10240x128xf32, #tpu.memory_space<vmem_shared>>) offsets(%arg11 : memref<128xi32, #tpu.memory_space<vmem>>) semaphore(%arg27 : memref<!tpu.dma_semaphore, #tpu.memory_space<semaphore_mem>>) {add = true}
        %add3A_161 = arith.constant 4 : i32
        %add3A_162 = arith.addi %add3A_129, %add3A_161 : i32
        %lt3A_163 = arith.constant 79 : i32
        %lt3A_164 = arith.cmpi slt, %add3A_162, %lt3A_163 : i32
        %convert_element_type3A_165 = arith.extui %lt3A_164 : i1 to i32
        %cond3A_166 = arith.constant 0 : i32
        %cond3A_167 = arith.cmpi ne, %convert_element_type3A_165, %cond3A_166 : i32
        scf.if %cond3A_167 {
          %ge3A = arith.constant 4 : i32
          %ge3A_168 = arith.cmpi sge, %add3A_129, %ge3A : i32
          %convert_element_type3A_169 = arith.extui %ge3A_168 : i1 to i32
          %cond3A_170 = arith.constant 0 : i32
          %cond3A_171 = arith.cmpi ne, %convert_element_type3A_169, %cond3A_170 : i32
          scf.if %cond3A_171 {
            %dma_wait3A_177 = arith.constant 0 : i32
            %dma_wait3A_178 = arith.constant 0 : i32
            %dma_wait3A_179 = tpu.memref_slice %arg4[%dma_wait3A_177, %dma_wait3A_178] : memref<10240x128xf32, #tpu.memory_space<vmem_shared>> -> memref<10240x128xf32, #tpu.memory_space<vmem_shared>>
            tpu.wait_indirect_dma semaphore(%arg23 : memref<!tpu.dma_semaphore, #tpu.memory_space<semaphore_mem>>) src(%arg5 : memref<128x128xf32, #tpu.memory_space<vmem>>) dst(%dma_wait3A_179 : memref<10240x128xf32, #tpu.memory_space<vmem_shared>>)
          } else {
          }
          %mul3A_172 = arith.constant 128 : i32
          %mul3A_173 = arith.muli %add3A_162, %mul3A_172 : i32
          %add3A_174 = arith.addi %mul3A_33, %mul3A_173 : i32
          %dma_start3A_175 = tpu.memref_slice %arg2[%add3A_174] : memref<323584xi32, #tpu.memory_space<hbm>> -> memref<128xi32, #tpu.memory_space<hbm>>
          %dma_start3A_176 = tpu.memref_slice %arg2[%add3A_174] : memref<323584xi32, #tpu.memory_space<hbm>> -> memref<128xi32, #tpu.memory_space<hbm>>
          tpu.enqueue_dma source(%dma_start3A_176 : memref<128xi32, #tpu.memory_space<hbm>>) target(%arg7 : memref<128xi32, #tpu.memory_space<vmem>>) target_semaphore(%arg15 : memref<!tpu.dma_semaphore, #tpu.memory_space<semaphore_mem>>)
        } else {
        }
      } else {
      }
      %mul3A_135 = arith.constant 8 : i32
      %mul3A_136 = arith.muli %scan3A_83, %mul3A_135 : i32
      %add3A_137 = arith.constant 6 : i32
      %add3A_138 = arith.addi %mul3A_136, %add3A_137 : i32
      %lt3A_139 = arith.constant 79 : i32
      %lt3A_140 = arith.cmpi slt, %add3A_138, %lt3A_139 : i32
      %convert_element_type3A_141 = arith.extui %lt3A_140 : i1 to i32
      %cond3A_142 = arith.constant 0 : i32
      %cond3A_143 = arith.cmpi ne, %convert_element_type3A_141, %cond3A_142 : i32
      scf.if %cond3A_143 {
        %mul3A_153 = arith.constant 128 : i32
        %mul3A_154 = arith.muli %add3A_138, %mul3A_153 : i32
        %add3A_155 = arith.addi %mul3A_33, %mul3A_154 : i32
        %dma_wait3A_156 = tpu.memref_slice %arg2[%add3A_155] : memref<323584xi32, #tpu.memory_space<hbm>> -> memref<128xi32, #tpu.memory_space<hbm>>
        %dma_wait3A_157 = tpu.memref_slice %arg2[%add3A_155] : memref<323584xi32, #tpu.memory_space<hbm>> -> memref<128xi32, #tpu.memory_space<hbm>>
        tpu.wait_dma2 semaphore(%arg20 : memref<!tpu.dma_semaphore, #tpu.memory_space<semaphore_mem>>) src(%dma_wait3A_157 : memref<128xi32, #tpu.memory_space<hbm>>) dst(%arg12 : memref<128xi32, #tpu.memory_space<vmem>>)
        %dma_start3A_158 = arith.constant 0 : i32
        %dma_start3A_159 = arith.constant 0 : i32
        %dma_start3A_160 = tpu.memref_slice %arg4[%dma_start3A_158, %dma_start3A_159] : memref<10240x128xf32, #tpu.memory_space<vmem_shared>> -> memref<10240x128xf32, #tpu.memory_space<vmem_shared>>
        tpu.enqueue_indirect_dma source(%arg5 : memref<128x128xf32, #tpu.memory_space<vmem>>) target(%dma_start3A_160 : memref<10240x128xf32, #tpu.memory_space<vmem_shared>>) offsets(%arg12 : memref<128xi32, #tpu.memory_space<vmem>>) semaphore(%arg28 : memref<!tpu.dma_semaphore, #tpu.memory_space<semaphore_mem>>) {add = true}
        %add3A_161 = arith.constant 4 : i32
        %add3A_162 = arith.addi %add3A_138, %add3A_161 : i32
        %lt3A_163 = arith.constant 79 : i32
        %lt3A_164 = arith.cmpi slt, %add3A_162, %lt3A_163 : i32
        %convert_element_type3A_165 = arith.extui %lt3A_164 : i1 to i32
        %cond3A_166 = arith.constant 0 : i32
        %cond3A_167 = arith.cmpi ne, %convert_element_type3A_165, %cond3A_166 : i32
        scf.if %cond3A_167 {
          %ge3A = arith.constant 4 : i32
          %ge3A_168 = arith.cmpi sge, %add3A_138, %ge3A : i32
          %convert_element_type3A_169 = arith.extui %ge3A_168 : i1 to i32
          %cond3A_170 = arith.constant 0 : i32
          %cond3A_171 = arith.cmpi ne, %convert_element_type3A_169, %cond3A_170 : i32
          scf.if %cond3A_171 {
            %dma_wait3A_177 = arith.constant 0 : i32
            %dma_wait3A_178 = arith.constant 0 : i32
            %dma_wait3A_179 = tpu.memref_slice %arg4[%dma_wait3A_177, %dma_wait3A_178] : memref<10240x128xf32, #tpu.memory_space<vmem_shared>> -> memref<10240x128xf32, #tpu.memory_space<vmem_shared>>
            tpu.wait_indirect_dma semaphore(%arg24 : memref<!tpu.dma_semaphore, #tpu.memory_space<semaphore_mem>>) src(%arg5 : memref<128x128xf32, #tpu.memory_space<vmem>>) dst(%dma_wait3A_179 : memref<10240x128xf32, #tpu.memory_space<vmem_shared>>)
          } else {
          }
          %mul3A_172 = arith.constant 128 : i32
          %mul3A_173 = arith.muli %add3A_162, %mul3A_172 : i32
          %add3A_174 = arith.addi %mul3A_33, %mul3A_173 : i32
          %dma_start3A_175 = tpu.memref_slice %arg2[%add3A_174] : memref<323584xi32, #tpu.memory_space<hbm>> -> memref<128xi32, #tpu.memory_space<hbm>>
          %dma_start3A_176 = tpu.memref_slice %arg2[%add3A_174] : memref<323584xi32, #tpu.memory_space<hbm>> -> memref<128xi32, #tpu.memory_space<hbm>>
          tpu.enqueue_dma source(%dma_start3A_176 : memref<128xi32, #tpu.memory_space<hbm>>) target(%arg8 : memref<128xi32, #tpu.memory_space<vmem>>) target_semaphore(%arg16 : memref<!tpu.dma_semaphore, #tpu.memory_space<semaphore_mem>>)
        } else {
        }
      } else {
      }
      %mul3A_144 = arith.constant 8 : i32
      %mul3A_145 = arith.muli %scan3A_83, %mul3A_144 : i32
      %add3A_146 = arith.constant 7 : i32
      %add3A_147 = arith.addi %mul3A_145, %add3A_146 : i32
      %lt3A_148 = arith.constant 79 : i32
      %lt3A_149 = arith.cmpi slt, %add3A_147, %lt3A_148 : i32
      %convert_element_type3A_150 = arith.extui %lt3A_149 : i1 to i32
      %cond3A_151 = arith.constant 0 : i32
      %cond3A_152 = arith.cmpi ne, %convert_element_type3A_150, %cond3A_151 : i32
      scf.if %cond3A_152 {
        %mul3A_153 = arith.constant 128 : i32
        %mul3A_154 = arith.muli %add3A_147, %mul3A_153 : i32
        %add3A_155 = arith.addi %mul3A_33, %mul3A_154 : i32
        %dma_wait3A_156 = tpu.memref_slice %arg2[%add3A_155] : memref<323584xi32, #tpu.memory_space<hbm>> -> memref<128xi32, #tpu.memory_space<hbm>>
        %dma_wait3A_157 = tpu.memref_slice %arg2[%add3A_155] : memref<323584xi32, #tpu.memory_space<hbm>> -> memref<128xi32, #tpu.memory_space<hbm>>
        tpu.wait_dma2 semaphore(%arg21 : memref<!tpu.dma_semaphore, #tpu.memory_space<semaphore_mem>>) src(%dma_wait3A_157 : memref<128xi32, #tpu.memory_space<hbm>>) dst(%arg13 : memref<128xi32, #tpu.memory_space<vmem>>)
        %dma_start3A_158 = arith.constant 0 : i32
        %dma_start3A_159 = arith.constant 0 : i32
        %dma_start3A_160 = tpu.memref_slice %arg4[%dma_start3A_158, %dma_start3A_159] : memref<10240x128xf32, #tpu.memory_space<vmem_shared>> -> memref<10240x128xf32, #tpu.memory_space<vmem_shared>>
        tpu.enqueue_indirect_dma source(%arg5 : memref<128x128xf32, #tpu.memory_space<vmem>>) target(%dma_start3A_160 : memref<10240x128xf32, #tpu.memory_space<vmem_shared>>) offsets(%arg13 : memref<128xi32, #tpu.memory_space<vmem>>) semaphore(%arg29 : memref<!tpu.dma_semaphore, #tpu.memory_space<semaphore_mem>>) {add = true}
        %add3A_161 = arith.constant 4 : i32
        %add3A_162 = arith.addi %add3A_147, %add3A_161 : i32
        %lt3A_163 = arith.constant 79 : i32
        %lt3A_164 = arith.cmpi slt, %add3A_162, %lt3A_163 : i32
        %convert_element_type3A_165 = arith.extui %lt3A_164 : i1 to i32
        %cond3A_166 = arith.constant 0 : i32
        %cond3A_167 = arith.cmpi ne, %convert_element_type3A_165, %cond3A_166 : i32
        scf.if %cond3A_167 {
          %ge3A = arith.constant 4 : i32
          %ge3A_168 = arith.cmpi sge, %add3A_147, %ge3A : i32
          %convert_element_type3A_169 = arith.extui %ge3A_168 : i1 to i32
          %cond3A_170 = arith.constant 0 : i32
          %cond3A_171 = arith.cmpi ne, %convert_element_type3A_169, %cond3A_170 : i32
          scf.if %cond3A_171 {
            %dma_wait3A_177 = arith.constant 0 : i32
            %dma_wait3A_178 = arith.constant 0 : i32
            %dma_wait3A_179 = tpu.memref_slice %arg4[%dma_wait3A_177, %dma_wait3A_178] : memref<10240x128xf32, #tpu.memory_space<vmem_shared>> -> memref<10240x128xf32, #tpu.memory_space<vmem_shared>>
            tpu.wait_indirect_dma semaphore(%arg25 : memref<!tpu.dma_semaphore, #tpu.memory_space<semaphore_mem>>) src(%arg5 : memref<128x128xf32, #tpu.memory_space<vmem>>) dst(%dma_wait3A_179 : memref<10240x128xf32, #tpu.memory_space<vmem_shared>>)
          } else {
          }
          %mul3A_172 = arith.constant 128 : i32
          %mul3A_173 = arith.muli %add3A_162, %mul3A_172 : i32
          %add3A_174 = arith.addi %mul3A_33, %mul3A_173 : i32
          %dma_start3A_175 = tpu.memref_slice %arg2[%add3A_174] : memref<323584xi32, #tpu.memory_space<hbm>> -> memref<128xi32, #tpu.memory_space<hbm>>
          %dma_start3A_176 = tpu.memref_slice %arg2[%add3A_174] : memref<323584xi32, #tpu.memory_space<hbm>> -> memref<128xi32, #tpu.memory_space<hbm>>
          tpu.enqueue_dma source(%dma_start3A_176 : memref<128xi32, #tpu.memory_space<hbm>>) target(%arg9 : memref<128xi32, #tpu.memory_space<vmem>>) target_semaphore(%arg17 : memref<!tpu.dma_semaphore, #tpu.memory_space<semaphore_mem>>)
        } else {
        }
      } else {
      }
    }
    %scan3A_54 = arith.constant 10 : i32
    %dma_wait3A = arith.constant 0 : i32
    %dma_wait3A_55 = arith.constant 0 : i32
    %dma_wait3A_56 = tpu.memref_slice %arg4[%dma_wait3A, %dma_wait3A_55] : memref<10240x128xf32, #tpu.memory_space<vmem_shared>> -> memref<10240x128xf32, #tpu.memory_space<vmem_shared>>
    tpu.wait_indirect_dma semaphore(%arg29 : memref<!tpu.dma_semaphore, #tpu.memory_space<semaphore_mem>>) src(%arg5 : memref<128x128xf32, #tpu.memory_space<vmem>>) dst(%dma_wait3A_56 : memref<10240x128xf32, #tpu.memory_space<vmem_shared>>)
    %dma_wait3A_57 = arith.constant 0 : i32
    %dma_wait3A_58 = arith.constant 0 : i32
    %dma_wait3A_59 = tpu.memref_slice %arg4[%dma_wait3A_57, %dma_wait3A_58] : memref<10240x128xf32, #tpu.memory_space<vmem_shared>> -> memref<10240x128xf32, #tpu.memory_space<vmem_shared>>
    tpu.wait_indirect_dma semaphore(%arg22 : memref<!tpu.dma_semaphore, #tpu.memory_space<semaphore_mem>>) src(%arg5 : memref<128x128xf32, #tpu.memory_space<vmem>>) dst(%dma_wait3A_59 : memref<10240x128xf32, #tpu.memory_space<vmem_shared>>)
    %dma_wait3A_60 = arith.constant 0 : i32
    %dma_wait3A_61 = arith.constant 0 : i32
    %dma_wait3A_62 = tpu.memref_slice %arg4[%dma_wait3A_60, %dma_wait3A_61] : memref<10240x128xf32, #tpu.memory_space<vmem_shared>> -> memref<10240x128xf32, #tpu.memory_space<vmem_shared>>
    tpu.wait_indirect_dma semaphore(%arg23 : memref<!tpu.dma_semaphore, #tpu.memory_space<semaphore_mem>>) src(%arg5 : memref<128x128xf32, #tpu.memory_space<vmem>>) dst(%dma_wait3A_62 : memref<10240x128xf32, #tpu.memory_space<vmem_shared>>)
    %dma_wait3A_63 = arith.constant 0 : i32
    %dma_wait3A_64 = arith.constant 0 : i32
    %dma_wait3A_65 = tpu.memref_slice %arg4[%dma_wait3A_63, %dma_wait3A_64] : memref<10240x128xf32, #tpu.memory_space<vmem_shared>> -> memref<10240x128xf32, #tpu.memory_space<vmem_shared>>
    tpu.wait_indirect_dma semaphore(%arg24 : memref<!tpu.dma_semaphore, #tpu.memory_space<semaphore_mem>>) src(%arg5 : memref<128x128xf32, #tpu.memory_space<vmem>>) dst(%dma_wait3A_65 : memref<10240x128xf32, #tpu.memory_space<vmem_shared>>)
    %dma_wait3A_66 = arith.constant 0 : i32
    %dma_wait3A_67 = arith.constant 0 : i32
    %dma_wait3A_68 = tpu.memref_slice %arg4[%dma_wait3A_66, %dma_wait3A_67] : memref<10240x128xf32, #tpu.memory_space<vmem_shared>> -> memref<10240x128xf32, #tpu.memory_space<vmem_shared>>
    tpu.wait_indirect_dma semaphore(%arg25 : memref<!tpu.dma_semaphore, #tpu.memory_space<semaphore_mem>>) src(%arg5 : memref<128x128xf32, #tpu.memory_space<vmem>>) dst(%dma_wait3A_68 : memref<10240x128xf32, #tpu.memory_space<vmem_shared>>)
    %dma_wait3A_69 = arith.constant 0 : i32
    %dma_wait3A_70 = arith.constant 0 : i32
    %dma_wait3A_71 = tpu.memref_slice %arg4[%dma_wait3A_69, %dma_wait3A_70] : memref<10240x128xf32, #tpu.memory_space<vmem_shared>> -> memref<10240x128xf32, #tpu.memory_space<vmem_shared>>
    tpu.wait_indirect_dma semaphore(%arg26 : memref<!tpu.dma_semaphore, #tpu.memory_space<semaphore_mem>>) src(%arg5 : memref<128x128xf32, #tpu.memory_space<vmem>>) dst(%dma_wait3A_71 : memref<10240x128xf32, #tpu.memory_space<vmem_shared>>)
    %dma_wait3A_72 = arith.constant 0 : i32
    %dma_wait3A_73 = arith.constant 0 : i32
    %dma_wait3A_74 = tpu.memref_slice %arg4[%dma_wait3A_72, %dma_wait3A_73] : memref<10240x128xf32, #tpu.memory_space<vmem_shared>> -> memref<10240x128xf32, #tpu.memory_space<vmem_shared>>
    tpu.wait_indirect_dma semaphore(%arg27 : memref<!tpu.dma_semaphore, #tpu.memory_space<semaphore_mem>>) src(%arg5 : memref<128x128xf32, #tpu.memory_space<vmem>>) dst(%dma_wait3A_74 : memref<10240x128xf32, #tpu.memory_space<vmem_shared>>)
    %dma_wait3A_75 = arith.constant 0 : i32
    %dma_wait3A_76 = arith.constant 0 : i32
    %dma_wait3A_77 = tpu.memref_slice %arg4[%dma_wait3A_75, %dma_wait3A_76] : memref<10240x128xf32, #tpu.memory_space<vmem_shared>> -> memref<10240x128xf32, #tpu.memory_space<vmem_shared>>
    tpu.wait_indirect_dma semaphore(%arg28 : memref<!tpu.dma_semaphore, #tpu.memory_space<semaphore_mem>>) src(%arg5 : memref<128x128xf32, #tpu.memory_space<vmem>>) dst(%dma_wait3A_77 : memref<10240x128xf32, #tpu.memory_space<vmem_shared>>)
    %barrier3A_78 = arith.constant 0 : index
    tpu.barrier barrier_id(%barrier3A_78)
    %mul3A_79 = arith.constant 640 : i32
    %mul3A_80 = arith.muli %arg1, %mul3A_79 : i32
    %mul3A_81 = arith.constant 640 : i32
    %mul3A_82 = arith.muli %arg1, %mul3A_81 : i32
    "tpu.region"() ({
      %run_scoped3A = tpu.sem_alloc : memref<!tpu.dma_semaphore, #tpu.memory_space<semaphore_mem>>
      %dma_start3A_83 = arith.constant 0 : i32
      %dma_start3A_84 = tpu.memref_slice %arg3[%arg0, %mul3A_82, %dma_start3A_83] : memref<2x10240x128xf32, #tpu.memory_space<hbm>> -> memref<1x640x128xf32, #tpu.memory_space<hbm>>
      %dma_start3A_85 = tpu.memref_squeeze %dma_start3A_84 : memref<1x640x128xf32, #tpu.memory_space<hbm>> -> memref<640x128xf32, #tpu.memory_space<hbm>>
      %dma_start3A_86 = arith.constant 0 : i32
      %dma_start3A_87 = tpu.memref_slice %arg4[%mul3A_80, %dma_start3A_86] : memref<10240x128xf32, #tpu.memory_space<vmem_shared>> -> memref<640x128xf32, #tpu.memory_space<vmem_shared>>
      tpu.enqueue_dma source(%dma_start3A_87 : memref<640x128xf32, #tpu.memory_space<vmem_shared>>) target(%dma_start3A_85 : memref<640x128xf32, #tpu.memory_space<hbm>>) target_semaphore(%run_scoped3A : memref<!tpu.dma_semaphore, #tpu.memory_space<semaphore_mem>>)
      %dma_wait3A_88 = arith.constant 0 : i32
      %dma_wait3A_89 = tpu.memref_slice %arg3[%arg0, %mul3A_82, %dma_wait3A_88] : memref<2x10240x128xf32, #tpu.memory_space<hbm>> -> memref<1x640x128xf32, #tpu.memory_space<hbm>>
      %dma_wait3A_90 = tpu.memref_squeeze %dma_wait3A_89 : memref<1x640x128xf32, #tpu.memory_space<hbm>> -> memref<640x128xf32, #tpu.memory_space<hbm>>
      %dma_wait3A_91 = arith.constant 0 : i32
      %dma_wait3A_92 = tpu.memref_slice %arg4[%mul3A_80, %dma_wait3A_91] : memref<10240x128xf32, #tpu.memory_space<vmem_shared>> -> memref<640x128xf32, #tpu.memory_space<vmem_shared>>
      tpu.wait_dma2 semaphore(%run_scoped3A : memref<!tpu.dma_semaphore, #tpu.memory_space<semaphore_mem>>) src(%dma_wait3A_92 : memref<640x128xf32, #tpu.memory_space<vmem_shared>>) dst(%dma_wait3A_90 : memref<640x128xf32, #tpu.memory_space<hbm>>)
      tpu.yield
    }) : () -> ()
    return
  }
}

#map = affine_map<(d0, d1) -> (0, 0)>
#map1 = affine_map<(d0, d1) -> (0)>
#map2 = affine_map<(d0, d1) -> (0, 0, 0)>
module attributes {stable_mosaic.version = 14 : i64} {
  func.func @_scatter_kernel(%arg0: i32, %arg1: i32, %arg2: memref<10000x128xf32, #tpu.memory_space<hbm>>, %arg3: memref<320000xi32, #tpu.memory_space<hbm>>, %arg4: memref<320000xi32, #tpu.memory_space<hbm>>, %arg5: memref<2x10240x128xf32, #tpu.memory_space<hbm>>, %arg6: memref<10240x128xf32, #tpu.memory_space<vmem_shared>>, %arg7: memref<80x128xf32, #tpu.memory_space<vmem>>, %arg8: memref<80x128xf32, #tpu.memory_space<vmem>>, %arg9: memref<80x128xf32, #tpu.memory_space<vmem>>, %arg10: memref<80x128xf32, #tpu.memory_space<vmem>>, %arg11: memref<80xi32, #tpu.memory_space<vmem>>, %arg12: memref<80xi32, #tpu.memory_space<vmem>>, %arg13: memref<80xi32, #tpu.memory_space<vmem>>, %arg14: memref<80xi32, #tpu.memory_space<vmem>>, %arg15: memref<80xi32, #tpu.memory_space<vmem>>, %arg16: memref<80xi32, #tpu.memory_space<vmem>>, %arg17: memref<80xi32, #tpu.memory_space<vmem>>, %arg18: memref<80xi32, #tpu.memory_space<vmem>>, %arg19: memref<80xi32, #tpu.memory_space<vmem>>, %arg20: memref<80xi32, #tpu.memory_space<vmem>>, %arg21: memref<80xi32, #tpu.memory_space<vmem>>, %arg22: memref<80xi32, #tpu.memory_space<vmem>>, %arg23: memref<80xi32, #tpu.memory_space<vmem>>, %arg24: memref<80xi32, #tpu.memory_space<vmem>>, %arg25: memref<80xi32, #tpu.memory_space<vmem>>, %arg26: memref<80xi32, #tpu.memory_space<vmem>>, %arg27: memref<!tpu.dma_semaphore, #tpu.memory_space<semaphore_mem>>, %arg28: memref<!tpu.dma_semaphore, #tpu.memory_space<semaphore_mem>>, %arg29: memref<!tpu.dma_semaphore, #tpu.memory_space<semaphore_mem>>, %arg30: memref<!tpu.dma_semaphore, #tpu.memory_space<semaphore_mem>>, %arg31: memref<!tpu.dma_semaphore, #tpu.memory_space<semaphore_mem>>, %arg32: memref<!tpu.dma_semaphore, #tpu.memory_space<semaphore_mem>>, %arg33: memref<!tpu.dma_semaphore, #tpu.memory_space<semaphore_mem>>, %arg34: memref<!tpu.dma_semaphore, #tpu.memory_space<semaphore_mem>>, %arg35: memref<!tpu.dma_semaphore, #tpu.memory_space<semaphore_mem>>, %arg36: memref<!tpu.dma_semaphore, #tpu.memory_space<semaphore_mem>>, %arg37: memref<!tpu.dma_semaphore, #tpu.memory_space<semaphore_mem>>, %arg38: memref<!tpu.dma_semaphore, #tpu.memory_space<semaphore_mem>>, %arg39: memref<!tpu.dma_semaphore, #tpu.memory_space<semaphore_mem>>, %arg40: memref<!tpu.dma_semaphore, #tpu.memory_space<semaphore_mem>>, %arg41: memref<!tpu.dma_semaphore, #tpu.memory_space<semaphore_mem>>, %arg42: memref<!tpu.dma_semaphore, #tpu.memory_space<semaphore_mem>>, %arg43: memref<!tpu.dma_semaphore, #tpu.memory_space<semaphore_mem>>, %arg44: memref<!tpu.dma_semaphore, #tpu.memory_space<semaphore_mem>>, %arg45: memref<!tpu.dma_semaphore, #tpu.memory_space<semaphore_mem>>, %arg46: memref<!tpu.dma_semaphore, #tpu.memory_space<semaphore_mem>>, %arg47: memref<!tpu.dma_semaphore, #tpu.memory_space<semaphore_mem>>, %arg48: memref<!tpu.dma_semaphore, #tpu.memory_space<semaphore_mem>>, %arg49: memref<!tpu.dma_semaphore, #tpu.memory_space<semaphore_mem>>, %arg50: memref<!tpu.dma_semaphore, #tpu.memory_space<semaphore_mem>>) attributes {dimension_semantics = [#tpu.dimension_semantics<core_parallel>, #tpu.dimension_semantics<subcore_parallel>], iteration_bounds = array<i64: 2, 16>, scalar_prefetch = 0 : i64, scratch_operands = 45 : i64, tpu.core_type = #tpu.core_type<sc_vector_subcore>, window_params = [{transform_indices = #map}, {transform_indices = #map1}, {transform_indices = #map1}, {transform_indices = #map2}]} {
    %scan3A = arith.constant 0 : i32
    %scan3A_0 = arith.constant 0 : i32
    %scan3A_1 = arith.constant 80 : i32
    %scan3A_2 = arith.addi %scan3A_0, %scan3A_1 : i32
    %scan3A_3 = arith.constant 1 : i32
    scf.for %scan3A_93 = %scan3A_0 to %scan3A_2 step %scan3A_3  : i32 {
      %broadcast_in_dim3A = arith.constant 0.000000e+00 : f32
      %broadcast_in_dim3A_94 = vector.broadcast %broadcast_in_dim3A : f32 to vector<16xf32>
      %swap3A = arith.index_cast %scan3A_93 : i32 to index
      %swap3A_95 = arith.constant 0 : index
      %swap3A_96 = tpu.vector_load %arg7[%swap3A, %swap3A_95] {strides = array<i32>} : memref<80x128xf32, #tpu.memory_space<vmem>>, vector<1x16xf32>,
      %swap3A_97 = vector.shape_cast %swap3A_96 : vector<1x16xf32> to vector<16xf32>
      %swap3A_98 = vector.shape_cast %broadcast_in_dim3A_94 : vector<16xf32> to vector<1x16xf32>
      tpu.vector_store %arg7[%swap3A, %swap3A_95], %swap3A_98 {strides = array<i32>} : memref<80x128xf32, #tpu.memory_space<vmem>>, vector<1x16xf32>,
      %broadcast_in_dim3A_99 = arith.constant 0.000000e+00 : f32
      %broadcast_in_dim3A_100 = vector.broadcast %broadcast_in_dim3A_99 : f32 to vector<16xf32>
      %swap3A_101 = arith.index_cast %scan3A_93 : i32 to index
      %swap3A_102 = arith.constant 16 : index
      %swap3A_103 = tpu.vector_load %arg7[%swap3A_101, %swap3A_102] {strides = array<i32>} : memref<80x128xf32, #tpu.memory_space<vmem>>, vector<1x16xf32>,
      %swap3A_104 = vector.shape_cast %swap3A_103 : vector<1x16xf32> to vector<16xf32>
      %swap3A_105 = vector.shape_cast %broadcast_in_dim3A_100 : vector<16xf32> to vector<1x16xf32>
      tpu.vector_store %arg7[%swap3A_101, %swap3A_102], %swap3A_105 {strides = array<i32>} : memref<80x128xf32, #tpu.memory_space<vmem>>, vector<1x16xf32>,
      %broadcast_in_dim3A_106 = arith.constant 0.000000e+00 : f32
      %broadcast_in_dim3A_107 = vector.broadcast %broadcast_in_dim3A_106 : f32 to vector<16xf32>
      %swap3A_108 = arith.index_cast %scan3A_93 : i32 to index
      %swap3A_109 = arith.constant 32 : index
      %swap3A_110 = tpu.vector_load %arg7[%swap3A_108, %swap3A_109] {strides = array<i32>} : memref<80x128xf32, #tpu.memory_space<vmem>>, vector<1x16xf32>,
      %swap3A_111 = vector.shape_cast %swap3A_110 : vector<1x16xf32> to vector<16xf32>
      %swap3A_112 = vector.shape_cast %broadcast_in_dim3A_107 : vector<16xf32> to vector<1x16xf32>
      tpu.vector_store %arg7[%swap3A_108, %swap3A_109], %swap3A_112 {strides = array<i32>} : memref<80x128xf32, #tpu.memory_space<vmem>>, vector<1x16xf32>,
      %broadcast_in_dim3A_113 = arith.constant 0.000000e+00 : f32
      %broadcast_in_dim3A_114 = vector.broadcast %broadcast_in_dim3A_113 : f32 to vector<16xf32>
      %swap3A_115 = arith.index_cast %scan3A_93 : i32 to index
      %swap3A_116 = arith.constant 48 : index
      %swap3A_117 = tpu.vector_load %arg7[%swap3A_115, %swap3A_116] {strides = array<i32>} : memref<80x128xf32, #tpu.memory_space<vmem>>, vector<1x16xf32>,
      %swap3A_118 = vector.shape_cast %swap3A_117 : vector<1x16xf32> to vector<16xf32>
      %swap3A_119 = vector.shape_cast %broadcast_in_dim3A_114 : vector<16xf32> to vector<1x16xf32>
      tpu.vector_store %arg7[%swap3A_115, %swap3A_116], %swap3A_119 {strides = array<i32>} : memref<80x128xf32, #tpu.memory_space<vmem>>, vector<1x16xf32>,
      %broadcast_in_dim3A_120 = arith.constant 0.000000e+00 : f32
      %broadcast_in_dim3A_121 = vector.broadcast %broadcast_in_dim3A_120 : f32 to vector<16xf32>
      %swap3A_122 = arith.index_cast %scan3A_93 : i32 to index
      %swap3A_123 = arith.constant 64 : index
      %swap3A_124 = tpu.vector_load %arg7[%swap3A_122, %swap3A_123] {strides = array<i32>} : memref<80x128xf32, #tpu.memory_space<vmem>>, vector<1x16xf32>,
      %swap3A_125 = vector.shape_cast %swap3A_124 : vector<1x16xf32> to vector<16xf32>
      %swap3A_126 = vector.shape_cast %broadcast_in_dim3A_121 : vector<16xf32> to vector<1x16xf32>
      tpu.vector_store %arg7[%swap3A_122, %swap3A_123], %swap3A_126 {strides = array<i32>} : memref<80x128xf32, #tpu.memory_space<vmem>>, vector<1x16xf32>,
      %broadcast_in_dim3A_127 = arith.constant 0.000000e+00 : f32
      %broadcast_in_dim3A_128 = vector.broadcast %broadcast_in_dim3A_127 : f32 to vector<16xf32>
      %swap3A_129 = arith.index_cast %scan3A_93 : i32 to index
      %swap3A_130 = arith.constant 80 : index
      %swap3A_131 = tpu.vector_load %arg7[%swap3A_129, %swap3A_130] {strides = array<i32>} : memref<80x128xf32, #tpu.memory_space<vmem>>, vector<1x16xf32>,
      %swap3A_132 = vector.shape_cast %swap3A_131 : vector<1x16xf32> to vector<16xf32>
      %swap3A_133 = vector.shape_cast %broadcast_in_dim3A_128 : vector<16xf32> to vector<1x16xf32>
      tpu.vector_store %arg7[%swap3A_129, %swap3A_130], %swap3A_133 {strides = array<i32>} : memref<80x128xf32, #tpu.memory_space<vmem>>, vector<1x16xf32>,
      %broadcast_in_dim3A_134 = arith.constant 0.000000e+00 : f32
      %broadcast_in_dim3A_135 = vector.broadcast %broadcast_in_dim3A_134 : f32 to vector<16xf32>
      %swap3A_136 = arith.index_cast %scan3A_93 : i32 to index
      %swap3A_137 = arith.constant 96 : index
      %swap3A_138 = tpu.vector_load %arg7[%swap3A_136, %swap3A_137] {strides = array<i32>} : memref<80x128xf32, #tpu.memory_space<vmem>>, vector<1x16xf32>,
      %swap3A_139 = vector.shape_cast %swap3A_138 : vector<1x16xf32> to vector<16xf32>
      %swap3A_140 = vector.shape_cast %broadcast_in_dim3A_135 : vector<16xf32> to vector<1x16xf32>
      tpu.vector_store %arg7[%swap3A_136, %swap3A_137], %swap3A_140 {strides = array<i32>} : memref<80x128xf32, #tpu.memory_space<vmem>>, vector<1x16xf32>,
      %broadcast_in_dim3A_141 = arith.constant 0.000000e+00 : f32
      %broadcast_in_dim3A_142 = vector.broadcast %broadcast_in_dim3A_141 : f32 to vector<16xf32>
      %swap3A_143 = arith.index_cast %scan3A_93 : i32 to index
      %swap3A_144 = arith.constant 112 : index
      %swap3A_145 = tpu.vector_load %arg7[%swap3A_143, %swap3A_144] {strides = array<i32>} : memref<80x128xf32, #tpu.memory_space<vmem>>, vector<1x16xf32>,
      %swap3A_146 = vector.shape_cast %swap3A_145 : vector<1x16xf32> to vector<16xf32>
      %swap3A_147 = vector.shape_cast %broadcast_in_dim3A_142 : vector<16xf32> to vector<1x16xf32>
      tpu.vector_store %arg7[%swap3A_143, %swap3A_144], %swap3A_147 {strides = array<i32>} : memref<80x128xf32, #tpu.memory_space<vmem>>, vector<1x16xf32>,
    }
    %scan3A_4 = arith.constant 80 : i32
    %mul3A = arith.constant 640 : i32
    %mul3A_5 = arith.muli %arg1, %mul3A : i32
    %add3A = arith.constant 0 : i32
    %add3A_6 = arith.addi %mul3A_5, %add3A : i32
    "tpu.region"() ({
      %run_scoped3A = tpu.sem_alloc : memref<!tpu.dma_semaphore, #tpu.memory_space<semaphore_mem>>
      %dma_start3A_93 = arith.constant 0 : i32
      %dma_start3A_94 = tpu.memref_slice %arg6[%add3A_6, %dma_start3A_93] : memref<10240x128xf32, #tpu.memory_space<vmem_shared>> -> memref<80x128xf32, #tpu.memory_space<vmem_shared>>
      %dma_start3A_95 = arith.constant 0 : i32
      %dma_start3A_96 = tpu.memref_slice %arg6[%add3A_6, %dma_start3A_95] : memref<10240x128xf32, #tpu.memory_space<vmem_shared>> -> memref<80x128xf32, #tpu.memory_space<vmem_shared>>
      tpu.enqueue_dma source(%arg7 : memref<80x128xf32, #tpu.memory_space<vmem>>) target(%dma_start3A_96 : memref<80x128xf32, #tpu.memory_space<vmem_shared>>) target_semaphore(%run_scoped3A : memref<!tpu.dma_semaphore, #tpu.memory_space<semaphore_mem>>)
      %dma_wait3A_97 = arith.constant 0 : i32
      %dma_wait3A_98 = tpu.memref_slice %arg6[%add3A_6, %dma_wait3A_97] : memref<10240x128xf32, #tpu.memory_space<vmem_shared>> -> memref<80x128xf32, #tpu.memory_space<vmem_shared>>
      %dma_wait3A_99 = arith.constant 0 : i32
      %dma_wait3A_100 = tpu.memref_slice %arg6[%add3A_6, %dma_wait3A_99] : memref<10240x128xf32, #tpu.memory_space<vmem_shared>> -> memref<80x128xf32, #tpu.memory_space<vmem_shared>>
      tpu.wait_dma2 semaphore(%run_scoped3A : memref<!tpu.dma_semaphore, #tpu.memory_space<semaphore_mem>>) src(%arg7 : memref<80x128xf32, #tpu.memory_space<vmem>>) dst(%dma_wait3A_100 : memref<80x128xf32, #tpu.memory_space<vmem_shared>>)
      tpu.yield
    }) : () -> ()
    %mul3A_7 = arith.constant 640 : i32
    %mul3A_8 = arith.muli %arg1, %mul3A_7 : i32
    %add3A_9 = arith.constant 80 : i32
    %add3A_10 = arith.addi %mul3A_8, %add3A_9 : i32
    "tpu.region"() ({
      %run_scoped3A = tpu.sem_alloc : memref<!tpu.dma_semaphore, #tpu.memory_space<semaphore_mem>>
      %dma_start3A_93 = arith.constant 0 : i32
      %dma_start3A_94 = tpu.memref_slice %arg6[%add3A_10, %dma_start3A_93] : memref<10240x128xf32, #tpu.memory_space<vmem_shared>> -> memref<80x128xf32, #tpu.memory_space<vmem_shared>>
      %dma_start3A_95 = arith.constant 0 : i32
      %dma_start3A_96 = tpu.memref_slice %arg6[%add3A_10, %dma_start3A_95] : memref<10240x128xf32, #tpu.memory_space<vmem_shared>> -> memref<80x128xf32, #tpu.memory_space<vmem_shared>>
      tpu.enqueue_dma source(%arg7 : memref<80x128xf32, #tpu.memory_space<vmem>>) target(%dma_start3A_96 : memref<80x128xf32, #tpu.memory_space<vmem_shared>>) target_semaphore(%run_scoped3A : memref<!tpu.dma_semaphore, #tpu.memory_space<semaphore_mem>>)
      %dma_wait3A_97 = arith.constant 0 : i32
      %dma_wait3A_98 = tpu.memref_slice %arg6[%add3A_10, %dma_wait3A_97] : memref<10240x128xf32, #tpu.memory_space<vmem_shared>> -> memref<80x128xf32, #tpu.memory_space<vmem_shared>>
      %dma_wait3A_99 = arith.constant 0 : i32
      %dma_wait3A_100 = tpu.memref_slice %arg6[%add3A_10, %dma_wait3A_99] : memref<10240x128xf32, #tpu.memory_space<vmem_shared>> -> memref<80x128xf32, #tpu.memory_space<vmem_shared>>
      tpu.wait_dma2 semaphore(%run_scoped3A : memref<!tpu.dma_semaphore, #tpu.memory_space<semaphore_mem>>) src(%arg7 : memref<80x128xf32, #tpu.memory_space<vmem>>) dst(%dma_wait3A_100 : memref<80x128xf32, #tpu.memory_space<vmem_shared>>)
      tpu.yield
    }) : () -> ()
    %mul3A_11 = arith.constant 640 : i32
    %mul3A_12 = arith.muli %arg1, %mul3A_11 : i32
    %add3A_13 = arith.constant 160 : i32
    %add3A_14 = arith.addi %mul3A_12, %add3A_13 : i32
    "tpu.region"() ({
      %run_scoped3A = tpu.sem_alloc : memref<!tpu.dma_semaphore, #tpu.memory_space<semaphore_mem>>
      %dma_start3A_93 = arith.constant 0 : i32
      %dma_start3A_94 = tpu.memref_slice %arg6[%add3A_14, %dma_start3A_93] : memref<10240x128xf32, #tpu.memory_space<vmem_shared>> -> memref<80x128xf32, #tpu.memory_space<vmem_shared>>
      %dma_start3A_95 = arith.constant 0 : i32
      %dma_start3A_96 = tpu.memref_slice %arg6[%add3A_14, %dma_start3A_95] : memref<10240x128xf32, #tpu.memory_space<vmem_shared>> -> memref<80x128xf32, #tpu.memory_space<vmem_shared>>
      tpu.enqueue_dma source(%arg7 : memref<80x128xf32, #tpu.memory_space<vmem>>) target(%dma_start3A_96 : memref<80x128xf32, #tpu.memory_space<vmem_shared>>) target_semaphore(%run_scoped3A : memref<!tpu.dma_semaphore, #tpu.memory_space<semaphore_mem>>)
      %dma_wait3A_97 = arith.constant 0 : i32
      %dma_wait3A_98 = tpu.memref_slice %arg6[%add3A_14, %dma_wait3A_97] : memref<10240x128xf32, #tpu.memory_space<vmem_shared>> -> memref<80x128xf32, #tpu.memory_space<vmem_shared>>
      %dma_wait3A_99 = arith.constant 0 : i32
      %dma_wait3A_100 = tpu.memref_slice %arg6[%add3A_14, %dma_wait3A_99] : memref<10240x128xf32, #tpu.memory_space<vmem_shared>> -> memref<80x128xf32, #tpu.memory_space<vmem_shared>>
      tpu.wait_dma2 semaphore(%run_scoped3A : memref<!tpu.dma_semaphore, #tpu.memory_space<semaphore_mem>>) src(%arg7 : memref<80x128xf32, #tpu.memory_space<vmem>>) dst(%dma_wait3A_100 : memref<80x128xf32, #tpu.memory_space<vmem_shared>>)
      tpu.yield
    }) : () -> ()
    %mul3A_15 = arith.constant 640 : i32
    %mul3A_16 = arith.muli %arg1, %mul3A_15 : i32
    %add3A_17 = arith.constant 240 : i32
    %add3A_18 = arith.addi %mul3A_16, %add3A_17 : i32
    "tpu.region"() ({
      %run_scoped3A = tpu.sem_alloc : memref<!tpu.dma_semaphore, #tpu.memory_space<semaphore_mem>>
      %dma_start3A_93 = arith.constant 0 : i32
      %dma_start3A_94 = tpu.memref_slice %arg6[%add3A_18, %dma_start3A_93] : memref<10240x128xf32, #tpu.memory_space<vmem_shared>> -> memref<80x128xf32, #tpu.memory_space<vmem_shared>>
      %dma_start3A_95 = arith.constant 0 : i32
      %dma_start3A_96 = tpu.memref_slice %arg6[%add3A_18, %dma_start3A_95] : memref<10240x128xf32, #tpu.memory_space<vmem_shared>> -> memref<80x128xf32, #tpu.memory_space<vmem_shared>>
      tpu.enqueue_dma source(%arg7 : memref<80x128xf32, #tpu.memory_space<vmem>>) target(%dma_start3A_96 : memref<80x128xf32, #tpu.memory_space<vmem_shared>>) target_semaphore(%run_scoped3A : memref<!tpu.dma_semaphore, #tpu.memory_space<semaphore_mem>>)
      %dma_wait3A_97 = arith.constant 0 : i32
      %dma_wait3A_98 = tpu.memref_slice %arg6[%add3A_18, %dma_wait3A_97] : memref<10240x128xf32, #tpu.memory_space<vmem_shared>> -> memref<80x128xf32, #tpu.memory_space<vmem_shared>>
      %dma_wait3A_99 = arith.constant 0 : i32
      %dma_wait3A_100 = tpu.memref_slice %arg6[%add3A_18, %dma_wait3A_99] : memref<10240x128xf32, #tpu.memory_space<vmem_shared>> -> memref<80x128xf32, #tpu.memory_space<vmem_shared>>
      tpu.wait_dma2 semaphore(%run_scoped3A : memref<!tpu.dma_semaphore, #tpu.memory_space<semaphore_mem>>) src(%arg7 : memref<80x128xf32, #tpu.memory_space<vmem>>) dst(%dma_wait3A_100 : memref<80x128xf32, #tpu.memory_space<vmem_shared>>)
      tpu.yield
    }) : () -> ()
    %mul3A_19 = arith.constant 640 : i32
    %mul3A_20 = arith.muli %arg1, %mul3A_19 : i32
    %add3A_21 = arith.constant 320 : i32
    %add3A_22 = arith.addi %mul3A_20, %add3A_21 : i32
    "tpu.region"() ({
      %run_scoped3A = tpu.sem_alloc : memref<!tpu.dma_semaphore, #tpu.memory_space<semaphore_mem>>
      %dma_start3A_93 = arith.constant 0 : i32
      %dma_start3A_94 = tpu.memref_slice %arg6[%add3A_22, %dma_start3A_93] : memref<10240x128xf32, #tpu.memory_space<vmem_shared>> -> memref<80x128xf32, #tpu.memory_space<vmem_shared>>
      %dma_start3A_95 = arith.constant 0 : i32
      %dma_start3A_96 = tpu.memref_slice %arg6[%add3A_22, %dma_start3A_95] : memref<10240x128xf32, #tpu.memory_space<vmem_shared>> -> memref<80x128xf32, #tpu.memory_space<vmem_shared>>
      tpu.enqueue_dma source(%arg7 : memref<80x128xf32, #tpu.memory_space<vmem>>) target(%dma_start3A_96 : memref<80x128xf32, #tpu.memory_space<vmem_shared>>) target_semaphore(%run_scoped3A : memref<!tpu.dma_semaphore, #tpu.memory_space<semaphore_mem>>)
      %dma_wait3A_97 = arith.constant 0 : i32
      %dma_wait3A_98 = tpu.memref_slice %arg6[%add3A_22, %dma_wait3A_97] : memref<10240x128xf32, #tpu.memory_space<vmem_shared>> -> memref<80x128xf32, #tpu.memory_space<vmem_shared>>
      %dma_wait3A_99 = arith.constant 0 : i32
      %dma_wait3A_100 = tpu.memref_slice %arg6[%add3A_22, %dma_wait3A_99] : memref<10240x128xf32, #tpu.memory_space<vmem_shared>> -> memref<80x128xf32, #tpu.memory_space<vmem_shared>>
      tpu.wait_dma2 semaphore(%run_scoped3A : memref<!tpu.dma_semaphore, #tpu.memory_space<semaphore_mem>>) src(%arg7 : memref<80x128xf32, #tpu.memory_space<vmem>>) dst(%dma_wait3A_100 : memref<80x128xf32, #tpu.memory_space<vmem_shared>>)
      tpu.yield
    }) : () -> ()
    %mul3A_23 = arith.constant 640 : i32
    %mul3A_24 = arith.muli %arg1, %mul3A_23 : i32
    %add3A_25 = arith.constant 400 : i32
    %add3A_26 = arith.addi %mul3A_24, %add3A_25 : i32
    "tpu.region"() ({
      %run_scoped3A = tpu.sem_alloc : memref<!tpu.dma_semaphore, #tpu.memory_space<semaphore_mem>>
      %dma_start3A_93 = arith.constant 0 : i32
      %dma_start3A_94 = tpu.memref_slice %arg6[%add3A_26, %dma_start3A_93] : memref<10240x128xf32, #tpu.memory_space<vmem_shared>> -> memref<80x128xf32, #tpu.memory_space<vmem_shared>>
      %dma_start3A_95 = arith.constant 0 : i32
      %dma_start3A_96 = tpu.memref_slice %arg6[%add3A_26, %dma_start3A_95] : memref<10240x128xf32, #tpu.memory_space<vmem_shared>> -> memref<80x128xf32, #tpu.memory_space<vmem_shared>>
      tpu.enqueue_dma source(%arg7 : memref<80x128xf32, #tpu.memory_space<vmem>>) target(%dma_start3A_96 : memref<80x128xf32, #tpu.memory_space<vmem_shared>>) target_semaphore(%run_scoped3A : memref<!tpu.dma_semaphore, #tpu.memory_space<semaphore_mem>>)
      %dma_wait3A_97 = arith.constant 0 : i32
      %dma_wait3A_98 = tpu.memref_slice %arg6[%add3A_26, %dma_wait3A_97] : memref<10240x128xf32, #tpu.memory_space<vmem_shared>> -> memref<80x128xf32, #tpu.memory_space<vmem_shared>>
      %dma_wait3A_99 = arith.constant 0 : i32
      %dma_wait3A_100 = tpu.memref_slice %arg6[%add3A_26, %dma_wait3A_99] : memref<10240x128xf32, #tpu.memory_space<vmem_shared>> -> memref<80x128xf32, #tpu.memory_space<vmem_shared>>
      tpu.wait_dma2 semaphore(%run_scoped3A : memref<!tpu.dma_semaphore, #tpu.memory_space<semaphore_mem>>) src(%arg7 : memref<80x128xf32, #tpu.memory_space<vmem>>) dst(%dma_wait3A_100 : memref<80x128xf32, #tpu.memory_space<vmem_shared>>)
      tpu.yield
    }) : () -> ()
    %mul3A_27 = arith.constant 640 : i32
    %mul3A_28 = arith.muli %arg1, %mul3A_27 : i32
    %add3A_29 = arith.constant 480 : i32
    %add3A_30 = arith.addi %mul3A_28, %add3A_29 : i32
    "tpu.region"() ({
      %run_scoped3A = tpu.sem_alloc : memref<!tpu.dma_semaphore, #tpu.memory_space<semaphore_mem>>
      %dma_start3A_93 = arith.constant 0 : i32
      %dma_start3A_94 = tpu.memref_slice %arg6[%add3A_30, %dma_start3A_93] : memref<10240x128xf32, #tpu.memory_space<vmem_shared>> -> memref<80x128xf32, #tpu.memory_space<vmem_shared>>
      %dma_start3A_95 = arith.constant 0 : i32
      %dma_start3A_96 = tpu.memref_slice %arg6[%add3A_30, %dma_start3A_95] : memref<10240x128xf32, #tpu.memory_space<vmem_shared>> -> memref<80x128xf32, #tpu.memory_space<vmem_shared>>
      tpu.enqueue_dma source(%arg7 : memref<80x128xf32, #tpu.memory_space<vmem>>) target(%dma_start3A_96 : memref<80x128xf32, #tpu.memory_space<vmem_shared>>) target_semaphore(%run_scoped3A : memref<!tpu.dma_semaphore, #tpu.memory_space<semaphore_mem>>)
      %dma_wait3A_97 = arith.constant 0 : i32
      %dma_wait3A_98 = tpu.memref_slice %arg6[%add3A_30, %dma_wait3A_97] : memref<10240x128xf32, #tpu.memory_space<vmem_shared>> -> memref<80x128xf32, #tpu.memory_space<vmem_shared>>
      %dma_wait3A_99 = arith.constant 0 : i32
      %dma_wait3A_100 = tpu.memref_slice %arg6[%add3A_30, %dma_wait3A_99] : memref<10240x128xf32, #tpu.memory_space<vmem_shared>> -> memref<80x128xf32, #tpu.memory_space<vmem_shared>>
      tpu.wait_dma2 semaphore(%run_scoped3A : memref<!tpu.dma_semaphore, #tpu.memory_space<semaphore_mem>>) src(%arg7 : memref<80x128xf32, #tpu.memory_space<vmem>>) dst(%dma_wait3A_100 : memref<80x128xf32, #tpu.memory_space<vmem_shared>>)
      tpu.yield
    }) : () -> ()
    %mul3A_31 = arith.constant 640 : i32
    %mul3A_32 = arith.muli %arg1, %mul3A_31 : i32
    %add3A_33 = arith.constant 560 : i32
    %add3A_34 = arith.addi %mul3A_32, %add3A_33 : i32
    "tpu.region"() ({
      %run_scoped3A = tpu.sem_alloc : memref<!tpu.dma_semaphore, #tpu.memory_space<semaphore_mem>>
      %dma_start3A_93 = arith.constant 0 : i32
      %dma_start3A_94 = tpu.memref_slice %arg6[%add3A_34, %dma_start3A_93] : memref<10240x128xf32, #tpu.memory_space<vmem_shared>> -> memref<80x128xf32, #tpu.memory_space<vmem_shared>>
      %dma_start3A_95 = arith.constant 0 : i32
      %dma_start3A_96 = tpu.memref_slice %arg6[%add3A_34, %dma_start3A_95] : memref<10240x128xf32, #tpu.memory_space<vmem_shared>> -> memref<80x128xf32, #tpu.memory_space<vmem_shared>>
      tpu.enqueue_dma source(%arg7 : memref<80x128xf32, #tpu.memory_space<vmem>>) target(%dma_start3A_96 : memref<80x128xf32, #tpu.memory_space<vmem_shared>>) target_semaphore(%run_scoped3A : memref<!tpu.dma_semaphore, #tpu.memory_space<semaphore_mem>>)
      %dma_wait3A_97 = arith.constant 0 : i32
      %dma_wait3A_98 = tpu.memref_slice %arg6[%add3A_34, %dma_wait3A_97] : memref<10240x128xf32, #tpu.memory_space<vmem_shared>> -> memref<80x128xf32, #tpu.memory_space<vmem_shared>>
      %dma_wait3A_99 = arith.constant 0 : i32
      %dma_wait3A_100 = tpu.memref_slice %arg6[%add3A_34, %dma_wait3A_99] : memref<10240x128xf32, #tpu.memory_space<vmem_shared>> -> memref<80x128xf32, #tpu.memory_space<vmem_shared>>
      tpu.wait_dma2 semaphore(%run_scoped3A : memref<!tpu.dma_semaphore, #tpu.memory_space<semaphore_mem>>) src(%arg7 : memref<80x128xf32, #tpu.memory_space<vmem>>) dst(%dma_wait3A_100 : memref<80x128xf32, #tpu.memory_space<vmem_shared>>)
      tpu.yield
    }) : () -> ()
    %barrier3A = arith.constant 0 : index
    tpu.barrier barrier_id(%barrier3A)
    %mul3A_35 = arith.constant 16 : i32
    %mul3A_36 = arith.muli %arg0, %mul3A_35 : i32
    %add3A_37 = arith.addi %mul3A_36, %arg1 : i32
    %mul3A_38 = arith.constant 10000 : i32
    %mul3A_39 = arith.muli %add3A_37, %mul3A_38 : i32
    %add3A_40 = arith.constant 0 : i32
    %add3A_41 = arith.addi %mul3A_39, %add3A_40 : i32
    %dma_start3A = tpu.memref_slice %arg3[%add3A_41] : memref<320000xi32, #tpu.memory_space<hbm>> -> memref<80xi32, #tpu.memory_space<hbm>>
    %dma_start3A_42 = tpu.memref_slice %arg3[%add3A_41] : memref<320000xi32, #tpu.memory_space<hbm>> -> memref<80xi32, #tpu.memory_space<hbm>>
    tpu.enqueue_dma source(%dma_start3A_42 : memref<80xi32, #tpu.memory_space<hbm>>) target(%arg11 : memref<80xi32, #tpu.memory_space<vmem>>) target_semaphore(%arg35 : memref<!tpu.dma_semaphore, #tpu.memory_space<semaphore_mem>>)
    %dma_start3A_43 = tpu.memref_slice %arg4[%add3A_41] : memref<320000xi32, #tpu.memory_space<hbm>> -> memref<80xi32, #tpu.memory_space<hbm>>
    %dma_start3A_44 = tpu.memref_slice %arg4[%add3A_41] : memref<320000xi32, #tpu.memory_space<hbm>> -> memref<80xi32, #tpu.memory_space<hbm>>
    tpu.enqueue_dma source(%dma_start3A_44 : memref<80xi32, #tpu.memory_space<hbm>>) target(%arg19 : memref<80xi32, #tpu.memory_space<vmem>>) target_semaphore(%arg43 : memref<!tpu.dma_semaphore, #tpu.memory_space<semaphore_mem>>)
    %add3A_45 = arith.constant 80 : i32
    %add3A_46 = arith.addi %mul3A_39, %add3A_45 : i32
    %dma_start3A_47 = tpu.memref_slice %arg3[%add3A_46] : memref<320000xi32, #tpu.memory_space<hbm>> -> memref<80xi32, #tpu.memory_space<hbm>>
    %dma_start3A_48 = tpu.memref_slice %arg3[%add3A_46] : memref<320000xi32, #tpu.memory_space<hbm>> -> memref<80xi32, #tpu.memory_space<hbm>>
    tpu.enqueue_dma source(%dma_start3A_48 : memref<80xi32, #tpu.memory_space<hbm>>) target(%arg12 : memref<80xi32, #tpu.memory_space<vmem>>) target_semaphore(%arg36 : memref<!tpu.dma_semaphore, #tpu.memory_space<semaphore_mem>>)
    %dma_start3A_49 = tpu.memref_slice %arg4[%add3A_46] : memref<320000xi32, #tpu.memory_space<hbm>> -> memref<80xi32, #tpu.memory_space<hbm>>
    %dma_start3A_50 = tpu.memref_slice %arg4[%add3A_46] : memref<320000xi32, #tpu.memory_space<hbm>> -> memref<80xi32, #tpu.memory_space<hbm>>
    tpu.enqueue_dma source(%dma_start3A_50 : memref<80xi32, #tpu.memory_space<hbm>>) target(%arg20 : memref<80xi32, #tpu.memory_space<vmem>>) target_semaphore(%arg44 : memref<!tpu.dma_semaphore, #tpu.memory_space<semaphore_mem>>)
    %add3A_51 = arith.constant 160 : i32
    %add3A_52 = arith.addi %mul3A_39, %add3A_51 : i32
    %dma_start3A_53 = tpu.memref_slice %arg3[%add3A_52] : memref<320000xi32, #tpu.memory_space<hbm>> -> memref<80xi32, #tpu.memory_space<hbm>>
    %dma_start3A_54 = tpu.memref_slice %arg3[%add3A_52] : memref<320000xi32, #tpu.memory_space<hbm>> -> memref<80xi32, #tpu.memory_space<hbm>>
    tpu.enqueue_dma source(%dma_start3A_54 : memref<80xi32, #tpu.memory_space<hbm>>) target(%arg13 : memref<80xi32, #tpu.memory_space<vmem>>) target_semaphore(%arg37 : memref<!tpu.dma_semaphore, #tpu.memory_space<semaphore_mem>>)
    %dma_start3A_55 = tpu.memref_slice %arg4[%add3A_52] : memref<320000xi32, #tpu.memory_space<hbm>> -> memref<80xi32, #tpu.memory_space<hbm>>
    %dma_start3A_56 = tpu.memref_slice %arg4[%add3A_52] : memref<320000xi32, #tpu.memory_space<hbm>> -> memref<80xi32, #tpu.memory_space<hbm>>
    tpu.enqueue_dma source(%dma_start3A_56 : memref<80xi32, #tpu.memory_space<hbm>>) target(%arg21 : memref<80xi32, #tpu.memory_space<vmem>>) target_semaphore(%arg45 : memref<!tpu.dma_semaphore, #tpu.memory_space<semaphore_mem>>)
    %add3A_57 = arith.constant 0 : i32
    %add3A_58 = arith.addi %mul3A_39, %add3A_57 : i32
    %dma_wait3A = tpu.memref_slice %arg3[%add3A_58] : memref<320000xi32, #tpu.memory_space<hbm>> -> memref<80xi32, #tpu.memory_space<hbm>>
    %dma_wait3A_59 = tpu.memref_slice %arg3[%add3A_58] : memref<320000xi32, #tpu.memory_space<hbm>> -> memref<80xi32, #tpu.memory_space<hbm>>
    tpu.wait_dma2 semaphore(%arg35 : memref<!tpu.dma_semaphore, #tpu.memory_space<semaphore_mem>>) src(%dma_wait3A_59 : memref<80xi32, #tpu.memory_space<hbm>>) dst(%arg11 : memref<80xi32, #tpu.memory_space<vmem>>)
    %dma_start3A_60 = arith.constant 0 : i32
    %dma_start3A_61 = arith.constant 0 : i32
    %dma_start3A_62 = tpu.memref_slice %arg2[%dma_start3A_60, %dma_start3A_61] : memref<10000x128xf32, #tpu.memory_space<hbm>> -> memref<10000x128xf32, #tpu.memory_space<hbm>>
    tpu.enqueue_indirect_dma source(%dma_start3A_62 : memref<10000x128xf32, #tpu.memory_space<hbm>>) target(%arg7 : memref<80x128xf32, #tpu.memory_space<vmem>>) offsets(%arg11 : memref<80xi32, #tpu.memory_space<vmem>>) semaphore(%arg27 : memref<!tpu.dma_semaphore, #tpu.memory_space<semaphore_mem>>)
    %add3A_63 = arith.constant 80 : i32
    %add3A_64 = arith.addi %mul3A_39, %add3A_63 : i32
    %dma_wait3A_65 = tpu.memref_slice %arg3[%add3A_64] : memref<320000xi32, #tpu.memory_space<hbm>> -> memref<80xi32, #tpu.memory_space<hbm>>
    %dma_wait3A_66 = tpu.memref_slice %arg3[%add3A_64] : memref<320000xi32, #tpu.memory_space<hbm>> -> memref<80xi32, #tpu.memory_space<hbm>>
    tpu.wait_dma2 semaphore(%arg36 : memref<!tpu.dma_semaphore, #tpu.memory_space<semaphore_mem>>) src(%dma_wait3A_66 : memref<80xi32, #tpu.memory_space<hbm>>) dst(%arg12 : memref<80xi32, #tpu.memory_space<vmem>>)
    %dma_start3A_67 = arith.constant 0 : i32
    %dma_start3A_68 = arith.constant 0 : i32
    %dma_start3A_69 = tpu.memref_slice %arg2[%dma_start3A_67, %dma_start3A_68] : memref<10000x128xf32, #tpu.memory_space<hbm>> -> memref<10000x128xf32, #tpu.memory_space<hbm>>
    tpu.enqueue_indirect_dma source(%dma_start3A_69 : memref<10000x128xf32, #tpu.memory_space<hbm>>) target(%arg8 : memref<80x128xf32, #tpu.memory_space<vmem>>) offsets(%arg12 : memref<80xi32, #tpu.memory_space<vmem>>) semaphore(%arg28 : memref<!tpu.dma_semaphore, #tpu.memory_space<semaphore_mem>>)
    %scan3A_70 = arith.constant 0 : i32
    %scan3A_71 = arith.constant 0 : i32
    %scan3A_72 = arith.constant 16 : i32
    %scan3A_73 = arith.addi %scan3A_71, %scan3A_72 : i32
    %scan3A_74 = arith.constant 1 : i32
    scf.for %scan3A_93 = %scan3A_71 to %scan3A_73 step %scan3A_74  : i32 {
      %mul3A_94 = arith.constant 8 : i32
      %mul3A_95 = arith.muli %scan3A_93, %mul3A_94 : i32
      %add3A_96 = arith.constant 0 : i32
      %add3A_97 = arith.addi %mul3A_95, %add3A_96 : i32
      %lt3A = arith.constant 125 : i32
      %lt3A_98 = arith.cmpi slt, %add3A_97, %lt3A : i32
      %convert_element_type3A = arith.extui %lt3A_98 : i1 to i32
      %cond3A = arith.constant 0 : i32
      %cond3A_99 = arith.cmpi ne, %convert_element_type3A, %cond3A : i32
      scf.if %cond3A_99 {
        %mul3A_163 = arith.constant 80 : i32
        %mul3A_164 = arith.muli %add3A_97, %mul3A_163 : i32
        %add3A_165 = arith.addi %mul3A_39, %mul3A_164 : i32
        %dma_wait3A_166 = tpu.memref_slice %arg4[%add3A_165] : memref<320000xi32, #tpu.memory_space<hbm>> -> memref<80xi32, #tpu.memory_space<hbm>>
        %dma_wait3A_167 = tpu.memref_slice %arg4[%add3A_165] : memref<320000xi32, #tpu.memory_space<hbm>> -> memref<80xi32, #tpu.memory_space<hbm>>
        tpu.wait_dma2 semaphore(%arg43 : memref<!tpu.dma_semaphore, #tpu.memory_space<semaphore_mem>>) src(%dma_wait3A_167 : memref<80xi32, #tpu.memory_space<hbm>>) dst(%arg19 : memref<80xi32, #tpu.memory_space<vmem>>)
        %dma_wait3A_168 = arith.constant 0 : i32
        %dma_wait3A_169 = arith.constant 0 : i32
        %dma_wait3A_170 = tpu.memref_slice %arg2[%dma_wait3A_168, %dma_wait3A_169] : memref<10000x128xf32, #tpu.memory_space<hbm>> -> memref<10000x128xf32, #tpu.memory_space<hbm>>
        tpu.wait_indirect_dma semaphore(%arg27 : memref<!tpu.dma_semaphore, #tpu.memory_space<semaphore_mem>>) src(%dma_wait3A_170 : memref<10000x128xf32, #tpu.memory_space<hbm>>) dst(%arg7 : memref<80x128xf32, #tpu.memory_space<vmem>>)
        %dma_start3A_171 = arith.constant 0 : i32
        %dma_start3A_172 = arith.constant 0 : i32
        %dma_start3A_173 = tpu.memref_slice %arg6[%dma_start3A_171, %dma_start3A_172] : memref<10240x128xf32, #tpu.memory_space<vmem_shared>> -> memref<10240x128xf32, #tpu.memory_space<vmem_shared>>
        tpu.enqueue_indirect_dma source(%arg7 : memref<80x128xf32, #tpu.memory_space<vmem>>) target(%dma_start3A_173 : memref<10240x128xf32, #tpu.memory_space<vmem_shared>>) offsets(%arg19 : memref<80xi32, #tpu.memory_space<vmem>>) semaphore(%arg31 : memref<!tpu.dma_semaphore, #tpu.memory_space<semaphore_mem>>) {add = true}
        %add3A_174 = arith.constant 3 : i32
        %add3A_175 = arith.addi %add3A_97, %add3A_174 : i32
        %lt3A_176 = arith.constant 125 : i32
        %lt3A_177 = arith.cmpi slt, %add3A_175, %lt3A_176 : i32
        %convert_element_type3A_178 = arith.extui %lt3A_177 : i1 to i32
        %cond3A_179 = arith.constant 0 : i32
        %cond3A_180 = arith.cmpi ne, %convert_element_type3A_178, %cond3A_179 : i32
        scf.if %cond3A_180 {
          %mul3A_188 = arith.constant 80 : i32
          %mul3A_189 = arith.muli %add3A_175, %mul3A_188 : i32
          %add3A_190 = arith.addi %mul3A_39, %mul3A_189 : i32
          %dma_start3A_191 = tpu.memref_slice %arg3[%add3A_190] : memref<320000xi32, #tpu.memory_space<hbm>> -> memref<80xi32, #tpu.memory_space<hbm>>
          %dma_start3A_192 = tpu.memref_slice %arg3[%add3A_190] : memref<320000xi32, #tpu.memory_space<hbm>> -> memref<80xi32, #tpu.memory_space<hbm>>
          tpu.enqueue_dma source(%dma_start3A_192 : memref<80xi32, #tpu.memory_space<hbm>>) target(%arg14 : memref<80xi32, #tpu.memory_space<vmem>>) target_semaphore(%arg38 : memref<!tpu.dma_semaphore, #tpu.memory_space<semaphore_mem>>)
          %dma_start3A_193 = tpu.memref_slice %arg4[%add3A_190] : memref<320000xi32, #tpu.memory_space<hbm>> -> memref<80xi32, #tpu.memory_space<hbm>>
          %dma_start3A_194 = tpu.memref_slice %arg4[%add3A_190] : memref<320000xi32, #tpu.memory_space<hbm>> -> memref<80xi32, #tpu.memory_space<hbm>>
          tpu.enqueue_dma source(%dma_start3A_194 : memref<80xi32, #tpu.memory_space<hbm>>) target(%arg22 : memref<80xi32, #tpu.memory_space<vmem>>) target_semaphore(%arg46 : memref<!tpu.dma_semaphore, #tpu.memory_space<semaphore_mem>>)
        } else {
        }
        %add3A_181 = arith.constant 2 : i32
        %add3A_182 = arith.addi %add3A_97, %add3A_181 : i32
        %lt3A_183 = arith.constant 125 : i32
        %lt3A_184 = arith.cmpi slt, %add3A_182, %lt3A_183 : i32
        %convert_element_type3A_185 = arith.extui %lt3A_184 : i1 to i32
        %cond3A_186 = arith.constant 0 : i32
        %cond3A_187 = arith.cmpi ne, %convert_element_type3A_185, %cond3A_186 : i32
        scf.if %cond3A_187 {
          %ge3A = arith.constant 2 : i32
          %ge3A_188 = arith.cmpi sge, %add3A_97, %ge3A : i32
          %convert_element_type3A_189 = arith.extui %ge3A_188 : i1 to i32
          %cond3A_190 = arith.constant 0 : i32
          %cond3A_191 = arith.cmpi ne, %convert_element_type3A_189, %cond3A_190 : i32
          scf.if %cond3A_191 {
            %dma_wait3A_200 = arith.constant 0 : i32
            %dma_wait3A_201 = arith.constant 0 : i32
            %dma_wait3A_202 = tpu.memref_slice %arg6[%dma_wait3A_200, %dma_wait3A_201] : memref<10240x128xf32, #tpu.memory_space<vmem_shared>> -> memref<10240x128xf32, #tpu.memory_space<vmem_shared>>
            tpu.wait_indirect_dma semaphore(%arg33 : memref<!tpu.dma_semaphore, #tpu.memory_space<semaphore_mem>>) src(%arg9 : memref<80x128xf32, #tpu.memory_space<vmem>>) dst(%dma_wait3A_202 : memref<10240x128xf32, #tpu.memory_space<vmem_shared>>)
          } else {
          }
          %mul3A_192 = arith.constant 80 : i32
          %mul3A_193 = arith.muli %add3A_182, %mul3A_192 : i32
          %add3A_194 = arith.addi %mul3A_39, %mul3A_193 : i32
          %dma_wait3A_195 = tpu.memref_slice %arg3[%add3A_194] : memref<320000xi32, #tpu.memory_space<hbm>> -> memref<80xi32, #tpu.memory_space<hbm>>
          %dma_wait3A_196 = tpu.memref_slice %arg3[%add3A_194] : memref<320000xi32, #tpu.memory_space<hbm>> -> memref<80xi32, #tpu.memory_space<hbm>>
          tpu.wait_dma2 semaphore(%arg37 : memref<!tpu.dma_semaphore, #tpu.memory_space<semaphore_mem>>) src(%dma_wait3A_196 : memref<80xi32, #tpu.memory_space<hbm>>) dst(%arg13 : memref<80xi32, #tpu.memory_space<vmem>>)
          %dma_start3A_197 = arith.constant 0 : i32
          %dma_start3A_198 = arith.constant 0 : i32
          %dma_start3A_199 = tpu.memref_slice %arg2[%dma_start3A_197, %dma_start3A_198] : memref<10000x128xf32, #tpu.memory_space<hbm>> -> memref<10000x128xf32, #tpu.memory_space<hbm>>
          tpu.enqueue_indirect_dma source(%dma_start3A_199 : memref<10000x128xf32, #tpu.memory_space<hbm>>) target(%arg9 : memref<80x128xf32, #tpu.memory_space<vmem>>) offsets(%arg13 : memref<80xi32, #tpu.memory_space<vmem>>) semaphore(%arg29 : memref<!tpu.dma_semaphore, #tpu.memory_space<semaphore_mem>>)
        } else {
        }
      } else {
      }
      %mul3A_100 = arith.constant 8 : i32
      %mul3A_101 = arith.muli %scan3A_93, %mul3A_100 : i32
      %add3A_102 = arith.constant 1 : i32
      %add3A_103 = arith.addi %mul3A_101, %add3A_102 : i32
      %lt3A_104 = arith.constant 125 : i32
      %lt3A_105 = arith.cmpi slt, %add3A_103, %lt3A_104 : i32
      %convert_element_type3A_106 = arith.extui %lt3A_105 : i1 to i32
      %cond3A_107 = arith.constant 0 : i32
      %cond3A_108 = arith.cmpi ne, %convert_element_type3A_106, %cond3A_107 : i32
      scf.if %cond3A_108 {
        %mul3A_163 = arith.constant 80 : i32
        %mul3A_164 = arith.muli %add3A_103, %mul3A_163 : i32
        %add3A_165 = arith.addi %mul3A_39, %mul3A_164 : i32
        %dma_wait3A_166 = tpu.memref_slice %arg4[%add3A_165] : memref<320000xi32, #tpu.memory_space<hbm>> -> memref<80xi32, #tpu.memory_space<hbm>>
        %dma_wait3A_167 = tpu.memref_slice %arg4[%add3A_165] : memref<320000xi32, #tpu.memory_space<hbm>> -> memref<80xi32, #tpu.memory_space<hbm>>
        tpu.wait_dma2 semaphore(%arg44 : memref<!tpu.dma_semaphore, #tpu.memory_space<semaphore_mem>>) src(%dma_wait3A_167 : memref<80xi32, #tpu.memory_space<hbm>>) dst(%arg20 : memref<80xi32, #tpu.memory_space<vmem>>)
        %dma_wait3A_168 = arith.constant 0 : i32
        %dma_wait3A_169 = arith.constant 0 : i32
        %dma_wait3A_170 = tpu.memref_slice %arg2[%dma_wait3A_168, %dma_wait3A_169] : memref<10000x128xf32, #tpu.memory_space<hbm>> -> memref<10000x128xf32, #tpu.memory_space<hbm>>
        tpu.wait_indirect_dma semaphore(%arg28 : memref<!tpu.dma_semaphore, #tpu.memory_space<semaphore_mem>>) src(%dma_wait3A_170 : memref<10000x128xf32, #tpu.memory_space<hbm>>) dst(%arg8 : memref<80x128xf32, #tpu.memory_space<vmem>>)
        %dma_start3A_171 = arith.constant 0 : i32
        %dma_start3A_172 = arith.constant 0 : i32
        %dma_start3A_173 = tpu.memref_slice %arg6[%dma_start3A_171, %dma_start3A_172] : memref<10240x128xf32, #tpu.memory_space<vmem_shared>> -> memref<10240x128xf32, #tpu.memory_space<vmem_shared>>
        tpu.enqueue_indirect_dma source(%arg8 : memref<80x128xf32, #tpu.memory_space<vmem>>) target(%dma_start3A_173 : memref<10240x128xf32, #tpu.memory_space<vmem_shared>>) offsets(%arg20 : memref<80xi32, #tpu.memory_space<vmem>>) semaphore(%arg32 : memref<!tpu.dma_semaphore, #tpu.memory_space<semaphore_mem>>) {add = true}
        %add3A_174 = arith.constant 3 : i32
        %add3A_175 = arith.addi %add3A_103, %add3A_174 : i32
        %lt3A_176 = arith.constant 125 : i32
        %lt3A_177 = arith.cmpi slt, %add3A_175, %lt3A_176 : i32
        %convert_element_type3A_178 = arith.extui %lt3A_177 : i1 to i32
        %cond3A_179 = arith.constant 0 : i32
        %cond3A_180 = arith.cmpi ne, %convert_element_type3A_178, %cond3A_179 : i32
        scf.if %cond3A_180 {
          %mul3A_188 = arith.constant 80 : i32
          %mul3A_189 = arith.muli %add3A_175, %mul3A_188 : i32
          %add3A_190 = arith.addi %mul3A_39, %mul3A_189 : i32
          %dma_start3A_191 = tpu.memref_slice %arg3[%add3A_190] : memref<320000xi32, #tpu.memory_space<hbm>> -> memref<80xi32, #tpu.memory_space<hbm>>
          %dma_start3A_192 = tpu.memref_slice %arg3[%add3A_190] : memref<320000xi32, #tpu.memory_space<hbm>> -> memref<80xi32, #tpu.memory_space<hbm>>
          tpu.enqueue_dma source(%dma_start3A_192 : memref<80xi32, #tpu.memory_space<hbm>>) target(%arg15 : memref<80xi32, #tpu.memory_space<vmem>>) target_semaphore(%arg39 : memref<!tpu.dma_semaphore, #tpu.memory_space<semaphore_mem>>)
          %dma_start3A_193 = tpu.memref_slice %arg4[%add3A_190] : memref<320000xi32, #tpu.memory_space<hbm>> -> memref<80xi32, #tpu.memory_space<hbm>>
          %dma_start3A_194 = tpu.memref_slice %arg4[%add3A_190] : memref<320000xi32, #tpu.memory_space<hbm>> -> memref<80xi32, #tpu.memory_space<hbm>>
          tpu.enqueue_dma source(%dma_start3A_194 : memref<80xi32, #tpu.memory_space<hbm>>) target(%arg23 : memref<80xi32, #tpu.memory_space<vmem>>) target_semaphore(%arg47 : memref<!tpu.dma_semaphore, #tpu.memory_space<semaphore_mem>>)
        } else {
        }
        %add3A_181 = arith.constant 2 : i32
        %add3A_182 = arith.addi %add3A_103, %add3A_181 : i32
        %lt3A_183 = arith.constant 125 : i32
        %lt3A_184 = arith.cmpi slt, %add3A_182, %lt3A_183 : i32
        %convert_element_type3A_185 = arith.extui %lt3A_184 : i1 to i32
        %cond3A_186 = arith.constant 0 : i32
        %cond3A_187 = arith.cmpi ne, %convert_element_type3A_185, %cond3A_186 : i32
        scf.if %cond3A_187 {
          %ge3A = arith.constant 2 : i32
          %ge3A_188 = arith.cmpi sge, %add3A_103, %ge3A : i32
          %convert_element_type3A_189 = arith.extui %ge3A_188 : i1 to i32
          %cond3A_190 = arith.constant 0 : i32
          %cond3A_191 = arith.cmpi ne, %convert_element_type3A_189, %cond3A_190 : i32
          scf.if %cond3A_191 {
            %dma_wait3A_200 = arith.constant 0 : i32
            %dma_wait3A_201 = arith.constant 0 : i32
            %dma_wait3A_202 = tpu.memref_slice %arg6[%dma_wait3A_200, %dma_wait3A_201] : memref<10240x128xf32, #tpu.memory_space<vmem_shared>> -> memref<10240x128xf32, #tpu.memory_space<vmem_shared>>
            tpu.wait_indirect_dma semaphore(%arg34 : memref<!tpu.dma_semaphore, #tpu.memory_space<semaphore_mem>>) src(%arg10 : memref<80x128xf32, #tpu.memory_space<vmem>>) dst(%dma_wait3A_202 : memref<10240x128xf32, #tpu.memory_space<vmem_shared>>)
          } else {
          }
          %mul3A_192 = arith.constant 80 : i32
          %mul3A_193 = arith.muli %add3A_182, %mul3A_192 : i32
          %add3A_194 = arith.addi %mul3A_39, %mul3A_193 : i32
          %dma_wait3A_195 = tpu.memref_slice %arg3[%add3A_194] : memref<320000xi32, #tpu.memory_space<hbm>> -> memref<80xi32, #tpu.memory_space<hbm>>
          %dma_wait3A_196 = tpu.memref_slice %arg3[%add3A_194] : memref<320000xi32, #tpu.memory_space<hbm>> -> memref<80xi32, #tpu.memory_space<hbm>>
          tpu.wait_dma2 semaphore(%arg38 : memref<!tpu.dma_semaphore, #tpu.memory_space<semaphore_mem>>) src(%dma_wait3A_196 : memref<80xi32, #tpu.memory_space<hbm>>) dst(%arg14 : memref<80xi32, #tpu.memory_space<vmem>>)
          %dma_start3A_197 = arith.constant 0 : i32
          %dma_start3A_198 = arith.constant 0 : i32
          %dma_start3A_199 = tpu.memref_slice %arg2[%dma_start3A_197, %dma_start3A_198] : memref<10000x128xf32, #tpu.memory_space<hbm>> -> memref<10000x128xf32, #tpu.memory_space<hbm>>
          tpu.enqueue_indirect_dma source(%dma_start3A_199 : memref<10000x128xf32, #tpu.memory_space<hbm>>) target(%arg10 : memref<80x128xf32, #tpu.memory_space<vmem>>) offsets(%arg14 : memref<80xi32, #tpu.memory_space<vmem>>) semaphore(%arg30 : memref<!tpu.dma_semaphore, #tpu.memory_space<semaphore_mem>>)
        } else {
        }
      } else {
      }
      %mul3A_109 = arith.constant 8 : i32
      %mul3A_110 = arith.muli %scan3A_93, %mul3A_109 : i32
      %add3A_111 = arith.constant 2 : i32
      %add3A_112 = arith.addi %mul3A_110, %add3A_111 : i32
      %lt3A_113 = arith.constant 125 : i32
      %lt3A_114 = arith.cmpi slt, %add3A_112, %lt3A_113 : i32
      %convert_element_type3A_115 = arith.extui %lt3A_114 : i1 to i32
      %cond3A_116 = arith.constant 0 : i32
      %cond3A_117 = arith.cmpi ne, %convert_element_type3A_115, %cond3A_116 : i32
      scf.if %cond3A_117 {
        %mul3A_163 = arith.constant 80 : i32
        %mul3A_164 = arith.muli %add3A_112, %mul3A_163 : i32
        %add3A_165 = arith.addi %mul3A_39, %mul3A_164 : i32
        %dma_wait3A_166 = tpu.memref_slice %arg4[%add3A_165] : memref<320000xi32, #tpu.memory_space<hbm>> -> memref<80xi32, #tpu.memory_space<hbm>>
        %dma_wait3A_167 = tpu.memref_slice %arg4[%add3A_165] : memref<320000xi32, #tpu.memory_space<hbm>> -> memref<80xi32, #tpu.memory_space<hbm>>
        tpu.wait_dma2 semaphore(%arg45 : memref<!tpu.dma_semaphore, #tpu.memory_space<semaphore_mem>>) src(%dma_wait3A_167 : memref<80xi32, #tpu.memory_space<hbm>>) dst(%arg21 : memref<80xi32, #tpu.memory_space<vmem>>)
        %dma_wait3A_168 = arith.constant 0 : i32
        %dma_wait3A_169 = arith.constant 0 : i32
        %dma_wait3A_170 = tpu.memref_slice %arg2[%dma_wait3A_168, %dma_wait3A_169] : memref<10000x128xf32, #tpu.memory_space<hbm>> -> memref<10000x128xf32, #tpu.memory_space<hbm>>
        tpu.wait_indirect_dma semaphore(%arg29 : memref<!tpu.dma_semaphore, #tpu.memory_space<semaphore_mem>>) src(%dma_wait3A_170 : memref<10000x128xf32, #tpu.memory_space<hbm>>) dst(%arg9 : memref<80x128xf32, #tpu.memory_space<vmem>>)
        %dma_start3A_171 = arith.constant 0 : i32
        %dma_start3A_172 = arith.constant 0 : i32
        %dma_start3A_173 = tpu.memref_slice %arg6[%dma_start3A_171, %dma_start3A_172] : memref<10240x128xf32, #tpu.memory_space<vmem_shared>> -> memref<10240x128xf32, #tpu.memory_space<vmem_shared>>
        tpu.enqueue_indirect_dma source(%arg9 : memref<80x128xf32, #tpu.memory_space<vmem>>) target(%dma_start3A_173 : memref<10240x128xf32, #tpu.memory_space<vmem_shared>>) offsets(%arg21 : memref<80xi32, #tpu.memory_space<vmem>>) semaphore(%arg33 : memref<!tpu.dma_semaphore, #tpu.memory_space<semaphore_mem>>) {add = true}
        %add3A_174 = arith.constant 3 : i32
        %add3A_175 = arith.addi %add3A_112, %add3A_174 : i32
        %lt3A_176 = arith.constant 125 : i32
        %lt3A_177 = arith.cmpi slt, %add3A_175, %lt3A_176 : i32
        %convert_element_type3A_178 = arith.extui %lt3A_177 : i1 to i32
        %cond3A_179 = arith.constant 0 : i32
        %cond3A_180 = arith.cmpi ne, %convert_element_type3A_178, %cond3A_179 : i32
        scf.if %cond3A_180 {
          %mul3A_188 = arith.constant 80 : i32
          %mul3A_189 = arith.muli %add3A_175, %mul3A_188 : i32
          %add3A_190 = arith.addi %mul3A_39, %mul3A_189 : i32
          %dma_start3A_191 = tpu.memref_slice %arg3[%add3A_190] : memref<320000xi32, #tpu.memory_space<hbm>> -> memref<80xi32, #tpu.memory_space<hbm>>
          %dma_start3A_192 = tpu.memref_slice %arg3[%add3A_190] : memref<320000xi32, #tpu.memory_space<hbm>> -> memref<80xi32, #tpu.memory_space<hbm>>
          tpu.enqueue_dma source(%dma_start3A_192 : memref<80xi32, #tpu.memory_space<hbm>>) target(%arg16 : memref<80xi32, #tpu.memory_space<vmem>>) target_semaphore(%arg40 : memref<!tpu.dma_semaphore, #tpu.memory_space<semaphore_mem>>)
          %dma_start3A_193 = tpu.memref_slice %arg4[%add3A_190] : memref<320000xi32, #tpu.memory_space<hbm>> -> memref<80xi32, #tpu.memory_space<hbm>>
          %dma_start3A_194 = tpu.memref_slice %arg4[%add3A_190] : memref<320000xi32, #tpu.memory_space<hbm>> -> memref<80xi32, #tpu.memory_space<hbm>>
          tpu.enqueue_dma source(%dma_start3A_194 : memref<80xi32, #tpu.memory_space<hbm>>) target(%arg24 : memref<80xi32, #tpu.memory_space<vmem>>) target_semaphore(%arg48 : memref<!tpu.dma_semaphore, #tpu.memory_space<semaphore_mem>>)
        } else {
        }
        %add3A_181 = arith.constant 2 : i32
        %add3A_182 = arith.addi %add3A_112, %add3A_181 : i32
        %lt3A_183 = arith.constant 125 : i32
        %lt3A_184 = arith.cmpi slt, %add3A_182, %lt3A_183 : i32
        %convert_element_type3A_185 = arith.extui %lt3A_184 : i1 to i32
        %cond3A_186 = arith.constant 0 : i32
        %cond3A_187 = arith.cmpi ne, %convert_element_type3A_185, %cond3A_186 : i32
        scf.if %cond3A_187 {
          %ge3A = arith.constant 2 : i32
          %ge3A_188 = arith.cmpi sge, %add3A_112, %ge3A : i32
          %convert_element_type3A_189 = arith.extui %ge3A_188 : i1 to i32
          %cond3A_190 = arith.constant 0 : i32
          %cond3A_191 = arith.cmpi ne, %convert_element_type3A_189, %cond3A_190 : i32
          scf.if %cond3A_191 {
            %dma_wait3A_200 = arith.constant 0 : i32
            %dma_wait3A_201 = arith.constant 0 : i32
            %dma_wait3A_202 = tpu.memref_slice %arg6[%dma_wait3A_200, %dma_wait3A_201] : memref<10240x128xf32, #tpu.memory_space<vmem_shared>> -> memref<10240x128xf32, #tpu.memory_space<vmem_shared>>
            tpu.wait_indirect_dma semaphore(%arg31 : memref<!tpu.dma_semaphore, #tpu.memory_space<semaphore_mem>>) src(%arg7 : memref<80x128xf32, #tpu.memory_space<vmem>>) dst(%dma_wait3A_202 : memref<10240x128xf32, #tpu.memory_space<vmem_shared>>)
          } else {
          }
          %mul3A_192 = arith.constant 80 : i32
          %mul3A_193 = arith.muli %add3A_182, %mul3A_192 : i32
          %add3A_194 = arith.addi %mul3A_39, %mul3A_193 : i32
          %dma_wait3A_195 = tpu.memref_slice %arg3[%add3A_194] : memref<320000xi32, #tpu.memory_space<hbm>> -> memref<80xi32, #tpu.memory_space<hbm>>
          %dma_wait3A_196 = tpu.memref_slice %arg3[%add3A_194] : memref<320000xi32, #tpu.memory_space<hbm>> -> memref<80xi32, #tpu.memory_space<hbm>>
          tpu.wait_dma2 semaphore(%arg39 : memref<!tpu.dma_semaphore, #tpu.memory_space<semaphore_mem>>) src(%dma_wait3A_196 : memref<80xi32, #tpu.memory_space<hbm>>) dst(%arg15 : memref<80xi32, #tpu.memory_space<vmem>>)
          %dma_start3A_197 = arith.constant 0 : i32
          %dma_start3A_198 = arith.constant 0 : i32
          %dma_start3A_199 = tpu.memref_slice %arg2[%dma_start3A_197, %dma_start3A_198] : memref<10000x128xf32, #tpu.memory_space<hbm>> -> memref<10000x128xf32, #tpu.memory_space<hbm>>
          tpu.enqueue_indirect_dma source(%dma_start3A_199 : memref<10000x128xf32, #tpu.memory_space<hbm>>) target(%arg7 : memref<80x128xf32, #tpu.memory_space<vmem>>) offsets(%arg15 : memref<80xi32, #tpu.memory_space<vmem>>) semaphore(%arg27 : memref<!tpu.dma_semaphore, #tpu.memory_space<semaphore_mem>>)
        } else {
        }
      } else {
      }
      %mul3A_118 = arith.constant 8 : i32
      %mul3A_119 = arith.muli %scan3A_93, %mul3A_118 : i32
      %add3A_120 = arith.constant 3 : i32
      %add3A_121 = arith.addi %mul3A_119, %add3A_120 : i32
      %lt3A_122 = arith.constant 125 : i32
      %lt3A_123 = arith.cmpi slt, %add3A_121, %lt3A_122 : i32
      %convert_element_type3A_124 = arith.extui %lt3A_123 : i1 to i32
      %cond3A_125 = arith.constant 0 : i32
      %cond3A_126 = arith.cmpi ne, %convert_element_type3A_124, %cond3A_125 : i32
      scf.if %cond3A_126 {
        %mul3A_163 = arith.constant 80 : i32
        %mul3A_164 = arith.muli %add3A_121, %mul3A_163 : i32
        %add3A_165 = arith.addi %mul3A_39, %mul3A_164 : i32
        %dma_wait3A_166 = tpu.memref_slice %arg4[%add3A_165] : memref<320000xi32, #tpu.memory_space<hbm>> -> memref<80xi32, #tpu.memory_space<hbm>>
        %dma_wait3A_167 = tpu.memref_slice %arg4[%add3A_165] : memref<320000xi32, #tpu.memory_space<hbm>> -> memref<80xi32, #tpu.memory_space<hbm>>
        tpu.wait_dma2 semaphore(%arg46 : memref<!tpu.dma_semaphore, #tpu.memory_space<semaphore_mem>>) src(%dma_wait3A_167 : memref<80xi32, #tpu.memory_space<hbm>>) dst(%arg22 : memref<80xi32, #tpu.memory_space<vmem>>)
        %dma_wait3A_168 = arith.constant 0 : i32
        %dma_wait3A_169 = arith.constant 0 : i32
        %dma_wait3A_170 = tpu.memref_slice %arg2[%dma_wait3A_168, %dma_wait3A_169] : memref<10000x128xf32, #tpu.memory_space<hbm>> -> memref<10000x128xf32, #tpu.memory_space<hbm>>
        tpu.wait_indirect_dma semaphore(%arg30 : memref<!tpu.dma_semaphore, #tpu.memory_space<semaphore_mem>>) src(%dma_wait3A_170 : memref<10000x128xf32, #tpu.memory_space<hbm>>) dst(%arg10 : memref<80x128xf32, #tpu.memory_space<vmem>>)
        %dma_start3A_171 = arith.constant 0 : i32
        %dma_start3A_172 = arith.constant 0 : i32
        %dma_start3A_173 = tpu.memref_slice %arg6[%dma_start3A_171, %dma_start3A_172] : memref<10240x128xf32, #tpu.memory_space<vmem_shared>> -> memref<10240x128xf32, #tpu.memory_space<vmem_shared>>
        tpu.enqueue_indirect_dma source(%arg10 : memref<80x128xf32, #tpu.memory_space<vmem>>) target(%dma_start3A_173 : memref<10240x128xf32, #tpu.memory_space<vmem_shared>>) offsets(%arg22 : memref<80xi32, #tpu.memory_space<vmem>>) semaphore(%arg34 : memref<!tpu.dma_semaphore, #tpu.memory_space<semaphore_mem>>) {add = true}
        %add3A_174 = arith.constant 3 : i32
        %add3A_175 = arith.addi %add3A_121, %add3A_174 : i32
        %lt3A_176 = arith.constant 125 : i32
        %lt3A_177 = arith.cmpi slt, %add3A_175, %lt3A_176 : i32
        %convert_element_type3A_178 = arith.extui %lt3A_177 : i1 to i32
        %cond3A_179 = arith.constant 0 : i32
        %cond3A_180 = arith.cmpi ne, %convert_element_type3A_178, %cond3A_179 : i32
        scf.if %cond3A_180 {
          %mul3A_188 = arith.constant 80 : i32
          %mul3A_189 = arith.muli %add3A_175, %mul3A_188 : i32
          %add3A_190 = arith.addi %mul3A_39, %mul3A_189 : i32
          %dma_start3A_191 = tpu.memref_slice %arg3[%add3A_190] : memref<320000xi32, #tpu.memory_space<hbm>> -> memref<80xi32, #tpu.memory_space<hbm>>
          %dma_start3A_192 = tpu.memref_slice %arg3[%add3A_190] : memref<320000xi32, #tpu.memory_space<hbm>> -> memref<80xi32, #tpu.memory_space<hbm>>
          tpu.enqueue_dma source(%dma_start3A_192 : memref<80xi32, #tpu.memory_space<hbm>>) target(%arg17 : memref<80xi32, #tpu.memory_space<vmem>>) target_semaphore(%arg41 : memref<!tpu.dma_semaphore, #tpu.memory_space<semaphore_mem>>)
          %dma_start3A_193 = tpu.memref_slice %arg4[%add3A_190] : memref<320000xi32, #tpu.memory_space<hbm>> -> memref<80xi32, #tpu.memory_space<hbm>>
          %dma_start3A_194 = tpu.memref_slice %arg4[%add3A_190] : memref<320000xi32, #tpu.memory_space<hbm>> -> memref<80xi32, #tpu.memory_space<hbm>>
          tpu.enqueue_dma source(%dma_start3A_194 : memref<80xi32, #tpu.memory_space<hbm>>) target(%arg25 : memref<80xi32, #tpu.memory_space<vmem>>) target_semaphore(%arg49 : memref<!tpu.dma_semaphore, #tpu.memory_space<semaphore_mem>>)
        } else {
        }
        %add3A_181 = arith.constant 2 : i32
        %add3A_182 = arith.addi %add3A_121, %add3A_181 : i32
        %lt3A_183 = arith.constant 125 : i32
        %lt3A_184 = arith.cmpi slt, %add3A_182, %lt3A_183 : i32
        %convert_element_type3A_185 = arith.extui %lt3A_184 : i1 to i32
        %cond3A_186 = arith.constant 0 : i32
        %cond3A_187 = arith.cmpi ne, %convert_element_type3A_185, %cond3A_186 : i32
        scf.if %cond3A_187 {
          %ge3A = arith.constant 2 : i32
          %ge3A_188 = arith.cmpi sge, %add3A_121, %ge3A : i32
          %convert_element_type3A_189 = arith.extui %ge3A_188 : i1 to i32
          %cond3A_190 = arith.constant 0 : i32
          %cond3A_191 = arith.cmpi ne, %convert_element_type3A_189, %cond3A_190 : i32
          scf.if %cond3A_191 {
            %dma_wait3A_200 = arith.constant 0 : i32
            %dma_wait3A_201 = arith.constant 0 : i32
            %dma_wait3A_202 = tpu.memref_slice %arg6[%dma_wait3A_200, %dma_wait3A_201] : memref<10240x128xf32, #tpu.memory_space<vmem_shared>> -> memref<10240x128xf32, #tpu.memory_space<vmem_shared>>
            tpu.wait_indirect_dma semaphore(%arg32 : memref<!tpu.dma_semaphore, #tpu.memory_space<semaphore_mem>>) src(%arg8 : memref<80x128xf32, #tpu.memory_space<vmem>>) dst(%dma_wait3A_202 : memref<10240x128xf32, #tpu.memory_space<vmem_shared>>)
          } else {
          }
          %mul3A_192 = arith.constant 80 : i32
          %mul3A_193 = arith.muli %add3A_182, %mul3A_192 : i32
          %add3A_194 = arith.addi %mul3A_39, %mul3A_193 : i32
          %dma_wait3A_195 = tpu.memref_slice %arg3[%add3A_194] : memref<320000xi32, #tpu.memory_space<hbm>> -> memref<80xi32, #tpu.memory_space<hbm>>
          %dma_wait3A_196 = tpu.memref_slice %arg3[%add3A_194] : memref<320000xi32, #tpu.memory_space<hbm>> -> memref<80xi32, #tpu.memory_space<hbm>>
          tpu.wait_dma2 semaphore(%arg40 : memref<!tpu.dma_semaphore, #tpu.memory_space<semaphore_mem>>) src(%dma_wait3A_196 : memref<80xi32, #tpu.memory_space<hbm>>) dst(%arg16 : memref<80xi32, #tpu.memory_space<vmem>>)
          %dma_start3A_197 = arith.constant 0 : i32
          %dma_start3A_198 = arith.constant 0 : i32
          %dma_start3A_199 = tpu.memref_slice %arg2[%dma_start3A_197, %dma_start3A_198] : memref<10000x128xf32, #tpu.memory_space<hbm>> -> memref<10000x128xf32, #tpu.memory_space<hbm>>
          tpu.enqueue_indirect_dma source(%dma_start3A_199 : memref<10000x128xf32, #tpu.memory_space<hbm>>) target(%arg8 : memref<80x128xf32, #tpu.memory_space<vmem>>) offsets(%arg16 : memref<80xi32, #tpu.memory_space<vmem>>) semaphore(%arg28 : memref<!tpu.dma_semaphore, #tpu.memory_space<semaphore_mem>>)
        } else {
        }
      } else {
      }
      %mul3A_127 = arith.constant 8 : i32
      %mul3A_128 = arith.muli %scan3A_93, %mul3A_127 : i32
      %add3A_129 = arith.constant 4 : i32
      %add3A_130 = arith.addi %mul3A_128, %add3A_129 : i32
      %lt3A_131 = arith.constant 125 : i32
      %lt3A_132 = arith.cmpi slt, %add3A_130, %lt3A_131 : i32
      %convert_element_type3A_133 = arith.extui %lt3A_132 : i1 to i32
      %cond3A_134 = arith.constant 0 : i32
      %cond3A_135 = arith.cmpi ne, %convert_element_type3A_133, %cond3A_134 : i32
      scf.if %cond3A_135 {
        %mul3A_163 = arith.constant 80 : i32
        %mul3A_164 = arith.muli %add3A_130, %mul3A_163 : i32
        %add3A_165 = arith.addi %mul3A_39, %mul3A_164 : i32
        %dma_wait3A_166 = tpu.memref_slice %arg4[%add3A_165] : memref<320000xi32, #tpu.memory_space<hbm>> -> memref<80xi32, #tpu.memory_space<hbm>>
        %dma_wait3A_167 = tpu.memref_slice %arg4[%add3A_165] : memref<320000xi32, #tpu.memory_space<hbm>> -> memref<80xi32, #tpu.memory_space<hbm>>
        tpu.wait_dma2 semaphore(%arg47 : memref<!tpu.dma_semaphore, #tpu.memory_space<semaphore_mem>>) src(%dma_wait3A_167 : memref<80xi32, #tpu.memory_space<hbm>>) dst(%arg23 : memref<80xi32, #tpu.memory_space<vmem>>)
        %dma_wait3A_168 = arith.constant 0 : i32
        %dma_wait3A_169 = arith.constant 0 : i32
        %dma_wait3A_170 = tpu.memref_slice %arg2[%dma_wait3A_168, %dma_wait3A_169] : memref<10000x128xf32, #tpu.memory_space<hbm>> -> memref<10000x128xf32, #tpu.memory_space<hbm>>
        tpu.wait_indirect_dma semaphore(%arg27 : memref<!tpu.dma_semaphore, #tpu.memory_space<semaphore_mem>>) src(%dma_wait3A_170 : memref<10000x128xf32, #tpu.memory_space<hbm>>) dst(%arg7 : memref<80x128xf32, #tpu.memory_space<vmem>>)
        %dma_start3A_171 = arith.constant 0 : i32
        %dma_start3A_172 = arith.constant 0 : i32
        %dma_start3A_173 = tpu.memref_slice %arg6[%dma_start3A_171, %dma_start3A_172] : memref<10240x128xf32, #tpu.memory_space<vmem_shared>> -> memref<10240x128xf32, #tpu.memory_space<vmem_shared>>
        tpu.enqueue_indirect_dma source(%arg7 : memref<80x128xf32, #tpu.memory_space<vmem>>) target(%dma_start3A_173 : memref<10240x128xf32, #tpu.memory_space<vmem_shared>>) offsets(%arg23 : memref<80xi32, #tpu.memory_space<vmem>>) semaphore(%arg31 : memref<!tpu.dma_semaphore, #tpu.memory_space<semaphore_mem>>) {add = true}
        %add3A_174 = arith.constant 3 : i32
        %add3A_175 = arith.addi %add3A_130, %add3A_174 : i32
        %lt3A_176 = arith.constant 125 : i32
        %lt3A_177 = arith.cmpi slt, %add3A_175, %lt3A_176 : i32
        %convert_element_type3A_178 = arith.extui %lt3A_177 : i1 to i32
        %cond3A_179 = arith.constant 0 : i32
        %cond3A_180 = arith.cmpi ne, %convert_element_type3A_178, %cond3A_179 : i32
        scf.if %cond3A_180 {
          %mul3A_188 = arith.constant 80 : i32
          %mul3A_189 = arith.muli %add3A_175, %mul3A_188 : i32
          %add3A_190 = arith.addi %mul3A_39, %mul3A_189 : i32
          %dma_start3A_191 = tpu.memref_slice %arg3[%add3A_190] : memref<320000xi32, #tpu.memory_space<hbm>> -> memref<80xi32, #tpu.memory_space<hbm>>
          %dma_start3A_192 = tpu.memref_slice %arg3[%add3A_190] : memref<320000xi32, #tpu.memory_space<hbm>> -> memref<80xi32, #tpu.memory_space<hbm>>
          tpu.enqueue_dma source(%dma_start3A_192 : memref<80xi32, #tpu.memory_space<hbm>>) target(%arg18 : memref<80xi32, #tpu.memory_space<vmem>>) target_semaphore(%arg42 : memref<!tpu.dma_semaphore, #tpu.memory_space<semaphore_mem>>)
          %dma_start3A_193 = tpu.memref_slice %arg4[%add3A_190] : memref<320000xi32, #tpu.memory_space<hbm>> -> memref<80xi32, #tpu.memory_space<hbm>>
          %dma_start3A_194 = tpu.memref_slice %arg4[%add3A_190] : memref<320000xi32, #tpu.memory_space<hbm>> -> memref<80xi32, #tpu.memory_space<hbm>>
          tpu.enqueue_dma source(%dma_start3A_194 : memref<80xi32, #tpu.memory_space<hbm>>) target(%arg26 : memref<80xi32, #tpu.memory_space<vmem>>) target_semaphore(%arg50 : memref<!tpu.dma_semaphore, #tpu.memory_space<semaphore_mem>>)
        } else {
        }
        %add3A_181 = arith.constant 2 : i32
        %add3A_182 = arith.addi %add3A_130, %add3A_181 : i32
        %lt3A_183 = arith.constant 125 : i32
        %lt3A_184 = arith.cmpi slt, %add3A_182, %lt3A_183 : i32
        %convert_element_type3A_185 = arith.extui %lt3A_184 : i1 to i32
        %cond3A_186 = arith.constant 0 : i32
        %cond3A_187 = arith.cmpi ne, %convert_element_type3A_185, %cond3A_186 : i32
        scf.if %cond3A_187 {
          %ge3A = arith.constant 2 : i32
          %ge3A_188 = arith.cmpi sge, %add3A_130, %ge3A : i32
          %convert_element_type3A_189 = arith.extui %ge3A_188 : i1 to i32
          %cond3A_190 = arith.constant 0 : i32
          %cond3A_191 = arith.cmpi ne, %convert_element_type3A_189, %cond3A_190 : i32
          scf.if %cond3A_191 {
            %dma_wait3A_200 = arith.constant 0 : i32
            %dma_wait3A_201 = arith.constant 0 : i32
            %dma_wait3A_202 = tpu.memref_slice %arg6[%dma_wait3A_200, %dma_wait3A_201] : memref<10240x128xf32, #tpu.memory_space<vmem_shared>> -> memref<10240x128xf32, #tpu.memory_space<vmem_shared>>
            tpu.wait_indirect_dma semaphore(%arg33 : memref<!tpu.dma_semaphore, #tpu.memory_space<semaphore_mem>>) src(%arg9 : memref<80x128xf32, #tpu.memory_space<vmem>>) dst(%dma_wait3A_202 : memref<10240x128xf32, #tpu.memory_space<vmem_shared>>)
          } else {
          }
          %mul3A_192 = arith.constant 80 : i32
          %mul3A_193 = arith.muli %add3A_182, %mul3A_192 : i32
          %add3A_194 = arith.addi %mul3A_39, %mul3A_193 : i32
          %dma_wait3A_195 = tpu.memref_slice %arg3[%add3A_194] : memref<320000xi32, #tpu.memory_space<hbm>> -> memref<80xi32, #tpu.memory_space<hbm>>
          %dma_wait3A_196 = tpu.memref_slice %arg3[%add3A_194] : memref<320000xi32, #tpu.memory_space<hbm>> -> memref<80xi32, #tpu.memory_space<hbm>>
          tpu.wait_dma2 semaphore(%arg41 : memref<!tpu.dma_semaphore, #tpu.memory_space<semaphore_mem>>) src(%dma_wait3A_196 : memref<80xi32, #tpu.memory_space<hbm>>) dst(%arg17 : memref<80xi32, #tpu.memory_space<vmem>>)
          %dma_start3A_197 = arith.constant 0 : i32
          %dma_start3A_198 = arith.constant 0 : i32
          %dma_start3A_199 = tpu.memref_slice %arg2[%dma_start3A_197, %dma_start3A_198] : memref<10000x128xf32, #tpu.memory_space<hbm>> -> memref<10000x128xf32, #tpu.memory_space<hbm>>
          tpu.enqueue_indirect_dma source(%dma_start3A_199 : memref<10000x128xf32, #tpu.memory_space<hbm>>) target(%arg9 : memref<80x128xf32, #tpu.memory_space<vmem>>) offsets(%arg17 : memref<80xi32, #tpu.memory_space<vmem>>) semaphore(%arg29 : memref<!tpu.dma_semaphore, #tpu.memory_space<semaphore_mem>>)
        } else {
        }
      } else {
      }
      %mul3A_136 = arith.constant 8 : i32
      %mul3A_137 = arith.muli %scan3A_93, %mul3A_136 : i32
      %add3A_138 = arith.constant 5 : i32
      %add3A_139 = arith.addi %mul3A_137, %add3A_138 : i32
      %lt3A_140 = arith.constant 125 : i32
      %lt3A_141 = arith.cmpi slt, %add3A_139, %lt3A_140 : i32
      %convert_element_type3A_142 = arith.extui %lt3A_141 : i1 to i32
      %cond3A_143 = arith.constant 0 : i32
      %cond3A_144 = arith.cmpi ne, %convert_element_type3A_142, %cond3A_143 : i32
      scf.if %cond3A_144 {
        %mul3A_163 = arith.constant 80 : i32
        %mul3A_164 = arith.muli %add3A_139, %mul3A_163 : i32
        %add3A_165 = arith.addi %mul3A_39, %mul3A_164 : i32
        %dma_wait3A_166 = tpu.memref_slice %arg4[%add3A_165] : memref<320000xi32, #tpu.memory_space<hbm>> -> memref<80xi32, #tpu.memory_space<hbm>>
        %dma_wait3A_167 = tpu.memref_slice %arg4[%add3A_165] : memref<320000xi32, #tpu.memory_space<hbm>> -> memref<80xi32, #tpu.memory_space<hbm>>
        tpu.wait_dma2 semaphore(%arg48 : memref<!tpu.dma_semaphore, #tpu.memory_space<semaphore_mem>>) src(%dma_wait3A_167 : memref<80xi32, #tpu.memory_space<hbm>>) dst(%arg24 : memref<80xi32, #tpu.memory_space<vmem>>)
        %dma_wait3A_168 = arith.constant 0 : i32
        %dma_wait3A_169 = arith.constant 0 : i32
        %dma_wait3A_170 = tpu.memref_slice %arg2[%dma_wait3A_168, %dma_wait3A_169] : memref<10000x128xf32, #tpu.memory_space<hbm>> -> memref<10000x128xf32, #tpu.memory_space<hbm>>
        tpu.wait_indirect_dma semaphore(%arg28 : memref<!tpu.dma_semaphore, #tpu.memory_space<semaphore_mem>>) src(%dma_wait3A_170 : memref<10000x128xf32, #tpu.memory_space<hbm>>) dst(%arg8 : memref<80x128xf32, #tpu.memory_space<vmem>>)
        %dma_start3A_171 = arith.constant 0 : i32
        %dma_start3A_172 = arith.constant 0 : i32
        %dma_start3A_173 = tpu.memref_slice %arg6[%dma_start3A_171, %dma_start3A_172] : memref<10240x128xf32, #tpu.memory_space<vmem_shared>> -> memref<10240x128xf32, #tpu.memory_space<vmem_shared>>
        tpu.enqueue_indirect_dma source(%arg8 : memref<80x128xf32, #tpu.memory_space<vmem>>) target(%dma_start3A_173 : memref<10240x128xf32, #tpu.memory_space<vmem_shared>>) offsets(%arg24 : memref<80xi32, #tpu.memory_space<vmem>>) semaphore(%arg32 : memref<!tpu.dma_semaphore, #tpu.memory_space<semaphore_mem>>) {add = true}
        %add3A_174 = arith.constant 3 : i32
        %add3A_175 = arith.addi %add3A_139, %add3A_174 : i32
        %lt3A_176 = arith.constant 125 : i32
        %lt3A_177 = arith.cmpi slt, %add3A_175, %lt3A_176 : i32
        %convert_element_type3A_178 = arith.extui %lt3A_177 : i1 to i32
        %cond3A_179 = arith.constant 0 : i32
        %cond3A_180 = arith.cmpi ne, %convert_element_type3A_178, %cond3A_179 : i32
        scf.if %cond3A_180 {
          %mul3A_188 = arith.constant 80 : i32
          %mul3A_189 = arith.muli %add3A_175, %mul3A_188 : i32
          %add3A_190 = arith.addi %mul3A_39, %mul3A_189 : i32
          %dma_start3A_191 = tpu.memref_slice %arg3[%add3A_190] : memref<320000xi32, #tpu.memory_space<hbm>> -> memref<80xi32, #tpu.memory_space<hbm>>
          %dma_start3A_192 = tpu.memref_slice %arg3[%add3A_190] : memref<320000xi32, #tpu.memory_space<hbm>> -> memref<80xi32, #tpu.memory_space<hbm>>
          tpu.enqueue_dma source(%dma_start3A_192 : memref<80xi32, #tpu.memory_space<hbm>>) target(%arg11 : memref<80xi32, #tpu.memory_space<vmem>>) target_semaphore(%arg35 : memref<!tpu.dma_semaphore, #tpu.memory_space<semaphore_mem>>)
          %dma_start3A_193 = tpu.memref_slice %arg4[%add3A_190] : memref<320000xi32, #tpu.memory_space<hbm>> -> memref<80xi32, #tpu.memory_space<hbm>>
          %dma_start3A_194 = tpu.memref_slice %arg4[%add3A_190] : memref<320000xi32, #tpu.memory_space<hbm>> -> memref<80xi32, #tpu.memory_space<hbm>>
          tpu.enqueue_dma source(%dma_start3A_194 : memref<80xi32, #tpu.memory_space<hbm>>) target(%arg19 : memref<80xi32, #tpu.memory_space<vmem>>) target_semaphore(%arg43 : memref<!tpu.dma_semaphore, #tpu.memory_space<semaphore_mem>>)
        } else {
        }
        %add3A_181 = arith.constant 2 : i32
        %add3A_182 = arith.addi %add3A_139, %add3A_181 : i32
        %lt3A_183 = arith.constant 125 : i32
        %lt3A_184 = arith.cmpi slt, %add3A_182, %lt3A_183 : i32
        %convert_element_type3A_185 = arith.extui %lt3A_184 : i1 to i32
        %cond3A_186 = arith.constant 0 : i32
        %cond3A_187 = arith.cmpi ne, %convert_element_type3A_185, %cond3A_186 : i32
        scf.if %cond3A_187 {
          %ge3A = arith.constant 2 : i32
          %ge3A_188 = arith.cmpi sge, %add3A_139, %ge3A : i32
          %convert_element_type3A_189 = arith.extui %ge3A_188 : i1 to i32
          %cond3A_190 = arith.constant 0 : i32
          %cond3A_191 = arith.cmpi ne, %convert_element_type3A_189, %cond3A_190 : i32
          scf.if %cond3A_191 {
            %dma_wait3A_200 = arith.constant 0 : i32
            %dma_wait3A_201 = arith.constant 0 : i32
            %dma_wait3A_202 = tpu.memref_slice %arg6[%dma_wait3A_200, %dma_wait3A_201] : memref<10240x128xf32, #tpu.memory_space<vmem_shared>> -> memref<10240x128xf32, #tpu.memory_space<vmem_shared>>
            tpu.wait_indirect_dma semaphore(%arg34 : memref<!tpu.dma_semaphore, #tpu.memory_space<semaphore_mem>>) src(%arg10 : memref<80x128xf32, #tpu.memory_space<vmem>>) dst(%dma_wait3A_202 : memref<10240x128xf32, #tpu.memory_space<vmem_shared>>)
          } else {
          }
          %mul3A_192 = arith.constant 80 : i32
          %mul3A_193 = arith.muli %add3A_182, %mul3A_192 : i32
          %add3A_194 = arith.addi %mul3A_39, %mul3A_193 : i32
          %dma_wait3A_195 = tpu.memref_slice %arg3[%add3A_194] : memref<320000xi32, #tpu.memory_space<hbm>> -> memref<80xi32, #tpu.memory_space<hbm>>
          %dma_wait3A_196 = tpu.memref_slice %arg3[%add3A_194] : memref<320000xi32, #tpu.memory_space<hbm>> -> memref<80xi32, #tpu.memory_space<hbm>>
          tpu.wait_dma2 semaphore(%arg42 : memref<!tpu.dma_semaphore, #tpu.memory_space<semaphore_mem>>) src(%dma_wait3A_196 : memref<80xi32, #tpu.memory_space<hbm>>) dst(%arg18 : memref<80xi32, #tpu.memory_space<vmem>>)
          %dma_start3A_197 = arith.constant 0 : i32
          %dma_start3A_198 = arith.constant 0 : i32
          %dma_start3A_199 = tpu.memref_slice %arg2[%dma_start3A_197, %dma_start3A_198] : memref<10000x128xf32, #tpu.memory_space<hbm>> -> memref<10000x128xf32, #tpu.memory_space<hbm>>
          tpu.enqueue_indirect_dma source(%dma_start3A_199 : memref<10000x128xf32, #tpu.memory_space<hbm>>) target(%arg10 : memref<80x128xf32, #tpu.memory_space<vmem>>) offsets(%arg18 : memref<80xi32, #tpu.memory_space<vmem>>) semaphore(%arg30 : memref<!tpu.dma_semaphore, #tpu.memory_space<semaphore_mem>>)
        } else {
        }
      } else {
      }
      %mul3A_145 = arith.constant 8 : i32
      %mul3A_146 = arith.muli %scan3A_93, %mul3A_145 : i32
      %add3A_147 = arith.constant 6 : i32
      %add3A_148 = arith.addi %mul3A_146, %add3A_147 : i32
      %lt3A_149 = arith.constant 125 : i32
      %lt3A_150 = arith.cmpi slt, %add3A_148, %lt3A_149 : i32
      %convert_element_type3A_151 = arith.extui %lt3A_150 : i1 to i32
      %cond3A_152 = arith.constant 0 : i32
      %cond3A_153 = arith.cmpi ne, %convert_element_type3A_151, %cond3A_152 : i32
      scf.if %cond3A_153 {
        %mul3A_163 = arith.constant 80 : i32
        %mul3A_164 = arith.muli %add3A_148, %mul3A_163 : i32
        %add3A_165 = arith.addi %mul3A_39, %mul3A_164 : i32
        %dma_wait3A_166 = tpu.memref_slice %arg4[%add3A_165] : memref<320000xi32, #tpu.memory_space<hbm>> -> memref<80xi32, #tpu.memory_space<hbm>>
        %dma_wait3A_167 = tpu.memref_slice %arg4[%add3A_165] : memref<320000xi32, #tpu.memory_space<hbm>> -> memref<80xi32, #tpu.memory_space<hbm>>
        tpu.wait_dma2 semaphore(%arg49 : memref<!tpu.dma_semaphore, #tpu.memory_space<semaphore_mem>>) src(%dma_wait3A_167 : memref<80xi32, #tpu.memory_space<hbm>>) dst(%arg25 : memref<80xi32, #tpu.memory_space<vmem>>)
        %dma_wait3A_168 = arith.constant 0 : i32
        %dma_wait3A_169 = arith.constant 0 : i32
        %dma_wait3A_170 = tpu.memref_slice %arg2[%dma_wait3A_168, %dma_wait3A_169] : memref<10000x128xf32, #tpu.memory_space<hbm>> -> memref<10000x128xf32, #tpu.memory_space<hbm>>
        tpu.wait_indirect_dma semaphore(%arg29 : memref<!tpu.dma_semaphore, #tpu.memory_space<semaphore_mem>>) src(%dma_wait3A_170 : memref<10000x128xf32, #tpu.memory_space<hbm>>) dst(%arg9 : memref<80x128xf32, #tpu.memory_space<vmem>>)
        %dma_start3A_171 = arith.constant 0 : i32
        %dma_start3A_172 = arith.constant 0 : i32
        %dma_start3A_173 = tpu.memref_slice %arg6[%dma_start3A_171, %dma_start3A_172] : memref<10240x128xf32, #tpu.memory_space<vmem_shared>> -> memref<10240x128xf32, #tpu.memory_space<vmem_shared>>
        tpu.enqueue_indirect_dma source(%arg9 : memref<80x128xf32, #tpu.memory_space<vmem>>) target(%dma_start3A_173 : memref<10240x128xf32, #tpu.memory_space<vmem_shared>>) offsets(%arg25 : memref<80xi32, #tpu.memory_space<vmem>>) semaphore(%arg33 : memref<!tpu.dma_semaphore, #tpu.memory_space<semaphore_mem>>) {add = true}
        %add3A_174 = arith.constant 3 : i32
        %add3A_175 = arith.addi %add3A_148, %add3A_174 : i32
        %lt3A_176 = arith.constant 125 : i32
        %lt3A_177 = arith.cmpi slt, %add3A_175, %lt3A_176 : i32
        %convert_element_type3A_178 = arith.extui %lt3A_177 : i1 to i32
        %cond3A_179 = arith.constant 0 : i32
        %cond3A_180 = arith.cmpi ne, %convert_element_type3A_178, %cond3A_179 : i32
        scf.if %cond3A_180 {
          %mul3A_188 = arith.constant 80 : i32
          %mul3A_189 = arith.muli %add3A_175, %mul3A_188 : i32
          %add3A_190 = arith.addi %mul3A_39, %mul3A_189 : i32
          %dma_start3A_191 = tpu.memref_slice %arg3[%add3A_190] : memref<320000xi32, #tpu.memory_space<hbm>> -> memref<80xi32, #tpu.memory_space<hbm>>
          %dma_start3A_192 = tpu.memref_slice %arg3[%add3A_190] : memref<320000xi32, #tpu.memory_space<hbm>> -> memref<80xi32, #tpu.memory_space<hbm>>
          tpu.enqueue_dma source(%dma_start3A_192 : memref<80xi32, #tpu.memory_space<hbm>>) target(%arg12 : memref<80xi32, #tpu.memory_space<vmem>>) target_semaphore(%arg36 : memref<!tpu.dma_semaphore, #tpu.memory_space<semaphore_mem>>)
          %dma_start3A_193 = tpu.memref_slice %arg4[%add3A_190] : memref<320000xi32, #tpu.memory_space<hbm>> -> memref<80xi32, #tpu.memory_space<hbm>>
          %dma_start3A_194 = tpu.memref_slice %arg4[%add3A_190] : memref<320000xi32, #tpu.memory_space<hbm>> -> memref<80xi32, #tpu.memory_space<hbm>>
          tpu.enqueue_dma source(%dma_start3A_194 : memref<80xi32, #tpu.memory_space<hbm>>) target(%arg20 : memref<80xi32, #tpu.memory_space<vmem>>) target_semaphore(%arg44 : memref<!tpu.dma_semaphore, #tpu.memory_space<semaphore_mem>>)
        } else {
        }
        %add3A_181 = arith.constant 2 : i32
        %add3A_182 = arith.addi %add3A_148, %add3A_181 : i32
        %lt3A_183 = arith.constant 125 : i32
        %lt3A_184 = arith.cmpi slt, %add3A_182, %lt3A_183 : i32
        %convert_element_type3A_185 = arith.extui %lt3A_184 : i1 to i32
        %cond3A_186 = arith.constant 0 : i32
        %cond3A_187 = arith.cmpi ne, %convert_element_type3A_185, %cond3A_186 : i32
        scf.if %cond3A_187 {
          %ge3A = arith.constant 2 : i32
          %ge3A_188 = arith.cmpi sge, %add3A_148, %ge3A : i32
          %convert_element_type3A_189 = arith.extui %ge3A_188 : i1 to i32
          %cond3A_190 = arith.constant 0 : i32
          %cond3A_191 = arith.cmpi ne, %convert_element_type3A_189, %cond3A_190 : i32
          scf.if %cond3A_191 {
            %dma_wait3A_200 = arith.constant 0 : i32
            %dma_wait3A_201 = arith.constant 0 : i32
            %dma_wait3A_202 = tpu.memref_slice %arg6[%dma_wait3A_200, %dma_wait3A_201] : memref<10240x128xf32, #tpu.memory_space<vmem_shared>> -> memref<10240x128xf32, #tpu.memory_space<vmem_shared>>
            tpu.wait_indirect_dma semaphore(%arg31 : memref<!tpu.dma_semaphore, #tpu.memory_space<semaphore_mem>>) src(%arg7 : memref<80x128xf32, #tpu.memory_space<vmem>>) dst(%dma_wait3A_202 : memref<10240x128xf32, #tpu.memory_space<vmem_shared>>)
          } else {
          }
          %mul3A_192 = arith.constant 80 : i32
          %mul3A_193 = arith.muli %add3A_182, %mul3A_192 : i32
          %add3A_194 = arith.addi %mul3A_39, %mul3A_193 : i32
          %dma_wait3A_195 = tpu.memref_slice %arg3[%add3A_194] : memref<320000xi32, #tpu.memory_space<hbm>> -> memref<80xi32, #tpu.memory_space<hbm>>
          %dma_wait3A_196 = tpu.memref_slice %arg3[%add3A_194] : memref<320000xi32, #tpu.memory_space<hbm>> -> memref<80xi32, #tpu.memory_space<hbm>>
          tpu.wait_dma2 semaphore(%arg35 : memref<!tpu.dma_semaphore, #tpu.memory_space<semaphore_mem>>) src(%dma_wait3A_196 : memref<80xi32, #tpu.memory_space<hbm>>) dst(%arg11 : memref<80xi32, #tpu.memory_space<vmem>>)
          %dma_start3A_197 = arith.constant 0 : i32
          %dma_start3A_198 = arith.constant 0 : i32
          %dma_start3A_199 = tpu.memref_slice %arg2[%dma_start3A_197, %dma_start3A_198] : memref<10000x128xf32, #tpu.memory_space<hbm>> -> memref<10000x128xf32, #tpu.memory_space<hbm>>
          tpu.enqueue_indirect_dma source(%dma_start3A_199 : memref<10000x128xf32, #tpu.memory_space<hbm>>) target(%arg7 : memref<80x128xf32, #tpu.memory_space<vmem>>) offsets(%arg11 : memref<80xi32, #tpu.memory_space<vmem>>) semaphore(%arg27 : memref<!tpu.dma_semaphore, #tpu.memory_space<semaphore_mem>>)
        } else {
        }
      } else {
      }
      %mul3A_154 = arith.constant 8 : i32
      %mul3A_155 = arith.muli %scan3A_93, %mul3A_154 : i32
      %add3A_156 = arith.constant 7 : i32
      %add3A_157 = arith.addi %mul3A_155, %add3A_156 : i32
      %lt3A_158 = arith.constant 125 : i32
      %lt3A_159 = arith.cmpi slt, %add3A_157, %lt3A_158 : i32
      %convert_element_type3A_160 = arith.extui %lt3A_159 : i1 to i32
      %cond3A_161 = arith.constant 0 : i32
      %cond3A_162 = arith.cmpi ne, %convert_element_type3A_160, %cond3A_161 : i32
      scf.if %cond3A_162 {
        %mul3A_163 = arith.constant 80 : i32
        %mul3A_164 = arith.muli %add3A_157, %mul3A_163 : i32
        %add3A_165 = arith.addi %mul3A_39, %mul3A_164 : i32
        %dma_wait3A_166 = tpu.memref_slice %arg4[%add3A_165] : memref<320000xi32, #tpu.memory_space<hbm>> -> memref<80xi32, #tpu.memory_space<hbm>>
        %dma_wait3A_167 = tpu.memref_slice %arg4[%add3A_165] : memref<320000xi32, #tpu.memory_space<hbm>> -> memref<80xi32, #tpu.memory_space<hbm>>
        tpu.wait_dma2 semaphore(%arg50 : memref<!tpu.dma_semaphore, #tpu.memory_space<semaphore_mem>>) src(%dma_wait3A_167 : memref<80xi32, #tpu.memory_space<hbm>>) dst(%arg26 : memref<80xi32, #tpu.memory_space<vmem>>)
        %dma_wait3A_168 = arith.constant 0 : i32
        %dma_wait3A_169 = arith.constant 0 : i32
        %dma_wait3A_170 = tpu.memref_slice %arg2[%dma_wait3A_168, %dma_wait3A_169] : memref<10000x128xf32, #tpu.memory_space<hbm>> -> memref<10000x128xf32, #tpu.memory_space<hbm>>
        tpu.wait_indirect_dma semaphore(%arg30 : memref<!tpu.dma_semaphore, #tpu.memory_space<semaphore_mem>>) src(%dma_wait3A_170 : memref<10000x128xf32, #tpu.memory_space<hbm>>) dst(%arg10 : memref<80x128xf32, #tpu.memory_space<vmem>>)
        %dma_start3A_171 = arith.constant 0 : i32
        %dma_start3A_172 = arith.constant 0 : i32
        %dma_start3A_173 = tpu.memref_slice %arg6[%dma_start3A_171, %dma_start3A_172] : memref<10240x128xf32, #tpu.memory_space<vmem_shared>> -> memref<10240x128xf32, #tpu.memory_space<vmem_shared>>
        tpu.enqueue_indirect_dma source(%arg10 : memref<80x128xf32, #tpu.memory_space<vmem>>) target(%dma_start3A_173 : memref<10240x128xf32, #tpu.memory_space<vmem_shared>>) offsets(%arg26 : memref<80xi32, #tpu.memory_space<vmem>>) semaphore(%arg34 : memref<!tpu.dma_semaphore, #tpu.memory_space<semaphore_mem>>) {add = true}
        %add3A_174 = arith.constant 3 : i32
        %add3A_175 = arith.addi %add3A_157, %add3A_174 : i32
        %lt3A_176 = arith.constant 125 : i32
        %lt3A_177 = arith.cmpi slt, %add3A_175, %lt3A_176 : i32
        %convert_element_type3A_178 = arith.extui %lt3A_177 : i1 to i32
        %cond3A_179 = arith.constant 0 : i32
        %cond3A_180 = arith.cmpi ne, %convert_element_type3A_178, %cond3A_179 : i32
        scf.if %cond3A_180 {
          %mul3A_188 = arith.constant 80 : i32
          %mul3A_189 = arith.muli %add3A_175, %mul3A_188 : i32
          %add3A_190 = arith.addi %mul3A_39, %mul3A_189 : i32
          %dma_start3A_191 = tpu.memref_slice %arg3[%add3A_190] : memref<320000xi32, #tpu.memory_space<hbm>> -> memref<80xi32, #tpu.memory_space<hbm>>
          %dma_start3A_192 = tpu.memref_slice %arg3[%add3A_190] : memref<320000xi32, #tpu.memory_space<hbm>> -> memref<80xi32, #tpu.memory_space<hbm>>
          tpu.enqueue_dma source(%dma_start3A_192 : memref<80xi32, #tpu.memory_space<hbm>>) target(%arg13 : memref<80xi32, #tpu.memory_space<vmem>>) target_semaphore(%arg37 : memref<!tpu.dma_semaphore, #tpu.memory_space<semaphore_mem>>)
          %dma_start3A_193 = tpu.memref_slice %arg4[%add3A_190] : memref<320000xi32, #tpu.memory_space<hbm>> -> memref<80xi32, #tpu.memory_space<hbm>>
          %dma_start3A_194 = tpu.memref_slice %arg4[%add3A_190] : memref<320000xi32, #tpu.memory_space<hbm>> -> memref<80xi32, #tpu.memory_space<hbm>>
          tpu.enqueue_dma source(%dma_start3A_194 : memref<80xi32, #tpu.memory_space<hbm>>) target(%arg21 : memref<80xi32, #tpu.memory_space<vmem>>) target_semaphore(%arg45 : memref<!tpu.dma_semaphore, #tpu.memory_space<semaphore_mem>>)
        } else {
        }
        %add3A_181 = arith.constant 2 : i32
        %add3A_182 = arith.addi %add3A_157, %add3A_181 : i32
        %lt3A_183 = arith.constant 125 : i32
        %lt3A_184 = arith.cmpi slt, %add3A_182, %lt3A_183 : i32
        %convert_element_type3A_185 = arith.extui %lt3A_184 : i1 to i32
        %cond3A_186 = arith.constant 0 : i32
        %cond3A_187 = arith.cmpi ne, %convert_element_type3A_185, %cond3A_186 : i32
        scf.if %cond3A_187 {
          %ge3A = arith.constant 2 : i32
          %ge3A_188 = arith.cmpi sge, %add3A_157, %ge3A : i32
          %convert_element_type3A_189 = arith.extui %ge3A_188 : i1 to i32
          %cond3A_190 = arith.constant 0 : i32
          %cond3A_191 = arith.cmpi ne, %convert_element_type3A_189, %cond3A_190 : i32
          scf.if %cond3A_191 {
            %dma_wait3A_200 = arith.constant 0 : i32
            %dma_wait3A_201 = arith.constant 0 : i32
            %dma_wait3A_202 = tpu.memref_slice %arg6[%dma_wait3A_200, %dma_wait3A_201] : memref<10240x128xf32, #tpu.memory_space<vmem_shared>> -> memref<10240x128xf32, #tpu.memory_space<vmem_shared>>
            tpu.wait_indirect_dma semaphore(%arg32 : memref<!tpu.dma_semaphore, #tpu.memory_space<semaphore_mem>>) src(%arg8 : memref<80x128xf32, #tpu.memory_space<vmem>>) dst(%dma_wait3A_202 : memref<10240x128xf32, #tpu.memory_space<vmem_shared>>)
          } else {
          }
          %mul3A_192 = arith.constant 80 : i32
          %mul3A_193 = arith.muli %add3A_182, %mul3A_192 : i32
          %add3A_194 = arith.addi %mul3A_39, %mul3A_193 : i32
          %dma_wait3A_195 = tpu.memref_slice %arg3[%add3A_194] : memref<320000xi32, #tpu.memory_space<hbm>> -> memref<80xi32, #tpu.memory_space<hbm>>
          %dma_wait3A_196 = tpu.memref_slice %arg3[%add3A_194] : memref<320000xi32, #tpu.memory_space<hbm>> -> memref<80xi32, #tpu.memory_space<hbm>>
          tpu.wait_dma2 semaphore(%arg36 : memref<!tpu.dma_semaphore, #tpu.memory_space<semaphore_mem>>) src(%dma_wait3A_196 : memref<80xi32, #tpu.memory_space<hbm>>) dst(%arg12 : memref<80xi32, #tpu.memory_space<vmem>>)
          %dma_start3A_197 = arith.constant 0 : i32
          %dma_start3A_198 = arith.constant 0 : i32
          %dma_start3A_199 = tpu.memref_slice %arg2[%dma_start3A_197, %dma_start3A_198] : memref<10000x128xf32, #tpu.memory_space<hbm>> -> memref<10000x128xf32, #tpu.memory_space<hbm>>
          tpu.enqueue_indirect_dma source(%dma_start3A_199 : memref<10000x128xf32, #tpu.memory_space<hbm>>) target(%arg8 : memref<80x128xf32, #tpu.memory_space<vmem>>) offsets(%arg12 : memref<80xi32, #tpu.memory_space<vmem>>) semaphore(%arg28 : memref<!tpu.dma_semaphore, #tpu.memory_space<semaphore_mem>>)
        } else {
        }
      } else {
      }
    }
    %scan3A_75 = arith.constant 16 : i32
    %dma_wait3A_76 = arith.constant 0 : i32
    %dma_wait3A_77 = arith.constant 0 : i32
    %dma_wait3A_78 = tpu.memref_slice %arg6[%dma_wait3A_76, %dma_wait3A_77] : memref<10240x128xf32, #tpu.memory_space<vmem_shared>> -> memref<10240x128xf32, #tpu.memory_space<vmem_shared>>
    tpu.wait_indirect_dma semaphore(%arg32 : memref<!tpu.dma_semaphore, #tpu.memory_space<semaphore_mem>>) src(%arg8 : memref<80x128xf32, #tpu.memory_space<vmem>>) dst(%dma_wait3A_78 : memref<10240x128xf32, #tpu.memory_space<vmem_shared>>)
    %dma_wait3A_79 = arith.constant 0 : i32
    %dma_wait3A_80 = arith.constant 0 : i32
    %dma_wait3A_81 = tpu.memref_slice %arg6[%dma_wait3A_79, %dma_wait3A_80] : memref<10240x128xf32, #tpu.memory_space<vmem_shared>> -> memref<10240x128xf32, #tpu.memory_space<vmem_shared>>
    tpu.wait_indirect_dma semaphore(%arg33 : memref<!tpu.dma_semaphore, #tpu.memory_space<semaphore_mem>>) src(%arg9 : memref<80x128xf32, #tpu.memory_space<vmem>>) dst(%dma_wait3A_81 : memref<10240x128xf32, #tpu.memory_space<vmem_shared>>)
    %dma_wait3A_82 = arith.constant 0 : i32
    %dma_wait3A_83 = arith.constant 0 : i32
    %dma_wait3A_84 = tpu.memref_slice %arg6[%dma_wait3A_82, %dma_wait3A_83] : memref<10240x128xf32, #tpu.memory_space<vmem_shared>> -> memref<10240x128xf32, #tpu.memory_space<vmem_shared>>
    tpu.wait_indirect_dma semaphore(%arg34 : memref<!tpu.dma_semaphore, #tpu.memory_space<semaphore_mem>>) src(%arg10 : memref<80x128xf32, #tpu.memory_space<vmem>>) dst(%dma_wait3A_84 : memref<10240x128xf32, #tpu.memory_space<vmem_shared>>)
    %dma_wait3A_85 = arith.constant 0 : i32
    %dma_wait3A_86 = arith.constant 0 : i32
    %dma_wait3A_87 = tpu.memref_slice %arg6[%dma_wait3A_85, %dma_wait3A_86] : memref<10240x128xf32, #tpu.memory_space<vmem_shared>> -> memref<10240x128xf32, #tpu.memory_space<vmem_shared>>
    tpu.wait_indirect_dma semaphore(%arg31 : memref<!tpu.dma_semaphore, #tpu.memory_space<semaphore_mem>>) src(%arg7 : memref<80x128xf32, #tpu.memory_space<vmem>>) dst(%dma_wait3A_87 : memref<10240x128xf32, #tpu.memory_space<vmem_shared>>)
    %barrier3A_88 = arith.constant 0 : index
    tpu.barrier barrier_id(%barrier3A_88)
    %mul3A_89 = arith.constant 640 : i32
    %mul3A_90 = arith.muli %arg1, %mul3A_89 : i32
    %mul3A_91 = arith.constant 640 : i32
    %mul3A_92 = arith.muli %arg1, %mul3A_91 : i32
    "tpu.region"() ({
      %run_scoped3A = tpu.sem_alloc : memref<!tpu.dma_semaphore, #tpu.memory_space<semaphore_mem>>
      %dma_start3A_93 = arith.constant 0 : i32
      %dma_start3A_94 = tpu.memref_slice %arg5[%arg0, %mul3A_92, %dma_start3A_93] : memref<2x10240x128xf32, #tpu.memory_space<hbm>> -> memref<1x640x128xf32, #tpu.memory_space<hbm>>
      %dma_start3A_95 = tpu.memref_squeeze %dma_start3A_94 : memref<1x640x128xf32, #tpu.memory_space<hbm>> -> memref<640x128xf32, #tpu.memory_space<hbm>>
      %dma_start3A_96 = arith.constant 0 : i32
      %dma_start3A_97 = tpu.memref_slice %arg6[%mul3A_90, %dma_start3A_96] : memref<10240x128xf32, #tpu.memory_space<vmem_shared>> -> memref<640x128xf32, #tpu.memory_space<vmem_shared>>
      tpu.enqueue_dma source(%dma_start3A_97 : memref<640x128xf32, #tpu.memory_space<vmem_shared>>) target(%dma_start3A_95 : memref<640x128xf32, #tpu.memory_space<hbm>>) target_semaphore(%run_scoped3A : memref<!tpu.dma_semaphore, #tpu.memory_space<semaphore_mem>>)
      %dma_wait3A_98 = arith.constant 0 : i32
      %dma_wait3A_99 = tpu.memref_slice %arg5[%arg0, %mul3A_92, %dma_wait3A_98] : memref<2x10240x128xf32, #tpu.memory_space<hbm>> -> memref<1x640x128xf32, #tpu.memory_space<hbm>>
      %dma_wait3A_100 = tpu.memref_squeeze %dma_wait3A_99 : memref<1x640x128xf32, #tpu.memory_space<hbm>> -> memref<640x128xf32, #tpu.memory_space<hbm>>
      %dma_wait3A_101 = arith.constant 0 : i32
      %dma_wait3A_102 = tpu.memref_slice %arg6[%mul3A_90, %dma_wait3A_101] : memref<10240x128xf32, #tpu.memory_space<vmem_shared>> -> memref<640x128xf32, #tpu.memory_space<vmem_shared>>
      tpu.wait_dma2 semaphore(%run_scoped3A : memref<!tpu.dma_semaphore, #tpu.memory_space<semaphore_mem>>) src(%dma_wait3A_102 : memref<640x128xf32, #tpu.memory_space<vmem_shared>>) dst(%dma_wait3A_100 : memref<640x128xf32, #tpu.memory_space<hbm>>)
      tpu.yield
    }) : () -> ()
    return
  }
}

#map = affine_map<(d0, d1) -> (0, 0)>
#map1 = affine_map<(d0, d1) -> (0)>
#map2 = affine_map<(d0, d1) -> (0, 0, 0)>
module attributes {stable_mosaic.version = 14 : i64} {
  func.func @_scatter_kernel(%arg0: i32, %arg1: i32, %arg2: memref<10000x128xf32, #tpu.memory_space<hbm>>, %arg3: memref<320000xi32, #tpu.memory_space<hbm>>, %arg4: memref<320000xi32, #tpu.memory_space<hbm>>, %arg5: memref<2x10240x128xf32, #tpu.memory_space<hbm>>, %arg6: memref<10240x128xf32, #tpu.memory_space<vmem_shared>>, %arg7: memref<80x128xf32, #tpu.memory_space<vmem>>, %arg8: memref<80x128xf32, #tpu.memory_space<vmem>>, %arg9: memref<80x128xf32, #tpu.memory_space<vmem>>, %arg10: memref<80x128xf32, #tpu.memory_space<vmem>>, %arg11: memref<80xi32, #tpu.memory_space<vmem>>, %arg12: memref<80xi32, #tpu.memory_space<vmem>>, %arg13: memref<80xi32, #tpu.memory_space<vmem>>, %arg14: memref<80xi32, #tpu.memory_space<vmem>>, %arg15: memref<80xi32, #tpu.memory_space<vmem>>, %arg16: memref<80xi32, #tpu.memory_space<vmem>>, %arg17: memref<80xi32, #tpu.memory_space<vmem>>, %arg18: memref<80xi32, #tpu.memory_space<vmem>>, %arg19: memref<80xi32, #tpu.memory_space<vmem>>, %arg20: memref<80xi32, #tpu.memory_space<vmem>>, %arg21: memref<80xi32, #tpu.memory_space<vmem>>, %arg22: memref<80xi32, #tpu.memory_space<vmem>>, %arg23: memref<80xi32, #tpu.memory_space<vmem>>, %arg24: memref<80xi32, #tpu.memory_space<vmem>>, %arg25: memref<80xi32, #tpu.memory_space<vmem>>, %arg26: memref<80xi32, #tpu.memory_space<vmem>>, %arg27: memref<!tpu.dma_semaphore, #tpu.memory_space<semaphore_mem>>, %arg28: memref<!tpu.dma_semaphore, #tpu.memory_space<semaphore_mem>>, %arg29: memref<!tpu.dma_semaphore, #tpu.memory_space<semaphore_mem>>, %arg30: memref<!tpu.dma_semaphore, #tpu.memory_space<semaphore_mem>>, %arg31: memref<!tpu.dma_semaphore, #tpu.memory_space<semaphore_mem>>, %arg32: memref<!tpu.dma_semaphore, #tpu.memory_space<semaphore_mem>>, %arg33: memref<!tpu.dma_semaphore, #tpu.memory_space<semaphore_mem>>, %arg34: memref<!tpu.dma_semaphore, #tpu.memory_space<semaphore_mem>>, %arg35: memref<!tpu.dma_semaphore, #tpu.memory_space<semaphore_mem>>, %arg36: memref<!tpu.dma_semaphore, #tpu.memory_space<semaphore_mem>>, %arg37: memref<!tpu.dma_semaphore, #tpu.memory_space<semaphore_mem>>, %arg38: memref<!tpu.dma_semaphore, #tpu.memory_space<semaphore_mem>>, %arg39: memref<!tpu.dma_semaphore, #tpu.memory_space<semaphore_mem>>, %arg40: memref<!tpu.dma_semaphore, #tpu.memory_space<semaphore_mem>>, %arg41: memref<!tpu.dma_semaphore, #tpu.memory_space<semaphore_mem>>, %arg42: memref<!tpu.dma_semaphore, #tpu.memory_space<semaphore_mem>>, %arg43: memref<!tpu.dma_semaphore, #tpu.memory_space<semaphore_mem>>, %arg44: memref<!tpu.dma_semaphore, #tpu.memory_space<semaphore_mem>>, %arg45: memref<!tpu.dma_semaphore, #tpu.memory_space<semaphore_mem>>, %arg46: memref<!tpu.dma_semaphore, #tpu.memory_space<semaphore_mem>>, %arg47: memref<!tpu.dma_semaphore, #tpu.memory_space<semaphore_mem>>, %arg48: memref<!tpu.dma_semaphore, #tpu.memory_space<semaphore_mem>>, %arg49: memref<!tpu.dma_semaphore, #tpu.memory_space<semaphore_mem>>, %arg50: memref<!tpu.dma_semaphore, #tpu.memory_space<semaphore_mem>>) attributes {dimension_semantics = [#tpu.dimension_semantics<core_parallel>, #tpu.dimension_semantics<subcore_parallel>], iteration_bounds = array<i64: 2, 16>, scalar_prefetch = 0 : i64, scratch_operands = 45 : i64, tpu.core_type = #tpu.core_type<sc_vector_subcore>, window_params = [{transform_indices = #map}, {transform_indices = #map1}, {transform_indices = #map1}, {transform_indices = #map2}]} {
    %scan3A = arith.constant 0 : i32
    %scan3A_0 = arith.constant 0 : i32
    %scan3A_1 = arith.constant 80 : i32
    %scan3A_2 = arith.addi %scan3A_0, %scan3A_1 : i32
    %scan3A_3 = arith.constant 1 : i32
    scf.for %scan3A_93 = %scan3A_0 to %scan3A_2 step %scan3A_3  : i32 {
      %broadcast_in_dim3A = arith.constant 0.000000e+00 : f32
      %broadcast_in_dim3A_94 = vector.broadcast %broadcast_in_dim3A : f32 to vector<16xf32>
      %swap3A = arith.index_cast %scan3A_93 : i32 to index
      %swap3A_95 = arith.constant 0 : index
      %swap3A_96 = tpu.vector_load %arg7[%swap3A, %swap3A_95] {strides = array<i32>} : memref<80x128xf32, #tpu.memory_space<vmem>>, vector<1x16xf32>,
      %swap3A_97 = vector.shape_cast %swap3A_96 : vector<1x16xf32> to vector<16xf32>
      %swap3A_98 = vector.shape_cast %broadcast_in_dim3A_94 : vector<16xf32> to vector<1x16xf32>
      tpu.vector_store %arg7[%swap3A, %swap3A_95], %swap3A_98 {strides = array<i32>} : memref<80x128xf32, #tpu.memory_space<vmem>>, vector<1x16xf32>,
      %broadcast_in_dim3A_99 = arith.constant 0.000000e+00 : f32
      %broadcast_in_dim3A_100 = vector.broadcast %broadcast_in_dim3A_99 : f32 to vector<16xf32>
      %swap3A_101 = arith.index_cast %scan3A_93 : i32 to index
      %swap3A_102 = arith.constant 16 : index
      %swap3A_103 = tpu.vector_load %arg7[%swap3A_101, %swap3A_102] {strides = array<i32>} : memref<80x128xf32, #tpu.memory_space<vmem>>, vector<1x16xf32>,
      %swap3A_104 = vector.shape_cast %swap3A_103 : vector<1x16xf32> to vector<16xf32>
      %swap3A_105 = vector.shape_cast %broadcast_in_dim3A_100 : vector<16xf32> to vector<1x16xf32>
      tpu.vector_store %arg7[%swap3A_101, %swap3A_102], %swap3A_105 {strides = array<i32>} : memref<80x128xf32, #tpu.memory_space<vmem>>, vector<1x16xf32>,
      %broadcast_in_dim3A_106 = arith.constant 0.000000e+00 : f32
      %broadcast_in_dim3A_107 = vector.broadcast %broadcast_in_dim3A_106 : f32 to vector<16xf32>
      %swap3A_108 = arith.index_cast %scan3A_93 : i32 to index
      %swap3A_109 = arith.constant 32 : index
      %swap3A_110 = tpu.vector_load %arg7[%swap3A_108, %swap3A_109] {strides = array<i32>} : memref<80x128xf32, #tpu.memory_space<vmem>>, vector<1x16xf32>,
      %swap3A_111 = vector.shape_cast %swap3A_110 : vector<1x16xf32> to vector<16xf32>
      %swap3A_112 = vector.shape_cast %broadcast_in_dim3A_107 : vector<16xf32> to vector<1x16xf32>
      tpu.vector_store %arg7[%swap3A_108, %swap3A_109], %swap3A_112 {strides = array<i32>} : memref<80x128xf32, #tpu.memory_space<vmem>>, vector<1x16xf32>,
      %broadcast_in_dim3A_113 = arith.constant 0.000000e+00 : f32
      %broadcast_in_dim3A_114 = vector.broadcast %broadcast_in_dim3A_113 : f32 to vector<16xf32>
      %swap3A_115 = arith.index_cast %scan3A_93 : i32 to index
      %swap3A_116 = arith.constant 48 : index
      %swap3A_117 = tpu.vector_load %arg7[%swap3A_115, %swap3A_116] {strides = array<i32>} : memref<80x128xf32, #tpu.memory_space<vmem>>, vector<1x16xf32>,
      %swap3A_118 = vector.shape_cast %swap3A_117 : vector<1x16xf32> to vector<16xf32>
      %swap3A_119 = vector.shape_cast %broadcast_in_dim3A_114 : vector<16xf32> to vector<1x16xf32>
      tpu.vector_store %arg7[%swap3A_115, %swap3A_116], %swap3A_119 {strides = array<i32>} : memref<80x128xf32, #tpu.memory_space<vmem>>, vector<1x16xf32>,
      %broadcast_in_dim3A_120 = arith.constant 0.000000e+00 : f32
      %broadcast_in_dim3A_121 = vector.broadcast %broadcast_in_dim3A_120 : f32 to vector<16xf32>
      %swap3A_122 = arith.index_cast %scan3A_93 : i32 to index
      %swap3A_123 = arith.constant 64 : index
      %swap3A_124 = tpu.vector_load %arg7[%swap3A_122, %swap3A_123] {strides = array<i32>} : memref<80x128xf32, #tpu.memory_space<vmem>>, vector<1x16xf32>,
      %swap3A_125 = vector.shape_cast %swap3A_124 : vector<1x16xf32> to vector<16xf32>
      %swap3A_126 = vector.shape_cast %broadcast_in_dim3A_121 : vector<16xf32> to vector<1x16xf32>
      tpu.vector_store %arg7[%swap3A_122, %swap3A_123], %swap3A_126 {strides = array<i32>} : memref<80x128xf32, #tpu.memory_space<vmem>>, vector<1x16xf32>,
      %broadcast_in_dim3A_127 = arith.constant 0.000000e+00 : f32
      %broadcast_in_dim3A_128 = vector.broadcast %broadcast_in_dim3A_127 : f32 to vector<16xf32>
      %swap3A_129 = arith.index_cast %scan3A_93 : i32 to index
      %swap3A_130 = arith.constant 80 : index
      %swap3A_131 = tpu.vector_load %arg7[%swap3A_129, %swap3A_130] {strides = array<i32>} : memref<80x128xf32, #tpu.memory_space<vmem>>, vector<1x16xf32>,
      %swap3A_132 = vector.shape_cast %swap3A_131 : vector<1x16xf32> to vector<16xf32>
      %swap3A_133 = vector.shape_cast %broadcast_in_dim3A_128 : vector<16xf32> to vector<1x16xf32>
      tpu.vector_store %arg7[%swap3A_129, %swap3A_130], %swap3A_133 {strides = array<i32>} : memref<80x128xf32, #tpu.memory_space<vmem>>, vector<1x16xf32>,
      %broadcast_in_dim3A_134 = arith.constant 0.000000e+00 : f32
      %broadcast_in_dim3A_135 = vector.broadcast %broadcast_in_dim3A_134 : f32 to vector<16xf32>
      %swap3A_136 = arith.index_cast %scan3A_93 : i32 to index
      %swap3A_137 = arith.constant 96 : index
      %swap3A_138 = tpu.vector_load %arg7[%swap3A_136, %swap3A_137] {strides = array<i32>} : memref<80x128xf32, #tpu.memory_space<vmem>>, vector<1x16xf32>,
      %swap3A_139 = vector.shape_cast %swap3A_138 : vector<1x16xf32> to vector<16xf32>
      %swap3A_140 = vector.shape_cast %broadcast_in_dim3A_135 : vector<16xf32> to vector<1x16xf32>
      tpu.vector_store %arg7[%swap3A_136, %swap3A_137], %swap3A_140 {strides = array<i32>} : memref<80x128xf32, #tpu.memory_space<vmem>>, vector<1x16xf32>,
      %broadcast_in_dim3A_141 = arith.constant 0.000000e+00 : f32
      %broadcast_in_dim3A_142 = vector.broadcast %broadcast_in_dim3A_141 : f32 to vector<16xf32>
      %swap3A_143 = arith.index_cast %scan3A_93 : i32 to index
      %swap3A_144 = arith.constant 112 : index
      %swap3A_145 = tpu.vector_load %arg7[%swap3A_143, %swap3A_144] {strides = array<i32>} : memref<80x128xf32, #tpu.memory_space<vmem>>, vector<1x16xf32>,
      %swap3A_146 = vector.shape_cast %swap3A_145 : vector<1x16xf32> to vector<16xf32>
      %swap3A_147 = vector.shape_cast %broadcast_in_dim3A_142 : vector<16xf32> to vector<1x16xf32>
      tpu.vector_store %arg7[%swap3A_143, %swap3A_144], %swap3A_147 {strides = array<i32>} : memref<80x128xf32, #tpu.memory_space<vmem>>, vector<1x16xf32>,
    }
    %scan3A_4 = arith.constant 80 : i32
    %mul3A = arith.constant 640 : i32
    %mul3A_5 = arith.muli %arg1, %mul3A : i32
    %add3A = arith.constant 0 : i32
    %add3A_6 = arith.addi %mul3A_5, %add3A : i32
    "tpu.region"() ({
      %run_scoped3A = tpu.sem_alloc : memref<!tpu.dma_semaphore, #tpu.memory_space<semaphore_mem>>
      %dma_start3A_93 = arith.constant 0 : i32
      %dma_start3A_94 = tpu.memref_slice %arg6[%add3A_6, %dma_start3A_93] : memref<10240x128xf32, #tpu.memory_space<vmem_shared>> -> memref<80x128xf32, #tpu.memory_space<vmem_shared>>
      %dma_start3A_95 = arith.constant 0 : i32
      %dma_start3A_96 = tpu.memref_slice %arg6[%add3A_6, %dma_start3A_95] : memref<10240x128xf32, #tpu.memory_space<vmem_shared>> -> memref<80x128xf32, #tpu.memory_space<vmem_shared>>
      tpu.enqueue_dma source(%arg7 : memref<80x128xf32, #tpu.memory_space<vmem>>) target(%dma_start3A_96 : memref<80x128xf32, #tpu.memory_space<vmem_shared>>) target_semaphore(%run_scoped3A : memref<!tpu.dma_semaphore, #tpu.memory_space<semaphore_mem>>)
      %dma_wait3A_97 = arith.constant 0 : i32
      %dma_wait3A_98 = tpu.memref_slice %arg6[%add3A_6, %dma_wait3A_97] : memref<10240x128xf32, #tpu.memory_space<vmem_shared>> -> memref<80x128xf32, #tpu.memory_space<vmem_shared>>
      %dma_wait3A_99 = arith.constant 0 : i32
      %dma_wait3A_100 = tpu.memref_slice %arg6[%add3A_6, %dma_wait3A_99] : memref<10240x128xf32, #tpu.memory_space<vmem_shared>> -> memref<80x128xf32, #tpu.memory_space<vmem_shared>>
      tpu.wait_dma2 semaphore(%run_scoped3A : memref<!tpu.dma_semaphore, #tpu.memory_space<semaphore_mem>>) src(%arg7 : memref<80x128xf32, #tpu.memory_space<vmem>>) dst(%dma_wait3A_100 : memref<80x128xf32, #tpu.memory_space<vmem_shared>>)
      tpu.yield
    }) : () -> ()
    %mul3A_7 = arith.constant 640 : i32
    %mul3A_8 = arith.muli %arg1, %mul3A_7 : i32
    %add3A_9 = arith.constant 80 : i32
    %add3A_10 = arith.addi %mul3A_8, %add3A_9 : i32
    "tpu.region"() ({
      %run_scoped3A = tpu.sem_alloc : memref<!tpu.dma_semaphore, #tpu.memory_space<semaphore_mem>>
      %dma_start3A_93 = arith.constant 0 : i32
      %dma_start3A_94 = tpu.memref_slice %arg6[%add3A_10, %dma_start3A_93] : memref<10240x128xf32, #tpu.memory_space<vmem_shared>> -> memref<80x128xf32, #tpu.memory_space<vmem_shared>>
      %dma_start3A_95 = arith.constant 0 : i32
      %dma_start3A_96 = tpu.memref_slice %arg6[%add3A_10, %dma_start3A_95] : memref<10240x128xf32, #tpu.memory_space<vmem_shared>> -> memref<80x128xf32, #tpu.memory_space<vmem_shared>>
      tpu.enqueue_dma source(%arg7 : memref<80x128xf32, #tpu.memory_space<vmem>>) target(%dma_start3A_96 : memref<80x128xf32, #tpu.memory_space<vmem_shared>>) target_semaphore(%run_scoped3A : memref<!tpu.dma_semaphore, #tpu.memory_space<semaphore_mem>>)
      %dma_wait3A_97 = arith.constant 0 : i32
      %dma_wait3A_98 = tpu.memref_slice %arg6[%add3A_10, %dma_wait3A_97] : memref<10240x128xf32, #tpu.memory_space<vmem_shared>> -> memref<80x128xf32, #tpu.memory_space<vmem_shared>>
      %dma_wait3A_99 = arith.constant 0 : i32
      %dma_wait3A_100 = tpu.memref_slice %arg6[%add3A_10, %dma_wait3A_99] : memref<10240x128xf32, #tpu.memory_space<vmem_shared>> -> memref<80x128xf32, #tpu.memory_space<vmem_shared>>
      tpu.wait_dma2 semaphore(%run_scoped3A : memref<!tpu.dma_semaphore, #tpu.memory_space<semaphore_mem>>) src(%arg7 : memref<80x128xf32, #tpu.memory_space<vmem>>) dst(%dma_wait3A_100 : memref<80x128xf32, #tpu.memory_space<vmem_shared>>)
      tpu.yield
    }) : () -> ()
    %mul3A_11 = arith.constant 640 : i32
    %mul3A_12 = arith.muli %arg1, %mul3A_11 : i32
    %add3A_13 = arith.constant 160 : i32
    %add3A_14 = arith.addi %mul3A_12, %add3A_13 : i32
    "tpu.region"() ({
      %run_scoped3A = tpu.sem_alloc : memref<!tpu.dma_semaphore, #tpu.memory_space<semaphore_mem>>
      %dma_start3A_93 = arith.constant 0 : i32
      %dma_start3A_94 = tpu.memref_slice %arg6[%add3A_14, %dma_start3A_93] : memref<10240x128xf32, #tpu.memory_space<vmem_shared>> -> memref<80x128xf32, #tpu.memory_space<vmem_shared>>
      %dma_start3A_95 = arith.constant 0 : i32
      %dma_start3A_96 = tpu.memref_slice %arg6[%add3A_14, %dma_start3A_95] : memref<10240x128xf32, #tpu.memory_space<vmem_shared>> -> memref<80x128xf32, #tpu.memory_space<vmem_shared>>
      tpu.enqueue_dma source(%arg7 : memref<80x128xf32, #tpu.memory_space<vmem>>) target(%dma_start3A_96 : memref<80x128xf32, #tpu.memory_space<vmem_shared>>) target_semaphore(%run_scoped3A : memref<!tpu.dma_semaphore, #tpu.memory_space<semaphore_mem>>)
      %dma_wait3A_97 = arith.constant 0 : i32
      %dma_wait3A_98 = tpu.memref_slice %arg6[%add3A_14, %dma_wait3A_97] : memref<10240x128xf32, #tpu.memory_space<vmem_shared>> -> memref<80x128xf32, #tpu.memory_space<vmem_shared>>
      %dma_wait3A_99 = arith.constant 0 : i32
      %dma_wait3A_100 = tpu.memref_slice %arg6[%add3A_14, %dma_wait3A_99] : memref<10240x128xf32, #tpu.memory_space<vmem_shared>> -> memref<80x128xf32, #tpu.memory_space<vmem_shared>>
      tpu.wait_dma2 semaphore(%run_scoped3A : memref<!tpu.dma_semaphore, #tpu.memory_space<semaphore_mem>>) src(%arg7 : memref<80x128xf32, #tpu.memory_space<vmem>>) dst(%dma_wait3A_100 : memref<80x128xf32, #tpu.memory_space<vmem_shared>>)
      tpu.yield
    }) : () -> ()
    %mul3A_15 = arith.constant 640 : i32
    %mul3A_16 = arith.muli %arg1, %mul3A_15 : i32
    %add3A_17 = arith.constant 240 : i32
    %add3A_18 = arith.addi %mul3A_16, %add3A_17 : i32
    "tpu.region"() ({
      %run_scoped3A = tpu.sem_alloc : memref<!tpu.dma_semaphore, #tpu.memory_space<semaphore_mem>>
      %dma_start3A_93 = arith.constant 0 : i32
      %dma_start3A_94 = tpu.memref_slice %arg6[%add3A_18, %dma_start3A_93] : memref<10240x128xf32, #tpu.memory_space<vmem_shared>> -> memref<80x128xf32, #tpu.memory_space<vmem_shared>>
      %dma_start3A_95 = arith.constant 0 : i32
      %dma_start3A_96 = tpu.memref_slice %arg6[%add3A_18, %dma_start3A_95] : memref<10240x128xf32, #tpu.memory_space<vmem_shared>> -> memref<80x128xf32, #tpu.memory_space<vmem_shared>>
      tpu.enqueue_dma source(%arg7 : memref<80x128xf32, #tpu.memory_space<vmem>>) target(%dma_start3A_96 : memref<80x128xf32, #tpu.memory_space<vmem_shared>>) target_semaphore(%run_scoped3A : memref<!tpu.dma_semaphore, #tpu.memory_space<semaphore_mem>>)
      %dma_wait3A_97 = arith.constant 0 : i32
      %dma_wait3A_98 = tpu.memref_slice %arg6[%add3A_18, %dma_wait3A_97] : memref<10240x128xf32, #tpu.memory_space<vmem_shared>> -> memref<80x128xf32, #tpu.memory_space<vmem_shared>>
      %dma_wait3A_99 = arith.constant 0 : i32
      %dma_wait3A_100 = tpu.memref_slice %arg6[%add3A_18, %dma_wait3A_99] : memref<10240x128xf32, #tpu.memory_space<vmem_shared>> -> memref<80x128xf32, #tpu.memory_space<vmem_shared>>
      tpu.wait_dma2 semaphore(%run_scoped3A : memref<!tpu.dma_semaphore, #tpu.memory_space<semaphore_mem>>) src(%arg7 : memref<80x128xf32, #tpu.memory_space<vmem>>) dst(%dma_wait3A_100 : memref<80x128xf32, #tpu.memory_space<vmem_shared>>)
      tpu.yield
    }) : () -> ()
    %mul3A_19 = arith.constant 640 : i32
    %mul3A_20 = arith.muli %arg1, %mul3A_19 : i32
    %add3A_21 = arith.constant 320 : i32
    %add3A_22 = arith.addi %mul3A_20, %add3A_21 : i32
    "tpu.region"() ({
      %run_scoped3A = tpu.sem_alloc : memref<!tpu.dma_semaphore, #tpu.memory_space<semaphore_mem>>
      %dma_start3A_93 = arith.constant 0 : i32
      %dma_start3A_94 = tpu.memref_slice %arg6[%add3A_22, %dma_start3A_93] : memref<10240x128xf32, #tpu.memory_space<vmem_shared>> -> memref<80x128xf32, #tpu.memory_space<vmem_shared>>
      %dma_start3A_95 = arith.constant 0 : i32
      %dma_start3A_96 = tpu.memref_slice %arg6[%add3A_22, %dma_start3A_95] : memref<10240x128xf32, #tpu.memory_space<vmem_shared>> -> memref<80x128xf32, #tpu.memory_space<vmem_shared>>
      tpu.enqueue_dma source(%arg7 : memref<80x128xf32, #tpu.memory_space<vmem>>) target(%dma_start3A_96 : memref<80x128xf32, #tpu.memory_space<vmem_shared>>) target_semaphore(%run_scoped3A : memref<!tpu.dma_semaphore, #tpu.memory_space<semaphore_mem>>)
      %dma_wait3A_97 = arith.constant 0 : i32
      %dma_wait3A_98 = tpu.memref_slice %arg6[%add3A_22, %dma_wait3A_97] : memref<10240x128xf32, #tpu.memory_space<vmem_shared>> -> memref<80x128xf32, #tpu.memory_space<vmem_shared>>
      %dma_wait3A_99 = arith.constant 0 : i32
      %dma_wait3A_100 = tpu.memref_slice %arg6[%add3A_22, %dma_wait3A_99] : memref<10240x128xf32, #tpu.memory_space<vmem_shared>> -> memref<80x128xf32, #tpu.memory_space<vmem_shared>>
      tpu.wait_dma2 semaphore(%run_scoped3A : memref<!tpu.dma_semaphore, #tpu.memory_space<semaphore_mem>>) src(%arg7 : memref<80x128xf32, #tpu.memory_space<vmem>>) dst(%dma_wait3A_100 : memref<80x128xf32, #tpu.memory_space<vmem_shared>>)
      tpu.yield
    }) : () -> ()
    %mul3A_23 = arith.constant 640 : i32
    %mul3A_24 = arith.muli %arg1, %mul3A_23 : i32
    %add3A_25 = arith.constant 400 : i32
    %add3A_26 = arith.addi %mul3A_24, %add3A_25 : i32
    "tpu.region"() ({
      %run_scoped3A = tpu.sem_alloc : memref<!tpu.dma_semaphore, #tpu.memory_space<semaphore_mem>>
      %dma_start3A_93 = arith.constant 0 : i32
      %dma_start3A_94 = tpu.memref_slice %arg6[%add3A_26, %dma_start3A_93] : memref<10240x128xf32, #tpu.memory_space<vmem_shared>> -> memref<80x128xf32, #tpu.memory_space<vmem_shared>>
      %dma_start3A_95 = arith.constant 0 : i32
      %dma_start3A_96 = tpu.memref_slice %arg6[%add3A_26, %dma_start3A_95] : memref<10240x128xf32, #tpu.memory_space<vmem_shared>> -> memref<80x128xf32, #tpu.memory_space<vmem_shared>>
      tpu.enqueue_dma source(%arg7 : memref<80x128xf32, #tpu.memory_space<vmem>>) target(%dma_start3A_96 : memref<80x128xf32, #tpu.memory_space<vmem_shared>>) target_semaphore(%run_scoped3A : memref<!tpu.dma_semaphore, #tpu.memory_space<semaphore_mem>>)
      %dma_wait3A_97 = arith.constant 0 : i32
      %dma_wait3A_98 = tpu.memref_slice %arg6[%add3A_26, %dma_wait3A_97] : memref<10240x128xf32, #tpu.memory_space<vmem_shared>> -> memref<80x128xf32, #tpu.memory_space<vmem_shared>>
      %dma_wait3A_99 = arith.constant 0 : i32
      %dma_wait3A_100 = tpu.memref_slice %arg6[%add3A_26, %dma_wait3A_99] : memref<10240x128xf32, #tpu.memory_space<vmem_shared>> -> memref<80x128xf32, #tpu.memory_space<vmem_shared>>
      tpu.wait_dma2 semaphore(%run_scoped3A : memref<!tpu.dma_semaphore, #tpu.memory_space<semaphore_mem>>) src(%arg7 : memref<80x128xf32, #tpu.memory_space<vmem>>) dst(%dma_wait3A_100 : memref<80x128xf32, #tpu.memory_space<vmem_shared>>)
      tpu.yield
    }) : () -> ()
    %mul3A_27 = arith.constant 640 : i32
    %mul3A_28 = arith.muli %arg1, %mul3A_27 : i32
    %add3A_29 = arith.constant 480 : i32
    %add3A_30 = arith.addi %mul3A_28, %add3A_29 : i32
    "tpu.region"() ({
      %run_scoped3A = tpu.sem_alloc : memref<!tpu.dma_semaphore, #tpu.memory_space<semaphore_mem>>
      %dma_start3A_93 = arith.constant 0 : i32
      %dma_start3A_94 = tpu.memref_slice %arg6[%add3A_30, %dma_start3A_93] : memref<10240x128xf32, #tpu.memory_space<vmem_shared>> -> memref<80x128xf32, #tpu.memory_space<vmem_shared>>
      %dma_start3A_95 = arith.constant 0 : i32
      %dma_start3A_96 = tpu.memref_slice %arg6[%add3A_30, %dma_start3A_95] : memref<10240x128xf32, #tpu.memory_space<vmem_shared>> -> memref<80x128xf32, #tpu.memory_space<vmem_shared>>
      tpu.enqueue_dma source(%arg7 : memref<80x128xf32, #tpu.memory_space<vmem>>) target(%dma_start3A_96 : memref<80x128xf32, #tpu.memory_space<vmem_shared>>) target_semaphore(%run_scoped3A : memref<!tpu.dma_semaphore, #tpu.memory_space<semaphore_mem>>)
      %dma_wait3A_97 = arith.constant 0 : i32
      %dma_wait3A_98 = tpu.memref_slice %arg6[%add3A_30, %dma_wait3A_97] : memref<10240x128xf32, #tpu.memory_space<vmem_shared>> -> memref<80x128xf32, #tpu.memory_space<vmem_shared>>
      %dma_wait3A_99 = arith.constant 0 : i32
      %dma_wait3A_100 = tpu.memref_slice %arg6[%add3A_30, %dma_wait3A_99] : memref<10240x128xf32, #tpu.memory_space<vmem_shared>> -> memref<80x128xf32, #tpu.memory_space<vmem_shared>>
      tpu.wait_dma2 semaphore(%run_scoped3A : memref<!tpu.dma_semaphore, #tpu.memory_space<semaphore_mem>>) src(%arg7 : memref<80x128xf32, #tpu.memory_space<vmem>>) dst(%dma_wait3A_100 : memref<80x128xf32, #tpu.memory_space<vmem_shared>>)
      tpu.yield
    }) : () -> ()
    %mul3A_31 = arith.constant 640 : i32
    %mul3A_32 = arith.muli %arg1, %mul3A_31 : i32
    %add3A_33 = arith.constant 560 : i32
    %add3A_34 = arith.addi %mul3A_32, %add3A_33 : i32
    "tpu.region"() ({
      %run_scoped3A = tpu.sem_alloc : memref<!tpu.dma_semaphore, #tpu.memory_space<semaphore_mem>>
      %dma_start3A_93 = arith.constant 0 : i32
      %dma_start3A_94 = tpu.memref_slice %arg6[%add3A_34, %dma_start3A_93] : memref<10240x128xf32, #tpu.memory_space<vmem_shared>> -> memref<80x128xf32, #tpu.memory_space<vmem_shared>>
      %dma_start3A_95 = arith.constant 0 : i32
      %dma_start3A_96 = tpu.memref_slice %arg6[%add3A_34, %dma_start3A_95] : memref<10240x128xf32, #tpu.memory_space<vmem_shared>> -> memref<80x128xf32, #tpu.memory_space<vmem_shared>>
      tpu.enqueue_dma source(%arg7 : memref<80x128xf32, #tpu.memory_space<vmem>>) target(%dma_start3A_96 : memref<80x128xf32, #tpu.memory_space<vmem_shared>>) target_semaphore(%run_scoped3A : memref<!tpu.dma_semaphore, #tpu.memory_space<semaphore_mem>>)
      %dma_wait3A_97 = arith.constant 0 : i32
      %dma_wait3A_98 = tpu.memref_slice %arg6[%add3A_34, %dma_wait3A_97] : memref<10240x128xf32, #tpu.memory_space<vmem_shared>> -> memref<80x128xf32, #tpu.memory_space<vmem_shared>>
      %dma_wait3A_99 = arith.constant 0 : i32
      %dma_wait3A_100 = tpu.memref_slice %arg6[%add3A_34, %dma_wait3A_99] : memref<10240x128xf32, #tpu.memory_space<vmem_shared>> -> memref<80x128xf32, #tpu.memory_space<vmem_shared>>
      tpu.wait_dma2 semaphore(%run_scoped3A : memref<!tpu.dma_semaphore, #tpu.memory_space<semaphore_mem>>) src(%arg7 : memref<80x128xf32, #tpu.memory_space<vmem>>) dst(%dma_wait3A_100 : memref<80x128xf32, #tpu.memory_space<vmem_shared>>)
      tpu.yield
    }) : () -> ()
    %barrier3A = arith.constant 0 : index
    tpu.barrier barrier_id(%barrier3A)
    %mul3A_35 = arith.constant 16 : i32
    %mul3A_36 = arith.muli %arg0, %mul3A_35 : i32
    %add3A_37 = arith.addi %mul3A_36, %arg1 : i32
    %mul3A_38 = arith.constant 10000 : i32
    %mul3A_39 = arith.muli %add3A_37, %mul3A_38 : i32
    %add3A_40 = arith.constant 0 : i32
    %add3A_41 = arith.addi %mul3A_39, %add3A_40 : i32
    %dma_start3A = tpu.memref_slice %arg3[%add3A_41] : memref<320000xi32, #tpu.memory_space<hbm>> -> memref<80xi32, #tpu.memory_space<hbm>>
    %dma_start3A_42 = tpu.memref_slice %arg3[%add3A_41] : memref<320000xi32, #tpu.memory_space<hbm>> -> memref<80xi32, #tpu.memory_space<hbm>>
    tpu.enqueue_dma source(%dma_start3A_42 : memref<80xi32, #tpu.memory_space<hbm>>) target(%arg11 : memref<80xi32, #tpu.memory_space<vmem>>) target_semaphore(%arg35 : memref<!tpu.dma_semaphore, #tpu.memory_space<semaphore_mem>>)
    %dma_start3A_43 = tpu.memref_slice %arg4[%add3A_41] : memref<320000xi32, #tpu.memory_space<hbm>> -> memref<80xi32, #tpu.memory_space<hbm>>
    %dma_start3A_44 = tpu.memref_slice %arg4[%add3A_41] : memref<320000xi32, #tpu.memory_space<hbm>> -> memref<80xi32, #tpu.memory_space<hbm>>
    tpu.enqueue_dma source(%dma_start3A_44 : memref<80xi32, #tpu.memory_space<hbm>>) target(%arg19 : memref<80xi32, #tpu.memory_space<vmem>>) target_semaphore(%arg43 : memref<!tpu.dma_semaphore, #tpu.memory_space<semaphore_mem>>)
    %add3A_45 = arith.constant 80 : i32
    %add3A_46 = arith.addi %mul3A_39, %add3A_45 : i32
    %dma_start3A_47 = tpu.memref_slice %arg3[%add3A_46] : memref<320000xi32, #tpu.memory_space<hbm>> -> memref<80xi32, #tpu.memory_space<hbm>>
    %dma_start3A_48 = tpu.memref_slice %arg3[%add3A_46] : memref<320000xi32, #tpu.memory_space<hbm>> -> memref<80xi32, #tpu.memory_space<hbm>>
    tpu.enqueue_dma source(%dma_start3A_48 : memref<80xi32, #tpu.memory_space<hbm>>) target(%arg12 : memref<80xi32, #tpu.memory_space<vmem>>) target_semaphore(%arg36 : memref<!tpu.dma_semaphore, #tpu.memory_space<semaphore_mem>>)
    %dma_start3A_49 = tpu.memref_slice %arg4[%add3A_46] : memref<320000xi32, #tpu.memory_space<hbm>> -> memref<80xi32, #tpu.memory_space<hbm>>
    %dma_start3A_50 = tpu.memref_slice %arg4[%add3A_46] : memref<320000xi32, #tpu.memory_space<hbm>> -> memref<80xi32, #tpu.memory_space<hbm>>
    tpu.enqueue_dma source(%dma_start3A_50 : memref<80xi32, #tpu.memory_space<hbm>>) target(%arg20 : memref<80xi32, #tpu.memory_space<vmem>>) target_semaphore(%arg44 : memref<!tpu.dma_semaphore, #tpu.memory_space<semaphore_mem>>)
    %add3A_51 = arith.constant 160 : i32
    %add3A_52 = arith.addi %mul3A_39, %add3A_51 : i32
    %dma_start3A_53 = tpu.memref_slice %arg3[%add3A_52] : memref<320000xi32, #tpu.memory_space<hbm>> -> memref<80xi32, #tpu.memory_space<hbm>>
    %dma_start3A_54 = tpu.memref_slice %arg3[%add3A_52] : memref<320000xi32, #tpu.memory_space<hbm>> -> memref<80xi32, #tpu.memory_space<hbm>>
    tpu.enqueue_dma source(%dma_start3A_54 : memref<80xi32, #tpu.memory_space<hbm>>) target(%arg13 : memref<80xi32, #tpu.memory_space<vmem>>) target_semaphore(%arg37 : memref<!tpu.dma_semaphore, #tpu.memory_space<semaphore_mem>>)
    %dma_start3A_55 = tpu.memref_slice %arg4[%add3A_52] : memref<320000xi32, #tpu.memory_space<hbm>> -> memref<80xi32, #tpu.memory_space<hbm>>
    %dma_start3A_56 = tpu.memref_slice %arg4[%add3A_52] : memref<320000xi32, #tpu.memory_space<hbm>> -> memref<80xi32, #tpu.memory_space<hbm>>
    tpu.enqueue_dma source(%dma_start3A_56 : memref<80xi32, #tpu.memory_space<hbm>>) target(%arg21 : memref<80xi32, #tpu.memory_space<vmem>>) target_semaphore(%arg45 : memref<!tpu.dma_semaphore, #tpu.memory_space<semaphore_mem>>)
    %add3A_57 = arith.constant 0 : i32
    %add3A_58 = arith.addi %mul3A_39, %add3A_57 : i32
    %dma_wait3A = tpu.memref_slice %arg3[%add3A_58] : memref<320000xi32, #tpu.memory_space<hbm>> -> memref<80xi32, #tpu.memory_space<hbm>>
    %dma_wait3A_59 = tpu.memref_slice %arg3[%add3A_58] : memref<320000xi32, #tpu.memory_space<hbm>> -> memref<80xi32, #tpu.memory_space<hbm>>
    tpu.wait_dma2 semaphore(%arg35 : memref<!tpu.dma_semaphore, #tpu.memory_space<semaphore_mem>>) src(%dma_wait3A_59 : memref<80xi32, #tpu.memory_space<hbm>>) dst(%arg11 : memref<80xi32, #tpu.memory_space<vmem>>)
    %dma_start3A_60 = arith.constant 0 : i32
    %dma_start3A_61 = arith.constant 0 : i32
    %dma_start3A_62 = tpu.memref_slice %arg2[%dma_start3A_60, %dma_start3A_61] : memref<10000x128xf32, #tpu.memory_space<hbm>> -> memref<10000x128xf32, #tpu.memory_space<hbm>>
    tpu.enqueue_indirect_dma source(%dma_start3A_62 : memref<10000x128xf32, #tpu.memory_space<hbm>>) target(%arg7 : memref<80x128xf32, #tpu.memory_space<vmem>>) offsets(%arg11 : memref<80xi32, #tpu.memory_space<vmem>>) semaphore(%arg27 : memref<!tpu.dma_semaphore, #tpu.memory_space<semaphore_mem>>)
    %add3A_63 = arith.constant 80 : i32
    %add3A_64 = arith.addi %mul3A_39, %add3A_63 : i32
    %dma_wait3A_65 = tpu.memref_slice %arg3[%add3A_64] : memref<320000xi32, #tpu.memory_space<hbm>> -> memref<80xi32, #tpu.memory_space<hbm>>
    %dma_wait3A_66 = tpu.memref_slice %arg3[%add3A_64] : memref<320000xi32, #tpu.memory_space<hbm>> -> memref<80xi32, #tpu.memory_space<hbm>>
    tpu.wait_dma2 semaphore(%arg36 : memref<!tpu.dma_semaphore, #tpu.memory_space<semaphore_mem>>) src(%dma_wait3A_66 : memref<80xi32, #tpu.memory_space<hbm>>) dst(%arg12 : memref<80xi32, #tpu.memory_space<vmem>>)
    %dma_start3A_67 = arith.constant 0 : i32
    %dma_start3A_68 = arith.constant 0 : i32
    %dma_start3A_69 = tpu.memref_slice %arg2[%dma_start3A_67, %dma_start3A_68] : memref<10000x128xf32, #tpu.memory_space<hbm>> -> memref<10000x128xf32, #tpu.memory_space<hbm>>
    tpu.enqueue_indirect_dma source(%dma_start3A_69 : memref<10000x128xf32, #tpu.memory_space<hbm>>) target(%arg8 : memref<80x128xf32, #tpu.memory_space<vmem>>) offsets(%arg12 : memref<80xi32, #tpu.memory_space<vmem>>) semaphore(%arg28 : memref<!tpu.dma_semaphore, #tpu.memory_space<semaphore_mem>>)
    %scan3A_70 = arith.constant 0 : i32
    %scan3A_71 = arith.constant 0 : i32
    %scan3A_72 = arith.constant 16 : i32
    %scan3A_73 = arith.addi %scan3A_71, %scan3A_72 : i32
    %scan3A_74 = arith.constant 1 : i32
    scf.for %scan3A_93 = %scan3A_71 to %scan3A_73 step %scan3A_74  : i32 {
      %mul3A_94 = arith.constant 8 : i32
      %mul3A_95 = arith.muli %scan3A_93, %mul3A_94 : i32
      %add3A_96 = arith.constant 0 : i32
      %add3A_97 = arith.addi %mul3A_95, %add3A_96 : i32
      %lt3A = arith.constant 125 : i32
      %lt3A_98 = arith.cmpi slt, %add3A_97, %lt3A : i32
      %convert_element_type3A = arith.extui %lt3A_98 : i1 to i32
      %cond3A = arith.constant 0 : i32
      %cond3A_99 = arith.cmpi ne, %convert_element_type3A, %cond3A : i32
      scf.if %cond3A_99 {
        %mul3A_163 = arith.constant 80 : i32
        %mul3A_164 = arith.muli %add3A_97, %mul3A_163 : i32
        %add3A_165 = arith.addi %mul3A_39, %mul3A_164 : i32
        %dma_wait3A_166 = tpu.memref_slice %arg4[%add3A_165] : memref<320000xi32, #tpu.memory_space<hbm>> -> memref<80xi32, #tpu.memory_space<hbm>>
        %dma_wait3A_167 = tpu.memref_slice %arg4[%add3A_165] : memref<320000xi32, #tpu.memory_space<hbm>> -> memref<80xi32, #tpu.memory_space<hbm>>
        tpu.wait_dma2 semaphore(%arg43 : memref<!tpu.dma_semaphore, #tpu.memory_space<semaphore_mem>>) src(%dma_wait3A_167 : memref<80xi32, #tpu.memory_space<hbm>>) dst(%arg19 : memref<80xi32, #tpu.memory_space<vmem>>)
        %dma_wait3A_168 = arith.constant 0 : i32
        %dma_wait3A_169 = arith.constant 0 : i32
        %dma_wait3A_170 = tpu.memref_slice %arg2[%dma_wait3A_168, %dma_wait3A_169] : memref<10000x128xf32, #tpu.memory_space<hbm>> -> memref<10000x128xf32, #tpu.memory_space<hbm>>
        tpu.wait_indirect_dma semaphore(%arg27 : memref<!tpu.dma_semaphore, #tpu.memory_space<semaphore_mem>>) src(%dma_wait3A_170 : memref<10000x128xf32, #tpu.memory_space<hbm>>) dst(%arg7 : memref<80x128xf32, #tpu.memory_space<vmem>>)
        %dma_start3A_171 = arith.constant 0 : i32
        %dma_start3A_172 = arith.constant 0 : i32
        %dma_start3A_173 = tpu.memref_slice %arg6[%dma_start3A_171, %dma_start3A_172] : memref<10240x128xf32, #tpu.memory_space<vmem_shared>> -> memref<10240x128xf32, #tpu.memory_space<vmem_shared>>
        tpu.enqueue_indirect_dma source(%arg7 : memref<80x128xf32, #tpu.memory_space<vmem>>) target(%dma_start3A_173 : memref<10240x128xf32, #tpu.memory_space<vmem_shared>>) offsets(%arg19 : memref<80xi32, #tpu.memory_space<vmem>>) semaphore(%arg31 : memref<!tpu.dma_semaphore, #tpu.memory_space<semaphore_mem>>) {add = true}
        %add3A_174 = arith.constant 3 : i32
        %add3A_175 = arith.addi %add3A_97, %add3A_174 : i32
        %lt3A_176 = arith.constant 125 : i32
        %lt3A_177 = arith.cmpi slt, %add3A_175, %lt3A_176 : i32
        %convert_element_type3A_178 = arith.extui %lt3A_177 : i1 to i32
        %cond3A_179 = arith.constant 0 : i32
        %cond3A_180 = arith.cmpi ne, %convert_element_type3A_178, %cond3A_179 : i32
        scf.if %cond3A_180 {
          %mul3A_188 = arith.constant 80 : i32
          %mul3A_189 = arith.muli %add3A_175, %mul3A_188 : i32
          %add3A_190 = arith.addi %mul3A_39, %mul3A_189 : i32
          %dma_start3A_191 = tpu.memref_slice %arg3[%add3A_190] : memref<320000xi32, #tpu.memory_space<hbm>> -> memref<80xi32, #tpu.memory_space<hbm>>
          %dma_start3A_192 = tpu.memref_slice %arg3[%add3A_190] : memref<320000xi32, #tpu.memory_space<hbm>> -> memref<80xi32, #tpu.memory_space<hbm>>
          tpu.enqueue_dma source(%dma_start3A_192 : memref<80xi32, #tpu.memory_space<hbm>>) target(%arg14 : memref<80xi32, #tpu.memory_space<vmem>>) target_semaphore(%arg38 : memref<!tpu.dma_semaphore, #tpu.memory_space<semaphore_mem>>)
          %dma_start3A_193 = tpu.memref_slice %arg4[%add3A_190] : memref<320000xi32, #tpu.memory_space<hbm>> -> memref<80xi32, #tpu.memory_space<hbm>>
          %dma_start3A_194 = tpu.memref_slice %arg4[%add3A_190] : memref<320000xi32, #tpu.memory_space<hbm>> -> memref<80xi32, #tpu.memory_space<hbm>>
          tpu.enqueue_dma source(%dma_start3A_194 : memref<80xi32, #tpu.memory_space<hbm>>) target(%arg22 : memref<80xi32, #tpu.memory_space<vmem>>) target_semaphore(%arg46 : memref<!tpu.dma_semaphore, #tpu.memory_space<semaphore_mem>>)
        } else {
        }
        %add3A_181 = arith.constant 2 : i32
        %add3A_182 = arith.addi %add3A_97, %add3A_181 : i32
        %lt3A_183 = arith.constant 125 : i32
        %lt3A_184 = arith.cmpi slt, %add3A_182, %lt3A_183 : i32
        %convert_element_type3A_185 = arith.extui %lt3A_184 : i1 to i32
        %cond3A_186 = arith.constant 0 : i32
        %cond3A_187 = arith.cmpi ne, %convert_element_type3A_185, %cond3A_186 : i32
        scf.if %cond3A_187 {
          %ge3A = arith.constant 2 : i32
          %ge3A_188 = arith.cmpi sge, %add3A_97, %ge3A : i32
          %convert_element_type3A_189 = arith.extui %ge3A_188 : i1 to i32
          %cond3A_190 = arith.constant 0 : i32
          %cond3A_191 = arith.cmpi ne, %convert_element_type3A_189, %cond3A_190 : i32
          scf.if %cond3A_191 {
            %dma_wait3A_200 = arith.constant 0 : i32
            %dma_wait3A_201 = arith.constant 0 : i32
            %dma_wait3A_202 = tpu.memref_slice %arg6[%dma_wait3A_200, %dma_wait3A_201] : memref<10240x128xf32, #tpu.memory_space<vmem_shared>> -> memref<10240x128xf32, #tpu.memory_space<vmem_shared>>
            tpu.wait_indirect_dma semaphore(%arg33 : memref<!tpu.dma_semaphore, #tpu.memory_space<semaphore_mem>>) src(%arg9 : memref<80x128xf32, #tpu.memory_space<vmem>>) dst(%dma_wait3A_202 : memref<10240x128xf32, #tpu.memory_space<vmem_shared>>)
          } else {
          }
          %mul3A_192 = arith.constant 80 : i32
          %mul3A_193 = arith.muli %add3A_182, %mul3A_192 : i32
          %add3A_194 = arith.addi %mul3A_39, %mul3A_193 : i32
          %dma_wait3A_195 = tpu.memref_slice %arg3[%add3A_194] : memref<320000xi32, #tpu.memory_space<hbm>> -> memref<80xi32, #tpu.memory_space<hbm>>
          %dma_wait3A_196 = tpu.memref_slice %arg3[%add3A_194] : memref<320000xi32, #tpu.memory_space<hbm>> -> memref<80xi32, #tpu.memory_space<hbm>>
          tpu.wait_dma2 semaphore(%arg37 : memref<!tpu.dma_semaphore, #tpu.memory_space<semaphore_mem>>) src(%dma_wait3A_196 : memref<80xi32, #tpu.memory_space<hbm>>) dst(%arg13 : memref<80xi32, #tpu.memory_space<vmem>>)
          %dma_start3A_197 = arith.constant 0 : i32
          %dma_start3A_198 = arith.constant 0 : i32
          %dma_start3A_199 = tpu.memref_slice %arg2[%dma_start3A_197, %dma_start3A_198] : memref<10000x128xf32, #tpu.memory_space<hbm>> -> memref<10000x128xf32, #tpu.memory_space<hbm>>
          tpu.enqueue_indirect_dma source(%dma_start3A_199 : memref<10000x128xf32, #tpu.memory_space<hbm>>) target(%arg9 : memref<80x128xf32, #tpu.memory_space<vmem>>) offsets(%arg13 : memref<80xi32, #tpu.memory_space<vmem>>) semaphore(%arg29 : memref<!tpu.dma_semaphore, #tpu.memory_space<semaphore_mem>>)
        } else {
        }
      } else {
      }
      %mul3A_100 = arith.constant 8 : i32
      %mul3A_101 = arith.muli %scan3A_93, %mul3A_100 : i32
      %add3A_102 = arith.constant 1 : i32
      %add3A_103 = arith.addi %mul3A_101, %add3A_102 : i32
      %lt3A_104 = arith.constant 125 : i32
      %lt3A_105 = arith.cmpi slt, %add3A_103, %lt3A_104 : i32
      %convert_element_type3A_106 = arith.extui %lt3A_105 : i1 to i32
      %cond3A_107 = arith.constant 0 : i32
      %cond3A_108 = arith.cmpi ne, %convert_element_type3A_106, %cond3A_107 : i32
      scf.if %cond3A_108 {
        %mul3A_163 = arith.constant 80 : i32
        %mul3A_164 = arith.muli %add3A_103, %mul3A_163 : i32
        %add3A_165 = arith.addi %mul3A_39, %mul3A_164 : i32
        %dma_wait3A_166 = tpu.memref_slice %arg4[%add3A_165] : memref<320000xi32, #tpu.memory_space<hbm>> -> memref<80xi32, #tpu.memory_space<hbm>>
        %dma_wait3A_167 = tpu.memref_slice %arg4[%add3A_165] : memref<320000xi32, #tpu.memory_space<hbm>> -> memref<80xi32, #tpu.memory_space<hbm>>
        tpu.wait_dma2 semaphore(%arg44 : memref<!tpu.dma_semaphore, #tpu.memory_space<semaphore_mem>>) src(%dma_wait3A_167 : memref<80xi32, #tpu.memory_space<hbm>>) dst(%arg20 : memref<80xi32, #tpu.memory_space<vmem>>)
        %dma_wait3A_168 = arith.constant 0 : i32
        %dma_wait3A_169 = arith.constant 0 : i32
        %dma_wait3A_170 = tpu.memref_slice %arg2[%dma_wait3A_168, %dma_wait3A_169] : memref<10000x128xf32, #tpu.memory_space<hbm>> -> memref<10000x128xf32, #tpu.memory_space<hbm>>
        tpu.wait_indirect_dma semaphore(%arg28 : memref<!tpu.dma_semaphore, #tpu.memory_space<semaphore_mem>>) src(%dma_wait3A_170 : memref<10000x128xf32, #tpu.memory_space<hbm>>) dst(%arg8 : memref<80x128xf32, #tpu.memory_space<vmem>>)
        %dma_start3A_171 = arith.constant 0 : i32
        %dma_start3A_172 = arith.constant 0 : i32
        %dma_start3A_173 = tpu.memref_slice %arg6[%dma_start3A_171, %dma_start3A_172] : memref<10240x128xf32, #tpu.memory_space<vmem_shared>> -> memref<10240x128xf32, #tpu.memory_space<vmem_shared>>
        tpu.enqueue_indirect_dma source(%arg8 : memref<80x128xf32, #tpu.memory_space<vmem>>) target(%dma_start3A_173 : memref<10240x128xf32, #tpu.memory_space<vmem_shared>>) offsets(%arg20 : memref<80xi32, #tpu.memory_space<vmem>>) semaphore(%arg32 : memref<!tpu.dma_semaphore, #tpu.memory_space<semaphore_mem>>) {add = true}
        %add3A_174 = arith.constant 3 : i32
        %add3A_175 = arith.addi %add3A_103, %add3A_174 : i32
        %lt3A_176 = arith.constant 125 : i32
        %lt3A_177 = arith.cmpi slt, %add3A_175, %lt3A_176 : i32
        %convert_element_type3A_178 = arith.extui %lt3A_177 : i1 to i32
        %cond3A_179 = arith.constant 0 : i32
        %cond3A_180 = arith.cmpi ne, %convert_element_type3A_178, %cond3A_179 : i32
        scf.if %cond3A_180 {
          %mul3A_188 = arith.constant 80 : i32
          %mul3A_189 = arith.muli %add3A_175, %mul3A_188 : i32
          %add3A_190 = arith.addi %mul3A_39, %mul3A_189 : i32
          %dma_start3A_191 = tpu.memref_slice %arg3[%add3A_190] : memref<320000xi32, #tpu.memory_space<hbm>> -> memref<80xi32, #tpu.memory_space<hbm>>
          %dma_start3A_192 = tpu.memref_slice %arg3[%add3A_190] : memref<320000xi32, #tpu.memory_space<hbm>> -> memref<80xi32, #tpu.memory_space<hbm>>
          tpu.enqueue_dma source(%dma_start3A_192 : memref<80xi32, #tpu.memory_space<hbm>>) target(%arg15 : memref<80xi32, #tpu.memory_space<vmem>>) target_semaphore(%arg39 : memref<!tpu.dma_semaphore, #tpu.memory_space<semaphore_mem>>)
          %dma_start3A_193 = tpu.memref_slice %arg4[%add3A_190] : memref<320000xi32, #tpu.memory_space<hbm>> -> memref<80xi32, #tpu.memory_space<hbm>>
          %dma_start3A_194 = tpu.memref_slice %arg4[%add3A_190] : memref<320000xi32, #tpu.memory_space<hbm>> -> memref<80xi32, #tpu.memory_space<hbm>>
          tpu.enqueue_dma source(%dma_start3A_194 : memref<80xi32, #tpu.memory_space<hbm>>) target(%arg23 : memref<80xi32, #tpu.memory_space<vmem>>) target_semaphore(%arg47 : memref<!tpu.dma_semaphore, #tpu.memory_space<semaphore_mem>>)
        } else {
        }
        %add3A_181 = arith.constant 2 : i32
        %add3A_182 = arith.addi %add3A_103, %add3A_181 : i32
        %lt3A_183 = arith.constant 125 : i32
        %lt3A_184 = arith.cmpi slt, %add3A_182, %lt3A_183 : i32
        %convert_element_type3A_185 = arith.extui %lt3A_184 : i1 to i32
        %cond3A_186 = arith.constant 0 : i32
        %cond3A_187 = arith.cmpi ne, %convert_element_type3A_185, %cond3A_186 : i32
        scf.if %cond3A_187 {
          %ge3A = arith.constant 2 : i32
          %ge3A_188 = arith.cmpi sge, %add3A_103, %ge3A : i32
          %convert_element_type3A_189 = arith.extui %ge3A_188 : i1 to i32
          %cond3A_190 = arith.constant 0 : i32
          %cond3A_191 = arith.cmpi ne, %convert_element_type3A_189, %cond3A_190 : i32
          scf.if %cond3A_191 {
            %dma_wait3A_200 = arith.constant 0 : i32
            %dma_wait3A_201 = arith.constant 0 : i32
            %dma_wait3A_202 = tpu.memref_slice %arg6[%dma_wait3A_200, %dma_wait3A_201] : memref<10240x128xf32, #tpu.memory_space<vmem_shared>> -> memref<10240x128xf32, #tpu.memory_space<vmem_shared>>
            tpu.wait_indirect_dma semaphore(%arg34 : memref<!tpu.dma_semaphore, #tpu.memory_space<semaphore_mem>>) src(%arg10 : memref<80x128xf32, #tpu.memory_space<vmem>>) dst(%dma_wait3A_202 : memref<10240x128xf32, #tpu.memory_space<vmem_shared>>)
          } else {
          }
          %mul3A_192 = arith.constant 80 : i32
          %mul3A_193 = arith.muli %add3A_182, %mul3A_192 : i32
          %add3A_194 = arith.addi %mul3A_39, %mul3A_193 : i32
          %dma_wait3A_195 = tpu.memref_slice %arg3[%add3A_194] : memref<320000xi32, #tpu.memory_space<hbm>> -> memref<80xi32, #tpu.memory_space<hbm>>
          %dma_wait3A_196 = tpu.memref_slice %arg3[%add3A_194] : memref<320000xi32, #tpu.memory_space<hbm>> -> memref<80xi32, #tpu.memory_space<hbm>>
          tpu.wait_dma2 semaphore(%arg38 : memref<!tpu.dma_semaphore, #tpu.memory_space<semaphore_mem>>) src(%dma_wait3A_196 : memref<80xi32, #tpu.memory_space<hbm>>) dst(%arg14 : memref<80xi32, #tpu.memory_space<vmem>>)
          %dma_start3A_197 = arith.constant 0 : i32
          %dma_start3A_198 = arith.constant 0 : i32
          %dma_start3A_199 = tpu.memref_slice %arg2[%dma_start3A_197, %dma_start3A_198] : memref<10000x128xf32, #tpu.memory_space<hbm>> -> memref<10000x128xf32, #tpu.memory_space<hbm>>
          tpu.enqueue_indirect_dma source(%dma_start3A_199 : memref<10000x128xf32, #tpu.memory_space<hbm>>) target(%arg10 : memref<80x128xf32, #tpu.memory_space<vmem>>) offsets(%arg14 : memref<80xi32, #tpu.memory_space<vmem>>) semaphore(%arg30 : memref<!tpu.dma_semaphore, #tpu.memory_space<semaphore_mem>>)
        } else {
        }
      } else {
      }
      %mul3A_109 = arith.constant 8 : i32
      %mul3A_110 = arith.muli %scan3A_93, %mul3A_109 : i32
      %add3A_111 = arith.constant 2 : i32
      %add3A_112 = arith.addi %mul3A_110, %add3A_111 : i32
      %lt3A_113 = arith.constant 125 : i32
      %lt3A_114 = arith.cmpi slt, %add3A_112, %lt3A_113 : i32
      %convert_element_type3A_115 = arith.extui %lt3A_114 : i1 to i32
      %cond3A_116 = arith.constant 0 : i32
      %cond3A_117 = arith.cmpi ne, %convert_element_type3A_115, %cond3A_116 : i32
      scf.if %cond3A_117 {
        %mul3A_163 = arith.constant 80 : i32
        %mul3A_164 = arith.muli %add3A_112, %mul3A_163 : i32
        %add3A_165 = arith.addi %mul3A_39, %mul3A_164 : i32
        %dma_wait3A_166 = tpu.memref_slice %arg4[%add3A_165] : memref<320000xi32, #tpu.memory_space<hbm>> -> memref<80xi32, #tpu.memory_space<hbm>>
        %dma_wait3A_167 = tpu.memref_slice %arg4[%add3A_165] : memref<320000xi32, #tpu.memory_space<hbm>> -> memref<80xi32, #tpu.memory_space<hbm>>
        tpu.wait_dma2 semaphore(%arg45 : memref<!tpu.dma_semaphore, #tpu.memory_space<semaphore_mem>>) src(%dma_wait3A_167 : memref<80xi32, #tpu.memory_space<hbm>>) dst(%arg21 : memref<80xi32, #tpu.memory_space<vmem>>)
        %dma_wait3A_168 = arith.constant 0 : i32
        %dma_wait3A_169 = arith.constant 0 : i32
        %dma_wait3A_170 = tpu.memref_slice %arg2[%dma_wait3A_168, %dma_wait3A_169] : memref<10000x128xf32, #tpu.memory_space<hbm>> -> memref<10000x128xf32, #tpu.memory_space<hbm>>
        tpu.wait_indirect_dma semaphore(%arg29 : memref<!tpu.dma_semaphore, #tpu.memory_space<semaphore_mem>>) src(%dma_wait3A_170 : memref<10000x128xf32, #tpu.memory_space<hbm>>) dst(%arg9 : memref<80x128xf32, #tpu.memory_space<vmem>>)
        %dma_start3A_171 = arith.constant 0 : i32
        %dma_start3A_172 = arith.constant 0 : i32
        %dma_start3A_173 = tpu.memref_slice %arg6[%dma_start3A_171, %dma_start3A_172] : memref<10240x128xf32, #tpu.memory_space<vmem_shared>> -> memref<10240x128xf32, #tpu.memory_space<vmem_shared>>
        tpu.enqueue_indirect_dma source(%arg9 : memref<80x128xf32, #tpu.memory_space<vmem>>) target(%dma_start3A_173 : memref<10240x128xf32, #tpu.memory_space<vmem_shared>>) offsets(%arg21 : memref<80xi32, #tpu.memory_space<vmem>>) semaphore(%arg33 : memref<!tpu.dma_semaphore, #tpu.memory_space<semaphore_mem>>) {add = true}
        %add3A_174 = arith.constant 3 : i32
        %add3A_175 = arith.addi %add3A_112, %add3A_174 : i32
        %lt3A_176 = arith.constant 125 : i32
        %lt3A_177 = arith.cmpi slt, %add3A_175, %lt3A_176 : i32
        %convert_element_type3A_178 = arith.extui %lt3A_177 : i1 to i32
        %cond3A_179 = arith.constant 0 : i32
        %cond3A_180 = arith.cmpi ne, %convert_element_type3A_178, %cond3A_179 : i32
        scf.if %cond3A_180 {
          %mul3A_188 = arith.constant 80 : i32
          %mul3A_189 = arith.muli %add3A_175, %mul3A_188 : i32
          %add3A_190 = arith.addi %mul3A_39, %mul3A_189 : i32
          %dma_start3A_191 = tpu.memref_slice %arg3[%add3A_190] : memref<320000xi32, #tpu.memory_space<hbm>> -> memref<80xi32, #tpu.memory_space<hbm>>
          %dma_start3A_192 = tpu.memref_slice %arg3[%add3A_190] : memref<320000xi32, #tpu.memory_space<hbm>> -> memref<80xi32, #tpu.memory_space<hbm>>
          tpu.enqueue_dma source(%dma_start3A_192 : memref<80xi32, #tpu.memory_space<hbm>>) target(%arg16 : memref<80xi32, #tpu.memory_space<vmem>>) target_semaphore(%arg40 : memref<!tpu.dma_semaphore, #tpu.memory_space<semaphore_mem>>)
          %dma_start3A_193 = tpu.memref_slice %arg4[%add3A_190] : memref<320000xi32, #tpu.memory_space<hbm>> -> memref<80xi32, #tpu.memory_space<hbm>>
          %dma_start3A_194 = tpu.memref_slice %arg4[%add3A_190] : memref<320000xi32, #tpu.memory_space<hbm>> -> memref<80xi32, #tpu.memory_space<hbm>>
          tpu.enqueue_dma source(%dma_start3A_194 : memref<80xi32, #tpu.memory_space<hbm>>) target(%arg24 : memref<80xi32, #tpu.memory_space<vmem>>) target_semaphore(%arg48 : memref<!tpu.dma_semaphore, #tpu.memory_space<semaphore_mem>>)
        } else {
        }
        %add3A_181 = arith.constant 2 : i32
        %add3A_182 = arith.addi %add3A_112, %add3A_181 : i32
        %lt3A_183 = arith.constant 125 : i32
        %lt3A_184 = arith.cmpi slt, %add3A_182, %lt3A_183 : i32
        %convert_element_type3A_185 = arith.extui %lt3A_184 : i1 to i32
        %cond3A_186 = arith.constant 0 : i32
        %cond3A_187 = arith.cmpi ne, %convert_element_type3A_185, %cond3A_186 : i32
        scf.if %cond3A_187 {
          %ge3A = arith.constant 2 : i32
          %ge3A_188 = arith.cmpi sge, %add3A_112, %ge3A : i32
          %convert_element_type3A_189 = arith.extui %ge3A_188 : i1 to i32
          %cond3A_190 = arith.constant 0 : i32
          %cond3A_191 = arith.cmpi ne, %convert_element_type3A_189, %cond3A_190 : i32
          scf.if %cond3A_191 {
            %dma_wait3A_200 = arith.constant 0 : i32
            %dma_wait3A_201 = arith.constant 0 : i32
            %dma_wait3A_202 = tpu.memref_slice %arg6[%dma_wait3A_200, %dma_wait3A_201] : memref<10240x128xf32, #tpu.memory_space<vmem_shared>> -> memref<10240x128xf32, #tpu.memory_space<vmem_shared>>
            tpu.wait_indirect_dma semaphore(%arg31 : memref<!tpu.dma_semaphore, #tpu.memory_space<semaphore_mem>>) src(%arg7 : memref<80x128xf32, #tpu.memory_space<vmem>>) dst(%dma_wait3A_202 : memref<10240x128xf32, #tpu.memory_space<vmem_shared>>)
          } else {
          }
          %mul3A_192 = arith.constant 80 : i32
          %mul3A_193 = arith.muli %add3A_182, %mul3A_192 : i32
          %add3A_194 = arith.addi %mul3A_39, %mul3A_193 : i32
          %dma_wait3A_195 = tpu.memref_slice %arg3[%add3A_194] : memref<320000xi32, #tpu.memory_space<hbm>> -> memref<80xi32, #tpu.memory_space<hbm>>
          %dma_wait3A_196 = tpu.memref_slice %arg3[%add3A_194] : memref<320000xi32, #tpu.memory_space<hbm>> -> memref<80xi32, #tpu.memory_space<hbm>>
          tpu.wait_dma2 semaphore(%arg39 : memref<!tpu.dma_semaphore, #tpu.memory_space<semaphore_mem>>) src(%dma_wait3A_196 : memref<80xi32, #tpu.memory_space<hbm>>) dst(%arg15 : memref<80xi32, #tpu.memory_space<vmem>>)
          %dma_start3A_197 = arith.constant 0 : i32
          %dma_start3A_198 = arith.constant 0 : i32
          %dma_start3A_199 = tpu.memref_slice %arg2[%dma_start3A_197, %dma_start3A_198] : memref<10000x128xf32, #tpu.memory_space<hbm>> -> memref<10000x128xf32, #tpu.memory_space<hbm>>
          tpu.enqueue_indirect_dma source(%dma_start3A_199 : memref<10000x128xf32, #tpu.memory_space<hbm>>) target(%arg7 : memref<80x128xf32, #tpu.memory_space<vmem>>) offsets(%arg15 : memref<80xi32, #tpu.memory_space<vmem>>) semaphore(%arg27 : memref<!tpu.dma_semaphore, #tpu.memory_space<semaphore_mem>>)
        } else {
        }
      } else {
      }
      %mul3A_118 = arith.constant 8 : i32
      %mul3A_119 = arith.muli %scan3A_93, %mul3A_118 : i32
      %add3A_120 = arith.constant 3 : i32
      %add3A_121 = arith.addi %mul3A_119, %add3A_120 : i32
      %lt3A_122 = arith.constant 125 : i32
      %lt3A_123 = arith.cmpi slt, %add3A_121, %lt3A_122 : i32
      %convert_element_type3A_124 = arith.extui %lt3A_123 : i1 to i32
      %cond3A_125 = arith.constant 0 : i32
      %cond3A_126 = arith.cmpi ne, %convert_element_type3A_124, %cond3A_125 : i32
      scf.if %cond3A_126 {
        %mul3A_163 = arith.constant 80 : i32
        %mul3A_164 = arith.muli %add3A_121, %mul3A_163 : i32
        %add3A_165 = arith.addi %mul3A_39, %mul3A_164 : i32
        %dma_wait3A_166 = tpu.memref_slice %arg4[%add3A_165] : memref<320000xi32, #tpu.memory_space<hbm>> -> memref<80xi32, #tpu.memory_space<hbm>>
        %dma_wait3A_167 = tpu.memref_slice %arg4[%add3A_165] : memref<320000xi32, #tpu.memory_space<hbm>> -> memref<80xi32, #tpu.memory_space<hbm>>
        tpu.wait_dma2 semaphore(%arg46 : memref<!tpu.dma_semaphore, #tpu.memory_space<semaphore_mem>>) src(%dma_wait3A_167 : memref<80xi32, #tpu.memory_space<hbm>>) dst(%arg22 : memref<80xi32, #tpu.memory_space<vmem>>)
        %dma_wait3A_168 = arith.constant 0 : i32
        %dma_wait3A_169 = arith.constant 0 : i32
        %dma_wait3A_170 = tpu.memref_slice %arg2[%dma_wait3A_168, %dma_wait3A_169] : memref<10000x128xf32, #tpu.memory_space<hbm>> -> memref<10000x128xf32, #tpu.memory_space<hbm>>
        tpu.wait_indirect_dma semaphore(%arg30 : memref<!tpu.dma_semaphore, #tpu.memory_space<semaphore_mem>>) src(%dma_wait3A_170 : memref<10000x128xf32, #tpu.memory_space<hbm>>) dst(%arg10 : memref<80x128xf32, #tpu.memory_space<vmem>>)
        %dma_start3A_171 = arith.constant 0 : i32
        %dma_start3A_172 = arith.constant 0 : i32
        %dma_start3A_173 = tpu.memref_slice %arg6[%dma_start3A_171, %dma_start3A_172] : memref<10240x128xf32, #tpu.memory_space<vmem_shared>> -> memref<10240x128xf32, #tpu.memory_space<vmem_shared>>
        tpu.enqueue_indirect_dma source(%arg10 : memref<80x128xf32, #tpu.memory_space<vmem>>) target(%dma_start3A_173 : memref<10240x128xf32, #tpu.memory_space<vmem_shared>>) offsets(%arg22 : memref<80xi32, #tpu.memory_space<vmem>>) semaphore(%arg34 : memref<!tpu.dma_semaphore, #tpu.memory_space<semaphore_mem>>) {add = true}
        %add3A_174 = arith.constant 3 : i32
        %add3A_175 = arith.addi %add3A_121, %add3A_174 : i32
        %lt3A_176 = arith.constant 125 : i32
        %lt3A_177 = arith.cmpi slt, %add3A_175, %lt3A_176 : i32
        %convert_element_type3A_178 = arith.extui %lt3A_177 : i1 to i32
        %cond3A_179 = arith.constant 0 : i32
        %cond3A_180 = arith.cmpi ne, %convert_element_type3A_178, %cond3A_179 : i32
        scf.if %cond3A_180 {
          %mul3A_188 = arith.constant 80 : i32
          %mul3A_189 = arith.muli %add3A_175, %mul3A_188 : i32
          %add3A_190 = arith.addi %mul3A_39, %mul3A_189 : i32
          %dma_start3A_191 = tpu.memref_slice %arg3[%add3A_190] : memref<320000xi32, #tpu.memory_space<hbm>> -> memref<80xi32, #tpu.memory_space<hbm>>
          %dma_start3A_192 = tpu.memref_slice %arg3[%add3A_190] : memref<320000xi32, #tpu.memory_space<hbm>> -> memref<80xi32, #tpu.memory_space<hbm>>
          tpu.enqueue_dma source(%dma_start3A_192 : memref<80xi32, #tpu.memory_space<hbm>>) target(%arg17 : memref<80xi32, #tpu.memory_space<vmem>>) target_semaphore(%arg41 : memref<!tpu.dma_semaphore, #tpu.memory_space<semaphore_mem>>)
          %dma_start3A_193 = tpu.memref_slice %arg4[%add3A_190] : memref<320000xi32, #tpu.memory_space<hbm>> -> memref<80xi32, #tpu.memory_space<hbm>>
          %dma_start3A_194 = tpu.memref_slice %arg4[%add3A_190] : memref<320000xi32, #tpu.memory_space<hbm>> -> memref<80xi32, #tpu.memory_space<hbm>>
          tpu.enqueue_dma source(%dma_start3A_194 : memref<80xi32, #tpu.memory_space<hbm>>) target(%arg25 : memref<80xi32, #tpu.memory_space<vmem>>) target_semaphore(%arg49 : memref<!tpu.dma_semaphore, #tpu.memory_space<semaphore_mem>>)
        } else {
        }
        %add3A_181 = arith.constant 2 : i32
        %add3A_182 = arith.addi %add3A_121, %add3A_181 : i32
        %lt3A_183 = arith.constant 125 : i32
        %lt3A_184 = arith.cmpi slt, %add3A_182, %lt3A_183 : i32
        %convert_element_type3A_185 = arith.extui %lt3A_184 : i1 to i32
        %cond3A_186 = arith.constant 0 : i32
        %cond3A_187 = arith.cmpi ne, %convert_element_type3A_185, %cond3A_186 : i32
        scf.if %cond3A_187 {
          %ge3A = arith.constant 2 : i32
          %ge3A_188 = arith.cmpi sge, %add3A_121, %ge3A : i32
          %convert_element_type3A_189 = arith.extui %ge3A_188 : i1 to i32
          %cond3A_190 = arith.constant 0 : i32
          %cond3A_191 = arith.cmpi ne, %convert_element_type3A_189, %cond3A_190 : i32
          scf.if %cond3A_191 {
            %dma_wait3A_200 = arith.constant 0 : i32
            %dma_wait3A_201 = arith.constant 0 : i32
            %dma_wait3A_202 = tpu.memref_slice %arg6[%dma_wait3A_200, %dma_wait3A_201] : memref<10240x128xf32, #tpu.memory_space<vmem_shared>> -> memref<10240x128xf32, #tpu.memory_space<vmem_shared>>
            tpu.wait_indirect_dma semaphore(%arg32 : memref<!tpu.dma_semaphore, #tpu.memory_space<semaphore_mem>>) src(%arg8 : memref<80x128xf32, #tpu.memory_space<vmem>>) dst(%dma_wait3A_202 : memref<10240x128xf32, #tpu.memory_space<vmem_shared>>)
          } else {
          }
          %mul3A_192 = arith.constant 80 : i32
          %mul3A_193 = arith.muli %add3A_182, %mul3A_192 : i32
          %add3A_194 = arith.addi %mul3A_39, %mul3A_193 : i32
          %dma_wait3A_195 = tpu.memref_slice %arg3[%add3A_194] : memref<320000xi32, #tpu.memory_space<hbm>> -> memref<80xi32, #tpu.memory_space<hbm>>
          %dma_wait3A_196 = tpu.memref_slice %arg3[%add3A_194] : memref<320000xi32, #tpu.memory_space<hbm>> -> memref<80xi32, #tpu.memory_space<hbm>>
          tpu.wait_dma2 semaphore(%arg40 : memref<!tpu.dma_semaphore, #tpu.memory_space<semaphore_mem>>) src(%dma_wait3A_196 : memref<80xi32, #tpu.memory_space<hbm>>) dst(%arg16 : memref<80xi32, #tpu.memory_space<vmem>>)
          %dma_start3A_197 = arith.constant 0 : i32
          %dma_start3A_198 = arith.constant 0 : i32
          %dma_start3A_199 = tpu.memref_slice %arg2[%dma_start3A_197, %dma_start3A_198] : memref<10000x128xf32, #tpu.memory_space<hbm>> -> memref<10000x128xf32, #tpu.memory_space<hbm>>
          tpu.enqueue_indirect_dma source(%dma_start3A_199 : memref<10000x128xf32, #tpu.memory_space<hbm>>) target(%arg8 : memref<80x128xf32, #tpu.memory_space<vmem>>) offsets(%arg16 : memref<80xi32, #tpu.memory_space<vmem>>) semaphore(%arg28 : memref<!tpu.dma_semaphore, #tpu.memory_space<semaphore_mem>>)
        } else {
        }
      } else {
      }
      %mul3A_127 = arith.constant 8 : i32
      %mul3A_128 = arith.muli %scan3A_93, %mul3A_127 : i32
      %add3A_129 = arith.constant 4 : i32
      %add3A_130 = arith.addi %mul3A_128, %add3A_129 : i32
      %lt3A_131 = arith.constant 125 : i32
      %lt3A_132 = arith.cmpi slt, %add3A_130, %lt3A_131 : i32
      %convert_element_type3A_133 = arith.extui %lt3A_132 : i1 to i32
      %cond3A_134 = arith.constant 0 : i32
      %cond3A_135 = arith.cmpi ne, %convert_element_type3A_133, %cond3A_134 : i32
      scf.if %cond3A_135 {
        %mul3A_163 = arith.constant 80 : i32
        %mul3A_164 = arith.muli %add3A_130, %mul3A_163 : i32
        %add3A_165 = arith.addi %mul3A_39, %mul3A_164 : i32
        %dma_wait3A_166 = tpu.memref_slice %arg4[%add3A_165] : memref<320000xi32, #tpu.memory_space<hbm>> -> memref<80xi32, #tpu.memory_space<hbm>>
        %dma_wait3A_167 = tpu.memref_slice %arg4[%add3A_165] : memref<320000xi32, #tpu.memory_space<hbm>> -> memref<80xi32, #tpu.memory_space<hbm>>
        tpu.wait_dma2 semaphore(%arg47 : memref<!tpu.dma_semaphore, #tpu.memory_space<semaphore_mem>>) src(%dma_wait3A_167 : memref<80xi32, #tpu.memory_space<hbm>>) dst(%arg23 : memref<80xi32, #tpu.memory_space<vmem>>)
        %dma_wait3A_168 = arith.constant 0 : i32
        %dma_wait3A_169 = arith.constant 0 : i32
        %dma_wait3A_170 = tpu.memref_slice %arg2[%dma_wait3A_168, %dma_wait3A_169] : memref<10000x128xf32, #tpu.memory_space<hbm>> -> memref<10000x128xf32, #tpu.memory_space<hbm>>
        tpu.wait_indirect_dma semaphore(%arg27 : memref<!tpu.dma_semaphore, #tpu.memory_space<semaphore_mem>>) src(%dma_wait3A_170 : memref<10000x128xf32, #tpu.memory_space<hbm>>) dst(%arg7 : memref<80x128xf32, #tpu.memory_space<vmem>>)
        %dma_start3A_171 = arith.constant 0 : i32
        %dma_start3A_172 = arith.constant 0 : i32
        %dma_start3A_173 = tpu.memref_slice %arg6[%dma_start3A_171, %dma_start3A_172] : memref<10240x128xf32, #tpu.memory_space<vmem_shared>> -> memref<10240x128xf32, #tpu.memory_space<vmem_shared>>
        tpu.enqueue_indirect_dma source(%arg7 : memref<80x128xf32, #tpu.memory_space<vmem>>) target(%dma_start3A_173 : memref<10240x128xf32, #tpu.memory_space<vmem_shared>>) offsets(%arg23 : memref<80xi32, #tpu.memory_space<vmem>>) semaphore(%arg31 : memref<!tpu.dma_semaphore, #tpu.memory_space<semaphore_mem>>) {add = true}
        %add3A_174 = arith.constant 3 : i32
        %add3A_175 = arith.addi %add3A_130, %add3A_174 : i32
        %lt3A_176 = arith.constant 125 : i32
        %lt3A_177 = arith.cmpi slt, %add3A_175, %lt3A_176 : i32
        %convert_element_type3A_178 = arith.extui %lt3A_177 : i1 to i32
        %cond3A_179 = arith.constant 0 : i32
        %cond3A_180 = arith.cmpi ne, %convert_element_type3A_178, %cond3A_179 : i32
        scf.if %cond3A_180 {
          %mul3A_188 = arith.constant 80 : i32
          %mul3A_189 = arith.muli %add3A_175, %mul3A_188 : i32
          %add3A_190 = arith.addi %mul3A_39, %mul3A_189 : i32
          %dma_start3A_191 = tpu.memref_slice %arg3[%add3A_190] : memref<320000xi32, #tpu.memory_space<hbm>> -> memref<80xi32, #tpu.memory_space<hbm>>
          %dma_start3A_192 = tpu.memref_slice %arg3[%add3A_190] : memref<320000xi32, #tpu.memory_space<hbm>> -> memref<80xi32, #tpu.memory_space<hbm>>
          tpu.enqueue_dma source(%dma_start3A_192 : memref<80xi32, #tpu.memory_space<hbm>>) target(%arg18 : memref<80xi32, #tpu.memory_space<vmem>>) target_semaphore(%arg42 : memref<!tpu.dma_semaphore, #tpu.memory_space<semaphore_mem>>)
          %dma_start3A_193 = tpu.memref_slice %arg4[%add3A_190] : memref<320000xi32, #tpu.memory_space<hbm>> -> memref<80xi32, #tpu.memory_space<hbm>>
          %dma_start3A_194 = tpu.memref_slice %arg4[%add3A_190] : memref<320000xi32, #tpu.memory_space<hbm>> -> memref<80xi32, #tpu.memory_space<hbm>>
          tpu.enqueue_dma source(%dma_start3A_194 : memref<80xi32, #tpu.memory_space<hbm>>) target(%arg26 : memref<80xi32, #tpu.memory_space<vmem>>) target_semaphore(%arg50 : memref<!tpu.dma_semaphore, #tpu.memory_space<semaphore_mem>>)
        } else {
        }
        %add3A_181 = arith.constant 2 : i32
        %add3A_182 = arith.addi %add3A_130, %add3A_181 : i32
        %lt3A_183 = arith.constant 125 : i32
        %lt3A_184 = arith.cmpi slt, %add3A_182, %lt3A_183 : i32
        %convert_element_type3A_185 = arith.extui %lt3A_184 : i1 to i32
        %cond3A_186 = arith.constant 0 : i32
        %cond3A_187 = arith.cmpi ne, %convert_element_type3A_185, %cond3A_186 : i32
        scf.if %cond3A_187 {
          %ge3A = arith.constant 2 : i32
          %ge3A_188 = arith.cmpi sge, %add3A_130, %ge3A : i32
          %convert_element_type3A_189 = arith.extui %ge3A_188 : i1 to i32
          %cond3A_190 = arith.constant 0 : i32
          %cond3A_191 = arith.cmpi ne, %convert_element_type3A_189, %cond3A_190 : i32
          scf.if %cond3A_191 {
            %dma_wait3A_200 = arith.constant 0 : i32
            %dma_wait3A_201 = arith.constant 0 : i32
            %dma_wait3A_202 = tpu.memref_slice %arg6[%dma_wait3A_200, %dma_wait3A_201] : memref<10240x128xf32, #tpu.memory_space<vmem_shared>> -> memref<10240x128xf32, #tpu.memory_space<vmem_shared>>
            tpu.wait_indirect_dma semaphore(%arg33 : memref<!tpu.dma_semaphore, #tpu.memory_space<semaphore_mem>>) src(%arg9 : memref<80x128xf32, #tpu.memory_space<vmem>>) dst(%dma_wait3A_202 : memref<10240x128xf32, #tpu.memory_space<vmem_shared>>)
          } else {
          }
          %mul3A_192 = arith.constant 80 : i32
          %mul3A_193 = arith.muli %add3A_182, %mul3A_192 : i32
          %add3A_194 = arith.addi %mul3A_39, %mul3A_193 : i32
          %dma_wait3A_195 = tpu.memref_slice %arg3[%add3A_194] : memref<320000xi32, #tpu.memory_space<hbm>> -> memref<80xi32, #tpu.memory_space<hbm>>
          %dma_wait3A_196 = tpu.memref_slice %arg3[%add3A_194] : memref<320000xi32, #tpu.memory_space<hbm>> -> memref<80xi32, #tpu.memory_space<hbm>>
          tpu.wait_dma2 semaphore(%arg41 : memref<!tpu.dma_semaphore, #tpu.memory_space<semaphore_mem>>) src(%dma_wait3A_196 : memref<80xi32, #tpu.memory_space<hbm>>) dst(%arg17 : memref<80xi32, #tpu.memory_space<vmem>>)
          %dma_start3A_197 = arith.constant 0 : i32
          %dma_start3A_198 = arith.constant 0 : i32
          %dma_start3A_199 = tpu.memref_slice %arg2[%dma_start3A_197, %dma_start3A_198] : memref<10000x128xf32, #tpu.memory_space<hbm>> -> memref<10000x128xf32, #tpu.memory_space<hbm>>
          tpu.enqueue_indirect_dma source(%dma_start3A_199 : memref<10000x128xf32, #tpu.memory_space<hbm>>) target(%arg9 : memref<80x128xf32, #tpu.memory_space<vmem>>) offsets(%arg17 : memref<80xi32, #tpu.memory_space<vmem>>) semaphore(%arg29 : memref<!tpu.dma_semaphore, #tpu.memory_space<semaphore_mem>>)
        } else {
        }
      } else {
      }
      %mul3A_136 = arith.constant 8 : i32
      %mul3A_137 = arith.muli %scan3A_93, %mul3A_136 : i32
      %add3A_138 = arith.constant 5 : i32
      %add3A_139 = arith.addi %mul3A_137, %add3A_138 : i32
      %lt3A_140 = arith.constant 125 : i32
      %lt3A_141 = arith.cmpi slt, %add3A_139, %lt3A_140 : i32
      %convert_element_type3A_142 = arith.extui %lt3A_141 : i1 to i32
      %cond3A_143 = arith.constant 0 : i32
      %cond3A_144 = arith.cmpi ne, %convert_element_type3A_142, %cond3A_143 : i32
      scf.if %cond3A_144 {
        %mul3A_163 = arith.constant 80 : i32
        %mul3A_164 = arith.muli %add3A_139, %mul3A_163 : i32
        %add3A_165 = arith.addi %mul3A_39, %mul3A_164 : i32
        %dma_wait3A_166 = tpu.memref_slice %arg4[%add3A_165] : memref<320000xi32, #tpu.memory_space<hbm>> -> memref<80xi32, #tpu.memory_space<hbm>>
        %dma_wait3A_167 = tpu.memref_slice %arg4[%add3A_165] : memref<320000xi32, #tpu.memory_space<hbm>> -> memref<80xi32, #tpu.memory_space<hbm>>
        tpu.wait_dma2 semaphore(%arg48 : memref<!tpu.dma_semaphore, #tpu.memory_space<semaphore_mem>>) src(%dma_wait3A_167 : memref<80xi32, #tpu.memory_space<hbm>>) dst(%arg24 : memref<80xi32, #tpu.memory_space<vmem>>)
        %dma_wait3A_168 = arith.constant 0 : i32
        %dma_wait3A_169 = arith.constant 0 : i32
        %dma_wait3A_170 = tpu.memref_slice %arg2[%dma_wait3A_168, %dma_wait3A_169] : memref<10000x128xf32, #tpu.memory_space<hbm>> -> memref<10000x128xf32, #tpu.memory_space<hbm>>
        tpu.wait_indirect_dma semaphore(%arg28 : memref<!tpu.dma_semaphore, #tpu.memory_space<semaphore_mem>>) src(%dma_wait3A_170 : memref<10000x128xf32, #tpu.memory_space<hbm>>) dst(%arg8 : memref<80x128xf32, #tpu.memory_space<vmem>>)
        %dma_start3A_171 = arith.constant 0 : i32
        %dma_start3A_172 = arith.constant 0 : i32
        %dma_start3A_173 = tpu.memref_slice %arg6[%dma_start3A_171, %dma_start3A_172] : memref<10240x128xf32, #tpu.memory_space<vmem_shared>> -> memref<10240x128xf32, #tpu.memory_space<vmem_shared>>
        tpu.enqueue_indirect_dma source(%arg8 : memref<80x128xf32, #tpu.memory_space<vmem>>) target(%dma_start3A_173 : memref<10240x128xf32, #tpu.memory_space<vmem_shared>>) offsets(%arg24 : memref<80xi32, #tpu.memory_space<vmem>>) semaphore(%arg32 : memref<!tpu.dma_semaphore, #tpu.memory_space<semaphore_mem>>) {add = true}
        %add3A_174 = arith.constant 3 : i32
        %add3A_175 = arith.addi %add3A_139, %add3A_174 : i32
        %lt3A_176 = arith.constant 125 : i32
        %lt3A_177 = arith.cmpi slt, %add3A_175, %lt3A_176 : i32
        %convert_element_type3A_178 = arith.extui %lt3A_177 : i1 to i32
        %cond3A_179 = arith.constant 0 : i32
        %cond3A_180 = arith.cmpi ne, %convert_element_type3A_178, %cond3A_179 : i32
        scf.if %cond3A_180 {
          %mul3A_188 = arith.constant 80 : i32
          %mul3A_189 = arith.muli %add3A_175, %mul3A_188 : i32
          %add3A_190 = arith.addi %mul3A_39, %mul3A_189 : i32
          %dma_start3A_191 = tpu.memref_slice %arg3[%add3A_190] : memref<320000xi32, #tpu.memory_space<hbm>> -> memref<80xi32, #tpu.memory_space<hbm>>
          %dma_start3A_192 = tpu.memref_slice %arg3[%add3A_190] : memref<320000xi32, #tpu.memory_space<hbm>> -> memref<80xi32, #tpu.memory_space<hbm>>
          tpu.enqueue_dma source(%dma_start3A_192 : memref<80xi32, #tpu.memory_space<hbm>>) target(%arg11 : memref<80xi32, #tpu.memory_space<vmem>>) target_semaphore(%arg35 : memref<!tpu.dma_semaphore, #tpu.memory_space<semaphore_mem>>)
          %dma_start3A_193 = tpu.memref_slice %arg4[%add3A_190] : memref<320000xi32, #tpu.memory_space<hbm>> -> memref<80xi32, #tpu.memory_space<hbm>>
          %dma_start3A_194 = tpu.memref_slice %arg4[%add3A_190] : memref<320000xi32, #tpu.memory_space<hbm>> -> memref<80xi32, #tpu.memory_space<hbm>>
          tpu.enqueue_dma source(%dma_start3A_194 : memref<80xi32, #tpu.memory_space<hbm>>) target(%arg19 : memref<80xi32, #tpu.memory_space<vmem>>) target_semaphore(%arg43 : memref<!tpu.dma_semaphore, #tpu.memory_space<semaphore_mem>>)
        } else {
        }
        %add3A_181 = arith.constant 2 : i32
        %add3A_182 = arith.addi %add3A_139, %add3A_181 : i32
        %lt3A_183 = arith.constant 125 : i32
        %lt3A_184 = arith.cmpi slt, %add3A_182, %lt3A_183 : i32
        %convert_element_type3A_185 = arith.extui %lt3A_184 : i1 to i32
        %cond3A_186 = arith.constant 0 : i32
        %cond3A_187 = arith.cmpi ne, %convert_element_type3A_185, %cond3A_186 : i32
        scf.if %cond3A_187 {
          %ge3A = arith.constant 2 : i32
          %ge3A_188 = arith.cmpi sge, %add3A_139, %ge3A : i32
          %convert_element_type3A_189 = arith.extui %ge3A_188 : i1 to i32
          %cond3A_190 = arith.constant 0 : i32
          %cond3A_191 = arith.cmpi ne, %convert_element_type3A_189, %cond3A_190 : i32
          scf.if %cond3A_191 {
            %dma_wait3A_200 = arith.constant 0 : i32
            %dma_wait3A_201 = arith.constant 0 : i32
            %dma_wait3A_202 = tpu.memref_slice %arg6[%dma_wait3A_200, %dma_wait3A_201] : memref<10240x128xf32, #tpu.memory_space<vmem_shared>> -> memref<10240x128xf32, #tpu.memory_space<vmem_shared>>
            tpu.wait_indirect_dma semaphore(%arg34 : memref<!tpu.dma_semaphore, #tpu.memory_space<semaphore_mem>>) src(%arg10 : memref<80x128xf32, #tpu.memory_space<vmem>>) dst(%dma_wait3A_202 : memref<10240x128xf32, #tpu.memory_space<vmem_shared>>)
          } else {
          }
          %mul3A_192 = arith.constant 80 : i32
          %mul3A_193 = arith.muli %add3A_182, %mul3A_192 : i32
          %add3A_194 = arith.addi %mul3A_39, %mul3A_193 : i32
          %dma_wait3A_195 = tpu.memref_slice %arg3[%add3A_194] : memref<320000xi32, #tpu.memory_space<hbm>> -> memref<80xi32, #tpu.memory_space<hbm>>
          %dma_wait3A_196 = tpu.memref_slice %arg3[%add3A_194] : memref<320000xi32, #tpu.memory_space<hbm>> -> memref<80xi32, #tpu.memory_space<hbm>>
          tpu.wait_dma2 semaphore(%arg42 : memref<!tpu.dma_semaphore, #tpu.memory_space<semaphore_mem>>) src(%dma_wait3A_196 : memref<80xi32, #tpu.memory_space<hbm>>) dst(%arg18 : memref<80xi32, #tpu.memory_space<vmem>>)
          %dma_start3A_197 = arith.constant 0 : i32
          %dma_start3A_198 = arith.constant 0 : i32
          %dma_start3A_199 = tpu.memref_slice %arg2[%dma_start3A_197, %dma_start3A_198] : memref<10000x128xf32, #tpu.memory_space<hbm>> -> memref<10000x128xf32, #tpu.memory_space<hbm>>
          tpu.enqueue_indirect_dma source(%dma_start3A_199 : memref<10000x128xf32, #tpu.memory_space<hbm>>) target(%arg10 : memref<80x128xf32, #tpu.memory_space<vmem>>) offsets(%arg18 : memref<80xi32, #tpu.memory_space<vmem>>) semaphore(%arg30 : memref<!tpu.dma_semaphore, #tpu.memory_space<semaphore_mem>>)
        } else {
        }
      } else {
      }
      %mul3A_145 = arith.constant 8 : i32
      %mul3A_146 = arith.muli %scan3A_93, %mul3A_145 : i32
      %add3A_147 = arith.constant 6 : i32
      %add3A_148 = arith.addi %mul3A_146, %add3A_147 : i32
      %lt3A_149 = arith.constant 125 : i32
      %lt3A_150 = arith.cmpi slt, %add3A_148, %lt3A_149 : i32
      %convert_element_type3A_151 = arith.extui %lt3A_150 : i1 to i32
      %cond3A_152 = arith.constant 0 : i32
      %cond3A_153 = arith.cmpi ne, %convert_element_type3A_151, %cond3A_152 : i32
      scf.if %cond3A_153 {
        %mul3A_163 = arith.constant 80 : i32
        %mul3A_164 = arith.muli %add3A_148, %mul3A_163 : i32
        %add3A_165 = arith.addi %mul3A_39, %mul3A_164 : i32
        %dma_wait3A_166 = tpu.memref_slice %arg4[%add3A_165] : memref<320000xi32, #tpu.memory_space<hbm>> -> memref<80xi32, #tpu.memory_space<hbm>>
        %dma_wait3A_167 = tpu.memref_slice %arg4[%add3A_165] : memref<320000xi32, #tpu.memory_space<hbm>> -> memref<80xi32, #tpu.memory_space<hbm>>
        tpu.wait_dma2 semaphore(%arg49 : memref<!tpu.dma_semaphore, #tpu.memory_space<semaphore_mem>>) src(%dma_wait3A_167 : memref<80xi32, #tpu.memory_space<hbm>>) dst(%arg25 : memref<80xi32, #tpu.memory_space<vmem>>)
        %dma_wait3A_168 = arith.constant 0 : i32
        %dma_wait3A_169 = arith.constant 0 : i32
        %dma_wait3A_170 = tpu.memref_slice %arg2[%dma_wait3A_168, %dma_wait3A_169] : memref<10000x128xf32, #tpu.memory_space<hbm>> -> memref<10000x128xf32, #tpu.memory_space<hbm>>
        tpu.wait_indirect_dma semaphore(%arg29 : memref<!tpu.dma_semaphore, #tpu.memory_space<semaphore_mem>>) src(%dma_wait3A_170 : memref<10000x128xf32, #tpu.memory_space<hbm>>) dst(%arg9 : memref<80x128xf32, #tpu.memory_space<vmem>>)
        %dma_start3A_171 = arith.constant 0 : i32
        %dma_start3A_172 = arith.constant 0 : i32
        %dma_start3A_173 = tpu.memref_slice %arg6[%dma_start3A_171, %dma_start3A_172] : memref<10240x128xf32, #tpu.memory_space<vmem_shared>> -> memref<10240x128xf32, #tpu.memory_space<vmem_shared>>
        tpu.enqueue_indirect_dma source(%arg9 : memref<80x128xf32, #tpu.memory_space<vmem>>) target(%dma_start3A_173 : memref<10240x128xf32, #tpu.memory_space<vmem_shared>>) offsets(%arg25 : memref<80xi32, #tpu.memory_space<vmem>>) semaphore(%arg33 : memref<!tpu.dma_semaphore, #tpu.memory_space<semaphore_mem>>) {add = true}
        %add3A_174 = arith.constant 3 : i32
        %add3A_175 = arith.addi %add3A_148, %add3A_174 : i32
        %lt3A_176 = arith.constant 125 : i32
        %lt3A_177 = arith.cmpi slt, %add3A_175, %lt3A_176 : i32
        %convert_element_type3A_178 = arith.extui %lt3A_177 : i1 to i32
        %cond3A_179 = arith.constant 0 : i32
        %cond3A_180 = arith.cmpi ne, %convert_element_type3A_178, %cond3A_179 : i32
        scf.if %cond3A_180 {
          %mul3A_188 = arith.constant 80 : i32
          %mul3A_189 = arith.muli %add3A_175, %mul3A_188 : i32
          %add3A_190 = arith.addi %mul3A_39, %mul3A_189 : i32
          %dma_start3A_191 = tpu.memref_slice %arg3[%add3A_190] : memref<320000xi32, #tpu.memory_space<hbm>> -> memref<80xi32, #tpu.memory_space<hbm>>
          %dma_start3A_192 = tpu.memref_slice %arg3[%add3A_190] : memref<320000xi32, #tpu.memory_space<hbm>> -> memref<80xi32, #tpu.memory_space<hbm>>
          tpu.enqueue_dma source(%dma_start3A_192 : memref<80xi32, #tpu.memory_space<hbm>>) target(%arg12 : memref<80xi32, #tpu.memory_space<vmem>>) target_semaphore(%arg36 : memref<!tpu.dma_semaphore, #tpu.memory_space<semaphore_mem>>)
          %dma_start3A_193 = tpu.memref_slice %arg4[%add3A_190] : memref<320000xi32, #tpu.memory_space<hbm>> -> memref<80xi32, #tpu.memory_space<hbm>>
          %dma_start3A_194 = tpu.memref_slice %arg4[%add3A_190] : memref<320000xi32, #tpu.memory_space<hbm>> -> memref<80xi32, #tpu.memory_space<hbm>>
          tpu.enqueue_dma source(%dma_start3A_194 : memref<80xi32, #tpu.memory_space<hbm>>) target(%arg20 : memref<80xi32, #tpu.memory_space<vmem>>) target_semaphore(%arg44 : memref<!tpu.dma_semaphore, #tpu.memory_space<semaphore_mem>>)
        } else {
        }
        %add3A_181 = arith.constant 2 : i32
        %add3A_182 = arith.addi %add3A_148, %add3A_181 : i32
        %lt3A_183 = arith.constant 125 : i32
        %lt3A_184 = arith.cmpi slt, %add3A_182, %lt3A_183 : i32
        %convert_element_type3A_185 = arith.extui %lt3A_184 : i1 to i32
        %cond3A_186 = arith.constant 0 : i32
        %cond3A_187 = arith.cmpi ne, %convert_element_type3A_185, %cond3A_186 : i32
        scf.if %cond3A_187 {
          %ge3A = arith.constant 2 : i32
          %ge3A_188 = arith.cmpi sge, %add3A_148, %ge3A : i32
          %convert_element_type3A_189 = arith.extui %ge3A_188 : i1 to i32
          %cond3A_190 = arith.constant 0 : i32
          %cond3A_191 = arith.cmpi ne, %convert_element_type3A_189, %cond3A_190 : i32
          scf.if %cond3A_191 {
            %dma_wait3A_200 = arith.constant 0 : i32
            %dma_wait3A_201 = arith.constant 0 : i32
            %dma_wait3A_202 = tpu.memref_slice %arg6[%dma_wait3A_200, %dma_wait3A_201] : memref<10240x128xf32, #tpu.memory_space<vmem_shared>> -> memref<10240x128xf32, #tpu.memory_space<vmem_shared>>
            tpu.wait_indirect_dma semaphore(%arg31 : memref<!tpu.dma_semaphore, #tpu.memory_space<semaphore_mem>>) src(%arg7 : memref<80x128xf32, #tpu.memory_space<vmem>>) dst(%dma_wait3A_202 : memref<10240x128xf32, #tpu.memory_space<vmem_shared>>)
          } else {
          }
          %mul3A_192 = arith.constant 80 : i32
          %mul3A_193 = arith.muli %add3A_182, %mul3A_192 : i32
          %add3A_194 = arith.addi %mul3A_39, %mul3A_193 : i32
          %dma_wait3A_195 = tpu.memref_slice %arg3[%add3A_194] : memref<320000xi32, #tpu.memory_space<hbm>> -> memref<80xi32, #tpu.memory_space<hbm>>
          %dma_wait3A_196 = tpu.memref_slice %arg3[%add3A_194] : memref<320000xi32, #tpu.memory_space<hbm>> -> memref<80xi32, #tpu.memory_space<hbm>>
          tpu.wait_dma2 semaphore(%arg35 : memref<!tpu.dma_semaphore, #tpu.memory_space<semaphore_mem>>) src(%dma_wait3A_196 : memref<80xi32, #tpu.memory_space<hbm>>) dst(%arg11 : memref<80xi32, #tpu.memory_space<vmem>>)
          %dma_start3A_197 = arith.constant 0 : i32
          %dma_start3A_198 = arith.constant 0 : i32
          %dma_start3A_199 = tpu.memref_slice %arg2[%dma_start3A_197, %dma_start3A_198] : memref<10000x128xf32, #tpu.memory_space<hbm>> -> memref<10000x128xf32, #tpu.memory_space<hbm>>
          tpu.enqueue_indirect_dma source(%dma_start3A_199 : memref<10000x128xf32, #tpu.memory_space<hbm>>) target(%arg7 : memref<80x128xf32, #tpu.memory_space<vmem>>) offsets(%arg11 : memref<80xi32, #tpu.memory_space<vmem>>) semaphore(%arg27 : memref<!tpu.dma_semaphore, #tpu.memory_space<semaphore_mem>>)
        } else {
        }
      } else {
      }
      %mul3A_154 = arith.constant 8 : i32
      %mul3A_155 = arith.muli %scan3A_93, %mul3A_154 : i32
      %add3A_156 = arith.constant 7 : i32
      %add3A_157 = arith.addi %mul3A_155, %add3A_156 : i32
      %lt3A_158 = arith.constant 125 : i32
      %lt3A_159 = arith.cmpi slt, %add3A_157, %lt3A_158 : i32
      %convert_element_type3A_160 = arith.extui %lt3A_159 : i1 to i32
      %cond3A_161 = arith.constant 0 : i32
      %cond3A_162 = arith.cmpi ne, %convert_element_type3A_160, %cond3A_161 : i32
      scf.if %cond3A_162 {
        %mul3A_163 = arith.constant 80 : i32
        %mul3A_164 = arith.muli %add3A_157, %mul3A_163 : i32
        %add3A_165 = arith.addi %mul3A_39, %mul3A_164 : i32
        %dma_wait3A_166 = tpu.memref_slice %arg4[%add3A_165] : memref<320000xi32, #tpu.memory_space<hbm>> -> memref<80xi32, #tpu.memory_space<hbm>>
        %dma_wait3A_167 = tpu.memref_slice %arg4[%add3A_165] : memref<320000xi32, #tpu.memory_space<hbm>> -> memref<80xi32, #tpu.memory_space<hbm>>
        tpu.wait_dma2 semaphore(%arg50 : memref<!tpu.dma_semaphore, #tpu.memory_space<semaphore_mem>>) src(%dma_wait3A_167 : memref<80xi32, #tpu.memory_space<hbm>>) dst(%arg26 : memref<80xi32, #tpu.memory_space<vmem>>)
        %dma_wait3A_168 = arith.constant 0 : i32
        %dma_wait3A_169 = arith.constant 0 : i32
        %dma_wait3A_170 = tpu.memref_slice %arg2[%dma_wait3A_168, %dma_wait3A_169] : memref<10000x128xf32, #tpu.memory_space<hbm>> -> memref<10000x128xf32, #tpu.memory_space<hbm>>
        tpu.wait_indirect_dma semaphore(%arg30 : memref<!tpu.dma_semaphore, #tpu.memory_space<semaphore_mem>>) src(%dma_wait3A_170 : memref<10000x128xf32, #tpu.memory_space<hbm>>) dst(%arg10 : memref<80x128xf32, #tpu.memory_space<vmem>>)
        %dma_start3A_171 = arith.constant 0 : i32
        %dma_start3A_172 = arith.constant 0 : i32
        %dma_start3A_173 = tpu.memref_slice %arg6[%dma_start3A_171, %dma_start3A_172] : memref<10240x128xf32, #tpu.memory_space<vmem_shared>> -> memref<10240x128xf32, #tpu.memory_space<vmem_shared>>
        tpu.enqueue_indirect_dma source(%arg10 : memref<80x128xf32, #tpu.memory_space<vmem>>) target(%dma_start3A_173 : memref<10240x128xf32, #tpu.memory_space<vmem_shared>>) offsets(%arg26 : memref<80xi32, #tpu.memory_space<vmem>>) semaphore(%arg34 : memref<!tpu.dma_semaphore, #tpu.memory_space<semaphore_mem>>) {add = true}
        %add3A_174 = arith.constant 3 : i32
        %add3A_175 = arith.addi %add3A_157, %add3A_174 : i32
        %lt3A_176 = arith.constant 125 : i32
        %lt3A_177 = arith.cmpi slt, %add3A_175, %lt3A_176 : i32
        %convert_element_type3A_178 = arith.extui %lt3A_177 : i1 to i32
        %cond3A_179 = arith.constant 0 : i32
        %cond3A_180 = arith.cmpi ne, %convert_element_type3A_178, %cond3A_179 : i32
        scf.if %cond3A_180 {
          %mul3A_188 = arith.constant 80 : i32
          %mul3A_189 = arith.muli %add3A_175, %mul3A_188 : i32
          %add3A_190 = arith.addi %mul3A_39, %mul3A_189 : i32
          %dma_start3A_191 = tpu.memref_slice %arg3[%add3A_190] : memref<320000xi32, #tpu.memory_space<hbm>> -> memref<80xi32, #tpu.memory_space<hbm>>
          %dma_start3A_192 = tpu.memref_slice %arg3[%add3A_190] : memref<320000xi32, #tpu.memory_space<hbm>> -> memref<80xi32, #tpu.memory_space<hbm>>
          tpu.enqueue_dma source(%dma_start3A_192 : memref<80xi32, #tpu.memory_space<hbm>>) target(%arg13 : memref<80xi32, #tpu.memory_space<vmem>>) target_semaphore(%arg37 : memref<!tpu.dma_semaphore, #tpu.memory_space<semaphore_mem>>)
          %dma_start3A_193 = tpu.memref_slice %arg4[%add3A_190] : memref<320000xi32, #tpu.memory_space<hbm>> -> memref<80xi32, #tpu.memory_space<hbm>>
          %dma_start3A_194 = tpu.memref_slice %arg4[%add3A_190] : memref<320000xi32, #tpu.memory_space<hbm>> -> memref<80xi32, #tpu.memory_space<hbm>>
          tpu.enqueue_dma source(%dma_start3A_194 : memref<80xi32, #tpu.memory_space<hbm>>) target(%arg21 : memref<80xi32, #tpu.memory_space<vmem>>) target_semaphore(%arg45 : memref<!tpu.dma_semaphore, #tpu.memory_space<semaphore_mem>>)
        } else {
        }
        %add3A_181 = arith.constant 2 : i32
        %add3A_182 = arith.addi %add3A_157, %add3A_181 : i32
        %lt3A_183 = arith.constant 125 : i32
        %lt3A_184 = arith.cmpi slt, %add3A_182, %lt3A_183 : i32
        %convert_element_type3A_185 = arith.extui %lt3A_184 : i1 to i32
        %cond3A_186 = arith.constant 0 : i32
        %cond3A_187 = arith.cmpi ne, %convert_element_type3A_185, %cond3A_186 : i32
        scf.if %cond3A_187 {
          %ge3A = arith.constant 2 : i32
          %ge3A_188 = arith.cmpi sge, %add3A_157, %ge3A : i32
          %convert_element_type3A_189 = arith.extui %ge3A_188 : i1 to i32
          %cond3A_190 = arith.constant 0 : i32
          %cond3A_191 = arith.cmpi ne, %convert_element_type3A_189, %cond3A_190 : i32
          scf.if %cond3A_191 {
            %dma_wait3A_200 = arith.constant 0 : i32
            %dma_wait3A_201 = arith.constant 0 : i32
            %dma_wait3A_202 = tpu.memref_slice %arg6[%dma_wait3A_200, %dma_wait3A_201] : memref<10240x128xf32, #tpu.memory_space<vmem_shared>> -> memref<10240x128xf32, #tpu.memory_space<vmem_shared>>
            tpu.wait_indirect_dma semaphore(%arg32 : memref<!tpu.dma_semaphore, #tpu.memory_space<semaphore_mem>>) src(%arg8 : memref<80x128xf32, #tpu.memory_space<vmem>>) dst(%dma_wait3A_202 : memref<10240x128xf32, #tpu.memory_space<vmem_shared>>)
          } else {
          }
          %mul3A_192 = arith.constant 80 : i32
          %mul3A_193 = arith.muli %add3A_182, %mul3A_192 : i32
          %add3A_194 = arith.addi %mul3A_39, %mul3A_193 : i32
          %dma_wait3A_195 = tpu.memref_slice %arg3[%add3A_194] : memref<320000xi32, #tpu.memory_space<hbm>> -> memref<80xi32, #tpu.memory_space<hbm>>
          %dma_wait3A_196 = tpu.memref_slice %arg3[%add3A_194] : memref<320000xi32, #tpu.memory_space<hbm>> -> memref<80xi32, #tpu.memory_space<hbm>>
          tpu.wait_dma2 semaphore(%arg36 : memref<!tpu.dma_semaphore, #tpu.memory_space<semaphore_mem>>) src(%dma_wait3A_196 : memref<80xi32, #tpu.memory_space<hbm>>) dst(%arg12 : memref<80xi32, #tpu.memory_space<vmem>>)
          %dma_start3A_197 = arith.constant 0 : i32
          %dma_start3A_198 = arith.constant 0 : i32
          %dma_start3A_199 = tpu.memref_slice %arg2[%dma_start3A_197, %dma_start3A_198] : memref<10000x128xf32, #tpu.memory_space<hbm>> -> memref<10000x128xf32, #tpu.memory_space<hbm>>
          tpu.enqueue_indirect_dma source(%dma_start3A_199 : memref<10000x128xf32, #tpu.memory_space<hbm>>) target(%arg8 : memref<80x128xf32, #tpu.memory_space<vmem>>) offsets(%arg12 : memref<80xi32, #tpu.memory_space<vmem>>) semaphore(%arg28 : memref<!tpu.dma_semaphore, #tpu.memory_space<semaphore_mem>>)
        } else {
        }
      } else {
      }
    }
    %scan3A_75 = arith.constant 16 : i32
    %dma_wait3A_76 = arith.constant 0 : i32
    %dma_wait3A_77 = arith.constant 0 : i32
    %dma_wait3A_78 = tpu.memref_slice %arg6[%dma_wait3A_76, %dma_wait3A_77] : memref<10240x128xf32, #tpu.memory_space<vmem_shared>> -> memref<10240x128xf32, #tpu.memory_space<vmem_shared>>
    tpu.wait_indirect_dma semaphore(%arg32 : memref<!tpu.dma_semaphore, #tpu.memory_space<semaphore_mem>>) src(%arg8 : memref<80x128xf32, #tpu.memory_space<vmem>>) dst(%dma_wait3A_78 : memref<10240x128xf32, #tpu.memory_space<vmem_shared>>)
    %dma_wait3A_79 = arith.constant 0 : i32
    %dma_wait3A_80 = arith.constant 0 : i32
    %dma_wait3A_81 = tpu.memref_slice %arg6[%dma_wait3A_79, %dma_wait3A_80] : memref<10240x128xf32, #tpu.memory_space<vmem_shared>> -> memref<10240x128xf32, #tpu.memory_space<vmem_shared>>
    tpu.wait_indirect_dma semaphore(%arg33 : memref<!tpu.dma_semaphore, #tpu.memory_space<semaphore_mem>>) src(%arg9 : memref<80x128xf32, #tpu.memory_space<vmem>>) dst(%dma_wait3A_81 : memref<10240x128xf32, #tpu.memory_space<vmem_shared>>)
    %dma_wait3A_82 = arith.constant 0 : i32
    %dma_wait3A_83 = arith.constant 0 : i32
    %dma_wait3A_84 = tpu.memref_slice %arg6[%dma_wait3A_82, %dma_wait3A_83] : memref<10240x128xf32, #tpu.memory_space<vmem_shared>> -> memref<10240x128xf32, #tpu.memory_space<vmem_shared>>
    tpu.wait_indirect_dma semaphore(%arg34 : memref<!tpu.dma_semaphore, #tpu.memory_space<semaphore_mem>>) src(%arg10 : memref<80x128xf32, #tpu.memory_space<vmem>>) dst(%dma_wait3A_84 : memref<10240x128xf32, #tpu.memory_space<vmem_shared>>)
    %dma_wait3A_85 = arith.constant 0 : i32
    %dma_wait3A_86 = arith.constant 0 : i32
    %dma_wait3A_87 = tpu.memref_slice %arg6[%dma_wait3A_85, %dma_wait3A_86] : memref<10240x128xf32, #tpu.memory_space<vmem_shared>> -> memref<10240x128xf32, #tpu.memory_space<vmem_shared>>
    tpu.wait_indirect_dma semaphore(%arg31 : memref<!tpu.dma_semaphore, #tpu.memory_space<semaphore_mem>>) src(%arg7 : memref<80x128xf32, #tpu.memory_space<vmem>>) dst(%dma_wait3A_87 : memref<10240x128xf32, #tpu.memory_space<vmem_shared>>)
    %barrier3A_88 = arith.constant 0 : index
    tpu.barrier barrier_id(%barrier3A_88)
    %mul3A_89 = arith.constant 640 : i32
    %mul3A_90 = arith.muli %arg1, %mul3A_89 : i32
    %mul3A_91 = arith.constant 640 : i32
    %mul3A_92 = arith.muli %arg1, %mul3A_91 : i32
    "tpu.region"() ({
      %run_scoped3A = tpu.sem_alloc : memref<!tpu.dma_semaphore, #tpu.memory_space<semaphore_mem>>
      %dma_start3A_93 = arith.constant 0 : i32
      %dma_start3A_94 = tpu.memref_slice %arg5[%arg0, %mul3A_92, %dma_start3A_93] : memref<2x10240x128xf32, #tpu.memory_space<hbm>> -> memref<1x640x128xf32, #tpu.memory_space<hbm>>
      %dma_start3A_95 = tpu.memref_squeeze %dma_start3A_94 : memref<1x640x128xf32, #tpu.memory_space<hbm>> -> memref<640x128xf32, #tpu.memory_space<hbm>>
      %dma_start3A_96 = arith.constant 0 : i32
      %dma_start3A_97 = tpu.memref_slice %arg6[%mul3A_90, %dma_start3A_96] : memref<10240x128xf32, #tpu.memory_space<vmem_shared>> -> memref<640x128xf32, #tpu.memory_space<vmem_shared>>
      tpu.enqueue_dma source(%dma_start3A_97 : memref<640x128xf32, #tpu.memory_space<vmem_shared>>) target(%dma_start3A_95 : memref<640x128xf32, #tpu.memory_space<hbm>>) target_semaphore(%run_scoped3A : memref<!tpu.dma_semaphore, #tpu.memory_space<semaphore_mem>>)
      %dma_wait3A_98 = arith.constant 0 : i32
      %dma_wait3A_99 = tpu.memref_slice %arg5[%arg0, %mul3A_92, %dma_wait3A_98] : memref<2x10240x128xf32, #tpu.memory_space<hbm>> -> memref<1x640x128xf32, #tpu.memory_space<hbm>>
      %dma_wait3A_100 = tpu.memref_squeeze %dma_wait3A_99 : memref<1x640x128xf32, #tpu.memory_space<hbm>> -> memref<640x128xf32, #tpu.memory_space<hbm>>
      %dma_wait3A_101 = arith.constant 0 : i32
      %dma_wait3A_102 = tpu.memref_slice %arg6[%mul3A_90, %dma_wait3A_101] : memref<10240x128xf32, #tpu.memory_space<vmem_shared>> -> memref<640x128xf32, #tpu.memory_space<vmem_shared>>
      tpu.wait_dma2 semaphore(%run_scoped3A : memref<!tpu.dma_semaphore, #tpu.memory_space<semaphore_mem>>) src(%dma_wait3A_102 : memref<640x128xf32, #tpu.memory_space<vmem_shared>>) dst(%dma_wait3A_100 : memref<640x128xf32, #tpu.memory_space<hbm>>)
      tpu.yield
    }) : () -> ()
    return
  }
}

#map = affine_map<(d0, d1) -> (0, 0)>
#map1 = affine_map<(d0, d1) -> (0)>
#map2 = affine_map<(d0, d1) -> (0, 0, 0)>
module attributes {stable_mosaic.version = 14 : i64} {
  func.func @_scatter_kernel(%arg0: i32, %arg1: i32, %arg2: memref<10000x128xf32, #tpu.memory_space<hbm>>, %arg3: memref<320000xi32, #tpu.memory_space<hbm>>, %arg4: memref<320000xi32, #tpu.memory_space<hbm>>, %arg5: memref<2x10240x128xf32, #tpu.memory_space<hbm>>, %arg6: memref<10240x128xf32, #tpu.memory_space<vmem_shared>>, %arg7: memref<80x128xf32, #tpu.memory_space<vmem>>, %arg8: memref<80x128xf32, #tpu.memory_space<vmem>>, %arg9: memref<80x128xf32, #tpu.memory_space<vmem>>, %arg10: memref<80x128xf32, #tpu.memory_space<vmem>>, %arg11: memref<80xi32, #tpu.memory_space<vmem>>, %arg12: memref<80xi32, #tpu.memory_space<vmem>>, %arg13: memref<80xi32, #tpu.memory_space<vmem>>, %arg14: memref<80xi32, #tpu.memory_space<vmem>>, %arg15: memref<80xi32, #tpu.memory_space<vmem>>, %arg16: memref<80xi32, #tpu.memory_space<vmem>>, %arg17: memref<80xi32, #tpu.memory_space<vmem>>, %arg18: memref<80xi32, #tpu.memory_space<vmem>>, %arg19: memref<80xi32, #tpu.memory_space<vmem>>, %arg20: memref<80xi32, #tpu.memory_space<vmem>>, %arg21: memref<80xi32, #tpu.memory_space<vmem>>, %arg22: memref<80xi32, #tpu.memory_space<vmem>>, %arg23: memref<80xi32, #tpu.memory_space<vmem>>, %arg24: memref<80xi32, #tpu.memory_space<vmem>>, %arg25: memref<80xi32, #tpu.memory_space<vmem>>, %arg26: memref<80xi32, #tpu.memory_space<vmem>>, %arg27: memref<!tpu.dma_semaphore, #tpu.memory_space<semaphore_mem>>, %arg28: memref<!tpu.dma_semaphore, #tpu.memory_space<semaphore_mem>>, %arg29: memref<!tpu.dma_semaphore, #tpu.memory_space<semaphore_mem>>, %arg30: memref<!tpu.dma_semaphore, #tpu.memory_space<semaphore_mem>>, %arg31: memref<!tpu.dma_semaphore, #tpu.memory_space<semaphore_mem>>, %arg32: memref<!tpu.dma_semaphore, #tpu.memory_space<semaphore_mem>>, %arg33: memref<!tpu.dma_semaphore, #tpu.memory_space<semaphore_mem>>, %arg34: memref<!tpu.dma_semaphore, #tpu.memory_space<semaphore_mem>>, %arg35: memref<!tpu.dma_semaphore, #tpu.memory_space<semaphore_mem>>, %arg36: memref<!tpu.dma_semaphore, #tpu.memory_space<semaphore_mem>>, %arg37: memref<!tpu.dma_semaphore, #tpu.memory_space<semaphore_mem>>, %arg38: memref<!tpu.dma_semaphore, #tpu.memory_space<semaphore_mem>>, %arg39: memref<!tpu.dma_semaphore, #tpu.memory_space<semaphore_mem>>, %arg40: memref<!tpu.dma_semaphore, #tpu.memory_space<semaphore_mem>>, %arg41: memref<!tpu.dma_semaphore, #tpu.memory_space<semaphore_mem>>, %arg42: memref<!tpu.dma_semaphore, #tpu.memory_space<semaphore_mem>>, %arg43: memref<!tpu.dma_semaphore, #tpu.memory_space<semaphore_mem>>, %arg44: memref<!tpu.dma_semaphore, #tpu.memory_space<semaphore_mem>>, %arg45: memref<!tpu.dma_semaphore, #tpu.memory_space<semaphore_mem>>, %arg46: memref<!tpu.dma_semaphore, #tpu.memory_space<semaphore_mem>>, %arg47: memref<!tpu.dma_semaphore, #tpu.memory_space<semaphore_mem>>, %arg48: memref<!tpu.dma_semaphore, #tpu.memory_space<semaphore_mem>>, %arg49: memref<!tpu.dma_semaphore, #tpu.memory_space<semaphore_mem>>, %arg50: memref<!tpu.dma_semaphore, #tpu.memory_space<semaphore_mem>>) attributes {dimension_semantics = [#tpu.dimension_semantics<core_parallel>, #tpu.dimension_semantics<subcore_parallel>], iteration_bounds = array<i64: 2, 16>, scalar_prefetch = 0 : i64, scratch_operands = 45 : i64, tpu.core_type = #tpu.core_type<sc_vector_subcore>, window_params = [{transform_indices = #map}, {transform_indices = #map1}, {transform_indices = #map1}, {transform_indices = #map2}]} {
    %scan3A = arith.constant 0 : i32
    %scan3A_0 = arith.constant 0 : i32
    %scan3A_1 = arith.constant 80 : i32
    %scan3A_2 = arith.addi %scan3A_0, %scan3A_1 : i32
    %scan3A_3 = arith.constant 1 : i32
    scf.for %scan3A_93 = %scan3A_0 to %scan3A_2 step %scan3A_3  : i32 {
      %broadcast_in_dim3A = arith.constant 0.000000e+00 : f32
      %broadcast_in_dim3A_94 = vector.broadcast %broadcast_in_dim3A : f32 to vector<16xf32>
      %swap3A = arith.index_cast %scan3A_93 : i32 to index
      %swap3A_95 = arith.constant 0 : index
      %swap3A_96 = tpu.vector_load %arg7[%swap3A, %swap3A_95] {strides = array<i32>} : memref<80x128xf32, #tpu.memory_space<vmem>>, vector<1x16xf32>,
      %swap3A_97 = vector.shape_cast %swap3A_96 : vector<1x16xf32> to vector<16xf32>
      %swap3A_98 = vector.shape_cast %broadcast_in_dim3A_94 : vector<16xf32> to vector<1x16xf32>
      tpu.vector_store %arg7[%swap3A, %swap3A_95], %swap3A_98 {strides = array<i32>} : memref<80x128xf32, #tpu.memory_space<vmem>>, vector<1x16xf32>,
      %broadcast_in_dim3A_99 = arith.constant 0.000000e+00 : f32
      %broadcast_in_dim3A_100 = vector.broadcast %broadcast_in_dim3A_99 : f32 to vector<16xf32>
      %swap3A_101 = arith.index_cast %scan3A_93 : i32 to index
      %swap3A_102 = arith.constant 16 : index
      %swap3A_103 = tpu.vector_load %arg7[%swap3A_101, %swap3A_102] {strides = array<i32>} : memref<80x128xf32, #tpu.memory_space<vmem>>, vector<1x16xf32>,
      %swap3A_104 = vector.shape_cast %swap3A_103 : vector<1x16xf32> to vector<16xf32>
      %swap3A_105 = vector.shape_cast %broadcast_in_dim3A_100 : vector<16xf32> to vector<1x16xf32>
      tpu.vector_store %arg7[%swap3A_101, %swap3A_102], %swap3A_105 {strides = array<i32>} : memref<80x128xf32, #tpu.memory_space<vmem>>, vector<1x16xf32>,
      %broadcast_in_dim3A_106 = arith.constant 0.000000e+00 : f32
      %broadcast_in_dim3A_107 = vector.broadcast %broadcast_in_dim3A_106 : f32 to vector<16xf32>
      %swap3A_108 = arith.index_cast %scan3A_93 : i32 to index
      %swap3A_109 = arith.constant 32 : index
      %swap3A_110 = tpu.vector_load %arg7[%swap3A_108, %swap3A_109] {strides = array<i32>} : memref<80x128xf32, #tpu.memory_space<vmem>>, vector<1x16xf32>,
      %swap3A_111 = vector.shape_cast %swap3A_110 : vector<1x16xf32> to vector<16xf32>
      %swap3A_112 = vector.shape_cast %broadcast_in_dim3A_107 : vector<16xf32> to vector<1x16xf32>
      tpu.vector_store %arg7[%swap3A_108, %swap3A_109], %swap3A_112 {strides = array<i32>} : memref<80x128xf32, #tpu.memory_space<vmem>>, vector<1x16xf32>,
      %broadcast_in_dim3A_113 = arith.constant 0.000000e+00 : f32
      %broadcast_in_dim3A_114 = vector.broadcast %broadcast_in_dim3A_113 : f32 to vector<16xf32>
      %swap3A_115 = arith.index_cast %scan3A_93 : i32 to index
      %swap3A_116 = arith.constant 48 : index
      %swap3A_117 = tpu.vector_load %arg7[%swap3A_115, %swap3A_116] {strides = array<i32>} : memref<80x128xf32, #tpu.memory_space<vmem>>, vector<1x16xf32>,
      %swap3A_118 = vector.shape_cast %swap3A_117 : vector<1x16xf32> to vector<16xf32>
      %swap3A_119 = vector.shape_cast %broadcast_in_dim3A_114 : vector<16xf32> to vector<1x16xf32>
      tpu.vector_store %arg7[%swap3A_115, %swap3A_116], %swap3A_119 {strides = array<i32>} : memref<80x128xf32, #tpu.memory_space<vmem>>, vector<1x16xf32>,
      %broadcast_in_dim3A_120 = arith.constant 0.000000e+00 : f32
      %broadcast_in_dim3A_121 = vector.broadcast %broadcast_in_dim3A_120 : f32 to vector<16xf32>
      %swap3A_122 = arith.index_cast %scan3A_93 : i32 to index
      %swap3A_123 = arith.constant 64 : index
      %swap3A_124 = tpu.vector_load %arg7[%swap3A_122, %swap3A_123] {strides = array<i32>} : memref<80x128xf32, #tpu.memory_space<vmem>>, vector<1x16xf32>,
      %swap3A_125 = vector.shape_cast %swap3A_124 : vector<1x16xf32> to vector<16xf32>
      %swap3A_126 = vector.shape_cast %broadcast_in_dim3A_121 : vector<16xf32> to vector<1x16xf32>
      tpu.vector_store %arg7[%swap3A_122, %swap3A_123], %swap3A_126 {strides = array<i32>} : memref<80x128xf32, #tpu.memory_space<vmem>>, vector<1x16xf32>,
      %broadcast_in_dim3A_127 = arith.constant 0.000000e+00 : f32
      %broadcast_in_dim3A_128 = vector.broadcast %broadcast_in_dim3A_127 : f32 to vector<16xf32>
      %swap3A_129 = arith.index_cast %scan3A_93 : i32 to index
      %swap3A_130 = arith.constant 80 : index
      %swap3A_131 = tpu.vector_load %arg7[%swap3A_129, %swap3A_130] {strides = array<i32>} : memref<80x128xf32, #tpu.memory_space<vmem>>, vector<1x16xf32>,
      %swap3A_132 = vector.shape_cast %swap3A_131 : vector<1x16xf32> to vector<16xf32>
      %swap3A_133 = vector.shape_cast %broadcast_in_dim3A_128 : vector<16xf32> to vector<1x16xf32>
      tpu.vector_store %arg7[%swap3A_129, %swap3A_130], %swap3A_133 {strides = array<i32>} : memref<80x128xf32, #tpu.memory_space<vmem>>, vector<1x16xf32>,
      %broadcast_in_dim3A_134 = arith.constant 0.000000e+00 : f32
      %broadcast_in_dim3A_135 = vector.broadcast %broadcast_in_dim3A_134 : f32 to vector<16xf32>
      %swap3A_136 = arith.index_cast %scan3A_93 : i32 to index
      %swap3A_137 = arith.constant 96 : index
      %swap3A_138 = tpu.vector_load %arg7[%swap3A_136, %swap3A_137] {strides = array<i32>} : memref<80x128xf32, #tpu.memory_space<vmem>>, vector<1x16xf32>,
      %swap3A_139 = vector.shape_cast %swap3A_138 : vector<1x16xf32> to vector<16xf32>
      %swap3A_140 = vector.shape_cast %broadcast_in_dim3A_135 : vector<16xf32> to vector<1x16xf32>
      tpu.vector_store %arg7[%swap3A_136, %swap3A_137], %swap3A_140 {strides = array<i32>} : memref<80x128xf32, #tpu.memory_space<vmem>>, vector<1x16xf32>,
      %broadcast_in_dim3A_141 = arith.constant 0.000000e+00 : f32
      %broadcast_in_dim3A_142 = vector.broadcast %broadcast_in_dim3A_141 : f32 to vector<16xf32>
      %swap3A_143 = arith.index_cast %scan3A_93 : i32 to index
      %swap3A_144 = arith.constant 112 : index
      %swap3A_145 = tpu.vector_load %arg7[%swap3A_143, %swap3A_144] {strides = array<i32>} : memref<80x128xf32, #tpu.memory_space<vmem>>, vector<1x16xf32>,
      %swap3A_146 = vector.shape_cast %swap3A_145 : vector<1x16xf32> to vector<16xf32>
      %swap3A_147 = vector.shape_cast %broadcast_in_dim3A_142 : vector<16xf32> to vector<1x16xf32>
      tpu.vector_store %arg7[%swap3A_143, %swap3A_144], %swap3A_147 {strides = array<i32>} : memref<80x128xf32, #tpu.memory_space<vmem>>, vector<1x16xf32>,
    }
    %scan3A_4 = arith.constant 80 : i32
    %mul3A = arith.constant 640 : i32
    %mul3A_5 = arith.muli %arg1, %mul3A : i32
    %add3A = arith.constant 0 : i32
    %add3A_6 = arith.addi %mul3A_5, %add3A : i32
    "tpu.region"() ({
      %run_scoped3A = tpu.sem_alloc : memref<!tpu.dma_semaphore, #tpu.memory_space<semaphore_mem>>
      %dma_start3A_93 = arith.constant 0 : i32
      %dma_start3A_94 = tpu.memref_slice %arg6[%add3A_6, %dma_start3A_93] : memref<10240x128xf32, #tpu.memory_space<vmem_shared>> -> memref<80x128xf32, #tpu.memory_space<vmem_shared>>
      %dma_start3A_95 = arith.constant 0 : i32
      %dma_start3A_96 = tpu.memref_slice %arg6[%add3A_6, %dma_start3A_95] : memref<10240x128xf32, #tpu.memory_space<vmem_shared>> -> memref<80x128xf32, #tpu.memory_space<vmem_shared>>
      tpu.enqueue_dma source(%arg7 : memref<80x128xf32, #tpu.memory_space<vmem>>) target(%dma_start3A_96 : memref<80x128xf32, #tpu.memory_space<vmem_shared>>) target_semaphore(%run_scoped3A : memref<!tpu.dma_semaphore, #tpu.memory_space<semaphore_mem>>)
      %dma_wait3A_97 = arith.constant 0 : i32
      %dma_wait3A_98 = tpu.memref_slice %arg6[%add3A_6, %dma_wait3A_97] : memref<10240x128xf32, #tpu.memory_space<vmem_shared>> -> memref<80x128xf32, #tpu.memory_space<vmem_shared>>
      %dma_wait3A_99 = arith.constant 0 : i32
      %dma_wait3A_100 = tpu.memref_slice %arg6[%add3A_6, %dma_wait3A_99] : memref<10240x128xf32, #tpu.memory_space<vmem_shared>> -> memref<80x128xf32, #tpu.memory_space<vmem_shared>>
      tpu.wait_dma2 semaphore(%run_scoped3A : memref<!tpu.dma_semaphore, #tpu.memory_space<semaphore_mem>>) src(%arg7 : memref<80x128xf32, #tpu.memory_space<vmem>>) dst(%dma_wait3A_100 : memref<80x128xf32, #tpu.memory_space<vmem_shared>>)
      tpu.yield
    }) : () -> ()
    %mul3A_7 = arith.constant 640 : i32
    %mul3A_8 = arith.muli %arg1, %mul3A_7 : i32
    %add3A_9 = arith.constant 80 : i32
    %add3A_10 = arith.addi %mul3A_8, %add3A_9 : i32
    "tpu.region"() ({
      %run_scoped3A = tpu.sem_alloc : memref<!tpu.dma_semaphore, #tpu.memory_space<semaphore_mem>>
      %dma_start3A_93 = arith.constant 0 : i32
      %dma_start3A_94 = tpu.memref_slice %arg6[%add3A_10, %dma_start3A_93] : memref<10240x128xf32, #tpu.memory_space<vmem_shared>> -> memref<80x128xf32, #tpu.memory_space<vmem_shared>>
      %dma_start3A_95 = arith.constant 0 : i32
      %dma_start3A_96 = tpu.memref_slice %arg6[%add3A_10, %dma_start3A_95] : memref<10240x128xf32, #tpu.memory_space<vmem_shared>> -> memref<80x128xf32, #tpu.memory_space<vmem_shared>>
      tpu.enqueue_dma source(%arg7 : memref<80x128xf32, #tpu.memory_space<vmem>>) target(%dma_start3A_96 : memref<80x128xf32, #tpu.memory_space<vmem_shared>>) target_semaphore(%run_scoped3A : memref<!tpu.dma_semaphore, #tpu.memory_space<semaphore_mem>>)
      %dma_wait3A_97 = arith.constant 0 : i32
      %dma_wait3A_98 = tpu.memref_slice %arg6[%add3A_10, %dma_wait3A_97] : memref<10240x128xf32, #tpu.memory_space<vmem_shared>> -> memref<80x128xf32, #tpu.memory_space<vmem_shared>>
      %dma_wait3A_99 = arith.constant 0 : i32
      %dma_wait3A_100 = tpu.memref_slice %arg6[%add3A_10, %dma_wait3A_99] : memref<10240x128xf32, #tpu.memory_space<vmem_shared>> -> memref<80x128xf32, #tpu.memory_space<vmem_shared>>
      tpu.wait_dma2 semaphore(%run_scoped3A : memref<!tpu.dma_semaphore, #tpu.memory_space<semaphore_mem>>) src(%arg7 : memref<80x128xf32, #tpu.memory_space<vmem>>) dst(%dma_wait3A_100 : memref<80x128xf32, #tpu.memory_space<vmem_shared>>)
      tpu.yield
    }) : () -> ()
    %mul3A_11 = arith.constant 640 : i32
    %mul3A_12 = arith.muli %arg1, %mul3A_11 : i32
    %add3A_13 = arith.constant 160 : i32
    %add3A_14 = arith.addi %mul3A_12, %add3A_13 : i32
    "tpu.region"() ({
      %run_scoped3A = tpu.sem_alloc : memref<!tpu.dma_semaphore, #tpu.memory_space<semaphore_mem>>
      %dma_start3A_93 = arith.constant 0 : i32
      %dma_start3A_94 = tpu.memref_slice %arg6[%add3A_14, %dma_start3A_93] : memref<10240x128xf32, #tpu.memory_space<vmem_shared>> -> memref<80x128xf32, #tpu.memory_space<vmem_shared>>
      %dma_start3A_95 = arith.constant 0 : i32
      %dma_start3A_96 = tpu.memref_slice %arg6[%add3A_14, %dma_start3A_95] : memref<10240x128xf32, #tpu.memory_space<vmem_shared>> -> memref<80x128xf32, #tpu.memory_space<vmem_shared>>
      tpu.enqueue_dma source(%arg7 : memref<80x128xf32, #tpu.memory_space<vmem>>) target(%dma_start3A_96 : memref<80x128xf32, #tpu.memory_space<vmem_shared>>) target_semaphore(%run_scoped3A : memref<!tpu.dma_semaphore, #tpu.memory_space<semaphore_mem>>)
      %dma_wait3A_97 = arith.constant 0 : i32
      %dma_wait3A_98 = tpu.memref_slice %arg6[%add3A_14, %dma_wait3A_97] : memref<10240x128xf32, #tpu.memory_space<vmem_shared>> -> memref<80x128xf32, #tpu.memory_space<vmem_shared>>
      %dma_wait3A_99 = arith.constant 0 : i32
      %dma_wait3A_100 = tpu.memref_slice %arg6[%add3A_14, %dma_wait3A_99] : memref<10240x128xf32, #tpu.memory_space<vmem_shared>> -> memref<80x128xf32, #tpu.memory_space<vmem_shared>>
      tpu.wait_dma2 semaphore(%run_scoped3A : memref<!tpu.dma_semaphore, #tpu.memory_space<semaphore_mem>>) src(%arg7 : memref<80x128xf32, #tpu.memory_space<vmem>>) dst(%dma_wait3A_100 : memref<80x128xf32, #tpu.memory_space<vmem_shared>>)
      tpu.yield
    }) : () -> ()
    %mul3A_15 = arith.constant 640 : i32
    %mul3A_16 = arith.muli %arg1, %mul3A_15 : i32
    %add3A_17 = arith.constant 240 : i32
    %add3A_18 = arith.addi %mul3A_16, %add3A_17 : i32
    "tpu.region"() ({
      %run_scoped3A = tpu.sem_alloc : memref<!tpu.dma_semaphore, #tpu.memory_space<semaphore_mem>>
      %dma_start3A_93 = arith.constant 0 : i32
      %dma_start3A_94 = tpu.memref_slice %arg6[%add3A_18, %dma_start3A_93] : memref<10240x128xf32, #tpu.memory_space<vmem_shared>> -> memref<80x128xf32, #tpu.memory_space<vmem_shared>>
      %dma_start3A_95 = arith.constant 0 : i32
      %dma_start3A_96 = tpu.memref_slice %arg6[%add3A_18, %dma_start3A_95] : memref<10240x128xf32, #tpu.memory_space<vmem_shared>> -> memref<80x128xf32, #tpu.memory_space<vmem_shared>>
      tpu.enqueue_dma source(%arg7 : memref<80x128xf32, #tpu.memory_space<vmem>>) target(%dma_start3A_96 : memref<80x128xf32, #tpu.memory_space<vmem_shared>>) target_semaphore(%run_scoped3A : memref<!tpu.dma_semaphore, #tpu.memory_space<semaphore_mem>>)
      %dma_wait3A_97 = arith.constant 0 : i32
      %dma_wait3A_98 = tpu.memref_slice %arg6[%add3A_18, %dma_wait3A_97] : memref<10240x128xf32, #tpu.memory_space<vmem_shared>> -> memref<80x128xf32, #tpu.memory_space<vmem_shared>>
      %dma_wait3A_99 = arith.constant 0 : i32
      %dma_wait3A_100 = tpu.memref_slice %arg6[%add3A_18, %dma_wait3A_99] : memref<10240x128xf32, #tpu.memory_space<vmem_shared>> -> memref<80x128xf32, #tpu.memory_space<vmem_shared>>
      tpu.wait_dma2 semaphore(%run_scoped3A : memref<!tpu.dma_semaphore, #tpu.memory_space<semaphore_mem>>) src(%arg7 : memref<80x128xf32, #tpu.memory_space<vmem>>) dst(%dma_wait3A_100 : memref<80x128xf32, #tpu.memory_space<vmem_shared>>)
      tpu.yield
    }) : () -> ()
    %mul3A_19 = arith.constant 640 : i32
    %mul3A_20 = arith.muli %arg1, %mul3A_19 : i32
    %add3A_21 = arith.constant 320 : i32
    %add3A_22 = arith.addi %mul3A_20, %add3A_21 : i32
    "tpu.region"() ({
      %run_scoped3A = tpu.sem_alloc : memref<!tpu.dma_semaphore, #tpu.memory_space<semaphore_mem>>
      %dma_start3A_93 = arith.constant 0 : i32
      %dma_start3A_94 = tpu.memref_slice %arg6[%add3A_22, %dma_start3A_93] : memref<10240x128xf32, #tpu.memory_space<vmem_shared>> -> memref<80x128xf32, #tpu.memory_space<vmem_shared>>
      %dma_start3A_95 = arith.constant 0 : i32
      %dma_start3A_96 = tpu.memref_slice %arg6[%add3A_22, %dma_start3A_95] : memref<10240x128xf32, #tpu.memory_space<vmem_shared>> -> memref<80x128xf32, #tpu.memory_space<vmem_shared>>
      tpu.enqueue_dma source(%arg7 : memref<80x128xf32, #tpu.memory_space<vmem>>) target(%dma_start3A_96 : memref<80x128xf32, #tpu.memory_space<vmem_shared>>) target_semaphore(%run_scoped3A : memref<!tpu.dma_semaphore, #tpu.memory_space<semaphore_mem>>)
      %dma_wait3A_97 = arith.constant 0 : i32
      %dma_wait3A_98 = tpu.memref_slice %arg6[%add3A_22, %dma_wait3A_97] : memref<10240x128xf32, #tpu.memory_space<vmem_shared>> -> memref<80x128xf32, #tpu.memory_space<vmem_shared>>
      %dma_wait3A_99 = arith.constant 0 : i32
      %dma_wait3A_100 = tpu.memref_slice %arg6[%add3A_22, %dma_wait3A_99] : memref<10240x128xf32, #tpu.memory_space<vmem_shared>> -> memref<80x128xf32, #tpu.memory_space<vmem_shared>>
      tpu.wait_dma2 semaphore(%run_scoped3A : memref<!tpu.dma_semaphore, #tpu.memory_space<semaphore_mem>>) src(%arg7 : memref<80x128xf32, #tpu.memory_space<vmem>>) dst(%dma_wait3A_100 : memref<80x128xf32, #tpu.memory_space<vmem_shared>>)
      tpu.yield
    }) : () -> ()
    %mul3A_23 = arith.constant 640 : i32
    %mul3A_24 = arith.muli %arg1, %mul3A_23 : i32
    %add3A_25 = arith.constant 400 : i32
    %add3A_26 = arith.addi %mul3A_24, %add3A_25 : i32
    "tpu.region"() ({
      %run_scoped3A = tpu.sem_alloc : memref<!tpu.dma_semaphore, #tpu.memory_space<semaphore_mem>>
      %dma_start3A_93 = arith.constant 0 : i32
      %dma_start3A_94 = tpu.memref_slice %arg6[%add3A_26, %dma_start3A_93] : memref<10240x128xf32, #tpu.memory_space<vmem_shared>> -> memref<80x128xf32, #tpu.memory_space<vmem_shared>>
      %dma_start3A_95 = arith.constant 0 : i32
      %dma_start3A_96 = tpu.memref_slice %arg6[%add3A_26, %dma_start3A_95] : memref<10240x128xf32, #tpu.memory_space<vmem_shared>> -> memref<80x128xf32, #tpu.memory_space<vmem_shared>>
      tpu.enqueue_dma source(%arg7 : memref<80x128xf32, #tpu.memory_space<vmem>>) target(%dma_start3A_96 : memref<80x128xf32, #tpu.memory_space<vmem_shared>>) target_semaphore(%run_scoped3A : memref<!tpu.dma_semaphore, #tpu.memory_space<semaphore_mem>>)
      %dma_wait3A_97 = arith.constant 0 : i32
      %dma_wait3A_98 = tpu.memref_slice %arg6[%add3A_26, %dma_wait3A_97] : memref<10240x128xf32, #tpu.memory_space<vmem_shared>> -> memref<80x128xf32, #tpu.memory_space<vmem_shared>>
      %dma_wait3A_99 = arith.constant 0 : i32
      %dma_wait3A_100 = tpu.memref_slice %arg6[%add3A_26, %dma_wait3A_99] : memref<10240x128xf32, #tpu.memory_space<vmem_shared>> -> memref<80x128xf32, #tpu.memory_space<vmem_shared>>
      tpu.wait_dma2 semaphore(%run_scoped3A : memref<!tpu.dma_semaphore, #tpu.memory_space<semaphore_mem>>) src(%arg7 : memref<80x128xf32, #tpu.memory_space<vmem>>) dst(%dma_wait3A_100 : memref<80x128xf32, #tpu.memory_space<vmem_shared>>)
      tpu.yield
    }) : () -> ()
    %mul3A_27 = arith.constant 640 : i32
    %mul3A_28 = arith.muli %arg1, %mul3A_27 : i32
    %add3A_29 = arith.constant 480 : i32
    %add3A_30 = arith.addi %mul3A_28, %add3A_29 : i32
    "tpu.region"() ({
      %run_scoped3A = tpu.sem_alloc : memref<!tpu.dma_semaphore, #tpu.memory_space<semaphore_mem>>
      %dma_start3A_93 = arith.constant 0 : i32
      %dma_start3A_94 = tpu.memref_slice %arg6[%add3A_30, %dma_start3A_93] : memref<10240x128xf32, #tpu.memory_space<vmem_shared>> -> memref<80x128xf32, #tpu.memory_space<vmem_shared>>
      %dma_start3A_95 = arith.constant 0 : i32
      %dma_start3A_96 = tpu.memref_slice %arg6[%add3A_30, %dma_start3A_95] : memref<10240x128xf32, #tpu.memory_space<vmem_shared>> -> memref<80x128xf32, #tpu.memory_space<vmem_shared>>
      tpu.enqueue_dma source(%arg7 : memref<80x128xf32, #tpu.memory_space<vmem>>) target(%dma_start3A_96 : memref<80x128xf32, #tpu.memory_space<vmem_shared>>) target_semaphore(%run_scoped3A : memref<!tpu.dma_semaphore, #tpu.memory_space<semaphore_mem>>)
      %dma_wait3A_97 = arith.constant 0 : i32
      %dma_wait3A_98 = tpu.memref_slice %arg6[%add3A_30, %dma_wait3A_97] : memref<10240x128xf32, #tpu.memory_space<vmem_shared>> -> memref<80x128xf32, #tpu.memory_space<vmem_shared>>
      %dma_wait3A_99 = arith.constant 0 : i32
      %dma_wait3A_100 = tpu.memref_slice %arg6[%add3A_30, %dma_wait3A_99] : memref<10240x128xf32, #tpu.memory_space<vmem_shared>> -> memref<80x128xf32, #tpu.memory_space<vmem_shared>>
      tpu.wait_dma2 semaphore(%run_scoped3A : memref<!tpu.dma_semaphore, #tpu.memory_space<semaphore_mem>>) src(%arg7 : memref<80x128xf32, #tpu.memory_space<vmem>>) dst(%dma_wait3A_100 : memref<80x128xf32, #tpu.memory_space<vmem_shared>>)
      tpu.yield
    }) : () -> ()
    %mul3A_31 = arith.constant 640 : i32
    %mul3A_32 = arith.muli %arg1, %mul3A_31 : i32
    %add3A_33 = arith.constant 560 : i32
    %add3A_34 = arith.addi %mul3A_32, %add3A_33 : i32
    "tpu.region"() ({
      %run_scoped3A = tpu.sem_alloc : memref<!tpu.dma_semaphore, #tpu.memory_space<semaphore_mem>>
      %dma_start3A_93 = arith.constant 0 : i32
      %dma_start3A_94 = tpu.memref_slice %arg6[%add3A_34, %dma_start3A_93] : memref<10240x128xf32, #tpu.memory_space<vmem_shared>> -> memref<80x128xf32, #tpu.memory_space<vmem_shared>>
      %dma_start3A_95 = arith.constant 0 : i32
      %dma_start3A_96 = tpu.memref_slice %arg6[%add3A_34, %dma_start3A_95] : memref<10240x128xf32, #tpu.memory_space<vmem_shared>> -> memref<80x128xf32, #tpu.memory_space<vmem_shared>>
      tpu.enqueue_dma source(%arg7 : memref<80x128xf32, #tpu.memory_space<vmem>>) target(%dma_start3A_96 : memref<80x128xf32, #tpu.memory_space<vmem_shared>>) target_semaphore(%run_scoped3A : memref<!tpu.dma_semaphore, #tpu.memory_space<semaphore_mem>>)
      %dma_wait3A_97 = arith.constant 0 : i32
      %dma_wait3A_98 = tpu.memref_slice %arg6[%add3A_34, %dma_wait3A_97] : memref<10240x128xf32, #tpu.memory_space<vmem_shared>> -> memref<80x128xf32, #tpu.memory_space<vmem_shared>>
      %dma_wait3A_99 = arith.constant 0 : i32
      %dma_wait3A_100 = tpu.memref_slice %arg6[%add3A_34, %dma_wait3A_99] : memref<10240x128xf32, #tpu.memory_space<vmem_shared>> -> memref<80x128xf32, #tpu.memory_space<vmem_shared>>
      tpu.wait_dma2 semaphore(%run_scoped3A : memref<!tpu.dma_semaphore, #tpu.memory_space<semaphore_mem>>) src(%arg7 : memref<80x128xf32, #tpu.memory_space<vmem>>) dst(%dma_wait3A_100 : memref<80x128xf32, #tpu.memory_space<vmem_shared>>)
      tpu.yield
    }) : () -> ()
    %barrier3A = arith.constant 0 : index
    tpu.barrier barrier_id(%barrier3A)
    %mul3A_35 = arith.constant 16 : i32
    %mul3A_36 = arith.muli %arg0, %mul3A_35 : i32
    %add3A_37 = arith.addi %mul3A_36, %arg1 : i32
    %mul3A_38 = arith.constant 10000 : i32
    %mul3A_39 = arith.muli %add3A_37, %mul3A_38 : i32
    %add3A_40 = arith.constant 0 : i32
    %add3A_41 = arith.addi %mul3A_39, %add3A_40 : i32
    %dma_start3A = tpu.memref_slice %arg3[%add3A_41] : memref<320000xi32, #tpu.memory_space<hbm>> -> memref<80xi32, #tpu.memory_space<hbm>>
    %dma_start3A_42 = tpu.memref_slice %arg3[%add3A_41] : memref<320000xi32, #tpu.memory_space<hbm>> -> memref<80xi32, #tpu.memory_space<hbm>>
    tpu.enqueue_dma source(%dma_start3A_42 : memref<80xi32, #tpu.memory_space<hbm>>) target(%arg11 : memref<80xi32, #tpu.memory_space<vmem>>) target_semaphore(%arg35 : memref<!tpu.dma_semaphore, #tpu.memory_space<semaphore_mem>>)
    %dma_start3A_43 = tpu.memref_slice %arg4[%add3A_41] : memref<320000xi32, #tpu.memory_space<hbm>> -> memref<80xi32, #tpu.memory_space<hbm>>
    %dma_start3A_44 = tpu.memref_slice %arg4[%add3A_41] : memref<320000xi32, #tpu.memory_space<hbm>> -> memref<80xi32, #tpu.memory_space<hbm>>
    tpu.enqueue_dma source(%dma_start3A_44 : memref<80xi32, #tpu.memory_space<hbm>>) target(%arg19 : memref<80xi32, #tpu.memory_space<vmem>>) target_semaphore(%arg43 : memref<!tpu.dma_semaphore, #tpu.memory_space<semaphore_mem>>)
    %add3A_45 = arith.constant 80 : i32
    %add3A_46 = arith.addi %mul3A_39, %add3A_45 : i32
    %dma_start3A_47 = tpu.memref_slice %arg3[%add3A_46] : memref<320000xi32, #tpu.memory_space<hbm>> -> memref<80xi32, #tpu.memory_space<hbm>>
    %dma_start3A_48 = tpu.memref_slice %arg3[%add3A_46] : memref<320000xi32, #tpu.memory_space<hbm>> -> memref<80xi32, #tpu.memory_space<hbm>>
    tpu.enqueue_dma source(%dma_start3A_48 : memref<80xi32, #tpu.memory_space<hbm>>) target(%arg12 : memref<80xi32, #tpu.memory_space<vmem>>) target_semaphore(%arg36 : memref<!tpu.dma_semaphore, #tpu.memory_space<semaphore_mem>>)
    %dma_start3A_49 = tpu.memref_slice %arg4[%add3A_46] : memref<320000xi32, #tpu.memory_space<hbm>> -> memref<80xi32, #tpu.memory_space<hbm>>
    %dma_start3A_50 = tpu.memref_slice %arg4[%add3A_46] : memref<320000xi32, #tpu.memory_space<hbm>> -> memref<80xi32, #tpu.memory_space<hbm>>
    tpu.enqueue_dma source(%dma_start3A_50 : memref<80xi32, #tpu.memory_space<hbm>>) target(%arg20 : memref<80xi32, #tpu.memory_space<vmem>>) target_semaphore(%arg44 : memref<!tpu.dma_semaphore, #tpu.memory_space<semaphore_mem>>)
    %add3A_51 = arith.constant 160 : i32
    %add3A_52 = arith.addi %mul3A_39, %add3A_51 : i32
    %dma_start3A_53 = tpu.memref_slice %arg3[%add3A_52] : memref<320000xi32, #tpu.memory_space<hbm>> -> memref<80xi32, #tpu.memory_space<hbm>>
    %dma_start3A_54 = tpu.memref_slice %arg3[%add3A_52] : memref<320000xi32, #tpu.memory_space<hbm>> -> memref<80xi32, #tpu.memory_space<hbm>>
    tpu.enqueue_dma source(%dma_start3A_54 : memref<80xi32, #tpu.memory_space<hbm>>) target(%arg13 : memref<80xi32, #tpu.memory_space<vmem>>) target_semaphore(%arg37 : memref<!tpu.dma_semaphore, #tpu.memory_space<semaphore_mem>>)
    %dma_start3A_55 = tpu.memref_slice %arg4[%add3A_52] : memref<320000xi32, #tpu.memory_space<hbm>> -> memref<80xi32, #tpu.memory_space<hbm>>
    %dma_start3A_56 = tpu.memref_slice %arg4[%add3A_52] : memref<320000xi32, #tpu.memory_space<hbm>> -> memref<80xi32, #tpu.memory_space<hbm>>
    tpu.enqueue_dma source(%dma_start3A_56 : memref<80xi32, #tpu.memory_space<hbm>>) target(%arg21 : memref<80xi32, #tpu.memory_space<vmem>>) target_semaphore(%arg45 : memref<!tpu.dma_semaphore, #tpu.memory_space<semaphore_mem>>)
    %add3A_57 = arith.constant 0 : i32
    %add3A_58 = arith.addi %mul3A_39, %add3A_57 : i32
    %dma_wait3A = tpu.memref_slice %arg3[%add3A_58] : memref<320000xi32, #tpu.memory_space<hbm>> -> memref<80xi32, #tpu.memory_space<hbm>>
    %dma_wait3A_59 = tpu.memref_slice %arg3[%add3A_58] : memref<320000xi32, #tpu.memory_space<hbm>> -> memref<80xi32, #tpu.memory_space<hbm>>
    tpu.wait_dma2 semaphore(%arg35 : memref<!tpu.dma_semaphore, #tpu.memory_space<semaphore_mem>>) src(%dma_wait3A_59 : memref<80xi32, #tpu.memory_space<hbm>>) dst(%arg11 : memref<80xi32, #tpu.memory_space<vmem>>)
    %dma_start3A_60 = arith.constant 0 : i32
    %dma_start3A_61 = arith.constant 0 : i32
    %dma_start3A_62 = tpu.memref_slice %arg2[%dma_start3A_60, %dma_start3A_61] : memref<10000x128xf32, #tpu.memory_space<hbm>> -> memref<10000x128xf32, #tpu.memory_space<hbm>>
    tpu.enqueue_indirect_dma source(%dma_start3A_62 : memref<10000x128xf32, #tpu.memory_space<hbm>>) target(%arg7 : memref<80x128xf32, #tpu.memory_space<vmem>>) offsets(%arg11 : memref<80xi32, #tpu.memory_space<vmem>>) semaphore(%arg27 : memref<!tpu.dma_semaphore, #tpu.memory_space<semaphore_mem>>)
    %add3A_63 = arith.constant 80 : i32
    %add3A_64 = arith.addi %mul3A_39, %add3A_63 : i32
    %dma_wait3A_65 = tpu.memref_slice %arg3[%add3A_64] : memref<320000xi32, #tpu.memory_space<hbm>> -> memref<80xi32, #tpu.memory_space<hbm>>
    %dma_wait3A_66 = tpu.memref_slice %arg3[%add3A_64] : memref<320000xi32, #tpu.memory_space<hbm>> -> memref<80xi32, #tpu.memory_space<hbm>>
    tpu.wait_dma2 semaphore(%arg36 : memref<!tpu.dma_semaphore, #tpu.memory_space<semaphore_mem>>) src(%dma_wait3A_66 : memref<80xi32, #tpu.memory_space<hbm>>) dst(%arg12 : memref<80xi32, #tpu.memory_space<vmem>>)
    %dma_start3A_67 = arith.constant 0 : i32
    %dma_start3A_68 = arith.constant 0 : i32
    %dma_start3A_69 = tpu.memref_slice %arg2[%dma_start3A_67, %dma_start3A_68] : memref<10000x128xf32, #tpu.memory_space<hbm>> -> memref<10000x128xf32, #tpu.memory_space<hbm>>
    tpu.enqueue_indirect_dma source(%dma_start3A_69 : memref<10000x128xf32, #tpu.memory_space<hbm>>) target(%arg8 : memref<80x128xf32, #tpu.memory_space<vmem>>) offsets(%arg12 : memref<80xi32, #tpu.memory_space<vmem>>) semaphore(%arg28 : memref<!tpu.dma_semaphore, #tpu.memory_space<semaphore_mem>>)
    %scan3A_70 = arith.constant 0 : i32
    %scan3A_71 = arith.constant 0 : i32
    %scan3A_72 = arith.constant 16 : i32
    %scan3A_73 = arith.addi %scan3A_71, %scan3A_72 : i32
    %scan3A_74 = arith.constant 1 : i32
    scf.for %scan3A_93 = %scan3A_71 to %scan3A_73 step %scan3A_74  : i32 {
      %mul3A_94 = arith.constant 8 : i32
      %mul3A_95 = arith.muli %scan3A_93, %mul3A_94 : i32
      %add3A_96 = arith.constant 0 : i32
      %add3A_97 = arith.addi %mul3A_95, %add3A_96 : i32
      %lt3A = arith.constant 125 : i32
      %lt3A_98 = arith.cmpi slt, %add3A_97, %lt3A : i32
      %convert_element_type3A = arith.extui %lt3A_98 : i1 to i32
      %cond3A = arith.constant 0 : i32
      %cond3A_99 = arith.cmpi ne, %convert_element_type3A, %cond3A : i32
      scf.if %cond3A_99 {
        %mul3A_163 = arith.constant 80 : i32
        %mul3A_164 = arith.muli %add3A_97, %mul3A_163 : i32
        %add3A_165 = arith.addi %mul3A_39, %mul3A_164 : i32
        %dma_wait3A_166 = tpu.memref_slice %arg4[%add3A_165] : memref<320000xi32, #tpu.memory_space<hbm>> -> memref<80xi32, #tpu.memory_space<hbm>>
        %dma_wait3A_167 = tpu.memref_slice %arg4[%add3A_165] : memref<320000xi32, #tpu.memory_space<hbm>> -> memref<80xi32, #tpu.memory_space<hbm>>
        tpu.wait_dma2 semaphore(%arg43 : memref<!tpu.dma_semaphore, #tpu.memory_space<semaphore_mem>>) src(%dma_wait3A_167 : memref<80xi32, #tpu.memory_space<hbm>>) dst(%arg19 : memref<80xi32, #tpu.memory_space<vmem>>)
        %dma_wait3A_168 = arith.constant 0 : i32
        %dma_wait3A_169 = arith.constant 0 : i32
        %dma_wait3A_170 = tpu.memref_slice %arg2[%dma_wait3A_168, %dma_wait3A_169] : memref<10000x128xf32, #tpu.memory_space<hbm>> -> memref<10000x128xf32, #tpu.memory_space<hbm>>
        tpu.wait_indirect_dma semaphore(%arg27 : memref<!tpu.dma_semaphore, #tpu.memory_space<semaphore_mem>>) src(%dma_wait3A_170 : memref<10000x128xf32, #tpu.memory_space<hbm>>) dst(%arg7 : memref<80x128xf32, #tpu.memory_space<vmem>>)
        %dma_start3A_171 = arith.constant 0 : i32
        %dma_start3A_172 = arith.constant 0 : i32
        %dma_start3A_173 = tpu.memref_slice %arg6[%dma_start3A_171, %dma_start3A_172] : memref<10240x128xf32, #tpu.memory_space<vmem_shared>> -> memref<10240x128xf32, #tpu.memory_space<vmem_shared>>
        tpu.enqueue_indirect_dma source(%arg7 : memref<80x128xf32, #tpu.memory_space<vmem>>) target(%dma_start3A_173 : memref<10240x128xf32, #tpu.memory_space<vmem_shared>>) offsets(%arg19 : memref<80xi32, #tpu.memory_space<vmem>>) semaphore(%arg31 : memref<!tpu.dma_semaphore, #tpu.memory_space<semaphore_mem>>) {add = true}
        %add3A_174 = arith.constant 3 : i32
        %add3A_175 = arith.addi %add3A_97, %add3A_174 : i32
        %lt3A_176 = arith.constant 125 : i32
        %lt3A_177 = arith.cmpi slt, %add3A_175, %lt3A_176 : i32
        %convert_element_type3A_178 = arith.extui %lt3A_177 : i1 to i32
        %cond3A_179 = arith.constant 0 : i32
        %cond3A_180 = arith.cmpi ne, %convert_element_type3A_178, %cond3A_179 : i32
        scf.if %cond3A_180 {
          %mul3A_188 = arith.constant 80 : i32
          %mul3A_189 = arith.muli %add3A_175, %mul3A_188 : i32
          %add3A_190 = arith.addi %mul3A_39, %mul3A_189 : i32
          %dma_start3A_191 = tpu.memref_slice %arg3[%add3A_190] : memref<320000xi32, #tpu.memory_space<hbm>> -> memref<80xi32, #tpu.memory_space<hbm>>
          %dma_start3A_192 = tpu.memref_slice %arg3[%add3A_190] : memref<320000xi32, #tpu.memory_space<hbm>> -> memref<80xi32, #tpu.memory_space<hbm>>
          tpu.enqueue_dma source(%dma_start3A_192 : memref<80xi32, #tpu.memory_space<hbm>>) target(%arg14 : memref<80xi32, #tpu.memory_space<vmem>>) target_semaphore(%arg38 : memref<!tpu.dma_semaphore, #tpu.memory_space<semaphore_mem>>)
          %dma_start3A_193 = tpu.memref_slice %arg4[%add3A_190] : memref<320000xi32, #tpu.memory_space<hbm>> -> memref<80xi32, #tpu.memory_space<hbm>>
          %dma_start3A_194 = tpu.memref_slice %arg4[%add3A_190] : memref<320000xi32, #tpu.memory_space<hbm>> -> memref<80xi32, #tpu.memory_space<hbm>>
          tpu.enqueue_dma source(%dma_start3A_194 : memref<80xi32, #tpu.memory_space<hbm>>) target(%arg22 : memref<80xi32, #tpu.memory_space<vmem>>) target_semaphore(%arg46 : memref<!tpu.dma_semaphore, #tpu.memory_space<semaphore_mem>>)
        } else {
        }
        %add3A_181 = arith.constant 2 : i32
        %add3A_182 = arith.addi %add3A_97, %add3A_181 : i32
        %lt3A_183 = arith.constant 125 : i32
        %lt3A_184 = arith.cmpi slt, %add3A_182, %lt3A_183 : i32
        %convert_element_type3A_185 = arith.extui %lt3A_184 : i1 to i32
        %cond3A_186 = arith.constant 0 : i32
        %cond3A_187 = arith.cmpi ne, %convert_element_type3A_185, %cond3A_186 : i32
        scf.if %cond3A_187 {
          %ge3A = arith.constant 2 : i32
          %ge3A_188 = arith.cmpi sge, %add3A_97, %ge3A : i32
          %convert_element_type3A_189 = arith.extui %ge3A_188 : i1 to i32
          %cond3A_190 = arith.constant 0 : i32
          %cond3A_191 = arith.cmpi ne, %convert_element_type3A_189, %cond3A_190 : i32
          scf.if %cond3A_191 {
            %dma_wait3A_200 = arith.constant 0 : i32
            %dma_wait3A_201 = arith.constant 0 : i32
            %dma_wait3A_202 = tpu.memref_slice %arg6[%dma_wait3A_200, %dma_wait3A_201] : memref<10240x128xf32, #tpu.memory_space<vmem_shared>> -> memref<10240x128xf32, #tpu.memory_space<vmem_shared>>
            tpu.wait_indirect_dma semaphore(%arg33 : memref<!tpu.dma_semaphore, #tpu.memory_space<semaphore_mem>>) src(%arg9 : memref<80x128xf32, #tpu.memory_space<vmem>>) dst(%dma_wait3A_202 : memref<10240x128xf32, #tpu.memory_space<vmem_shared>>)
          } else {
          }
          %mul3A_192 = arith.constant 80 : i32
          %mul3A_193 = arith.muli %add3A_182, %mul3A_192 : i32
          %add3A_194 = arith.addi %mul3A_39, %mul3A_193 : i32
          %dma_wait3A_195 = tpu.memref_slice %arg3[%add3A_194] : memref<320000xi32, #tpu.memory_space<hbm>> -> memref<80xi32, #tpu.memory_space<hbm>>
          %dma_wait3A_196 = tpu.memref_slice %arg3[%add3A_194] : memref<320000xi32, #tpu.memory_space<hbm>> -> memref<80xi32, #tpu.memory_space<hbm>>
          tpu.wait_dma2 semaphore(%arg37 : memref<!tpu.dma_semaphore, #tpu.memory_space<semaphore_mem>>) src(%dma_wait3A_196 : memref<80xi32, #tpu.memory_space<hbm>>) dst(%arg13 : memref<80xi32, #tpu.memory_space<vmem>>)
          %dma_start3A_197 = arith.constant 0 : i32
          %dma_start3A_198 = arith.constant 0 : i32
          %dma_start3A_199 = tpu.memref_slice %arg2[%dma_start3A_197, %dma_start3A_198] : memref<10000x128xf32, #tpu.memory_space<hbm>> -> memref<10000x128xf32, #tpu.memory_space<hbm>>
          tpu.enqueue_indirect_dma source(%dma_start3A_199 : memref<10000x128xf32, #tpu.memory_space<hbm>>) target(%arg9 : memref<80x128xf32, #tpu.memory_space<vmem>>) offsets(%arg13 : memref<80xi32, #tpu.memory_space<vmem>>) semaphore(%arg29 : memref<!tpu.dma_semaphore, #tpu.memory_space<semaphore_mem>>)
        } else {
        }
      } else {
      }
      %mul3A_100 = arith.constant 8 : i32
      %mul3A_101 = arith.muli %scan3A_93, %mul3A_100 : i32
      %add3A_102 = arith.constant 1 : i32
      %add3A_103 = arith.addi %mul3A_101, %add3A_102 : i32
      %lt3A_104 = arith.constant 125 : i32
      %lt3A_105 = arith.cmpi slt, %add3A_103, %lt3A_104 : i32
      %convert_element_type3A_106 = arith.extui %lt3A_105 : i1 to i32
      %cond3A_107 = arith.constant 0 : i32
      %cond3A_108 = arith.cmpi ne, %convert_element_type3A_106, %cond3A_107 : i32
      scf.if %cond3A_108 {
        %mul3A_163 = arith.constant 80 : i32
        %mul3A_164 = arith.muli %add3A_103, %mul3A_163 : i32
        %add3A_165 = arith.addi %mul3A_39, %mul3A_164 : i32
        %dma_wait3A_166 = tpu.memref_slice %arg4[%add3A_165] : memref<320000xi32, #tpu.memory_space<hbm>> -> memref<80xi32, #tpu.memory_space<hbm>>
        %dma_wait3A_167 = tpu.memref_slice %arg4[%add3A_165] : memref<320000xi32, #tpu.memory_space<hbm>> -> memref<80xi32, #tpu.memory_space<hbm>>
        tpu.wait_dma2 semaphore(%arg44 : memref<!tpu.dma_semaphore, #tpu.memory_space<semaphore_mem>>) src(%dma_wait3A_167 : memref<80xi32, #tpu.memory_space<hbm>>) dst(%arg20 : memref<80xi32, #tpu.memory_space<vmem>>)
        %dma_wait3A_168 = arith.constant 0 : i32
        %dma_wait3A_169 = arith.constant 0 : i32
        %dma_wait3A_170 = tpu.memref_slice %arg2[%dma_wait3A_168, %dma_wait3A_169] : memref<10000x128xf32, #tpu.memory_space<hbm>> -> memref<10000x128xf32, #tpu.memory_space<hbm>>
        tpu.wait_indirect_dma semaphore(%arg28 : memref<!tpu.dma_semaphore, #tpu.memory_space<semaphore_mem>>) src(%dma_wait3A_170 : memref<10000x128xf32, #tpu.memory_space<hbm>>) dst(%arg8 : memref<80x128xf32, #tpu.memory_space<vmem>>)
        %dma_start3A_171 = arith.constant 0 : i32
        %dma_start3A_172 = arith.constant 0 : i32
        %dma_start3A_173 = tpu.memref_slice %arg6[%dma_start3A_171, %dma_start3A_172] : memref<10240x128xf32, #tpu.memory_space<vmem_shared>> -> memref<10240x128xf32, #tpu.memory_space<vmem_shared>>
        tpu.enqueue_indirect_dma source(%arg8 : memref<80x128xf32, #tpu.memory_space<vmem>>) target(%dma_start3A_173 : memref<10240x128xf32, #tpu.memory_space<vmem_shared>>) offsets(%arg20 : memref<80xi32, #tpu.memory_space<vmem>>) semaphore(%arg32 : memref<!tpu.dma_semaphore, #tpu.memory_space<semaphore_mem>>) {add = true}
        %add3A_174 = arith.constant 3 : i32
        %add3A_175 = arith.addi %add3A_103, %add3A_174 : i32
        %lt3A_176 = arith.constant 125 : i32
        %lt3A_177 = arith.cmpi slt, %add3A_175, %lt3A_176 : i32
        %convert_element_type3A_178 = arith.extui %lt3A_177 : i1 to i32
        %cond3A_179 = arith.constant 0 : i32
        %cond3A_180 = arith.cmpi ne, %convert_element_type3A_178, %cond3A_179 : i32
        scf.if %cond3A_180 {
          %mul3A_188 = arith.constant 80 : i32
          %mul3A_189 = arith.muli %add3A_175, %mul3A_188 : i32
          %add3A_190 = arith.addi %mul3A_39, %mul3A_189 : i32
          %dma_start3A_191 = tpu.memref_slice %arg3[%add3A_190] : memref<320000xi32, #tpu.memory_space<hbm>> -> memref<80xi32, #tpu.memory_space<hbm>>
          %dma_start3A_192 = tpu.memref_slice %arg3[%add3A_190] : memref<320000xi32, #tpu.memory_space<hbm>> -> memref<80xi32, #tpu.memory_space<hbm>>
          tpu.enqueue_dma source(%dma_start3A_192 : memref<80xi32, #tpu.memory_space<hbm>>) target(%arg15 : memref<80xi32, #tpu.memory_space<vmem>>) target_semaphore(%arg39 : memref<!tpu.dma_semaphore, #tpu.memory_space<semaphore_mem>>)
          %dma_start3A_193 = tpu.memref_slice %arg4[%add3A_190] : memref<320000xi32, #tpu.memory_space<hbm>> -> memref<80xi32, #tpu.memory_space<hbm>>
          %dma_start3A_194 = tpu.memref_slice %arg4[%add3A_190] : memref<320000xi32, #tpu.memory_space<hbm>> -> memref<80xi32, #tpu.memory_space<hbm>>
          tpu.enqueue_dma source(%dma_start3A_194 : memref<80xi32, #tpu.memory_space<hbm>>) target(%arg23 : memref<80xi32, #tpu.memory_space<vmem>>) target_semaphore(%arg47 : memref<!tpu.dma_semaphore, #tpu.memory_space<semaphore_mem>>)
        } else {
        }
        %add3A_181 = arith.constant 2 : i32
        %add3A_182 = arith.addi %add3A_103, %add3A_181 : i32
        %lt3A_183 = arith.constant 125 : i32
        %lt3A_184 = arith.cmpi slt, %add3A_182, %lt3A_183 : i32
        %convert_element_type3A_185 = arith.extui %lt3A_184 : i1 to i32
        %cond3A_186 = arith.constant 0 : i32
        %cond3A_187 = arith.cmpi ne, %convert_element_type3A_185, %cond3A_186 : i32
        scf.if %cond3A_187 {
          %ge3A = arith.constant 2 : i32
          %ge3A_188 = arith.cmpi sge, %add3A_103, %ge3A : i32
          %convert_element_type3A_189 = arith.extui %ge3A_188 : i1 to i32
          %cond3A_190 = arith.constant 0 : i32
          %cond3A_191 = arith.cmpi ne, %convert_element_type3A_189, %cond3A_190 : i32
          scf.if %cond3A_191 {
            %dma_wait3A_200 = arith.constant 0 : i32
            %dma_wait3A_201 = arith.constant 0 : i32
            %dma_wait3A_202 = tpu.memref_slice %arg6[%dma_wait3A_200, %dma_wait3A_201] : memref<10240x128xf32, #tpu.memory_space<vmem_shared>> -> memref<10240x128xf32, #tpu.memory_space<vmem_shared>>
            tpu.wait_indirect_dma semaphore(%arg34 : memref<!tpu.dma_semaphore, #tpu.memory_space<semaphore_mem>>) src(%arg10 : memref<80x128xf32, #tpu.memory_space<vmem>>) dst(%dma_wait3A_202 : memref<10240x128xf32, #tpu.memory_space<vmem_shared>>)
          } else {
          }
          %mul3A_192 = arith.constant 80 : i32
          %mul3A_193 = arith.muli %add3A_182, %mul3A_192 : i32
          %add3A_194 = arith.addi %mul3A_39, %mul3A_193 : i32
          %dma_wait3A_195 = tpu.memref_slice %arg3[%add3A_194] : memref<320000xi32, #tpu.memory_space<hbm>> -> memref<80xi32, #tpu.memory_space<hbm>>
          %dma_wait3A_196 = tpu.memref_slice %arg3[%add3A_194] : memref<320000xi32, #tpu.memory_space<hbm>> -> memref<80xi32, #tpu.memory_space<hbm>>
          tpu.wait_dma2 semaphore(%arg38 : memref<!tpu.dma_semaphore, #tpu.memory_space<semaphore_mem>>) src(%dma_wait3A_196 : memref<80xi32, #tpu.memory_space<hbm>>) dst(%arg14 : memref<80xi32, #tpu.memory_space<vmem>>)
          %dma_start3A_197 = arith.constant 0 : i32
          %dma_start3A_198 = arith.constant 0 : i32
          %dma_start3A_199 = tpu.memref_slice %arg2[%dma_start3A_197, %dma_start3A_198] : memref<10000x128xf32, #tpu.memory_space<hbm>> -> memref<10000x128xf32, #tpu.memory_space<hbm>>
          tpu.enqueue_indirect_dma source(%dma_start3A_199 : memref<10000x128xf32, #tpu.memory_space<hbm>>) target(%arg10 : memref<80x128xf32, #tpu.memory_space<vmem>>) offsets(%arg14 : memref<80xi32, #tpu.memory_space<vmem>>) semaphore(%arg30 : memref<!tpu.dma_semaphore, #tpu.memory_space<semaphore_mem>>)
        } else {
        }
      } else {
      }
      %mul3A_109 = arith.constant 8 : i32
      %mul3A_110 = arith.muli %scan3A_93, %mul3A_109 : i32
      %add3A_111 = arith.constant 2 : i32
      %add3A_112 = arith.addi %mul3A_110, %add3A_111 : i32
      %lt3A_113 = arith.constant 125 : i32
      %lt3A_114 = arith.cmpi slt, %add3A_112, %lt3A_113 : i32
      %convert_element_type3A_115 = arith.extui %lt3A_114 : i1 to i32
      %cond3A_116 = arith.constant 0 : i32
      %cond3A_117 = arith.cmpi ne, %convert_element_type3A_115, %cond3A_116 : i32
      scf.if %cond3A_117 {
        %mul3A_163 = arith.constant 80 : i32
        %mul3A_164 = arith.muli %add3A_112, %mul3A_163 : i32
        %add3A_165 = arith.addi %mul3A_39, %mul3A_164 : i32
        %dma_wait3A_166 = tpu.memref_slice %arg4[%add3A_165] : memref<320000xi32, #tpu.memory_space<hbm>> -> memref<80xi32, #tpu.memory_space<hbm>>
        %dma_wait3A_167 = tpu.memref_slice %arg4[%add3A_165] : memref<320000xi32, #tpu.memory_space<hbm>> -> memref<80xi32, #tpu.memory_space<hbm>>
        tpu.wait_dma2 semaphore(%arg45 : memref<!tpu.dma_semaphore, #tpu.memory_space<semaphore_mem>>) src(%dma_wait3A_167 : memref<80xi32, #tpu.memory_space<hbm>>) dst(%arg21 : memref<80xi32, #tpu.memory_space<vmem>>)
        %dma_wait3A_168 = arith.constant 0 : i32
        %dma_wait3A_169 = arith.constant 0 : i32
        %dma_wait3A_170 = tpu.memref_slice %arg2[%dma_wait3A_168, %dma_wait3A_169] : memref<10000x128xf32, #tpu.memory_space<hbm>> -> memref<10000x128xf32, #tpu.memory_space<hbm>>
        tpu.wait_indirect_dma semaphore(%arg29 : memref<!tpu.dma_semaphore, #tpu.memory_space<semaphore_mem>>) src(%dma_wait3A_170 : memref<10000x128xf32, #tpu.memory_space<hbm>>) dst(%arg9 : memref<80x128xf32, #tpu.memory_space<vmem>>)
        %dma_start3A_171 = arith.constant 0 : i32
        %dma_start3A_172 = arith.constant 0 : i32
        %dma_start3A_173 = tpu.memref_slice %arg6[%dma_start3A_171, %dma_start3A_172] : memref<10240x128xf32, #tpu.memory_space<vmem_shared>> -> memref<10240x128xf32, #tpu.memory_space<vmem_shared>>
        tpu.enqueue_indirect_dma source(%arg9 : memref<80x128xf32, #tpu.memory_space<vmem>>) target(%dma_start3A_173 : memref<10240x128xf32, #tpu.memory_space<vmem_shared>>) offsets(%arg21 : memref<80xi32, #tpu.memory_space<vmem>>) semaphore(%arg33 : memref<!tpu.dma_semaphore, #tpu.memory_space<semaphore_mem>>) {add = true}
        %add3A_174 = arith.constant 3 : i32
        %add3A_175 = arith.addi %add3A_112, %add3A_174 : i32
        %lt3A_176 = arith.constant 125 : i32
        %lt3A_177 = arith.cmpi slt, %add3A_175, %lt3A_176 : i32
        %convert_element_type3A_178 = arith.extui %lt3A_177 : i1 to i32
        %cond3A_179 = arith.constant 0 : i32
        %cond3A_180 = arith.cmpi ne, %convert_element_type3A_178, %cond3A_179 : i32
        scf.if %cond3A_180 {
          %mul3A_188 = arith.constant 80 : i32
          %mul3A_189 = arith.muli %add3A_175, %mul3A_188 : i32
          %add3A_190 = arith.addi %mul3A_39, %mul3A_189 : i32
          %dma_start3A_191 = tpu.memref_slice %arg3[%add3A_190] : memref<320000xi32, #tpu.memory_space<hbm>> -> memref<80xi32, #tpu.memory_space<hbm>>
          %dma_start3A_192 = tpu.memref_slice %arg3[%add3A_190] : memref<320000xi32, #tpu.memory_space<hbm>> -> memref<80xi32, #tpu.memory_space<hbm>>
          tpu.enqueue_dma source(%dma_start3A_192 : memref<80xi32, #tpu.memory_space<hbm>>) target(%arg16 : memref<80xi32, #tpu.memory_space<vmem>>) target_semaphore(%arg40 : memref<!tpu.dma_semaphore, #tpu.memory_space<semaphore_mem>>)
          %dma_start3A_193 = tpu.memref_slice %arg4[%add3A_190] : memref<320000xi32, #tpu.memory_space<hbm>> -> memref<80xi32, #tpu.memory_space<hbm>>
          %dma_start3A_194 = tpu.memref_slice %arg4[%add3A_190] : memref<320000xi32, #tpu.memory_space<hbm>> -> memref<80xi32, #tpu.memory_space<hbm>>
          tpu.enqueue_dma source(%dma_start3A_194 : memref<80xi32, #tpu.memory_space<hbm>>) target(%arg24 : memref<80xi32, #tpu.memory_space<vmem>>) target_semaphore(%arg48 : memref<!tpu.dma_semaphore, #tpu.memory_space<semaphore_mem>>)
        } else {
        }
        %add3A_181 = arith.constant 2 : i32
        %add3A_182 = arith.addi %add3A_112, %add3A_181 : i32
        %lt3A_183 = arith.constant 125 : i32
        %lt3A_184 = arith.cmpi slt, %add3A_182, %lt3A_183 : i32
        %convert_element_type3A_185 = arith.extui %lt3A_184 : i1 to i32
        %cond3A_186 = arith.constant 0 : i32
        %cond3A_187 = arith.cmpi ne, %convert_element_type3A_185, %cond3A_186 : i32
        scf.if %cond3A_187 {
          %ge3A = arith.constant 2 : i32
          %ge3A_188 = arith.cmpi sge, %add3A_112, %ge3A : i32
          %convert_element_type3A_189 = arith.extui %ge3A_188 : i1 to i32
          %cond3A_190 = arith.constant 0 : i32
          %cond3A_191 = arith.cmpi ne, %convert_element_type3A_189, %cond3A_190 : i32
          scf.if %cond3A_191 {
            %dma_wait3A_200 = arith.constant 0 : i32
            %dma_wait3A_201 = arith.constant 0 : i32
            %dma_wait3A_202 = tpu.memref_slice %arg6[%dma_wait3A_200, %dma_wait3A_201] : memref<10240x128xf32, #tpu.memory_space<vmem_shared>> -> memref<10240x128xf32, #tpu.memory_space<vmem_shared>>
            tpu.wait_indirect_dma semaphore(%arg31 : memref<!tpu.dma_semaphore, #tpu.memory_space<semaphore_mem>>) src(%arg7 : memref<80x128xf32, #tpu.memory_space<vmem>>) dst(%dma_wait3A_202 : memref<10240x128xf32, #tpu.memory_space<vmem_shared>>)
          } else {
          }
          %mul3A_192 = arith.constant 80 : i32
          %mul3A_193 = arith.muli %add3A_182, %mul3A_192 : i32
          %add3A_194 = arith.addi %mul3A_39, %mul3A_193 : i32
          %dma_wait3A_195 = tpu.memref_slice %arg3[%add3A_194] : memref<320000xi32, #tpu.memory_space<hbm>> -> memref<80xi32, #tpu.memory_space<hbm>>
          %dma_wait3A_196 = tpu.memref_slice %arg3[%add3A_194] : memref<320000xi32, #tpu.memory_space<hbm>> -> memref<80xi32, #tpu.memory_space<hbm>>
          tpu.wait_dma2 semaphore(%arg39 : memref<!tpu.dma_semaphore, #tpu.memory_space<semaphore_mem>>) src(%dma_wait3A_196 : memref<80xi32, #tpu.memory_space<hbm>>) dst(%arg15 : memref<80xi32, #tpu.memory_space<vmem>>)
          %dma_start3A_197 = arith.constant 0 : i32
          %dma_start3A_198 = arith.constant 0 : i32
          %dma_start3A_199 = tpu.memref_slice %arg2[%dma_start3A_197, %dma_start3A_198] : memref<10000x128xf32, #tpu.memory_space<hbm>> -> memref<10000x128xf32, #tpu.memory_space<hbm>>
          tpu.enqueue_indirect_dma source(%dma_start3A_199 : memref<10000x128xf32, #tpu.memory_space<hbm>>) target(%arg7 : memref<80x128xf32, #tpu.memory_space<vmem>>) offsets(%arg15 : memref<80xi32, #tpu.memory_space<vmem>>) semaphore(%arg27 : memref<!tpu.dma_semaphore, #tpu.memory_space<semaphore_mem>>)
        } else {
        }
      } else {
      }
      %mul3A_118 = arith.constant 8 : i32
      %mul3A_119 = arith.muli %scan3A_93, %mul3A_118 : i32
      %add3A_120 = arith.constant 3 : i32
      %add3A_121 = arith.addi %mul3A_119, %add3A_120 : i32
      %lt3A_122 = arith.constant 125 : i32
      %lt3A_123 = arith.cmpi slt, %add3A_121, %lt3A_122 : i32
      %convert_element_type3A_124 = arith.extui %lt3A_123 : i1 to i32
      %cond3A_125 = arith.constant 0 : i32
      %cond3A_126 = arith.cmpi ne, %convert_element_type3A_124, %cond3A_125 : i32
      scf.if %cond3A_126 {
        %mul3A_163 = arith.constant 80 : i32
        %mul3A_164 = arith.muli %add3A_121, %mul3A_163 : i32
        %add3A_165 = arith.addi %mul3A_39, %mul3A_164 : i32
        %dma_wait3A_166 = tpu.memref_slice %arg4[%add3A_165] : memref<320000xi32, #tpu.memory_space<hbm>> -> memref<80xi32, #tpu.memory_space<hbm>>
        %dma_wait3A_167 = tpu.memref_slice %arg4[%add3A_165] : memref<320000xi32, #tpu.memory_space<hbm>> -> memref<80xi32, #tpu.memory_space<hbm>>
        tpu.wait_dma2 semaphore(%arg46 : memref<!tpu.dma_semaphore, #tpu.memory_space<semaphore_mem>>) src(%dma_wait3A_167 : memref<80xi32, #tpu.memory_space<hbm>>) dst(%arg22 : memref<80xi32, #tpu.memory_space<vmem>>)
        %dma_wait3A_168 = arith.constant 0 : i32
        %dma_wait3A_169 = arith.constant 0 : i32
        %dma_wait3A_170 = tpu.memref_slice %arg2[%dma_wait3A_168, %dma_wait3A_169] : memref<10000x128xf32, #tpu.memory_space<hbm>> -> memref<10000x128xf32, #tpu.memory_space<hbm>>
        tpu.wait_indirect_dma semaphore(%arg30 : memref<!tpu.dma_semaphore, #tpu.memory_space<semaphore_mem>>) src(%dma_wait3A_170 : memref<10000x128xf32, #tpu.memory_space<hbm>>) dst(%arg10 : memref<80x128xf32, #tpu.memory_space<vmem>>)
        %dma_start3A_171 = arith.constant 0 : i32
        %dma_start3A_172 = arith.constant 0 : i32
        %dma_start3A_173 = tpu.memref_slice %arg6[%dma_start3A_171, %dma_start3A_172] : memref<10240x128xf32, #tpu.memory_space<vmem_shared>> -> memref<10240x128xf32, #tpu.memory_space<vmem_shared>>
        tpu.enqueue_indirect_dma source(%arg10 : memref<80x128xf32, #tpu.memory_space<vmem>>) target(%dma_start3A_173 : memref<10240x128xf32, #tpu.memory_space<vmem_shared>>) offsets(%arg22 : memref<80xi32, #tpu.memory_space<vmem>>) semaphore(%arg34 : memref<!tpu.dma_semaphore, #tpu.memory_space<semaphore_mem>>) {add = true}
        %add3A_174 = arith.constant 3 : i32
        %add3A_175 = arith.addi %add3A_121, %add3A_174 : i32
        %lt3A_176 = arith.constant 125 : i32
        %lt3A_177 = arith.cmpi slt, %add3A_175, %lt3A_176 : i32
        %convert_element_type3A_178 = arith.extui %lt3A_177 : i1 to i32
        %cond3A_179 = arith.constant 0 : i32
        %cond3A_180 = arith.cmpi ne, %convert_element_type3A_178, %cond3A_179 : i32
        scf.if %cond3A_180 {
          %mul3A_188 = arith.constant 80 : i32
          %mul3A_189 = arith.muli %add3A_175, %mul3A_188 : i32
          %add3A_190 = arith.addi %mul3A_39, %mul3A_189 : i32
          %dma_start3A_191 = tpu.memref_slice %arg3[%add3A_190] : memref<320000xi32, #tpu.memory_space<hbm>> -> memref<80xi32, #tpu.memory_space<hbm>>
          %dma_start3A_192 = tpu.memref_slice %arg3[%add3A_190] : memref<320000xi32, #tpu.memory_space<hbm>> -> memref<80xi32, #tpu.memory_space<hbm>>
          tpu.enqueue_dma source(%dma_start3A_192 : memref<80xi32, #tpu.memory_space<hbm>>) target(%arg17 : memref<80xi32, #tpu.memory_space<vmem>>) target_semaphore(%arg41 : memref<!tpu.dma_semaphore, #tpu.memory_space<semaphore_mem>>)
          %dma_start3A_193 = tpu.memref_slice %arg4[%add3A_190] : memref<320000xi32, #tpu.memory_space<hbm>> -> memref<80xi32, #tpu.memory_space<hbm>>
          %dma_start3A_194 = tpu.memref_slice %arg4[%add3A_190] : memref<320000xi32, #tpu.memory_space<hbm>> -> memref<80xi32, #tpu.memory_space<hbm>>
          tpu.enqueue_dma source(%dma_start3A_194 : memref<80xi32, #tpu.memory_space<hbm>>) target(%arg25 : memref<80xi32, #tpu.memory_space<vmem>>) target_semaphore(%arg49 : memref<!tpu.dma_semaphore, #tpu.memory_space<semaphore_mem>>)
        } else {
        }
        %add3A_181 = arith.constant 2 : i32
        %add3A_182 = arith.addi %add3A_121, %add3A_181 : i32
        %lt3A_183 = arith.constant 125 : i32
        %lt3A_184 = arith.cmpi slt, %add3A_182, %lt3A_183 : i32
        %convert_element_type3A_185 = arith.extui %lt3A_184 : i1 to i32
        %cond3A_186 = arith.constant 0 : i32
        %cond3A_187 = arith.cmpi ne, %convert_element_type3A_185, %cond3A_186 : i32
        scf.if %cond3A_187 {
          %ge3A = arith.constant 2 : i32
          %ge3A_188 = arith.cmpi sge, %add3A_121, %ge3A : i32
          %convert_element_type3A_189 = arith.extui %ge3A_188 : i1 to i32
          %cond3A_190 = arith.constant 0 : i32
          %cond3A_191 = arith.cmpi ne, %convert_element_type3A_189, %cond3A_190 : i32
          scf.if %cond3A_191 {
            %dma_wait3A_200 = arith.constant 0 : i32
            %dma_wait3A_201 = arith.constant 0 : i32
            %dma_wait3A_202 = tpu.memref_slice %arg6[%dma_wait3A_200, %dma_wait3A_201] : memref<10240x128xf32, #tpu.memory_space<vmem_shared>> -> memref<10240x128xf32, #tpu.memory_space<vmem_shared>>
            tpu.wait_indirect_dma semaphore(%arg32 : memref<!tpu.dma_semaphore, #tpu.memory_space<semaphore_mem>>) src(%arg8 : memref<80x128xf32, #tpu.memory_space<vmem>>) dst(%dma_wait3A_202 : memref<10240x128xf32, #tpu.memory_space<vmem_shared>>)
          } else {
          }
          %mul3A_192 = arith.constant 80 : i32
          %mul3A_193 = arith.muli %add3A_182, %mul3A_192 : i32
          %add3A_194 = arith.addi %mul3A_39, %mul3A_193 : i32
          %dma_wait3A_195 = tpu.memref_slice %arg3[%add3A_194] : memref<320000xi32, #tpu.memory_space<hbm>> -> memref<80xi32, #tpu.memory_space<hbm>>
          %dma_wait3A_196 = tpu.memref_slice %arg3[%add3A_194] : memref<320000xi32, #tpu.memory_space<hbm>> -> memref<80xi32, #tpu.memory_space<hbm>>
          tpu.wait_dma2 semaphore(%arg40 : memref<!tpu.dma_semaphore, #tpu.memory_space<semaphore_mem>>) src(%dma_wait3A_196 : memref<80xi32, #tpu.memory_space<hbm>>) dst(%arg16 : memref<80xi32, #tpu.memory_space<vmem>>)
          %dma_start3A_197 = arith.constant 0 : i32
          %dma_start3A_198 = arith.constant 0 : i32
          %dma_start3A_199 = tpu.memref_slice %arg2[%dma_start3A_197, %dma_start3A_198] : memref<10000x128xf32, #tpu.memory_space<hbm>> -> memref<10000x128xf32, #tpu.memory_space<hbm>>
          tpu.enqueue_indirect_dma source(%dma_start3A_199 : memref<10000x128xf32, #tpu.memory_space<hbm>>) target(%arg8 : memref<80x128xf32, #tpu.memory_space<vmem>>) offsets(%arg16 : memref<80xi32, #tpu.memory_space<vmem>>) semaphore(%arg28 : memref<!tpu.dma_semaphore, #tpu.memory_space<semaphore_mem>>)
        } else {
        }
      } else {
      }
      %mul3A_127 = arith.constant 8 : i32
      %mul3A_128 = arith.muli %scan3A_93, %mul3A_127 : i32
      %add3A_129 = arith.constant 4 : i32
      %add3A_130 = arith.addi %mul3A_128, %add3A_129 : i32
      %lt3A_131 = arith.constant 125 : i32
      %lt3A_132 = arith.cmpi slt, %add3A_130, %lt3A_131 : i32
      %convert_element_type3A_133 = arith.extui %lt3A_132 : i1 to i32
      %cond3A_134 = arith.constant 0 : i32
      %cond3A_135 = arith.cmpi ne, %convert_element_type3A_133, %cond3A_134 : i32
      scf.if %cond3A_135 {
        %mul3A_163 = arith.constant 80 : i32
        %mul3A_164 = arith.muli %add3A_130, %mul3A_163 : i32
        %add3A_165 = arith.addi %mul3A_39, %mul3A_164 : i32
        %dma_wait3A_166 = tpu.memref_slice %arg4[%add3A_165] : memref<320000xi32, #tpu.memory_space<hbm>> -> memref<80xi32, #tpu.memory_space<hbm>>
        %dma_wait3A_167 = tpu.memref_slice %arg4[%add3A_165] : memref<320000xi32, #tpu.memory_space<hbm>> -> memref<80xi32, #tpu.memory_space<hbm>>
        tpu.wait_dma2 semaphore(%arg47 : memref<!tpu.dma_semaphore, #tpu.memory_space<semaphore_mem>>) src(%dma_wait3A_167 : memref<80xi32, #tpu.memory_space<hbm>>) dst(%arg23 : memref<80xi32, #tpu.memory_space<vmem>>)
        %dma_wait3A_168 = arith.constant 0 : i32
        %dma_wait3A_169 = arith.constant 0 : i32
        %dma_wait3A_170 = tpu.memref_slice %arg2[%dma_wait3A_168, %dma_wait3A_169] : memref<10000x128xf32, #tpu.memory_space<hbm>> -> memref<10000x128xf32, #tpu.memory_space<hbm>>
        tpu.wait_indirect_dma semaphore(%arg27 : memref<!tpu.dma_semaphore, #tpu.memory_space<semaphore_mem>>) src(%dma_wait3A_170 : memref<10000x128xf32, #tpu.memory_space<hbm>>) dst(%arg7 : memref<80x128xf32, #tpu.memory_space<vmem>>)
        %dma_start3A_171 = arith.constant 0 : i32
        %dma_start3A_172 = arith.constant 0 : i32
        %dma_start3A_173 = tpu.memref_slice %arg6[%dma_start3A_171, %dma_start3A_172] : memref<10240x128xf32, #tpu.memory_space<vmem_shared>> -> memref<10240x128xf32, #tpu.memory_space<vmem_shared>>
        tpu.enqueue_indirect_dma source(%arg7 : memref<80x128xf32, #tpu.memory_space<vmem>>) target(%dma_start3A_173 : memref<10240x128xf32, #tpu.memory_space<vmem_shared>>) offsets(%arg23 : memref<80xi32, #tpu.memory_space<vmem>>) semaphore(%arg31 : memref<!tpu.dma_semaphore, #tpu.memory_space<semaphore_mem>>) {add = true}
        %add3A_174 = arith.constant 3 : i32
        %add3A_175 = arith.addi %add3A_130, %add3A_174 : i32
        %lt3A_176 = arith.constant 125 : i32
        %lt3A_177 = arith.cmpi slt, %add3A_175, %lt3A_176 : i32
        %convert_element_type3A_178 = arith.extui %lt3A_177 : i1 to i32
        %cond3A_179 = arith.constant 0 : i32
        %cond3A_180 = arith.cmpi ne, %convert_element_type3A_178, %cond3A_179 : i32
        scf.if %cond3A_180 {
          %mul3A_188 = arith.constant 80 : i32
          %mul3A_189 = arith.muli %add3A_175, %mul3A_188 : i32
          %add3A_190 = arith.addi %mul3A_39, %mul3A_189 : i32
          %dma_start3A_191 = tpu.memref_slice %arg3[%add3A_190] : memref<320000xi32, #tpu.memory_space<hbm>> -> memref<80xi32, #tpu.memory_space<hbm>>
          %dma_start3A_192 = tpu.memref_slice %arg3[%add3A_190] : memref<320000xi32, #tpu.memory_space<hbm>> -> memref<80xi32, #tpu.memory_space<hbm>>
          tpu.enqueue_dma source(%dma_start3A_192 : memref<80xi32, #tpu.memory_space<hbm>>) target(%arg18 : memref<80xi32, #tpu.memory_space<vmem>>) target_semaphore(%arg42 : memref<!tpu.dma_semaphore, #tpu.memory_space<semaphore_mem>>)
          %dma_start3A_193 = tpu.memref_slice %arg4[%add3A_190] : memref<320000xi32, #tpu.memory_space<hbm>> -> memref<80xi32, #tpu.memory_space<hbm>>
          %dma_start3A_194 = tpu.memref_slice %arg4[%add3A_190] : memref<320000xi32, #tpu.memory_space<hbm>> -> memref<80xi32, #tpu.memory_space<hbm>>
          tpu.enqueue_dma source(%dma_start3A_194 : memref<80xi32, #tpu.memory_space<hbm>>) target(%arg26 : memref<80xi32, #tpu.memory_space<vmem>>) target_semaphore(%arg50 : memref<!tpu.dma_semaphore, #tpu.memory_space<semaphore_mem>>)
        } else {
        }
        %add3A_181 = arith.constant 2 : i32
        %add3A_182 = arith.addi %add3A_130, %add3A_181 : i32
        %lt3A_183 = arith.constant 125 : i32
        %lt3A_184 = arith.cmpi slt, %add3A_182, %lt3A_183 : i32
        %convert_element_type3A_185 = arith.extui %lt3A_184 : i1 to i32
        %cond3A_186 = arith.constant 0 : i32
        %cond3A_187 = arith.cmpi ne, %convert_element_type3A_185, %cond3A_186 : i32
        scf.if %cond3A_187 {
          %ge3A = arith.constant 2 : i32
          %ge3A_188 = arith.cmpi sge, %add3A_130, %ge3A : i32
          %convert_element_type3A_189 = arith.extui %ge3A_188 : i1 to i32
          %cond3A_190 = arith.constant 0 : i32
          %cond3A_191 = arith.cmpi ne, %convert_element_type3A_189, %cond3A_190 : i32
          scf.if %cond3A_191 {
            %dma_wait3A_200 = arith.constant 0 : i32
            %dma_wait3A_201 = arith.constant 0 : i32
            %dma_wait3A_202 = tpu.memref_slice %arg6[%dma_wait3A_200, %dma_wait3A_201] : memref<10240x128xf32, #tpu.memory_space<vmem_shared>> -> memref<10240x128xf32, #tpu.memory_space<vmem_shared>>
            tpu.wait_indirect_dma semaphore(%arg33 : memref<!tpu.dma_semaphore, #tpu.memory_space<semaphore_mem>>) src(%arg9 : memref<80x128xf32, #tpu.memory_space<vmem>>) dst(%dma_wait3A_202 : memref<10240x128xf32, #tpu.memory_space<vmem_shared>>)
          } else {
          }
          %mul3A_192 = arith.constant 80 : i32
          %mul3A_193 = arith.muli %add3A_182, %mul3A_192 : i32
          %add3A_194 = arith.addi %mul3A_39, %mul3A_193 : i32
          %dma_wait3A_195 = tpu.memref_slice %arg3[%add3A_194] : memref<320000xi32, #tpu.memory_space<hbm>> -> memref<80xi32, #tpu.memory_space<hbm>>
          %dma_wait3A_196 = tpu.memref_slice %arg3[%add3A_194] : memref<320000xi32, #tpu.memory_space<hbm>> -> memref<80xi32, #tpu.memory_space<hbm>>
          tpu.wait_dma2 semaphore(%arg41 : memref<!tpu.dma_semaphore, #tpu.memory_space<semaphore_mem>>) src(%dma_wait3A_196 : memref<80xi32, #tpu.memory_space<hbm>>) dst(%arg17 : memref<80xi32, #tpu.memory_space<vmem>>)
          %dma_start3A_197 = arith.constant 0 : i32
          %dma_start3A_198 = arith.constant 0 : i32
          %dma_start3A_199 = tpu.memref_slice %arg2[%dma_start3A_197, %dma_start3A_198] : memref<10000x128xf32, #tpu.memory_space<hbm>> -> memref<10000x128xf32, #tpu.memory_space<hbm>>
          tpu.enqueue_indirect_dma source(%dma_start3A_199 : memref<10000x128xf32, #tpu.memory_space<hbm>>) target(%arg9 : memref<80x128xf32, #tpu.memory_space<vmem>>) offsets(%arg17 : memref<80xi32, #tpu.memory_space<vmem>>) semaphore(%arg29 : memref<!tpu.dma_semaphore, #tpu.memory_space<semaphore_mem>>)
        } else {
        }
      } else {
      }
      %mul3A_136 = arith.constant 8 : i32
      %mul3A_137 = arith.muli %scan3A_93, %mul3A_136 : i32
      %add3A_138 = arith.constant 5 : i32
      %add3A_139 = arith.addi %mul3A_137, %add3A_138 : i32
      %lt3A_140 = arith.constant 125 : i32
      %lt3A_141 = arith.cmpi slt, %add3A_139, %lt3A_140 : i32
      %convert_element_type3A_142 = arith.extui %lt3A_141 : i1 to i32
      %cond3A_143 = arith.constant 0 : i32
      %cond3A_144 = arith.cmpi ne, %convert_element_type3A_142, %cond3A_143 : i32
      scf.if %cond3A_144 {
        %mul3A_163 = arith.constant 80 : i32
        %mul3A_164 = arith.muli %add3A_139, %mul3A_163 : i32
        %add3A_165 = arith.addi %mul3A_39, %mul3A_164 : i32
        %dma_wait3A_166 = tpu.memref_slice %arg4[%add3A_165] : memref<320000xi32, #tpu.memory_space<hbm>> -> memref<80xi32, #tpu.memory_space<hbm>>
        %dma_wait3A_167 = tpu.memref_slice %arg4[%add3A_165] : memref<320000xi32, #tpu.memory_space<hbm>> -> memref<80xi32, #tpu.memory_space<hbm>>
        tpu.wait_dma2 semaphore(%arg48 : memref<!tpu.dma_semaphore, #tpu.memory_space<semaphore_mem>>) src(%dma_wait3A_167 : memref<80xi32, #tpu.memory_space<hbm>>) dst(%arg24 : memref<80xi32, #tpu.memory_space<vmem>>)
        %dma_wait3A_168 = arith.constant 0 : i32
        %dma_wait3A_169 = arith.constant 0 : i32
        %dma_wait3A_170 = tpu.memref_slice %arg2[%dma_wait3A_168, %dma_wait3A_169] : memref<10000x128xf32, #tpu.memory_space<hbm>> -> memref<10000x128xf32, #tpu.memory_space<hbm>>
        tpu.wait_indirect_dma semaphore(%arg28 : memref<!tpu.dma_semaphore, #tpu.memory_space<semaphore_mem>>) src(%dma_wait3A_170 : memref<10000x128xf32, #tpu.memory_space<hbm>>) dst(%arg8 : memref<80x128xf32, #tpu.memory_space<vmem>>)
        %dma_start3A_171 = arith.constant 0 : i32
        %dma_start3A_172 = arith.constant 0 : i32
        %dma_start3A_173 = tpu.memref_slice %arg6[%dma_start3A_171, %dma_start3A_172] : memref<10240x128xf32, #tpu.memory_space<vmem_shared>> -> memref<10240x128xf32, #tpu.memory_space<vmem_shared>>
        tpu.enqueue_indirect_dma source(%arg8 : memref<80x128xf32, #tpu.memory_space<vmem>>) target(%dma_start3A_173 : memref<10240x128xf32, #tpu.memory_space<vmem_shared>>) offsets(%arg24 : memref<80xi32, #tpu.memory_space<vmem>>) semaphore(%arg32 : memref<!tpu.dma_semaphore, #tpu.memory_space<semaphore_mem>>) {add = true}
        %add3A_174 = arith.constant 3 : i32
        %add3A_175 = arith.addi %add3A_139, %add3A_174 : i32
        %lt3A_176 = arith.constant 125 : i32
        %lt3A_177 = arith.cmpi slt, %add3A_175, %lt3A_176 : i32
        %convert_element_type3A_178 = arith.extui %lt3A_177 : i1 to i32
        %cond3A_179 = arith.constant 0 : i32
        %cond3A_180 = arith.cmpi ne, %convert_element_type3A_178, %cond3A_179 : i32
        scf.if %cond3A_180 {
          %mul3A_188 = arith.constant 80 : i32
          %mul3A_189 = arith.muli %add3A_175, %mul3A_188 : i32
          %add3A_190 = arith.addi %mul3A_39, %mul3A_189 : i32
          %dma_start3A_191 = tpu.memref_slice %arg3[%add3A_190] : memref<320000xi32, #tpu.memory_space<hbm>> -> memref<80xi32, #tpu.memory_space<hbm>>
          %dma_start3A_192 = tpu.memref_slice %arg3[%add3A_190] : memref<320000xi32, #tpu.memory_space<hbm>> -> memref<80xi32, #tpu.memory_space<hbm>>
          tpu.enqueue_dma source(%dma_start3A_192 : memref<80xi32, #tpu.memory_space<hbm>>) target(%arg11 : memref<80xi32, #tpu.memory_space<vmem>>) target_semaphore(%arg35 : memref<!tpu.dma_semaphore, #tpu.memory_space<semaphore_mem>>)
          %dma_start3A_193 = tpu.memref_slice %arg4[%add3A_190] : memref<320000xi32, #tpu.memory_space<hbm>> -> memref<80xi32, #tpu.memory_space<hbm>>
          %dma_start3A_194 = tpu.memref_slice %arg4[%add3A_190] : memref<320000xi32, #tpu.memory_space<hbm>> -> memref<80xi32, #tpu.memory_space<hbm>>
          tpu.enqueue_dma source(%dma_start3A_194 : memref<80xi32, #tpu.memory_space<hbm>>) target(%arg19 : memref<80xi32, #tpu.memory_space<vmem>>) target_semaphore(%arg43 : memref<!tpu.dma_semaphore, #tpu.memory_space<semaphore_mem>>)
        } else {
        }
        %add3A_181 = arith.constant 2 : i32
        %add3A_182 = arith.addi %add3A_139, %add3A_181 : i32
        %lt3A_183 = arith.constant 125 : i32
        %lt3A_184 = arith.cmpi slt, %add3A_182, %lt3A_183 : i32
        %convert_element_type3A_185 = arith.extui %lt3A_184 : i1 to i32
        %cond3A_186 = arith.constant 0 : i32
        %cond3A_187 = arith.cmpi ne, %convert_element_type3A_185, %cond3A_186 : i32
        scf.if %cond3A_187 {
          %ge3A = arith.constant 2 : i32
          %ge3A_188 = arith.cmpi sge, %add3A_139, %ge3A : i32
          %convert_element_type3A_189 = arith.extui %ge3A_188 : i1 to i32
          %cond3A_190 = arith.constant 0 : i32
          %cond3A_191 = arith.cmpi ne, %convert_element_type3A_189, %cond3A_190 : i32
          scf.if %cond3A_191 {
            %dma_wait3A_200 = arith.constant 0 : i32
            %dma_wait3A_201 = arith.constant 0 : i32
            %dma_wait3A_202 = tpu.memref_slice %arg6[%dma_wait3A_200, %dma_wait3A_201] : memref<10240x128xf32, #tpu.memory_space<vmem_shared>> -> memref<10240x128xf32, #tpu.memory_space<vmem_shared>>
            tpu.wait_indirect_dma semaphore(%arg34 : memref<!tpu.dma_semaphore, #tpu.memory_space<semaphore_mem>>) src(%arg10 : memref<80x128xf32, #tpu.memory_space<vmem>>) dst(%dma_wait3A_202 : memref<10240x128xf32, #tpu.memory_space<vmem_shared>>)
          } else {
          }
          %mul3A_192 = arith.constant 80 : i32
          %mul3A_193 = arith.muli %add3A_182, %mul3A_192 : i32
          %add3A_194 = arith.addi %mul3A_39, %mul3A_193 : i32
          %dma_wait3A_195 = tpu.memref_slice %arg3[%add3A_194] : memref<320000xi32, #tpu.memory_space<hbm>> -> memref<80xi32, #tpu.memory_space<hbm>>
          %dma_wait3A_196 = tpu.memref_slice %arg3[%add3A_194] : memref<320000xi32, #tpu.memory_space<hbm>> -> memref<80xi32, #tpu.memory_space<hbm>>
          tpu.wait_dma2 semaphore(%arg42 : memref<!tpu.dma_semaphore, #tpu.memory_space<semaphore_mem>>) src(%dma_wait3A_196 : memref<80xi32, #tpu.memory_space<hbm>>) dst(%arg18 : memref<80xi32, #tpu.memory_space<vmem>>)
          %dma_start3A_197 = arith.constant 0 : i32
          %dma_start3A_198 = arith.constant 0 : i32
          %dma_start3A_199 = tpu.memref_slice %arg2[%dma_start3A_197, %dma_start3A_198] : memref<10000x128xf32, #tpu.memory_space<hbm>> -> memref<10000x128xf32, #tpu.memory_space<hbm>>
          tpu.enqueue_indirect_dma source(%dma_start3A_199 : memref<10000x128xf32, #tpu.memory_space<hbm>>) target(%arg10 : memref<80x128xf32, #tpu.memory_space<vmem>>) offsets(%arg18 : memref<80xi32, #tpu.memory_space<vmem>>) semaphore(%arg30 : memref<!tpu.dma_semaphore, #tpu.memory_space<semaphore_mem>>)
        } else {
        }
      } else {
      }
      %mul3A_145 = arith.constant 8 : i32
      %mul3A_146 = arith.muli %scan3A_93, %mul3A_145 : i32
      %add3A_147 = arith.constant 6 : i32
      %add3A_148 = arith.addi %mul3A_146, %add3A_147 : i32
      %lt3A_149 = arith.constant 125 : i32
      %lt3A_150 = arith.cmpi slt, %add3A_148, %lt3A_149 : i32
      %convert_element_type3A_151 = arith.extui %lt3A_150 : i1 to i32
      %cond3A_152 = arith.constant 0 : i32
      %cond3A_153 = arith.cmpi ne, %convert_element_type3A_151, %cond3A_152 : i32
      scf.if %cond3A_153 {
        %mul3A_163 = arith.constant 80 : i32
        %mul3A_164 = arith.muli %add3A_148, %mul3A_163 : i32
        %add3A_165 = arith.addi %mul3A_39, %mul3A_164 : i32
        %dma_wait3A_166 = tpu.memref_slice %arg4[%add3A_165] : memref<320000xi32, #tpu.memory_space<hbm>> -> memref<80xi32, #tpu.memory_space<hbm>>
        %dma_wait3A_167 = tpu.memref_slice %arg4[%add3A_165] : memref<320000xi32, #tpu.memory_space<hbm>> -> memref<80xi32, #tpu.memory_space<hbm>>
        tpu.wait_dma2 semaphore(%arg49 : memref<!tpu.dma_semaphore, #tpu.memory_space<semaphore_mem>>) src(%dma_wait3A_167 : memref<80xi32, #tpu.memory_space<hbm>>) dst(%arg25 : memref<80xi32, #tpu.memory_space<vmem>>)
        %dma_wait3A_168 = arith.constant 0 : i32
        %dma_wait3A_169 = arith.constant 0 : i32
        %dma_wait3A_170 = tpu.memref_slice %arg2[%dma_wait3A_168, %dma_wait3A_169] : memref<10000x128xf32, #tpu.memory_space<hbm>> -> memref<10000x128xf32, #tpu.memory_space<hbm>>
        tpu.wait_indirect_dma semaphore(%arg29 : memref<!tpu.dma_semaphore, #tpu.memory_space<semaphore_mem>>) src(%dma_wait3A_170 : memref<10000x128xf32, #tpu.memory_space<hbm>>) dst(%arg9 : memref<80x128xf32, #tpu.memory_space<vmem>>)
        %dma_start3A_171 = arith.constant 0 : i32
        %dma_start3A_172 = arith.constant 0 : i32
        %dma_start3A_173 = tpu.memref_slice %arg6[%dma_start3A_171, %dma_start3A_172] : memref<10240x128xf32, #tpu.memory_space<vmem_shared>> -> memref<10240x128xf32, #tpu.memory_space<vmem_shared>>
        tpu.enqueue_indirect_dma source(%arg9 : memref<80x128xf32, #tpu.memory_space<vmem>>) target(%dma_start3A_173 : memref<10240x128xf32, #tpu.memory_space<vmem_shared>>) offsets(%arg25 : memref<80xi32, #tpu.memory_space<vmem>>) semaphore(%arg33 : memref<!tpu.dma_semaphore, #tpu.memory_space<semaphore_mem>>) {add = true}
        %add3A_174 = arith.constant 3 : i32
        %add3A_175 = arith.addi %add3A_148, %add3A_174 : i32
        %lt3A_176 = arith.constant 125 : i32
        %lt3A_177 = arith.cmpi slt, %add3A_175, %lt3A_176 : i32
        %convert_element_type3A_178 = arith.extui %lt3A_177 : i1 to i32
        %cond3A_179 = arith.constant 0 : i32
        %cond3A_180 = arith.cmpi ne, %convert_element_type3A_178, %cond3A_179 : i32
        scf.if %cond3A_180 {
          %mul3A_188 = arith.constant 80 : i32
          %mul3A_189 = arith.muli %add3A_175, %mul3A_188 : i32
          %add3A_190 = arith.addi %mul3A_39, %mul3A_189 : i32
          %dma_start3A_191 = tpu.memref_slice %arg3[%add3A_190] : memref<320000xi32, #tpu.memory_space<hbm>> -> memref<80xi32, #tpu.memory_space<hbm>>
          %dma_start3A_192 = tpu.memref_slice %arg3[%add3A_190] : memref<320000xi32, #tpu.memory_space<hbm>> -> memref<80xi32, #tpu.memory_space<hbm>>
          tpu.enqueue_dma source(%dma_start3A_192 : memref<80xi32, #tpu.memory_space<hbm>>) target(%arg12 : memref<80xi32, #tpu.memory_space<vmem>>) target_semaphore(%arg36 : memref<!tpu.dma_semaphore, #tpu.memory_space<semaphore_mem>>)
          %dma_start3A_193 = tpu.memref_slice %arg4[%add3A_190] : memref<320000xi32, #tpu.memory_space<hbm>> -> memref<80xi32, #tpu.memory_space<hbm>>
          %dma_start3A_194 = tpu.memref_slice %arg4[%add3A_190] : memref<320000xi32, #tpu.memory_space<hbm>> -> memref<80xi32, #tpu.memory_space<hbm>>
          tpu.enqueue_dma source(%dma_start3A_194 : memref<80xi32, #tpu.memory_space<hbm>>) target(%arg20 : memref<80xi32, #tpu.memory_space<vmem>>) target_semaphore(%arg44 : memref<!tpu.dma_semaphore, #tpu.memory_space<semaphore_mem>>)
        } else {
        }
        %add3A_181 = arith.constant 2 : i32
        %add3A_182 = arith.addi %add3A_148, %add3A_181 : i32
        %lt3A_183 = arith.constant 125 : i32
        %lt3A_184 = arith.cmpi slt, %add3A_182, %lt3A_183 : i32
        %convert_element_type3A_185 = arith.extui %lt3A_184 : i1 to i32
        %cond3A_186 = arith.constant 0 : i32
        %cond3A_187 = arith.cmpi ne, %convert_element_type3A_185, %cond3A_186 : i32
        scf.if %cond3A_187 {
          %ge3A = arith.constant 2 : i32
          %ge3A_188 = arith.cmpi sge, %add3A_148, %ge3A : i32
          %convert_element_type3A_189 = arith.extui %ge3A_188 : i1 to i32
          %cond3A_190 = arith.constant 0 : i32
          %cond3A_191 = arith.cmpi ne, %convert_element_type3A_189, %cond3A_190 : i32
          scf.if %cond3A_191 {
            %dma_wait3A_200 = arith.constant 0 : i32
            %dma_wait3A_201 = arith.constant 0 : i32
            %dma_wait3A_202 = tpu.memref_slice %arg6[%dma_wait3A_200, %dma_wait3A_201] : memref<10240x128xf32, #tpu.memory_space<vmem_shared>> -> memref<10240x128xf32, #tpu.memory_space<vmem_shared>>
            tpu.wait_indirect_dma semaphore(%arg31 : memref<!tpu.dma_semaphore, #tpu.memory_space<semaphore_mem>>) src(%arg7 : memref<80x128xf32, #tpu.memory_space<vmem>>) dst(%dma_wait3A_202 : memref<10240x128xf32, #tpu.memory_space<vmem_shared>>)
          } else {
          }
          %mul3A_192 = arith.constant 80 : i32
          %mul3A_193 = arith.muli %add3A_182, %mul3A_192 : i32
          %add3A_194 = arith.addi %mul3A_39, %mul3A_193 : i32
          %dma_wait3A_195 = tpu.memref_slice %arg3[%add3A_194] : memref<320000xi32, #tpu.memory_space<hbm>> -> memref<80xi32, #tpu.memory_space<hbm>>
          %dma_wait3A_196 = tpu.memref_slice %arg3[%add3A_194] : memref<320000xi32, #tpu.memory_space<hbm>> -> memref<80xi32, #tpu.memory_space<hbm>>
          tpu.wait_dma2 semaphore(%arg35 : memref<!tpu.dma_semaphore, #tpu.memory_space<semaphore_mem>>) src(%dma_wait3A_196 : memref<80xi32, #tpu.memory_space<hbm>>) dst(%arg11 : memref<80xi32, #tpu.memory_space<vmem>>)
          %dma_start3A_197 = arith.constant 0 : i32
          %dma_start3A_198 = arith.constant 0 : i32
          %dma_start3A_199 = tpu.memref_slice %arg2[%dma_start3A_197, %dma_start3A_198] : memref<10000x128xf32, #tpu.memory_space<hbm>> -> memref<10000x128xf32, #tpu.memory_space<hbm>>
          tpu.enqueue_indirect_dma source(%dma_start3A_199 : memref<10000x128xf32, #tpu.memory_space<hbm>>) target(%arg7 : memref<80x128xf32, #tpu.memory_space<vmem>>) offsets(%arg11 : memref<80xi32, #tpu.memory_space<vmem>>) semaphore(%arg27 : memref<!tpu.dma_semaphore, #tpu.memory_space<semaphore_mem>>)
        } else {
        }
      } else {
      }
      %mul3A_154 = arith.constant 8 : i32
      %mul3A_155 = arith.muli %scan3A_93, %mul3A_154 : i32
      %add3A_156 = arith.constant 7 : i32
      %add3A_157 = arith.addi %mul3A_155, %add3A_156 : i32
      %lt3A_158 = arith.constant 125 : i32
      %lt3A_159 = arith.cmpi slt, %add3A_157, %lt3A_158 : i32
      %convert_element_type3A_160 = arith.extui %lt3A_159 : i1 to i32
      %cond3A_161 = arith.constant 0 : i32
      %cond3A_162 = arith.cmpi ne, %convert_element_type3A_160, %cond3A_161 : i32
      scf.if %cond3A_162 {
        %mul3A_163 = arith.constant 80 : i32
        %mul3A_164 = arith.muli %add3A_157, %mul3A_163 : i32
        %add3A_165 = arith.addi %mul3A_39, %mul3A_164 : i32
        %dma_wait3A_166 = tpu.memref_slice %arg4[%add3A_165] : memref<320000xi32, #tpu.memory_space<hbm>> -> memref<80xi32, #tpu.memory_space<hbm>>
        %dma_wait3A_167 = tpu.memref_slice %arg4[%add3A_165] : memref<320000xi32, #tpu.memory_space<hbm>> -> memref<80xi32, #tpu.memory_space<hbm>>
        tpu.wait_dma2 semaphore(%arg50 : memref<!tpu.dma_semaphore, #tpu.memory_space<semaphore_mem>>) src(%dma_wait3A_167 : memref<80xi32, #tpu.memory_space<hbm>>) dst(%arg26 : memref<80xi32, #tpu.memory_space<vmem>>)
        %dma_wait3A_168 = arith.constant 0 : i32
        %dma_wait3A_169 = arith.constant 0 : i32
        %dma_wait3A_170 = tpu.memref_slice %arg2[%dma_wait3A_168, %dma_wait3A_169] : memref<10000x128xf32, #tpu.memory_space<hbm>> -> memref<10000x128xf32, #tpu.memory_space<hbm>>
        tpu.wait_indirect_dma semaphore(%arg30 : memref<!tpu.dma_semaphore, #tpu.memory_space<semaphore_mem>>) src(%dma_wait3A_170 : memref<10000x128xf32, #tpu.memory_space<hbm>>) dst(%arg10 : memref<80x128xf32, #tpu.memory_space<vmem>>)
        %dma_start3A_171 = arith.constant 0 : i32
        %dma_start3A_172 = arith.constant 0 : i32
        %dma_start3A_173 = tpu.memref_slice %arg6[%dma_start3A_171, %dma_start3A_172] : memref<10240x128xf32, #tpu.memory_space<vmem_shared>> -> memref<10240x128xf32, #tpu.memory_space<vmem_shared>>
        tpu.enqueue_indirect_dma source(%arg10 : memref<80x128xf32, #tpu.memory_space<vmem>>) target(%dma_start3A_173 : memref<10240x128xf32, #tpu.memory_space<vmem_shared>>) offsets(%arg26 : memref<80xi32, #tpu.memory_space<vmem>>) semaphore(%arg34 : memref<!tpu.dma_semaphore, #tpu.memory_space<semaphore_mem>>) {add = true}
        %add3A_174 = arith.constant 3 : i32
        %add3A_175 = arith.addi %add3A_157, %add3A_174 : i32
        %lt3A_176 = arith.constant 125 : i32
        %lt3A_177 = arith.cmpi slt, %add3A_175, %lt3A_176 : i32
        %convert_element_type3A_178 = arith.extui %lt3A_177 : i1 to i32
        %cond3A_179 = arith.constant 0 : i32
        %cond3A_180 = arith.cmpi ne, %convert_element_type3A_178, %cond3A_179 : i32
        scf.if %cond3A_180 {
          %mul3A_188 = arith.constant 80 : i32
          %mul3A_189 = arith.muli %add3A_175, %mul3A_188 : i32
          %add3A_190 = arith.addi %mul3A_39, %mul3A_189 : i32
          %dma_start3A_191 = tpu.memref_slice %arg3[%add3A_190] : memref<320000xi32, #tpu.memory_space<hbm>> -> memref<80xi32, #tpu.memory_space<hbm>>
          %dma_start3A_192 = tpu.memref_slice %arg3[%add3A_190] : memref<320000xi32, #tpu.memory_space<hbm>> -> memref<80xi32, #tpu.memory_space<hbm>>
          tpu.enqueue_dma source(%dma_start3A_192 : memref<80xi32, #tpu.memory_space<hbm>>) target(%arg13 : memref<80xi32, #tpu.memory_space<vmem>>) target_semaphore(%arg37 : memref<!tpu.dma_semaphore, #tpu.memory_space<semaphore_mem>>)
          %dma_start3A_193 = tpu.memref_slice %arg4[%add3A_190] : memref<320000xi32, #tpu.memory_space<hbm>> -> memref<80xi32, #tpu.memory_space<hbm>>
          %dma_start3A_194 = tpu.memref_slice %arg4[%add3A_190] : memref<320000xi32, #tpu.memory_space<hbm>> -> memref<80xi32, #tpu.memory_space<hbm>>
          tpu.enqueue_dma source(%dma_start3A_194 : memref<80xi32, #tpu.memory_space<hbm>>) target(%arg21 : memref<80xi32, #tpu.memory_space<vmem>>) target_semaphore(%arg45 : memref<!tpu.dma_semaphore, #tpu.memory_space<semaphore_mem>>)
        } else {
        }
        %add3A_181 = arith.constant 2 : i32
        %add3A_182 = arith.addi %add3A_157, %add3A_181 : i32
        %lt3A_183 = arith.constant 125 : i32
        %lt3A_184 = arith.cmpi slt, %add3A_182, %lt3A_183 : i32
        %convert_element_type3A_185 = arith.extui %lt3A_184 : i1 to i32
        %cond3A_186 = arith.constant 0 : i32
        %cond3A_187 = arith.cmpi ne, %convert_element_type3A_185, %cond3A_186 : i32
        scf.if %cond3A_187 {
          %ge3A = arith.constant 2 : i32
          %ge3A_188 = arith.cmpi sge, %add3A_157, %ge3A : i32
          %convert_element_type3A_189 = arith.extui %ge3A_188 : i1 to i32
          %cond3A_190 = arith.constant 0 : i32
          %cond3A_191 = arith.cmpi ne, %convert_element_type3A_189, %cond3A_190 : i32
          scf.if %cond3A_191 {
            %dma_wait3A_200 = arith.constant 0 : i32
            %dma_wait3A_201 = arith.constant 0 : i32
            %dma_wait3A_202 = tpu.memref_slice %arg6[%dma_wait3A_200, %dma_wait3A_201] : memref<10240x128xf32, #tpu.memory_space<vmem_shared>> -> memref<10240x128xf32, #tpu.memory_space<vmem_shared>>
            tpu.wait_indirect_dma semaphore(%arg32 : memref<!tpu.dma_semaphore, #tpu.memory_space<semaphore_mem>>) src(%arg8 : memref<80x128xf32, #tpu.memory_space<vmem>>) dst(%dma_wait3A_202 : memref<10240x128xf32, #tpu.memory_space<vmem_shared>>)
          } else {
          }
          %mul3A_192 = arith.constant 80 : i32
          %mul3A_193 = arith.muli %add3A_182, %mul3A_192 : i32
          %add3A_194 = arith.addi %mul3A_39, %mul3A_193 : i32
          %dma_wait3A_195 = tpu.memref_slice %arg3[%add3A_194] : memref<320000xi32, #tpu.memory_space<hbm>> -> memref<80xi32, #tpu.memory_space<hbm>>
          %dma_wait3A_196 = tpu.memref_slice %arg3[%add3A_194] : memref<320000xi32, #tpu.memory_space<hbm>> -> memref<80xi32, #tpu.memory_space<hbm>>
          tpu.wait_dma2 semaphore(%arg36 : memref<!tpu.dma_semaphore, #tpu.memory_space<semaphore_mem>>) src(%dma_wait3A_196 : memref<80xi32, #tpu.memory_space<hbm>>) dst(%arg12 : memref<80xi32, #tpu.memory_space<vmem>>)
          %dma_start3A_197 = arith.constant 0 : i32
          %dma_start3A_198 = arith.constant 0 : i32
          %dma_start3A_199 = tpu.memref_slice %arg2[%dma_start3A_197, %dma_start3A_198] : memref<10000x128xf32, #tpu.memory_space<hbm>> -> memref<10000x128xf32, #tpu.memory_space<hbm>>
          tpu.enqueue_indirect_dma source(%dma_start3A_199 : memref<10000x128xf32, #tpu.memory_space<hbm>>) target(%arg8 : memref<80x128xf32, #tpu.memory_space<vmem>>) offsets(%arg12 : memref<80xi32, #tpu.memory_space<vmem>>) semaphore(%arg28 : memref<!tpu.dma_semaphore, #tpu.memory_space<semaphore_mem>>)
        } else {
        }
      } else {
      }
    }
    %scan3A_75 = arith.constant 16 : i32
    %dma_wait3A_76 = arith.constant 0 : i32
    %dma_wait3A_77 = arith.constant 0 : i32
    %dma_wait3A_78 = tpu.memref_slice %arg6[%dma_wait3A_76, %dma_wait3A_77] : memref<10240x128xf32, #tpu.memory_space<vmem_shared>> -> memref<10240x128xf32, #tpu.memory_space<vmem_shared>>
    tpu.wait_indirect_dma semaphore(%arg32 : memref<!tpu.dma_semaphore, #tpu.memory_space<semaphore_mem>>) src(%arg8 : memref<80x128xf32, #tpu.memory_space<vmem>>) dst(%dma_wait3A_78 : memref<10240x128xf32, #tpu.memory_space<vmem_shared>>)
    %dma_wait3A_79 = arith.constant 0 : i32
    %dma_wait3A_80 = arith.constant 0 : i32
    %dma_wait3A_81 = tpu.memref_slice %arg6[%dma_wait3A_79, %dma_wait3A_80] : memref<10240x128xf32, #tpu.memory_space<vmem_shared>> -> memref<10240x128xf32, #tpu.memory_space<vmem_shared>>
    tpu.wait_indirect_dma semaphore(%arg33 : memref<!tpu.dma_semaphore, #tpu.memory_space<semaphore_mem>>) src(%arg9 : memref<80x128xf32, #tpu.memory_space<vmem>>) dst(%dma_wait3A_81 : memref<10240x128xf32, #tpu.memory_space<vmem_shared>>)
    %dma_wait3A_82 = arith.constant 0 : i32
    %dma_wait3A_83 = arith.constant 0 : i32
    %dma_wait3A_84 = tpu.memref_slice %arg6[%dma_wait3A_82, %dma_wait3A_83] : memref<10240x128xf32, #tpu.memory_space<vmem_shared>> -> memref<10240x128xf32, #tpu.memory_space<vmem_shared>>
    tpu.wait_indirect_dma semaphore(%arg34 : memref<!tpu.dma_semaphore, #tpu.memory_space<semaphore_mem>>) src(%arg10 : memref<80x128xf32, #tpu.memory_space<vmem>>) dst(%dma_wait3A_84 : memref<10240x128xf32, #tpu.memory_space<vmem_shared>>)
    %dma_wait3A_85 = arith.constant 0 : i32
    %dma_wait3A_86 = arith.constant 0 : i32
    %dma_wait3A_87 = tpu.memref_slice %arg6[%dma_wait3A_85, %dma_wait3A_86] : memref<10240x128xf32, #tpu.memory_space<vmem_shared>> -> memref<10240x128xf32, #tpu.memory_space<vmem_shared>>
    tpu.wait_indirect_dma semaphore(%arg31 : memref<!tpu.dma_semaphore, #tpu.memory_space<semaphore_mem>>) src(%arg7 : memref<80x128xf32, #tpu.memory_space<vmem>>) dst(%dma_wait3A_87 : memref<10240x128xf32, #tpu.memory_space<vmem_shared>>)
    %barrier3A_88 = arith.constant 0 : index
    tpu.barrier barrier_id(%barrier3A_88)
    %mul3A_89 = arith.constant 640 : i32
    %mul3A_90 = arith.muli %arg1, %mul3A_89 : i32
    %mul3A_91 = arith.constant 640 : i32
    %mul3A_92 = arith.muli %arg1, %mul3A_91 : i32
    "tpu.region"() ({
      %run_scoped3A = tpu.sem_alloc : memref<!tpu.dma_semaphore, #tpu.memory_space<semaphore_mem>>
      %dma_start3A_93 = arith.constant 0 : i32
      %dma_start3A_94 = tpu.memref_slice %arg5[%arg0, %mul3A_92, %dma_start3A_93] : memref<2x10240x128xf32, #tpu.memory_space<hbm>> -> memref<1x640x128xf32, #tpu.memory_space<hbm>>
      %dma_start3A_95 = tpu.memref_squeeze %dma_start3A_94 : memref<1x640x128xf32, #tpu.memory_space<hbm>> -> memref<640x128xf32, #tpu.memory_space<hbm>>
      %dma_start3A_96 = arith.constant 0 : i32
      %dma_start3A_97 = tpu.memref_slice %arg6[%mul3A_90, %dma_start3A_96] : memref<10240x128xf32, #tpu.memory_space<vmem_shared>> -> memref<640x128xf32, #tpu.memory_space<vmem_shared>>
      tpu.enqueue_dma source(%dma_start3A_97 : memref<640x128xf32, #tpu.memory_space<vmem_shared>>) target(%dma_start3A_95 : memref<640x128xf32, #tpu.memory_space<hbm>>) target_semaphore(%run_scoped3A : memref<!tpu.dma_semaphore, #tpu.memory_space<semaphore_mem>>)
      %dma_wait3A_98 = arith.constant 0 : i32
      %dma_wait3A_99 = tpu.memref_slice %arg5[%arg0, %mul3A_92, %dma_wait3A_98] : memref<2x10240x128xf32, #tpu.memory_space<hbm>> -> memref<1x640x128xf32, #tpu.memory_space<hbm>>
      %dma_wait3A_100 = tpu.memref_squeeze %dma_wait3A_99 : memref<1x640x128xf32, #tpu.memory_space<hbm>> -> memref<640x128xf32, #tpu.memory_space<hbm>>
      %dma_wait3A_101 = arith.constant 0 : i32
      %dma_wait3A_102 = tpu.memref_slice %arg6[%mul3A_90, %dma_wait3A_101] : memref<10240x128xf32, #tpu.memory_space<vmem_shared>> -> memref<640x128xf32, #tpu.memory_space<vmem_shared>>
      tpu.wait_dma2 semaphore(%run_scoped3A : memref<!tpu.dma_semaphore, #tpu.memory_space<semaphore_mem>>) src(%dma_wait3A_102 : memref<640x128xf32, #tpu.memory_space<vmem_shared>>) dst(%dma_wait3A_100 : memref<640x128xf32, #tpu.memory_space<hbm>>)
      tpu.yield
    }) : () -> ()
    return
  }
}

module attributes {stable_mosaic.version = 14 : i64} {
  func.func @_prep_body(%arg0: i32, %arg1: memref<2x2000x128xf32, #tpu.memory_space<vmem>>, %arg2: memref<2000x128xf32, #tpu.memory_space<vmem>>, %arg3: memref<2000x1xf32, #tpu.memory_space<vmem>>, %arg4: memref<2000x128xf32, #tpu.memory_space<vmem>>) attributes {dimension_semantics = [#tpu.dimension_semantics<arbitrary>], iteration_bounds = array<i64: 5>, scalar_prefetch = 0 : i64, scratch_operands = 0 : i64, tpu.core_type = #tpu.core_type<tc>, window_params = [{transform_indices = @transform_0, window_bounds = array<i64: 2, 2000, 128>}, {transform_indices = @transform_1, window_bounds = array<i64: 2000, 128>}, {transform_indices = @transform_2, window_bounds = array<i64: 2000, 1>}, {transform_indices = @transform_3, window_bounds = array<i64: 2000, 128>}]} {
    %get3A = arith.constant 0 : index
    %get3A_0 = arith.constant 0 : index
    %get3A_1 = arith.constant 0 : index
    %get3A_2 = vector.load %arg1[%get3A, %get3A_0, %get3A_1] : memref<2x2000x128xf32, #tpu.memory_space<vmem>>, vector<1x2000x1xf32>
    %get3A_3 = vector.shape_cast %get3A_2 : vector<1x2000x1xf32> to vector<2000x1xf32>
    %get3A_4 = arith.constant 1 : index
    %get3A_5 = arith.constant 0 : index
    %get3A_6 = arith.constant 0 : index
    %get3A_7 = vector.load %arg1[%get3A_4, %get3A_5, %get3A_6] : memref<2x2000x128xf32, #tpu.memory_space<vmem>>, vector<1x2000x1xf32>
    %get3A_8 = vector.shape_cast %get3A_7 : vector<1x2000x1xf32> to vector<2000x1xf32>
    %add3A = arith.addf %get3A_3, %get3A_8 : vector<2000x1xf32>
    %add3A_9 = arith.constant 1.000000e+00 : f32
    %add3A_10 = vector.broadcast %add3A_9 : f32 to vector<2000x1xf32>
    %add3A_11 = arith.addf %add3A, %add3A_10 : vector<2000x1xf32>
    %max3A = arith.constant 1.000000e+00 : f32
    %max3A_12 = vector.broadcast %max3A : f32 to vector<2000x1xf32>
    %max3A_13 = arith.maximumf %add3A_11, %max3A_12 : vector<2000x1xf32>
    %rsqrt3A = math.rsqrt %max3A_13 : vector<2000x1xf32>
    %swap3A = arith.constant 0 : index
    %swap3A_14 = arith.constant 0 : index
    %swap3A_15 = vector.load %arg3[%swap3A, %swap3A_14] : memref<2000x1xf32, #tpu.memory_space<vmem>>, vector<2000x1xf32>
    tpu.vector_store %arg3[%swap3A, %swap3A_14], %rsqrt3A {strides = array<i32>} : memref<2000x1xf32, #tpu.memory_space<vmem>>, vector<2000x1xf32>,
    %get3A_16 = arith.constant 0 : index
    %get3A_17 = arith.constant 0 : index
    %get3A_18 = vector.load %arg2[%get3A_16, %get3A_17] : memref<2000x128xf32, #tpu.memory_space<vmem>>, vector<2000x128xf32>
    %mul3A = vector.broadcast %rsqrt3A : vector<2000x1xf32> to vector<2000x128xf32>
    %mul3A_19 = arith.mulf %get3A_18, %mul3A : vector<2000x128xf32>
    %swap3A_20 = arith.constant 0 : index
    %swap3A_21 = arith.constant 0 : index
    %swap3A_22 = vector.load %arg4[%swap3A_20, %swap3A_21] : memref<2000x128xf32, #tpu.memory_space<vmem>>, vector<2000x128xf32>
    tpu.vector_store %arg4[%swap3A_20, %swap3A_21], %mul3A_19 {strides = array<i32>} : memref<2000x128xf32, #tpu.memory_space<vmem>>, vector<2000x128xf32>,
    return
  }
  func.func @transform_0(%arg0: i32) -> (i32, i32, i32) {
    %c0_i32 = arith.constant 0 : i32
    %c0_i32_0 = arith.constant 0 : i32
    %c0_i32_1 = arith.constant 0 : i32
    return %c0_i32, %arg0, %c0_i32_0 : i32, i32, i32
  }
  func.func @transform_1(%arg0: i32) -> (i32, i32) {
    %c0_i32 = arith.constant 0 : i32
    %c0_i32_0 = arith.constant 0 : i32
    return %arg0, %c0_i32 : i32, i32
  }
  func.func @transform_2(%arg0: i32) -> (i32, i32) {
    %c0_i32 = arith.constant 0 : i32
    %c0_i32_0 = arith.constant 0 : i32
    return %arg0, %c0_i32 : i32, i32
  }
  func.func @transform_3(%arg0: i32) -> (i32, i32) {
    %c0_i32 = arith.constant 0 : i32
    %c0_i32_0 = arith.constant 0 : i32
    return %arg0, %c0_i32 : i32, i32
  }
}

module attributes {stable_mosaic.version = 14 : i64} {
  func.func @_layer_body(%arg0: i32, %arg1: memref<2x2000x128xf32, #tpu.memory_space<vmem>>, %arg2: memref<2000x128xf32, #tpu.memory_space<vmem>>, %arg3: memref<2000x1xf32, #tpu.memory_space<vmem>>, %arg4: memref<128x128xf32, #tpu.memory_space<vmem>>, %arg5: memref<1x128xf32, #tpu.memory_space<vmem>>, %arg6: memref<1x128xf32, #tpu.memory_space<vmem>>, %arg7: memref<1x128xf32, #tpu.memory_space<vmem>>, %arg8: memref<2000x128xf32, #tpu.memory_space<vmem>>) attributes {dimension_semantics = [#tpu.dimension_semantics<arbitrary>], iteration_bounds = array<i64: 5>, scalar_prefetch = 0 : i64, scratch_operands = 0 : i64, tpu.core_type = #tpu.core_type<tc>, window_params = [{transform_indices = @transform_0, window_bounds = array<i64: 2, 2000, 128>}, {transform_indices = @transform_1, window_bounds = array<i64: 2000, 128>}, {transform_indices = @transform_2, window_bounds = array<i64: 2000, 1>}, {pipeline_mode = #tpu.pipeline_mode<synchronous>, transform_indices = @transform_3, window_bounds = array<i64: 128, 128>}, {pipeline_mode = #tpu.pipeline_mode<synchronous>, transform_indices = @transform_4, window_bounds = array<i64: 1, 128>}, {pipeline_mode = #tpu.pipeline_mode<synchronous>, transform_indices = @transform_5, window_bounds = array<i64: 1, 128>}, {pipeline_mode = #tpu.pipeline_mode<synchronous>, transform_indices = @transform_6, window_bounds = array<i64: 1, 128>}, {transform_indices = @transform_7, window_bounds = array<i64: 2000, 128>}]} {
    %get3A = arith.constant 0 : index
    %get3A_0 = arith.constant 0 : index
    %get3A_1 = vector.load %arg3[%get3A, %get3A_0] : memref<2000x1xf32, #tpu.memory_space<vmem>>, vector<2000x1xf32>
    %get3A_2 = arith.constant 0 : index
    %get3A_3 = arith.constant 0 : index
    %get3A_4 = vector.load %arg2[%get3A_2, %get3A_3] : memref<2000x128xf32, #tpu.memory_space<vmem>>, vector<2000x128xf32>
    %get3A_5 = arith.constant 0 : index
    %get3A_6 = arith.constant 0 : index
    %get3A_7 = arith.constant 0 : index
    %get3A_8 = vector.load %arg1[%get3A_5, %get3A_6, %get3A_7] : memref<2x2000x128xf32, #tpu.memory_space<vmem>>, vector<1x2000x128xf32>
    %get3A_9 = vector.shape_cast %get3A_8 : vector<1x2000x128xf32> to vector<2000x128xf32>
    %add3A = arith.addf %get3A_4, %get3A_9 : vector<2000x128xf32>
    %get3A_10 = arith.constant 1 : index
    %get3A_11 = arith.constant 0 : index
    %get3A_12 = arith.constant 0 : index
    %get3A_13 = vector.load %arg1[%get3A_10, %get3A_11, %get3A_12] : memref<2x2000x128xf32, #tpu.memory_space<vmem>>, vector<1x2000x128xf32>
    %get3A_14 = vector.shape_cast %get3A_13 : vector<1x2000x128xf32> to vector<2000x128xf32>
    %add3A_15 = arith.addf %add3A, %get3A_14 : vector<2000x128xf32>
    %mul3A = vector.broadcast %get3A_1 : vector<2000x1xf32> to vector<2000x128xf32>
    %mul3A_16 = arith.mulf %add3A_15, %mul3A : vector<2000x128xf32>
    %get3A_17 = arith.constant 0 : index
    %get3A_18 = arith.constant 0 : index
    %get3A_19 = vector.load %arg4[%get3A_17, %get3A_18] : memref<128x128xf32, #tpu.memory_space<vmem>>, vector<128x128xf32>
    %dot_general3A = arith.constant dense<0.000000e+00> : vector<2000x128xf32>
    %dot_general3A_20 = tpu.matmul %mul3A_16, %get3A_19, %dot_general3A {dimension_numbers = #tpu.dot_dimension_numbers<[1], [0], [0], [1], [0, 0, 1, 1], [], []>, transpose_lhs_hint = false} : vector<2000x128xf32>, vector<128x128xf32>, vector<2000x128xf32> -> vector<2000x128xf32>
    %get3A_21 = arith.constant 0 : index
    %get3A_22 = arith.constant 0 : index
    %get3A_23 = vector.load %arg5[%get3A_21, %get3A_22] : memref<1x128xf32, #tpu.memory_space<vmem>>, vector<1x128xf32>
    %add3A_24 = vector.broadcast %get3A_23 : vector<1x128xf32> to vector<2000x128xf32>
    %add3A_25 = arith.addf %dot_general3A_20, %add3A_24 : vector<2000x128xf32>
    %max3A = arith.constant 0.000000e+00 : f32
    %max3A_26 = vector.broadcast %max3A : f32 to vector<2000x128xf32>
    %max3A_27 = arith.maximumf %add3A_25, %max3A_26 : vector<2000x128xf32>
    %reduce_sum3A = arith.constant dense<0.000000e+00> : vector<2000xf32>
    %reduce_sum3A_28 = vector.multi_reduction <add>, %max3A_27, %reduce_sum3A [1] : vector<2000x128xf32> to vector<2000xf32>
    %broadcast_in_dim3A = vector.shape_cast %reduce_sum3A_28 : vector<2000xf32> to vector<2000x1xf32>
    %div3A = arith.constant 1.280000e+02 : f32
    %div3A_29 = vector.broadcast %div3A : f32 to vector<2000x1xf32>
    %div3A_30 = arith.divf %broadcast_in_dim3A, %div3A_29 : vector<2000x1xf32>
    %sub3A = vector.broadcast %div3A_30 : vector<2000x1xf32> to vector<2000x128xf32>
    %sub3A_31 = arith.subf %max3A_27, %sub3A : vector<2000x128xf32>
    %sub3A_32 = vector.broadcast %div3A_30 : vector<2000x1xf32> to vector<2000x128xf32>
    %sub3A_33 = arith.subf %max3A_27, %sub3A_32 : vector<2000x128xf32>
    %mul3A_34 = arith.mulf %sub3A_31, %sub3A_33 : vector<2000x128xf32>
    %reduce_sum3A_35 = arith.constant dense<0.000000e+00> : vector<2000xf32>
    %reduce_sum3A_36 = vector.multi_reduction <add>, %mul3A_34, %reduce_sum3A_35 [1] : vector<2000x128xf32> to vector<2000xf32>
    %broadcast_in_dim3A_37 = vector.shape_cast %reduce_sum3A_36 : vector<2000xf32> to vector<2000x1xf32>
    %div3A_38 = arith.constant 1.280000e+02 : f32
    %div3A_39 = vector.broadcast %div3A_38 : f32 to vector<2000x1xf32>
    %div3A_40 = arith.divf %broadcast_in_dim3A_37, %div3A_39 : vector<2000x1xf32>
    %sub3A_41 = vector.broadcast %div3A_30 : vector<2000x1xf32> to vector<2000x128xf32>
    %sub3A_42 = arith.subf %max3A_27, %sub3A_41 : vector<2000x128xf32>
    %add3A_43 = arith.constant 9.99999974E-6 : f32
    %add3A_44 = vector.broadcast %add3A_43 : f32 to vector<2000x1xf32>
    %add3A_45 = arith.addf %div3A_40, %add3A_44 : vector<2000x1xf32>
    %rsqrt3A = math.rsqrt %add3A_45 : vector<2000x1xf32>
    %mul3A_46 = vector.broadcast %rsqrt3A : vector<2000x1xf32> to vector<2000x128xf32>
    %mul3A_47 = arith.mulf %sub3A_42, %mul3A_46 : vector<2000x128xf32>
    %get3A_48 = arith.constant 0 : index
    %get3A_49 = arith.constant 0 : index
    %get3A_50 = vector.load %arg6[%get3A_48, %get3A_49] : memref<1x128xf32, #tpu.memory_space<vmem>>, vector<1x128xf32>
    %mul3A_51 = vector.broadcast %get3A_50 : vector<1x128xf32> to vector<2000x128xf32>
    %mul3A_52 = arith.mulf %mul3A_47, %mul3A_51 : vector<2000x128xf32>
    %get3A_53 = arith.constant 0 : index
    %get3A_54 = arith.constant 0 : index
    %get3A_55 = vector.load %arg7[%get3A_53, %get3A_54] : memref<1x128xf32, #tpu.memory_space<vmem>>, vector<1x128xf32>
    %add3A_56 = vector.broadcast %get3A_55 : vector<1x128xf32> to vector<2000x128xf32>
    %add3A_57 = arith.addf %mul3A_52, %add3A_56 : vector<2000x128xf32>
    %mul3A_58 = vector.broadcast %get3A_1 : vector<2000x1xf32> to vector<2000x128xf32>
    %mul3A_59 = arith.mulf %add3A_57, %mul3A_58 : vector<2000x128xf32>
    %swap3A = arith.constant 0 : index
    %swap3A_60 = arith.constant 0 : index
    %swap3A_61 = vector.load %arg8[%swap3A, %swap3A_60] : memref<2000x128xf32, #tpu.memory_space<vmem>>, vector<2000x128xf32>
    tpu.vector_store %arg8[%swap3A, %swap3A_60], %mul3A_59 {strides = array<i32>} : memref<2000x128xf32, #tpu.memory_space<vmem>>, vector<2000x128xf32>,
    return
  }
  func.func @transform_0(%arg0: i32) -> (i32, i32, i32) {
    %c0_i32 = arith.constant 0 : i32
    %c0_i32_0 = arith.constant 0 : i32
    %c0_i32_1 = arith.constant 0 : i32
    return %c0_i32, %arg0, %c0_i32_0 : i32, i32, i32
  }
  func.func @transform_1(%arg0: i32) -> (i32, i32) {
    %c0_i32 = arith.constant 0 : i32
    %c0_i32_0 = arith.constant 0 : i32
    return %arg0, %c0_i32 : i32, i32
  }
  func.func @transform_2(%arg0: i32) -> (i32, i32) {
    %c0_i32 = arith.constant 0 : i32
    %c0_i32_0 = arith.constant 0 : i32
    return %arg0, %c0_i32 : i32, i32
  }
  func.func @transform_3(%arg0: i32) -> (i32, i32) {
    %c0_i32 = arith.constant 0 : i32
    %c0_i32_0 = arith.constant 0 : i32
    %c0_i32_1 = arith.constant 0 : i32
    return %c0_i32, %c0_i32_0 : i32, i32
  }
  func.func @transform_4(%arg0: i32) -> (i32, i32) {
    %c0_i32 = arith.constant 0 : i32
    %c0_i32_0 = arith.constant 0 : i32
    %c0_i32_1 = arith.constant 0 : i32
    return %c0_i32, %c0_i32_0 : i32, i32
  }
  func.func @transform_5(%arg0: i32) -> (i32, i32) {
    %c0_i32 = arith.constant 0 : i32
    %c0_i32_0 = arith.constant 0 : i32
    %c0_i32_1 = arith.constant 0 : i32
    return %c0_i32, %c0_i32_0 : i32, i32
  }
  func.func @transform_6(%arg0: i32) -> (i32, i32) {
    %c0_i32 = arith.constant 0 : i32
    %c0_i32_0 = arith.constant 0 : i32
    %c0_i32_1 = arith.constant 0 : i32
    return %c0_i32, %c0_i32_0 : i32, i32
  }
  func.func @transform_7(%arg0: i32) -> (i32, i32) {
    %c0_i32 = arith.constant 0 : i32
    %c0_i32_0 = arith.constant 0 : i32
    return %arg0, %c0_i32 : i32, i32
  }
}

module attributes {stable_mosaic.version = 14 : i64} {
  func.func @_final_body(%arg0: i32, %arg1: memref<2x2000x128xf32, #tpu.memory_space<vmem>>, %arg2: memref<2000x128xf32, #tpu.memory_space<vmem>>, %arg3: memref<2000x1xf32, #tpu.memory_space<vmem>>, %arg4: memref<128x128xf32, #tpu.memory_space<vmem>>, %arg5: memref<1x128xf32, #tpu.memory_space<vmem>>, %arg6: memref<1x128xf32, #tpu.memory_space<vmem>>, %arg7: memref<1x128xf32, #tpu.memory_space<vmem>>, %arg8: memref<128x128xf32, #tpu.memory_space<vmem>>, %arg9: memref<2000x128xf32, #tpu.memory_space<vmem>>) attributes {dimension_semantics = [#tpu.dimension_semantics<arbitrary>], iteration_bounds = array<i64: 5>, scalar_prefetch = 0 : i64, scratch_operands = 0 : i64, tpu.core_type = #tpu.core_type<tc>, window_params = [{transform_indices = @transform_0, window_bounds = array<i64: 2, 2000, 128>}, {transform_indices = @transform_1, window_bounds = array<i64: 2000, 128>}, {transform_indices = @transform_2, window_bounds = array<i64: 2000, 1>}, {pipeline_mode = #tpu.pipeline_mode<synchronous>, transform_indices = @transform_3, window_bounds = array<i64: 128, 128>}, {pipeline_mode = #tpu.pipeline_mode<synchronous>, transform_indices = @transform_4, window_bounds = array<i64: 1, 128>}, {pipeline_mode = #tpu.pipeline_mode<synchronous>, transform_indices = @transform_5, window_bounds = array<i64: 1, 128>}, {pipeline_mode = #tpu.pipeline_mode<synchronous>, transform_indices = @transform_6, window_bounds = array<i64: 1, 128>}, {pipeline_mode = #tpu.pipeline_mode<synchronous>, transform_indices = @transform_7, window_bounds = array<i64: 128, 128>}, {transform_indices = @transform_8, window_bounds = array<i64: 2000, 128>}]} {
    %get3A = arith.constant 0 : index
    %get3A_0 = arith.constant 0 : index
    %get3A_1 = vector.load %arg3[%get3A, %get3A_0] : memref<2000x1xf32, #tpu.memory_space<vmem>>, vector<2000x1xf32>
    %get3A_2 = arith.constant 0 : index
    %get3A_3 = arith.constant 0 : index
    %get3A_4 = vector.load %arg2[%get3A_2, %get3A_3] : memref<2000x128xf32, #tpu.memory_space<vmem>>, vector<2000x128xf32>
    %get3A_5 = arith.constant 0 : index
    %get3A_6 = arith.constant 0 : index
    %get3A_7 = arith.constant 0 : index
    %get3A_8 = vector.load %arg1[%get3A_5, %get3A_6, %get3A_7] : memref<2x2000x128xf32, #tpu.memory_space<vmem>>, vector<1x2000x128xf32>
    %get3A_9 = vector.shape_cast %get3A_8 : vector<1x2000x128xf32> to vector<2000x128xf32>
    %add3A = arith.addf %get3A_4, %get3A_9 : vector<2000x128xf32>
    %get3A_10 = arith.constant 1 : index
    %get3A_11 = arith.constant 0 : index
    %get3A_12 = arith.constant 0 : index
    %get3A_13 = vector.load %arg1[%get3A_10, %get3A_11, %get3A_12] : memref<2x2000x128xf32, #tpu.memory_space<vmem>>, vector<1x2000x128xf32>
    %get3A_14 = vector.shape_cast %get3A_13 : vector<1x2000x128xf32> to vector<2000x128xf32>
    %add3A_15 = arith.addf %add3A, %get3A_14 : vector<2000x128xf32>
    %mul3A = vector.broadcast %get3A_1 : vector<2000x1xf32> to vector<2000x128xf32>
    %mul3A_16 = arith.mulf %add3A_15, %mul3A : vector<2000x128xf32>
    %get3A_17 = arith.constant 0 : index
    %get3A_18 = arith.constant 0 : index
    %get3A_19 = vector.load %arg4[%get3A_17, %get3A_18] : memref<128x128xf32, #tpu.memory_space<vmem>>, vector<128x128xf32>
    %dot_general3A = arith.constant dense<0.000000e+00> : vector<2000x128xf32>
    %dot_general3A_20 = tpu.matmul %mul3A_16, %get3A_19, %dot_general3A {dimension_numbers = #tpu.dot_dimension_numbers<[1], [0], [0], [1], [0, 0, 1, 1], [], []>, transpose_lhs_hint = false} : vector<2000x128xf32>, vector<128x128xf32>, vector<2000x128xf32> -> vector<2000x128xf32>
    %get3A_21 = arith.constant 0 : index
    %get3A_22 = arith.constant 0 : index
    %get3A_23 = vector.load %arg5[%get3A_21, %get3A_22] : memref<1x128xf32, #tpu.memory_space<vmem>>, vector<1x128xf32>
    %add3A_24 = vector.broadcast %get3A_23 : vector<1x128xf32> to vector<2000x128xf32>
    %add3A_25 = arith.addf %dot_general3A_20, %add3A_24 : vector<2000x128xf32>
    %max3A = arith.constant 0.000000e+00 : f32
    %max3A_26 = vector.broadcast %max3A : f32 to vector<2000x128xf32>
    %max3A_27 = arith.maximumf %add3A_25, %max3A_26 : vector<2000x128xf32>
    %reduce_sum3A = arith.constant dense<0.000000e+00> : vector<2000xf32>
    %reduce_sum3A_28 = vector.multi_reduction <add>, %max3A_27, %reduce_sum3A [1] : vector<2000x128xf32> to vector<2000xf32>
    %broadcast_in_dim3A = vector.shape_cast %reduce_sum3A_28 : vector<2000xf32> to vector<2000x1xf32>
    %div3A = arith.constant 1.280000e+02 : f32
    %div3A_29 = vector.broadcast %div3A : f32 to vector<2000x1xf32>
    %div3A_30 = arith.divf %broadcast_in_dim3A, %div3A_29 : vector<2000x1xf32>
    %sub3A = vector.broadcast %div3A_30 : vector<2000x1xf32> to vector<2000x128xf32>
    %sub3A_31 = arith.subf %max3A_27, %sub3A : vector<2000x128xf32>
    %sub3A_32 = vector.broadcast %div3A_30 : vector<2000x1xf32> to vector<2000x128xf32>
    %sub3A_33 = arith.subf %max3A_27, %sub3A_32 : vector<2000x128xf32>
    %mul3A_34 = arith.mulf %sub3A_31, %sub3A_33 : vector<2000x128xf32>
    %reduce_sum3A_35 = arith.constant dense<0.000000e+00> : vector<2000xf32>
    %reduce_sum3A_36 = vector.multi_reduction <add>, %mul3A_34, %reduce_sum3A_35 [1] : vector<2000x128xf32> to vector<2000xf32>
    %broadcast_in_dim3A_37 = vector.shape_cast %reduce_sum3A_36 : vector<2000xf32> to vector<2000x1xf32>
    %div3A_38 = arith.constant 1.280000e+02 : f32
    %div3A_39 = vector.broadcast %div3A_38 : f32 to vector<2000x1xf32>
    %div3A_40 = arith.divf %broadcast_in_dim3A_37, %div3A_39 : vector<2000x1xf32>
    %sub3A_41 = vector.broadcast %div3A_30 : vector<2000x1xf32> to vector<2000x128xf32>
    %sub3A_42 = arith.subf %max3A_27, %sub3A_41 : vector<2000x128xf32>
    %add3A_43 = arith.constant 9.99999974E-6 : f32
    %add3A_44 = vector.broadcast %add3A_43 : f32 to vector<2000x1xf32>
    %add3A_45 = arith.addf %div3A_40, %add3A_44 : vector<2000x1xf32>
    %rsqrt3A = math.rsqrt %add3A_45 : vector<2000x1xf32>
    %mul3A_46 = vector.broadcast %rsqrt3A : vector<2000x1xf32> to vector<2000x128xf32>
    %mul3A_47 = arith.mulf %sub3A_42, %mul3A_46 : vector<2000x128xf32>
    %get3A_48 = arith.constant 0 : index
    %get3A_49 = arith.constant 0 : index
    %get3A_50 = vector.load %arg6[%get3A_48, %get3A_49] : memref<1x128xf32, #tpu.memory_space<vmem>>, vector<1x128xf32>
    %mul3A_51 = vector.broadcast %get3A_50 : vector<1x128xf32> to vector<2000x128xf32>
    %mul3A_52 = arith.mulf %mul3A_47, %mul3A_51 : vector<2000x128xf32>
    %get3A_53 = arith.constant 0 : index
    %get3A_54 = arith.constant 0 : index
    %get3A_55 = vector.load %arg7[%get3A_53, %get3A_54] : memref<1x128xf32, #tpu.memory_space<vmem>>, vector<1x128xf32>
    %add3A_56 = vector.broadcast %get3A_55 : vector<1x128xf32> to vector<2000x128xf32>
    %add3A_57 = arith.addf %mul3A_52, %add3A_56 : vector<2000x128xf32>
    %get3A_58 = arith.constant 0 : index
    %get3A_59 = arith.constant 0 : index
    %get3A_60 = vector.load %arg8[%get3A_58, %get3A_59] : memref<128x128xf32, #tpu.memory_space<vmem>>, vector<128x128xf32>
    %dot_general3A_61 = arith.constant dense<0.000000e+00> : vector<2000x128xf32>
    %dot_general3A_62 = tpu.matmul %add3A_57, %get3A_60, %dot_general3A_61 {dimension_numbers = #tpu.dot_dimension_numbers<[1], [0], [0], [1], [0, 0, 1, 1], [], []>, transpose_lhs_hint = false} : vector<2000x128xf32>, vector<128x128xf32>, vector<2000x128xf32> -> vector<2000x128xf32>
    %swap3A = arith.constant 0 : index
    %swap3A_63 = arith.constant 0 : index
    %swap3A_64 = vector.load %arg9[%swap3A, %swap3A_63] : memref<2000x128xf32, #tpu.memory_space<vmem>>, vector<2000x128xf32>
    tpu.vector_store %arg9[%swap3A, %swap3A_63], %dot_general3A_62 {strides = array<i32>} : memref<2000x128xf32, #tpu.memory_space<vmem>>, vector<2000x128xf32>,
    return
  }
  func.func @transform_0(%arg0: i32) -> (i32, i32, i32) {
    %c0_i32 = arith.constant 0 : i32
    %c0_i32_0 = arith.constant 0 : i32
    %c0_i32_1 = arith.constant 0 : i32
    return %c0_i32, %arg0, %c0_i32_0 : i32, i32, i32
  }
  func.func @transform_1(%arg0: i32) -> (i32, i32) {
    %c0_i32 = arith.constant 0 : i32
    %c0_i32_0 = arith.constant 0 : i32
    return %arg0, %c0_i32 : i32, i32
  }
  func.func @transform_2(%arg0: i32) -> (i32, i32) {
    %c0_i32 = arith.constant 0 : i32
    %c0_i32_0 = arith.constant 0 : i32
    return %arg0, %c0_i32 : i32, i32
  }
  func.func @transform_3(%arg0: i32) -> (i32, i32) {
    %c0_i32 = arith.constant 0 : i32
    %c0_i32_0 = arith.constant 0 : i32
    %c0_i32_1 = arith.constant 0 : i32
    return %c0_i32, %c0_i32_0 : i32, i32
  }
  func.func @transform_4(%arg0: i32) -> (i32, i32) {
    %c0_i32 = arith.constant 0 : i32
    %c0_i32_0 = arith.constant 0 : i32
    %c0_i32_1 = arith.constant 0 : i32
    return %c0_i32, %c0_i32_0 : i32, i32
  }
  func.func @transform_5(%arg0: i32) -> (i32, i32) {
    %c0_i32 = arith.constant 0 : i32
    %c0_i32_0 = arith.constant 0 : i32
    %c0_i32_1 = arith.constant 0 : i32
    return %c0_i32, %c0_i32_0 : i32, i32
  }
  func.func @transform_6(%arg0: i32) -> (i32, i32) {
    %c0_i32 = arith.constant 0 : i32
    %c0_i32_0 = arith.constant 0 : i32
    %c0_i32_1 = arith.constant 0 : i32
    return %c0_i32, %c0_i32_0 : i32, i32
  }
  func.func @transform_7(%arg0: i32) -> (i32, i32) {
    %c0_i32 = arith.constant 0 : i32
    %c0_i32_0 = arith.constant 0 : i32
    %c0_i32_1 = arith.constant 0 : i32
    return %c0_i32, %c0_i32_0 : i32, i32
  }
  func.func @transform_8(%arg0: i32) -> (i32, i32) {
    %c0_i32 = arith.constant 0 : i32
    %c0_i32_0 = arith.constant 0 : i32
    return %arg0, %c0_i32 : i32, i32
  }
}

</mosaic_0001>

<sc_bundles>
// kernel: kernel.10.cloned.1.call-start
scs
__scs_entry_jumppad:
0x0: {  	(pc) =	sbr.rel $0x88, $3  }
0x1: {  	(tag) =	ssettag $0x0;
	lr =	simm.s32 $0x1  }
0x2: {  	[smem:$0x3F92] =	sst lr;
	_ =	strace $0xD0000000  }
0x3: {  	_ = 	snop  }
0x4: {  	_ = 	snop  }
0x5: {  	_ = 	snop  }
0x6: {  	_ = 	snop  }
0x7: {  	_ = 	snop  }
__scs_overlays_trampoline_lowered:
0x8: {  	[smem:$0x3FA1] =	sst s0  }
0x9: {  	[smem:$0x3FA2] =	sst s1  }
0xa: {  	[smem:$0x3FA3] =	sst s2  }
0xb: {  	[smem:$0x3FA4] =	sst s3  }
0xc: {  	[smem:$0x3FA5] =	sst s4  }
0xd: {  	[smem:$0x3FA6] =	sst s5  }
0xe: {  	[smem:$0x3FA7] =	sst s6  }
0xf: {  	[smem:$0x3FA8] =	sst s7  }
0x10: {  	[smem:$0x3FA9] =	sst s8  }
0x11: {  	[smem:$0x3FAA] =	sst s9;
	s0 =	simm.s32 @!p0 $0x0  }
0x12: {  	s1 =	sld [smem:$0x3F90];
	s0 =	simm.s32 @p0 $0x1  }
0x13: {  	[smem:$0x3FAB] =	sst s0;
	s0 =	simm.s32 @!p1 $0x0  }
0x14: {  	s2 =	sld [smem:$0x3F8F];
	s0 =	simm.s32 @p1 $0x1  }
0x15: {  	[smem:$0x3FAC] =	sst s0;
	s0 =	simm.s32 @!p2 $0x0  }
0x16: {  	s3 =	sld [smem:$0x3FDB];
	s0 =	simm.s32 @p2 $0x1  }
0x17: {  	s4 =	simm.s32 $0x1BF5;
	[smem:$0x3FAE] =	sst s0  }
0x18: {  	s0 =	sld [smem:$0x3F91];
	_ =	swait.ge [sflag:s4], $0x0  }
0x19: {  	s7 =	sld [smem:$0x3F92]  }
0x1a: {  	s8 =	sadd.s32 $0xFFFFE003, lr  }
0x1b: {  	s9 =	sadd.s32 $0xFFFFFEF7, lr;
	s5 =	simm.s32 $0xFFFFFFFF;
	p2 =	slt.u32 s8, $0xFFFFF086  }
0x1c: {  	p1 =	slt.u32 s9, $0xF7A;
	s5 =	simm.s32 @!p2 $0x0  }
0x1d: {  	s5 =	simm.s32 @p1 $0x1;
	p0 =	seq.s32 s7, s2  }
0x1e: {  	s7 =	smul.u32 @!p0 $0xF7A, s2;
	p2 =	seq.s32 @!p0 s5, $0x0  }
0x1f: {  	s9 =	smul.u32 $0xF7A, s1;
	s8 =	simm.s32 @!p0 $0x1BF5;
	p2 =	por !p2, p0  }
0x20: {  	[sflag:s8] =	ssyncset.s32 @!p0 $0xFFFFF086;
	s6 =	sadd.s32 @!p0 s3, s7;
	s7 =	simm.s32 @!p0 $0x108  }
0x21: {  	s3 =	sadd.s32 s3, s9;
	s6 =	sadd.s32 @!p0 $0x88, s6;
	s7 =	simm.s32 @p2 $0x1082  }
0x22: {  	[simem:s7], [sflag:s8] =	dma.local @!p0 [hbm:s6], $0xF7A  }
0x23: {  	s9 =	sor.u32 $0xD0000000, s2;
	s6 =	simm.s32 $0x108;
	_ =	swait.ge @!p0 [sflag:s8], $0x0  }
0x24: {  	s3 =	sadd.s32 $0x88, s3;
	s6 =	simm.s32 @!p1 $0x1082;
	[sflag:s4] =	ssyncset.s32 $0xFFFFF086  }
0x25: {  	[simem:s6], [sflag:s4] =	dma.local [hbm:s3], $0xF7A  }
0x26: {  	[smem:$0x3F92] =	sst s1;
	(tag) =	ssettag s2;
	_ =	strace s9  }
0x27: {  	s1 =	sld [smem:$0x3FA2]  }
0x28: {  	s2 =	sld [smem:$0x3FA3]  }
0x29: {  	s4 =	sld [smem:$0x3FA5]  }
0x2a: {  	p0 =	seq.s32 s5, $0x0;
	s5 =	sld [smem:$0x3FA6]  }
0x2b: {  	s6 =	sld [smem:$0x3FA7]  }
0x2c: {  	s7 =	sld [smem:$0x3FA8]  }
0x2d: {  	s3 =	simm.s32 $0x108;
	s8 =	sld [smem:$0x3FA9]  }
0x2e: {  	s3 =	simm.s32 @!p0 $0x1082;
	s9 =	sld [smem:$0x3FAA]  }
0x2f: {  	lr =	sadd.s32 s0, s3;
	s0 =	sld [smem:$0x3FA1]  }
0x30: {  	s3 =	sld [smem:$0x3FA4]  }
0x31: {  	[smem:$0x3FAD] =	sst s10  }
0x32: {  	s10 =	sld [smem:$0x3FAB];
	_ =	sdelay $0x3  }
0x33: {  	p0 =	seq.s32 s10, $0x1;
	s10 =	sld [smem:$0x3FAD];
	_ =	sdelay $0x3  }
0x34: {  	[smem:$0x3FAD] =	sst s10  }
0x35: {  	s10 =	sld [smem:$0x3FAC];
	_ =	sdelay $0x3  }
0x36: {  	p1 =	seq.s32 s10, $0x1;
	s10 =	sld [smem:$0x3FAD];
	_ =	sdelay $0x3  }
0x37: {  	[smem:$0x3FAD] =	sst s10  }
0x38: {  	s10 =	sld [smem:$0x3FAE]  }
0x39: {  	_ = 	snop;
	(pc) =	sbr.ind lr, $3  }
0x3a: {  	_ = 	snop  }
0x3b: {  	_ = 	snop  }
0x3c: {  	p2 =	seq.s32 s10, $0x1;
	s10 =	sld [smem:$0x3FAD]  }
0x3d: {  	_ =	shalt  }
0x3e: {  	_ =	shalt  }
0x3f: {  	_ =	shalt  }
0x40: {  	_ =	shalt  }
0x41: {  	_ =	shalt  }
0x42: {  	_ =	shalt  }
0x43: {  	_ =	shalt  }
0x44: {  	_ =	shalt  }
0x45: {  	_ =	shalt  }
0x46: {  	_ =	shalt  }
0x47: {  	_ =	shalt  }
0x48: {  	_ =	shalt  }
0x49: {  	_ =	shalt  }
0x4a: {  	_ =	shalt  }
0x4b: {  	_ =	shalt  }
0x4c: {  	_ =	shalt  }
0x4d: {  	_ =	shalt  }
0x4e: {  	_ =	shalt  }
0x4f: {  	_ =	shalt  }
0x50: {  	_ =	shalt  }
0x51: {  	_ =	shalt  }
0x52: {  	_ =	shalt  }
0x53: {  	_ =	shalt  }
0x54: {  	_ =	shalt  }
0x55: {  	_ =	shalt  }
0x56: {  	_ =	shalt  }
0x57: {  	_ =	shalt  }
0x58: {  	_ =	shalt  }
0x59: {  	_ =	shalt  }
0x5a: {  	_ =	shalt  }
0x5b: {  	_ =	shalt  }
0x5c: {  	_ =	shalt  }
0x5d: {  	_ =	shalt  }
0x5e: {  	_ =	shalt  }
0x5f: {  	_ =	shalt  }
0x60: {  	_ =	shalt  }
0x61: {  	_ =	shalt  }
0x62: {  	_ =	shalt  }
0x63: {  	_ =	shalt  }
0x64: {  	_ =	shalt  }
0x65: {  	_ =	shalt  }
0x66: {  	_ =	shalt  }
0x67: {  	_ =	shalt  }
0x68: {  	_ =	shalt  }
0x69: {  	_ =	shalt  }
0x6a: {  	_ =	shalt  }
0x6b: {  	_ =	shalt  }
0x6c: {  	_ =	shalt  }
0x6d: {  	_ =	shalt  }
0x6e: {  	_ =	shalt  }
0x6f: {  	_ =	shalt  }
0x70: {  	_ =	shalt  }
0x71: {  	_ =	shalt  }
0x72: {  	_ =	shalt  }
0x73: {  	_ =	shalt  }
0x74: {  	_ =	shalt  }
0x75: {  	_ =	shalt  }
0x76: {  	_ =	shalt  }
0x77: {  	_ =	shalt  }
0x78: {  	_ =	shalt  }
0x79: {  	_ =	shalt  }
0x7a: {  	_ =	shalt  }
0x7b: {  	_ =	shalt  }
0x7c: {  	_ =	shalt  }
0x7d: {  	_ =	shalt  }
0x7e: {  	_ =	shalt  }
0x7f: {  	_ =	shalt  }
0x80: {  	_ =	shalt  }
0x81: {  	_ =	shalt  }
0x82: {  	_ =	shalt  }
0x83: {  	_ =	shalt  }
0x84: {  	_ =	shalt  }
0x85: {  	_ =	shalt  }
0x86: {  	_ =	shalt  }
0x87: {  	_ =	shalt  }
.Lfunc_end0:
.L_simem_size_0:
called_computation_lowered:
.L_overlay_start_0:
0x88: {  	s2 =	sld [smem:$0x3FD9]  }
0x89: {  	s3 =	sld [smem:$0x3FFE];
	_ =	sdelay $0x1  }
0x8a: {  	s1 =	srdreg.scid  }
0x8b: {  	s0 =	sand.u32 $0x1, s1  }
0x8c: {  	s17 =	sshll.u32 s0, $0xA;
	s2 =	sadd.s32 s3, s2  }
0x8d: {  	s2 =	sadd.s32 s2, s17  }
0x8e: {  	[smem:$0x3FB9] =	sst s2  }
0x8f: {  	_ = 	snop  }
0x90: {  	s2 =	sld [smem:$0x3FD0];
	(tm) =	ssettm $0x1  }
0x91: {  	s18 =	sld [smem:$0x3FFB];
	_ =	sdelay $0x3  }
0x92: {  	_ =	strace s18  }
0x93: {  	s3 =	sld [smem:$0x3FFC];
	_ =	sdelay $0x3  }
0x94: {  	_ =	strace s3  }
0x95: {  	s3 =	sld [smem:$0x3FFD];
	_ =	sdelay $0x3  }
0x96: {  	_ =	strace s3  }
0x97: {  	_ =	strace $0x8FFFFFFF  }
0x98: {  	s19 =	sld [smem:$0x3FDB];
	_ =	sdelay $0x1  }
0x99: {  	s4 =	simm.s32 $_scs_section_size  }
0x9a: {  	s5 =	simm.s32 $_size__tile_overlayer_lowered;
	s6 =	simm.s32 $_tile_overlayer_lowered  }
0x9b: {  	s22 =	simm.s32 $0x1BFF;
	s21 =	sshll.u32 s6, $0x1;
	s3 =	sadd.s32 s4, s19  }
0x9c: {  	s7 =	simm.s32 $0x0;
	s20 =	sshll.u32 s5, $0x1;
	s5 =	sadd.s32 s21, s3  }
0x9d: {  	[timem:s7], [sflag:s22] =	dma.local [hbm:s5], s20  }
0x9e: {  	_ =	swait.ge [sflag:s22], s20  }
0x9f: {  	s4 =	ssub.s32 $0x0, s20;
	[sflag:s22] =	ssyncset.done $0x0  }
0xa0: {  	[sflag:s22] =	ssyncadd.s32 s4;
	_ =	sdelay $0x1  }
0xa1: {  	s23 =	simm.s32 $0x1B8B  }
0xa2: {  	_ =	swait.ge [sflag:s23], $0x1  }
0xa3: {  	[sflag:s23] =	ssyncset.done $0x0  }
0xa4: {  	s25 =	simm.s32 $0x1B8E;
	s24 =	sld [smem:$0x3FFE];
	[sflag:s23] =	ssyncadd.s32 $0xFFFFFFFF  }
0xa5: {  	s26 =	simm.s32 $execute0_lowered;
	[smem:$0x3FD2] =	sst s25  }
0xa6: {  	s5 =	sshll.u32 s26, $0x1;
	_ =	strace $0x80000046;
	[dreg:$0x1] =	wrdreg $0xFFFFFFFF  }
0xa7: {  	s28 =	simm.s32 $_size_execute0_lowered;
	s3 =	sadd.s32 s3, s5;
	[dreg:$0x0] =	wrdreg $0x0  }
0xa8: {  	s5 =	sshll.u32 s28, $0x1;
	[dreg:$0x2] =	wrdreg s3  }
0xa9: {  	[dreg:$0x3] =	wrdreg s5  }
0xaa: {  	[dreg:$0x4] =	wrdreg $0xC0  }
0xab: {  	_ =	task [dreg:s7], $0x5FFFF  }
0xac: {  	[dreg:$0x1] =	wrdreg $0xFFFFFFFF  }
0xad: {  	[dreg:$0x0] =	wrdreg $0x60  }
0xae: {  	[dreg:$0x2] =	wrdreg s2  }
0xaf: {  	[dreg:$0x3] =	wrdreg s24  }
0xb0: {  	[dreg:$0x4] =	wrdreg $0x0  }
0xb1: {  	[dreg:$0x5] =	wrdreg $0x9  }
0xb2: {  	_ =	task.clear_ibuf [dreg:s7], $0x6FFFF;
	_ =	strace $0x90000046  }
0xb3: {  	s29 =	simm.s32 $0x9;
	_ =	strace $0x80000048  }
0xb4: {  	_ =	swait.ge [sflag:s29], $0x1  }
0xb5: {  	[sflag:s29] =	ssyncadd.s32 $0xFFFFFFFF  }
0xb6: {  	_ =	strace $0x90000048  }
0xb7: {  	_ =	sfence  }
0xb8: {  	s30 =	sld [smem:$0x0];
	_ =	sdelay $0x2  }
0xb9: {  	s31 =	sshll.u32 s1, $0xD;
	s1 =	sshrl.u32 s1, $0x2  }
0xba: {  	s3 =	sand.u32 $0x4000, s31;
	s1 =	sadd.s32 s1, s30  }
0xbb: {  	s0 =	sor.u32 s3, s0;
	s1 =	sshll.u32 s1, $0x11  }
0xbc: {  	s0 =	sor.u32 s1, s0  }
0xbd: {  	s0 =	sadd.s32 $0x8F2B, s0  }
0xbe: {  	[sflag:s0] =	ssyncadd.remote.s32 $0x1  }
0xbf: {  	_ =	sfence.sel $0xFFFF  }
0xc0: {  	[dreg:$0x0] =	wrdreg $0xFFFFFFFF;
	(pc) =	sbr.abs _section_cstart, $3  }
0xc1: {  	[dreg:$0x1] =	wrdreg $0xFFFFFFFF  }
0xc2: {  	_ =	task.clear_ibuf [dreg:s7], $0x2FFFF;
	_ =	strace $0x9FFFFFFF  }
0xc3: {  	(tm) =	ssettm $0x7FFFFFFF  }
tec
execute0_lowered:
.L_overlay_start_1:
0x0: {  	(tag) =	ssettag $0x1  }
0x1: {  	s9 =	rddreg [dreg:$0x0]  }
0x2: {  	s0 =	srdreg.scid;
	s1 =	rddreg [dreg:$0x1]  }
0x3: {  	s8 =	stileid.u32;
	s3 =	rddreg [dreg:$0x2]  }
0x4: {  	s4 =	simm.s32 $0x0;
	s29 =	simm.s32 $0x18100;
	s5 =	smul.u32 $0x14000, s8  }
0x5: {  	s30 =	simm.s32 $0x18180;
	s0 =	sand.u32 $0x1, s0;
	s24 =	smul.u32 $0x50000, s8  }
0x6: {  	s31 =	simm.s32 $0x1;
	[smem:$0x7FF] =	sst s4;
	s2 =	smul.u32 $0x140000, s0  }
0x7: {  	s6 =	sshll.u32 s0, $0x4;
	_ =	strace $0x80000047;
	s26 =	ssub.s32 $0x2, s0  }
0x8: {  	s0 =	smul.u32 $0x27800, s0;
	s25 =	sor.u32 s8, s6;
	s7 =	sshrl.u32 s26, $0x1  }
0x9: {  	s8 =	smul.u32 $0x2780, s8;
	s6 =	simm.s32 $0x2;
	s2 =	sadd.s32 s5, s2  }
0xa: {  	s5 =	sshrl.u32 s24, $0x2;
	s28 =	ssub.s32 s26, s7;
	s2 =	sshrl.u32 s2, $0x3  }
0xb: {  	s15 =	sadd.s32 s5, s3;
	s0 =	sadd.s32 s8, s0;
	s19 =	smax.u32 s28, $0x1  }
0xc: {  	s8 =	simm.s32 $0x3;
	s5 =	simm.s32 $0x0;
	s1 =	sadd.s32 s2, s1  }
0xd: {  	s2 =	smul.u32 $0x2780, s25;
	s7 =	sadd.s32 $0x4000, s15;
	s10 =	sadd.s32 $0x8000, s15  }
0xe: {  	s11 =	sadd.s32 $0xC000, s15;
	s12 =	sadd.s32 $0x10000, s15;
	[dreg:$0xe] =	wrdreg s19  }
0xf: {  	s16 =	sadd.s32 $0x580, s0;
	s20 =	sadd.s32 $0x500, s0;
	[dreg:$0x4] =	wrdreg s15  }
0x10: {  	s21 =	sadd.s32 $0x480, s0;
	s22 =	sadd.s32 $0x300, s0;
	[dreg:$0x5] =	wrdreg s7  }
0x11: {  	s25 =	sadd.s32 $0x400, s0;
	s26 =	sadd.s32 $0x280, s0;
	[dreg:$0x6] =	wrdreg s10  }
0x12: {  	s28 =	sadd.s32 $0x200, s0;
	s0 =	sadd.s32 $0x380, s0;
	[dreg:$0x7] =	wrdreg s11  }
0x13: {  	s19 =	simm.s32 $0x8;
	[dreg:$0x8] =	wrdreg s12;
	s1 =	sadd.s32 $0x17E00, s1  }
0x14: {  	s18 =	sshrl.u32 s16, $0x3;
	s23 =	sshrl.u32 s21, $0x3;
	s24 =	sshrl.u32 s22, $0x3  }
0x15: {  	[dreg:$0xf] =	wrdreg s25;
	s0 =	sshrl.u32 s0, $0x3;
	s7 =	simm.s32 $0x11  }
0x16: {  	s11 =	simm.s32 $0x4;
	s12 =	simm.s32 $0x5;
	s10 =	simm.s32 $0xB  }
0x17: {  	s2 =	sshrl.u32 s2, $0x3;
	[dreg:$0xd] =	wrdreg s1;
	s16 =	sadd.s32 s18, s9  }
0x18: {  	s1 =	sshrl.u32 s20, $0x3;
	s18 =	sadd.s32 s23, s9;
	s20 =	sadd.s32 s24, s9  }
0x19: {  	s23 =	sadd.s32 s0, s9;
	s24 =	simm.s32 $0x14000;
	s13 =	sadd.s32 s9, s2  }
0x1a: {  	s0 =	simm.s32 $0x18200;
	s2 =	sadd.s32 $0x10, s13;
	[dreg:$0x9] =	wrdreg s13  }
.Ltmp0:
0x1b: {  	s14 =	sadd.s32 $0x20, s13;
	[dreg:$0xa] =	wrdreg s2;
	(pc) =	sbr.rel .LBB2_1-.Ltmp0, $4  }
0x1c: {  	s17 =	sadd.s32 $0x30, s13;
	s13 =	simm.s32 $0x7;
	[dreg:$0xb] =	wrdreg s14  }
0x1d: {  	[dreg:$0xc] =	wrdreg s17;
	s17 =	sadd.s32 s1, s9;
	s1 =	sshrl.u32 s26, $0x3  }
0x1e: {  	s2 =	sshrl.u32 s28, $0x3;
	s14 =	simm.s32 $0xC;
	s21 =	sadd.s32 s1, s9  }
0x1f: {  	v0 =	vimm.f32 $0.0e+00;
	v1 =	vimm.f32 $1.000000000e+00;
	s22 =	sadd.s32 s2, s9;
	s2 =	simm.s32 $0x80;
	s9 =	simm.s32 $0x18300  }
.LBB2_8:
0x20: {  	s1 =	simm.s32 $0x10  }
0x21: {  	_ =	swait.ge [sflag:s1], $0x4000  }
0x22: {  	[sflag:s1] =	ssyncset.done $0x0  }
0x23: {  	s26 =	simm.s32 $0x9;
	[sflag:s1] =	ssyncadd.s32 $0xFFFFC000  }
0x24: {  	_ =	swait.ge [sflag:s26], $0x4000  }
0x25: {  	[sflag:s26] =	ssyncset.done $0x0  }
0x26: {  	s28 =	simm.s32 $0xA;
	[sflag:s26] =	ssyncadd.s32 $0xFFFFC000  }
0x27: {  	_ =	swait.ge [sflag:s28], $0x4000  }
0x28: {  	[sflag:s28] =	ssyncset.done $0x0  }
0x29: {  	[sflag:s28] =	ssyncadd.s32 $0xFFFFC000  }
0x2a: {  	_ =	swait.ge [sflag:s10], $0x4000  }
0x2b: {  	[sflag:s10] =	ssyncset.done $0x0  }
0x2c: {  	[sflag:s10] =	ssyncadd.s32 $0xFFFFC000  }
0x2d: {  	_ =	swait.ge [sflag:s14], $0x4000  }
0x2e: {  	[sflag:s14] =	ssyncset.done $0x0  }
0x2f: {  	s5 =	simm.s32 $0xD;
	[sflag:s14] =	ssyncadd.s32 $0xFFFFC000  }
0x30: {  	_ =	swait.ge [sflag:s5], $0x4000  }
0x31: {  	[sflag:s5] =	ssyncset.done $0x0  }
0x32: {  	s7 =	simm.s32 $0xE;
	[sflag:s5] =	ssyncadd.s32 $0xFFFFC000  }
0x33: {  	_ =	swait.ge [sflag:s7], $0x4000  }
0x34: {  	[sflag:s7] =	ssyncset.done $0x0  }
0x35: {  	s15 =	simm.s32 $0xF;
	[sflag:s7] =	ssyncadd.s32 $0xFFFFC000  }
0x36: {  	_ =	swait.ge [sflag:s15], $0x4000  }
0x37: {  	[sflag:s15] =	ssyncset.done $0x0  }
0x38: {  	[sflag:s15] =	ssyncadd.s32 $0xFFFFC000  }
0x39: {  	s25 =	stileid.u32;
	[bflag:$0x0] =	sbarrier.arrive $0xFFFF  }
0x3a: {  	s1 =	sshll.u32 s25, $0x6;
	s15 =	rddreg [dreg:$0x4]  }
0x3b: {  	s1 =	sor.u32 $0x1C11, s1;
	s7 =	rddreg [dreg:$0xd];
	s5 =	sshrl.u32 s15, $0x3  }
0x3c: {  	[hbm:s7], [sflag:s1] =	dma.local [spmem:s5], $0x2800  }
0x3d: {  	s7 =	simm.s32 $0x11  }
0x3e: {  	_ =	swait.ge [sflag:s7], $0x2800  }
0x3f: {  	s26 =	rddreg [dreg:$0x10]  }
0x40: {  	s28 =	rddreg [dreg:$0xe];
	s5 =	sadd.s32 $0x1, s26  }
0x41: {  	p0 =	sne.s32 s5, s28  }
.Ltmp1:
0x42: {  	_ = 	snop;
	(pc) =	sbr.rel @!p0 .LBB2_9-.Ltmp1, $3  }
0x43: {  	_ =	sdelay $0x1  }
0x44: {  	[sflag:s7] =	ssyncset.done $0x0  }
0x45: {  	[sflag:s7] =	ssyncadd.s32 $0xFFFFD800  }
.LBB2_1:
0x46: {  	[dreg:$0x10] =	wrdreg s5;
	s1 =	simm.s32 $0x0;
	s5 =	simm.s32 $0x200  }
.LBB2_2:
0x47: {  	p0 =	sne.s32 s5, $0xFE00;
	[tilespmem:s1+$0x14070] =	vst v0  }
0x48: {  	[tilespmem:s1+$0x14000] =	vst v0  }
0x49: {  	[tilespmem:s1+$0x14010] =	vst v0  }
.Ltmp2:
0x4a: {  	[tilespmem:s1+$0x14020] =	vst v0;
	(pc) =	sbr.rel @p0 .LBB2_2-.Ltmp2, $4  }
0x4b: {  	[tilespmem:s1+$0x14030] =	vst v0  }
0x4c: {  	[tilespmem:s1+$0x14040] =	vst v0  }
0x4d: {  	[tilespmem:s1+$0x14050] =	vst v0  }
0x4e: {  	[tilespmem:s1+$0x14060] =	vst v0;
	s1 =	sshra.s32 s5, $0x2;
	s5 =	sadd.s32 $0x200, s5  }
0x4f: {  	[tilespmem:s1+$0x14070] =	vst v0  }
0x50: {  	[tilespmem:s1+$0x14000] =	vst v0  }
0x51: {  	[tilespmem:s1+$0x14010] =	vst v0  }
0x52: {  	[tilespmem:s1+$0x14020] =	vst v0  }
0x53: {  	[tilespmem:s1+$0x14030] =	vst v0  }
0x54: {  	[tilespmem:s1+$0x14040] =	vst v0  }
0x55: {  	[tilespmem:s1+$0x14050] =	vst v0  }
0x56: {  	[tilespmem:s1+$0x14060] =	vst v0  }
0x57: {  	[spmem:s15] =	stream.linear.scatter [tilespmem:s24], [sflag:$0x11], $0x4000, $0x38;
	[tilespmem:$0x18400] =	vst v63  }
0x58: {  	_ =	swait.ge [sflag:s7], $0x4000  }
0x59: {  	[sflag:s7] =	ssyncset.done $0x0  }
0x5a: {  	s15 =	rddreg [dreg:$0x5];
	[sflag:s7] =	ssyncadd.s32 $0xFFFFC000  }
0x5b: {  	[spmem:s15] =	stream.linear.scatter [tilespmem:s24], [sflag:$0x11], $0x4000, $0x38;
	[tilespmem:$0x18400] =	vst v63  }
0x5c: {  	_ =	swait.ge [sflag:s7], $0x4000  }
0x5d: {  	[sflag:s7] =	ssyncset.done $0x0  }
0x5e: {  	s25 =	rddreg [dreg:$0x6];
	[sflag:s7] =	ssyncadd.s32 $0xFFFFC000  }
0x5f: {  	[spmem:s25] =	stream.linear.scatter [tilespmem:s24], [sflag:$0x11], $0x4000, $0x38;
	[tilespmem:$0x18400] =	vst v63  }
0x60: {  	_ =	swait.ge [sflag:s7], $0x4000  }
0x61: {  	[sflag:s7] =	ssyncset.done $0x0  }
0x62: {  	s26 =	rddreg [dreg:$0x7];
	[sflag:s7] =	ssyncadd.s32 $0xFFFFC000  }
0x63: {  	[spmem:s26] =	stream.linear.scatter [tilespmem:s24], [sflag:$0x11], $0x4000, $0x38;
	[tilespmem:$0x18400] =	vst v63  }
0x64: {  	_ =	swait.ge [sflag:s7], $0x4000  }
0x65: {  	[sflag:s7] =	ssyncset.done $0x0  }
0x66: {  	s28 =	rddreg [dreg:$0x8];
	[sflag:s7] =	ssyncadd.s32 $0xFFFFC000  }
0x67: {  	[spmem:s28] =	stream.linear.scatter [tilespmem:s24], [sflag:$0x11], $0x4000, $0x38;
	[tilespmem:$0x18400] =	vst v63  }
0x68: {  	_ =	swait.ge [sflag:s7], $0x4000  }
0x69: {  	[sflag:s7] =	ssyncset.done $0x0  }
0x6a: {  	s1 =	simm.s32 $0x0;
	s5 =	simm.s32 $0x200;
	[sflag:s7] =	ssyncadd.s32 $0xFFFFC000  }
.LBB2_4:
0x6b: {  	p0 =	sne.s32 s5, $0xFE00;
	[tilespmem:s1+$0x14070] =	vst v1  }
0x6c: {  	[tilespmem:s1+$0x14000] =	vst v1  }
0x6d: {  	[tilespmem:s1+$0x14010] =	vst v1  }
.Ltmp3:
0x6e: {  	[tilespmem:s1+$0x14020] =	vst v1;
	(pc) =	sbr.rel @p0 .LBB2_4-.Ltmp3, $4  }
0x6f: {  	[tilespmem:s1+$0x14030] =	vst v1  }
0x70: {  	[tilespmem:s1+$0x14040] =	vst v1  }
0x71: {  	[tilespmem:s1+$0x14050] =	vst v1  }
0x72: {  	[tilespmem:s1+$0x14060] =	vst v1;
	s1 =	sshra.s32 s5, $0x2;
	s5 =	sadd.s32 $0x200, s5  }
0x73: {  	[tilespmem:s1+$0x14070] =	vst v1  }
0x74: {  	[tilespmem:s1+$0x14000] =	vst v1  }
0x75: {  	[tilespmem:s1+$0x14010] =	vst v1  }
0x76: {  	[tilespmem:s1+$0x14020] =	vst v1  }
0x77: {  	[tilespmem:s1+$0x14030] =	vst v1  }
0x78: {  	[tilespmem:s1+$0x14040] =	vst v1  }
0x79: {  	[tilespmem:s1+$0x14050] =	vst v1  }
0x7a: {  	[tilespmem:s1+$0x14060] =	vst v1  }
0x7b: {  	[bflag:$0x0] =	sbarrier.arrive $0xFFFF  }
0x7c: {  	s28 =	rddreg [dreg:$0x9]  }
0x7d: {  	s5 =	simm.s32 $0x0;
	s7 =	simm.s32 $0x18000;
	s15 =	rddreg [dreg:$0xa]  }
0x7e: {  	[tilespmem:s7], [sflag:$0x1] =	stream.linear.gather [hbm4b:s28+s5], $0x80, $0x38;
	[tilespmem:$0x18400] =	vst v63  }
0x7f: {  	s25 =	simm.s32 $0x18080;
	s26 =	rddreg [dreg:$0xb]  }
0x80: {  	[tilespmem:s25], [sflag:$0x2] =	stream.linear.gather [hbm4b:s15+s5], $0x80, $0x38;
	[tilespmem:$0x18400] =	vst v63  }
0x81: {  	s1 =	rddreg [dreg:$0xf]  }
0x82: {  	[tilespmem:s29], [sflag:$0x3] =	stream.linear.gather [hbm4b:s26+s5], $0x80, $0x38;
	[tilespmem:$0x18400] =	vst v63  }
0x83: {  	s28 =	rddreg [dreg:$0xc];
	s25 =	simm.s32 $0x7  }
0x84: {  	[tilespmem:s30], [sflag:$0x4] =	stream.linear.gather [hbm4b:s28+s5], $0x80, $0x38;
	[tilespmem:$0x18400] =	vst v63  }
.LBB2_6:
0x85: {  	_ =	swait.ge [sflag:s31], $0x80  }
0x86: {  	[sflag:s31] =	ssyncset.done $0x0  }
0x87: {  	s7 =	simm.s32 $0x18000;
	p0 =	seq.s32 s5, $0x0;
	[sflag:s31] =	ssyncadd.s32 $0xFFFFFF80  }
0x88: {  	[spmem:s3] =	stream.indirect.scatter.add.f32 [tilespmem:s24], [sflag:$0x9], $0x80, s7, s2, $0xb8;
	[tilespmem:$0x18400] =	vst v63  }
0x89: {  	s7 =	simm.s32 @!p0 $0xD  }
0x8a: {  	_ =	swait.ge @!p0 [sflag:s7], $0x4000  }
0x8b: {  	[sflag:s7] =	ssyncset.done @!p0 $0x0  }
0x8c: {  	s28 =	sadd.s32 s5, s22;
	[sflag:s7] =	ssyncadd.s32 @!p0 $0xFFFFC000  }
0x8d: {  	[tilespmem:s0], [sflag:$0x5] =	stream.linear.gather [hbm4b:s28+s4], $0x80, $0x38;
	[tilespmem:$0x18400] =	vst v63  }
0x8e: {  	_ =	swait.ge [sflag:s6], $0x80  }
0x8f: {  	[sflag:s6] =	ssyncset.done $0x0  }
0x90: {  	s15 =	simm.s32 $0x18080;
	s7 =	simm.s32 @!p0 $0xE;
	[sflag:s6] =	ssyncadd.s32 $0xFFFFFF80  }
0x91: {  	[spmem:s3] =	stream.indirect.scatter.add.f32 [tilespmem:s24], [sflag:$0xA], $0x80, s15, s2, $0xb8;
	[tilespmem:$0x18400] =	vst v63  }
0x92: {  	_ =	swait.ge @!p0 [sflag:s7], $0x4000  }
0x93: {  	[sflag:s7] =	ssyncset.done @!p0 $0x0  }
0x94: {  	s26 =	sadd.s32 s5, s21;
	s15 =	simm.s32 $0x18280;
	[sflag:s7] =	ssyncadd.s32 @!p0 $0xFFFFC000  }
0x95: {  	[tilespmem:s15], [sflag:$0x6] =	stream.linear.gather [hbm4b:s26+s4], $0x80, $0x38;
	[tilespmem:$0x18400] =	vst v63  }
0x96: {  	_ =	swait.ge [sflag:s8], $0x80  }
0x97: {  	[sflag:s8] =	ssyncset.done $0x0  }
0x98: {  	s7 =	simm.s32 @!p0 $0xF;
	[sflag:s8] =	ssyncadd.s32 $0xFFFFFF80  }
0x99: {  	[spmem:s3] =	stream.indirect.scatter.add.f32 [tilespmem:s24], [sflag:$0xB], $0x80, s29, s2, $0xb8;
	[tilespmem:$0x18400] =	vst v63  }
0x9a: {  	_ =	swait.ge @!p0 [sflag:s7], $0x4000  }
0x9b: {  	[sflag:s7] =	ssyncset.done @!p0 $0x0  }
0x9c: {  	s28 =	sadd.s32 s5, s20;
	[sflag:s7] =	ssyncadd.s32 @!p0 $0xFFFFC000;
	p0 =	sgt.u32 s25, $0x4E  }
0x9d: {  	[tilespmem:s9], [sflag:$0x7] =	stream.linear.gather [hbm4b:s28+s4], $0x80, $0x38;
	[tilespmem:$0x18400] =	vst v63  }
0x9e: {  	p1 =	seq.s32 @!p0 s5, $0x0;
	_ =	swait.ge [sflag:s11], $0x80  }
0x9f: {  	p1 =	por p1, p0;
	[sflag:s11] =	ssyncset.done $0x0  }
0xa0: {  	s7 =	simm.s32 @!p1 $0x10;
	[sflag:s11] =	ssyncadd.s32 $0xFFFFFF80  }
0xa1: {  	[spmem:s3] =	stream.indirect.scatter.add.f32 [tilespmem:s24], [sflag:$0xC], $0x80, s30, s2, $0xb8;
	[tilespmem:$0x18400] =	vst v63  }
0xa2: {  	_ =	swait.ge @!p1 [sflag:s7], $0x4000  }
0xa3: {  	s26 =	simm.s32 @!p0 $0x0;
	[sflag:s7] =	ssyncset.done @!p1 $0x0  }
0xa4: {  	s28 =	simm.s32 @!p0 $0x18380;
	[sflag:s7] =	ssyncadd.s32 @!p1 $0xFFFFC000;
	s7 =	sadd.s32 @!p0 s5, s23  }
0xa5: {  	[tilespmem:s28], [sflag:$0x8] =	stream.linear.gather @!p0 [hbm4b:s7+s26], $0x80, $0x38;
	[tilespmem:$0x18400] =	vst v63  }
0xa6: {  	_ =	swait.ge [sflag:s12], $0x80  }
0xa7: {  	p0 =	seq.s32 s5, $0x480;
	[sflag:s12] =	ssyncset.done $0x0  }
0xa8: {  	s7 =	simm.s32 @p0 $0x6;
	[sflag:s12] =	ssyncadd.s32 $0xFFFFFF80  }
0xa9: {  	[spmem:s3] =	stream.indirect.scatter.add.f32 [tilespmem:s24], [sflag:$0xD], $0x80, s0, s2, $0xb8;
	[tilespmem:$0x18400] =	vst v63  }
0xaa: {  	_ =	swait.ge @p0 [sflag:s7], $0x80  }
0xab: {  	s26 =	simm.s32 @p0 $0x18280;
	[sflag:s7] =	ssyncset.done @p0 $0x0  }
0xac: {  	s28 =	simm.s32 @p0 $0x14000;
	[sflag:s7] =	ssyncadd.s32 @p0 $0xFFFFFF80;
	s7 =	simm.s32 @p0 $0x80  }
0xad: {  	[spmem:s3] =	stream.indirect.scatter.add.f32 @p0 [tilespmem:s28], [sflag:$0xE], $0x80, s26, s7, $0xb8;
	[tilespmem:$0x18400] =	vst v63  }
0xae: {  	s7 =	simm.s32 @!p0 $0x9  }
0xaf: {  	_ =	swait.ge @!p0 [sflag:s7], $0x4000  }
0xb0: {  	[sflag:s7] =	ssyncset.done @!p0 $0x0  }
0xb1: {  	[sflag:s7] =	ssyncadd.s32 @!p0 $0xFFFFC000  }
0xb2: {  	s7 =	sshrl.u32 @!p0 s1, $0x3;
	s15 =	rddreg [dreg:$0x0]  }
0xb3: {  	s26 =	simm.s32 @!p0 $0x0;
	s28 =	simm.s32 @!p0 $0x18000;
	s7 =	sadd.s32 @!p0 s15, s7  }
0xb4: {  	[tilespmem:s28], [sflag:$0x1] =	stream.linear.gather @!p0 [hbm4b:s7+s26], $0x80, $0x38;
	[tilespmem:$0x18400] =	vst v63  }
0xb5: {  	s7 =	simm.s32 @!p0 $0x6  }
0xb6: {  	_ =	swait.ge @!p0 [sflag:s7], $0x80  }
0xb7: {  	s15 =	simm.s32 @!p0 $0x14000;
	[sflag:s7] =	ssyncset.done @!p0 $0x0  }
0xb8: {  	s28 =	simm.s32 @!p0 $0x18280;
	[sflag:s7] =	ssyncadd.s32 @!p0 $0xFFFFFF80;
	s7 =	simm.s32 @!p0 $0x80  }
0xb9: {  	[spmem:s3] =	stream.indirect.scatter.add.f32 @!p0 [tilespmem:s15], [sflag:$0xE], $0x80, s28, s7, $0xb8;
	[tilespmem:$0x18400] =	vst v63  }
0xba: {  	s7 =	simm.s32 @!p0 $0xA  }
0xbb: {  	_ =	swait.ge @!p0 [sflag:s7], $0x4000  }
0xbc: {  	[sflag:s7] =	ssyncset.done @!p0 $0x0  }
0xbd: {  	s15 =	simm.s32 @!p0 $0x18080;
	[sflag:s7] =	ssyncadd.s32 @!p0 $0xFFFFC000;
	s7 =	sadd.s32 @!p0 s5, s18  }
0xbe: {  	[tilespmem:s15], [sflag:$0x2] =	stream.linear.gather @!p0 [hbm4b:s7+s26], $0x80, $0x38;
	[tilespmem:$0x18400] =	vst v63  }
.Ltmp4:
0xbf: {  	_ = 	snop;
	(pc) =	sbr.rel @p0 .LBB2_8-.Ltmp4, $4  }
0xc0: {  	_ =	swait.ge [sflag:s13], $0x80  }
0xc1: {  	[sflag:s13] =	ssyncset.done $0x0  }
0xc2: {  	[sflag:s13] =	ssyncadd.s32 $0xFFFFFF80  }
0xc3: {  	[spmem:s3] =	stream.indirect.scatter.add.f32 [tilespmem:s24], [sflag:$0xF], $0x80, s9, s2, $0xb8;
	[tilespmem:$0x18400] =	vst v63  }
0xc4: {  	_ =	swait.ge [sflag:s10], $0x4000  }
0xc5: {  	[sflag:s10] =	ssyncset.done $0x0  }
0xc6: {  	s7 =	sadd.s32 s5, s17;
	[sflag:s10] =	ssyncadd.s32 $0xFFFFC000  }
0xc7: {  	[tilespmem:s29], [sflag:$0x3] =	stream.linear.gather [hbm4b:s7+s4], $0x80, $0x38;
	[tilespmem:$0x18400] =	vst v63  }
0xc8: {  	_ =	swait.ge [sflag:s19], $0x80  }
0xc9: {  	[sflag:s19] =	ssyncset.done $0x0  }
0xca: {  	s26 =	simm.s32 $0x18380;
	[sflag:s19] =	ssyncadd.s32 $0xFFFFFF80  }
0xcb: {  	[spmem:s3] =	stream.indirect.scatter.add.f32 [tilespmem:s24], [sflag:$0x10], $0x80, s26, s2, $0xb8;
	[tilespmem:$0x18400] =	vst v63  }
.Ltmp5:
0xcc: {  	_ = 	snop;
	(pc) =	sbr.rel .LBB2_6-.Ltmp5, $4  }
0xcd: {  	_ =	swait.ge [sflag:s14], $0x4000  }
0xce: {  	s28 =	sadd.s32 s5, s16;
	s5 =	sadd.s32 $0x80, s5;
	[sflag:s14] =	ssyncset.done $0x0  }
0xcf: {  	s1 =	sadd.s32 $0x400, s1;
	s25 =	sadd.s32 $0x8, s25;
	[sflag:s14] =	ssyncadd.s32 $0xFFFFC000  }
0xd0: {  	[tilespmem:s30], [sflag:$0x4] =	stream.linear.gather [hbm4b:s28+s4], $0x80, $0x38;
	[tilespmem:$0x18400] =	vst v63  }
.LBB2_9:
0xd1: {  	_ =	sfence.sel $0x180000  }
0xd2: {  	[bflag:$0x0] =	sbarrier.arrive $0xFFFF  }
0xd3: {  	_ =	strace $0x90000047  }
0xd4: {  	s0 =	stileid.u32;
	[bflag:$0x2] =	sbarrier.arrive $0xFFFF  }
0xd5: {  	p0 =	sne.s32 s0, $0x0;
	s0 =	rddreg [dreg:$0x3]  }
0xd6: {  	s0 =	sadd.s32 @!p0 $0x100000, s0  }
0xd7: {  	[sflag:s0] =	ssyncadd.tile.s32 @!p0 $0x1;
	_ =	shalt  }
.Lfunc_end2:
_tile_overlayer_lowered:
.L_overlay_start_2:
0xd8: {  	(tag) =	ssettag $0x2  }
0xd9: {  	s0 =	rddreg [dreg:$0x0];
	s2 =	stileid.u32  }
0xda: {  	s1 =	rddreg [dreg:$0x1];
	p0 =	sne.s32 s2, $0x0  }
0xdb: {  	s3 =	rddreg [dreg:$0x2];
	[bflag:$0x3] =	sbarrier.arrive $0xFFFF;
	s2 =	simm.s32 @!p0 $0x1C11  }
0xdc: {  	[timem:s3], [sflag:s2] =	dma.local @!p0 [hbm:s0], s1  }
0xdd: {  	s0 =	simm.s32 @!p0 $0x11  }
0xde: {  	_ =	swait.ge @!p0 [sflag:s0], s1  }
0xdf: {  	s1 =	ssub.s32 @!p0 $0x0, s1;
	[sflag:s0] =	ssyncset.done @!p0 $0x0  }
0xe0: {  	[sflag:s0] =	ssyncadd.s32 @!p0 s1  }
0xe1: {  	[bflag:$0x3] =	sbarrier.arrive $0xFFFF  }
0xe2: {  	_ =	shalt  }

// kernel: kernel.13.cloned.1.call-start
scs
__scs_entry_jumppad:
0x0: {  	(pc) =	sbr.rel $0x88, $3  }
0x1: {  	(tag) =	ssettag $0x0;
	lr =	simm.s32 $0x1  }
0x2: {  	[smem:$0x3F92] =	sst lr;
	_ =	strace $0xD0000000  }
0x3: {  	_ = 	snop  }
0x4: {  	_ = 	snop  }
0x5: {  	_ = 	snop  }
0x6: {  	_ = 	snop  }
0x7: {  	_ = 	snop  }
__scs_overlays_trampoline_lowered:
0x8: {  	[smem:$0x3FA1] =	sst s0  }
0x9: {  	[smem:$0x3FA2] =	sst s1  }
0xa: {  	[smem:$0x3FA3] =	sst s2  }
0xb: {  	[smem:$0x3FA4] =	sst s3  }
0xc: {  	[smem:$0x3FA5] =	sst s4  }
0xd: {  	[smem:$0x3FA6] =	sst s5  }
0xe: {  	[smem:$0x3FA7] =	sst s6  }
0xf: {  	[smem:$0x3FA8] =	sst s7  }
0x10: {  	[smem:$0x3FA9] =	sst s8  }
0x11: {  	[smem:$0x3FAA] =	sst s9;
	s0 =	simm.s32 @!p0 $0x0  }
0x12: {  	s1 =	sld [smem:$0x3F90];
	s0 =	simm.s32 @p0 $0x1  }
0x13: {  	[smem:$0x3FAB] =	sst s0;
	s0 =	simm.s32 @!p1 $0x0  }
0x14: {  	s2 =	sld [smem:$0x3F8F];
	s0 =	simm.s32 @p1 $0x1  }
0x15: {  	[smem:$0x3FAC] =	sst s0;
	s0 =	simm.s32 @!p2 $0x0  }
0x16: {  	s3 =	sld [smem:$0x3FDB];
	s0 =	simm.s32 @p2 $0x1  }
0x17: {  	s4 =	simm.s32 $0x1BF5;
	[smem:$0x3FAE] =	sst s0  }
0x18: {  	s0 =	sld [smem:$0x3F91];
	_ =	swait.ge [sflag:s4], $0x0  }
0x19: {  	s7 =	sld [smem:$0x3F92]  }
0x1a: {  	s8 =	sadd.s32 $0xFFFFE003, lr  }
0x1b: {  	s9 =	sadd.s32 $0xFFFFFEF7, lr;
	s5 =	simm.s32 $0xFFFFFFFF;
	p2 =	slt.u32 s8, $0xFFFFF086  }
0x1c: {  	p1 =	slt.u32 s9, $0xF7A;
	s5 =	simm.s32 @!p2 $0x0  }
0x1d: {  	s5 =	simm.s32 @p1 $0x1;
	p0 =	seq.s32 s7, s2  }
0x1e: {  	s7 =	smul.u32 @!p0 $0xF7A, s2;
	p2 =	seq.s32 @!p0 s5, $0x0  }
0x1f: {  	s9 =	smul.u32 $0xF7A, s1;
	s8 =	simm.s32 @!p0 $0x1BF5;
	p2 =	por !p2, p0  }
0x20: {  	[sflag:s8] =	ssyncset.s32 @!p0 $0xFFFFF086;
	s6 =	sadd.s32 @!p0 s3, s7;
	s7 =	simm.s32 @!p0 $0x108  }
0x21: {  	s3 =	sadd.s32 s3, s9;
	s6 =	sadd.s32 @!p0 $0x88, s6;
	s7 =	simm.s32 @p2 $0x1082  }
0x22: {  	[simem:s7], [sflag:s8] =	dma.local @!p0 [hbm:s6], $0xF7A  }
0x23: {  	s9 =	sor.u32 $0xD0000000, s2;
	s6 =	simm.s32 $0x108;
	_ =	swait.ge @!p0 [sflag:s8], $0x0  }
0x24: {  	s3 =	sadd.s32 $0x88, s3;
	s6 =	simm.s32 @!p1 $0x1082;
	[sflag:s4] =	ssyncset.s32 $0xFFFFF086  }
0x25: {  	[simem:s6], [sflag:s4] =	dma.local [hbm:s3], $0xF7A  }
0x26: {  	[smem:$0x3F92] =	sst s1;
	(tag) =	ssettag s2;
	_ =	strace s9  }
0x27: {  	s1 =	sld [smem:$0x3FA2]  }
0x28: {  	s2 =	sld [smem:$0x3FA3]  }
0x29: {  	s4 =	sld [smem:$0x3FA5]  }
0x2a: {  	p0 =	seq.s32 s5, $0x0;
	s5 =	sld [smem:$0x3FA6]  }
0x2b: {  	s6 =	sld [smem:$0x3FA7]  }
0x2c: {  	s7 =	sld [smem:$0x3FA8]  }
0x2d: {  	s3 =	simm.s32 $0x108;
	s8 =	sld [smem:$0x3FA9]  }
0x2e: {  	s3 =	simm.s32 @!p0 $0x1082;
	s9 =	sld [smem:$0x3FAA]  }
0x2f: {  	lr =	sadd.s32 s0, s3;
	s0 =	sld [smem:$0x3FA1]  }
0x30: {  	s3 =	sld [smem:$0x3FA4]  }
0x31: {  	[smem:$0x3FAD] =	sst s10  }
0x32: {  	s10 =	sld [smem:$0x3FAB];
	_ =	sdelay $0x3  }
0x33: {  	p0 =	seq.s32 s10, $0x1;
	s10 =	sld [smem:$0x3FAD];
	_ =	sdelay $0x3  }
0x34: {  	[smem:$0x3FAD] =	sst s10  }
0x35: {  	s10 =	sld [smem:$0x3FAC];
	_ =	sdelay $0x3  }
0x36: {  	p1 =	seq.s32 s10, $0x1;
	s10 =	sld [smem:$0x3FAD];
	_ =	sdelay $0x3  }
0x37: {  	[smem:$0x3FAD] =	sst s10  }
0x38: {  	s10 =	sld [smem:$0x3FAE]  }
0x39: {  	_ = 	snop;
	(pc) =	sbr.ind lr, $3  }
0x3a: {  	_ = 	snop  }
0x3b: {  	_ = 	snop  }
0x3c: {  	p2 =	seq.s32 s10, $0x1;
	s10 =	sld [smem:$0x3FAD]  }
0x3d: {  	_ =	shalt  }
0x3e: {  	_ =	shalt  }
0x3f: {  	_ =	shalt  }
0x40: {  	_ =	shalt  }
0x41: {  	_ =	shalt  }
0x42: {  	_ =	shalt  }
0x43: {  	_ =	shalt  }
0x44: {  	_ =	shalt  }
0x45: {  	_ =	shalt  }
0x46: {  	_ =	shalt  }
0x47: {  	_ =	shalt  }
0x48: {  	_ =	shalt  }
0x49: {  	_ =	shalt  }
0x4a: {  	_ =	shalt  }
0x4b: {  	_ =	shalt  }
0x4c: {  	_ =	shalt  }
0x4d: {  	_ =	shalt  }
0x4e: {  	_ =	shalt  }
0x4f: {  	_ =	shalt  }
0x50: {  	_ =	shalt  }
0x51: {  	_ =	shalt  }
0x52: {  	_ =	shalt  }
0x53: {  	_ =	shalt  }
0x54: {  	_ =	shalt  }
0x55: {  	_ =	shalt  }
0x56: {  	_ =	shalt  }
0x57: {  	_ =	shalt  }
0x58: {  	_ =	shalt  }
0x59: {  	_ =	shalt  }
0x5a: {  	_ =	shalt  }
0x5b: {  	_ =	shalt  }
0x5c: {  	_ =	shalt  }
0x5d: {  	_ =	shalt  }
0x5e: {  	_ =	shalt  }
0x5f: {  	_ =	shalt  }
0x60: {  	_ =	shalt  }
0x61: {  	_ =	shalt  }
0x62: {  	_ =	shalt  }
0x63: {  	_ =	shalt  }
0x64: {  	_ =	shalt  }
0x65: {  	_ =	shalt  }
0x66: {  	_ =	shalt  }
0x67: {  	_ =	shalt  }
0x68: {  	_ =	shalt  }
0x69: {  	_ =	shalt  }
0x6a: {  	_ =	shalt  }
0x6b: {  	_ =	shalt  }
0x6c: {  	_ =	shalt  }
0x6d: {  	_ =	shalt  }
0x6e: {  	_ =	shalt  }
0x6f: {  	_ =	shalt  }
0x70: {  	_ =	shalt  }
0x71: {  	_ =	shalt  }
0x72: {  	_ =	shalt  }
0x73: {  	_ =	shalt  }
0x74: {  	_ =	shalt  }
0x75: {  	_ =	shalt  }
0x76: {  	_ =	shalt  }
0x77: {  	_ =	shalt  }
0x78: {  	_ =	shalt  }
0x79: {  	_ =	shalt  }
0x7a: {  	_ =	shalt  }
0x7b: {  	_ =	shalt  }
0x7c: {  	_ =	shalt  }
0x7d: {  	_ =	shalt  }
0x7e: {  	_ =	shalt  }
0x7f: {  	_ =	shalt  }
0x80: {  	_ =	shalt  }
0x81: {  	_ =	shalt  }
0x82: {  	_ =	shalt  }
0x83: {  	_ =	shalt  }
0x84: {  	_ =	shalt  }
0x85: {  	_ =	shalt  }
0x86: {  	_ =	shalt  }
0x87: {  	_ =	shalt  }
.Lfunc_end0:
.L_simem_size_0:
called_computation.1_lowered:
.L_overlay_start_0:
0x88: {  	s2 =	sld [smem:$0x3FD9]  }
0x89: {  	s3 =	sld [smem:$0x3FFE];
	_ =	sdelay $0x1  }
0x8a: {  	s1 =	srdreg.scid  }
0x8b: {  	s0 =	sand.u32 $0x1, s1  }
0x8c: {  	s17 =	sshll.u32 s0, $0xA;
	s2 =	sadd.s32 s3, s2  }
0x8d: {  	s2 =	sadd.s32 s2, s17  }
0x8e: {  	[smem:$0x3FB9] =	sst s2  }
0x8f: {  	_ = 	snop  }
0x90: {  	s2 =	sld [smem:$0x3FD0];
	(tm) =	ssettm $0x1  }
0x91: {  	s18 =	sld [smem:$0x3FFB];
	_ =	sdelay $0x3  }
0x92: {  	_ =	strace s18  }
0x93: {  	s3 =	sld [smem:$0x3FFC];
	_ =	sdelay $0x3  }
0x94: {  	_ =	strace s3  }
0x95: {  	s3 =	sld [smem:$0x3FFD];
	_ =	sdelay $0x3  }
0x96: {  	_ =	strace s3  }
0x97: {  	_ =	strace $0x8FFFFFFF  }
0x98: {  	s19 =	sld [smem:$0x3FDB];
	_ =	sdelay $0x1  }
0x99: {  	s4 =	simm.s32 $_scs_section_size  }
0x9a: {  	s5 =	simm.s32 $_size__tile_overlayer_lowered;
	s6 =	simm.s32 $_tile_overlayer_lowered  }
0x9b: {  	s22 =	simm.s32 $0x1BFF;
	s21 =	sshll.u32 s6, $0x1;
	s3 =	sadd.s32 s4, s19  }
0x9c: {  	s7 =	simm.s32 $0x0;
	s20 =	sshll.u32 s5, $0x1;
	s5 =	sadd.s32 s21, s3  }
0x9d: {  	[timem:s7], [sflag:s22] =	dma.local [hbm:s5], s20  }
0x9e: {  	_ =	swait.ge [sflag:s22], s20  }
0x9f: {  	s4 =	ssub.s32 $0x0, s20;
	[sflag:s22] =	ssyncset.done $0x0  }
0xa0: {  	[sflag:s22] =	ssyncadd.s32 s4;
	_ =	sdelay $0x1  }
0xa1: {  	s23 =	simm.s32 $0x1B8B  }
0xa2: {  	_ =	swait.ge [sflag:s23], $0x1  }
0xa3: {  	[sflag:s23] =	ssyncset.done $0x0  }
0xa4: {  	s25 =	simm.s32 $0x1B8E;
	s24 =	sld [smem:$0x3FFE];
	[sflag:s23] =	ssyncadd.s32 $0xFFFFFFFF  }
0xa5: {  	s26 =	simm.s32 $execute0_lowered;
	[smem:$0x3FD2] =	sst s25  }
0xa6: {  	s5 =	sshll.u32 s26, $0x1;
	_ =	strace $0x80000049;
	[dreg:$0x1] =	wrdreg $0xFFFFFFFF  }
0xa7: {  	s28 =	simm.s32 $_size_execute0_lowered;
	s3 =	sadd.s32 s3, s5;
	[dreg:$0x0] =	wrdreg $0x0  }
0xa8: {  	s5 =	sshll.u32 s28, $0x1;
	[dreg:$0x2] =	wrdreg s3  }
0xa9: {  	[dreg:$0x3] =	wrdreg s5  }
0xaa: {  	[dreg:$0x4] =	wrdreg $0xC0  }
0xab: {  	_ =	task [dreg:s7], $0x5FFFF  }
0xac: {  	[dreg:$0x1] =	wrdreg $0xFFFFFFFF  }
0xad: {  	[dreg:$0x0] =	wrdreg $0x60  }
0xae: {  	[dreg:$0x2] =	wrdreg s2  }
0xaf: {  	[dreg:$0x3] =	wrdreg s24  }
0xb0: {  	[dreg:$0x4] =	wrdreg $0x0  }
0xb1: {  	[dreg:$0x5] =	wrdreg $0x9  }
0xb2: {  	_ =	task.clear_ibuf [dreg:s7], $0x6FFFF;
	_ =	strace $0x90000049  }
0xb3: {  	s29 =	simm.s32 $0x9;
	_ =	strace $0x8000004B  }
0xb4: {  	_ =	swait.ge [sflag:s29], $0x1  }
0xb5: {  	[sflag:s29] =	ssyncadd.s32 $0xFFFFFFFF  }
0xb6: {  	_ =	strace $0x9000004B  }
0xb7: {  	_ =	sfence  }
0xb8: {  	s30 =	sld [smem:$0x0];
	_ =	sdelay $0x2  }
0xb9: {  	s31 =	sshll.u32 s1, $0xD;
	s1 =	sshrl.u32 s1, $0x2  }
0xba: {  	s3 =	sand.u32 $0x4000, s31;
	s1 =	sadd.s32 s1, s30  }
0xbb: {  	s0 =	sor.u32 s3, s0;
	s1 =	sshll.u32 s1, $0x11  }
0xbc: {  	s0 =	sor.u32 s1, s0  }
0xbd: {  	s0 =	sadd.s32 $0x8F2B, s0  }
0xbe: {  	[sflag:s0] =	ssyncadd.remote.s32 $0x1  }
0xbf: {  	_ =	sfence.sel $0xFFFF  }
0xc0: {  	[dreg:$0x0] =	wrdreg $0xFFFFFFFF;
	(pc) =	sbr.abs _section_cstart, $3  }
0xc1: {  	[dreg:$0x1] =	wrdreg $0xFFFFFFFF  }
0xc2: {  	_ =	task.clear_ibuf [dreg:s7], $0x2FFFF;
	_ =	strace $0x9FFFFFFF  }
0xc3: {  	(tm) =	ssettm $0x7FFFFFFF  }
tec
execute0_lowered:
.L_overlay_start_1:
0x0: {  	(tag) =	ssettag $0x1  }
0x1: {  	s1 =	rddreg [dreg:$0x0]  }
0x2: {  	s0 =	rddreg [dreg:$0x1]  }
0x3: {  	s2 =	rddreg [dreg:$0x2]  }
0x4: {  	s3 =	srdreg.scid;
	s10 =	stileid.u32  }
0x5: {  	s4 =	simm.s32 $0x0;
	s28 =	simm.s32 $0x12;
	s6 =	smul.u32 $0x14000, s10  }
0x6: {  	s29 =	simm.s32 $0x1E200;
	s3 =	sand.u32 $0x1, s3;
	s8 =	smul.u32 $0x50000, s10  }
0x7: {  	[smem:$0x7FF] =	sst s4;
	s11 =	sadd.s32 $0x4200, s0;
	s18 =	smul.u32 $0x2710, s10  }
0x8: {  	s12 =	sadd.s32 $0xE000, s0;
	s5 =	smul.u32 $0x140000, s3;
	_ =	strace $0x8000004A  }
0x9: {  	s13 =	sshll.u32 s3, $0x4;
	s7 =	ssub.s32 $0x2, s3;
	[dreg:$0x5] =	wrdreg s12  }
0xa: {  	s3 =	smul.u32 $0x27100, s3;
	[dreg:$0x4] =	wrdreg s11;
	s9 =	sshrl.u32 s7, $0x1  }
0xb: {  	s15 =	sshrl.u32 s8, $0x2;
	s5 =	sadd.s32 s6, s5;
	s6 =	sor.u32 s10, s13  }
0xc: {  	s14 =	ssub.s32 s7, s9;
	s22 =	sadd.s32 s15, s2;
	s3 =	sadd.s32 s18, s3  }
0xd: {  	s5 =	sshrl.u32 s5, $0x3;
	s6 =	smul.u32 $0x2710, s6;
	s24 =	sadd.s32 $0x1E0, s3  }
0xe: {  	s26 =	sadd.s32 $0x190, s3;
	s18 =	sadd.s32 $0x280, s3;
	[dreg:$0x6] =	wrdreg s22  }
0xf: {  	s0 =	sadd.s32 s5, s0;
	s5 =	smax.u32 s14, $0x1;
	[dreg:$0x1b] =	wrdreg s18  }
0x10: {  	s31 =	sshrl.u32 s26, $0x3;
	s26 =	sadd.s32 $0xC800, s22;
	[dreg:$0xe] =	wrdreg s5  }
0x11: {  	s6 =	sshrl.u32 s6, $0x3;
	s0 =	sadd.s32 $0x17E00, s0;
	[smem:$0x7FB] =	sst s26  }
0x12: {  	s5 =	sshrl.u32 s24, $0x3;
	s24 =	sadd.s32 $0x7800, s22;
	[dreg:$0xd] =	wrdreg s0  }
0x13: {  	s23 =	sadd.s32 $0x230, s3;
	s16 =	sadd.s32 s11, s6;
	[smem:$0x7F9] =	sst s24  }
0x14: {  	s9 =	sadd.s32 $0x320, s3;
	s19 =	sadd.s32 s12, s6;
	[dreg:$0x7] =	wrdreg s16  }
0x15: {  	s13 =	sadd.s32 $0x2D0, s3;
	s30 =	sadd.s32 s5, s12;
	[dreg:$0x8] =	wrdreg s19  }
0x16: {  	s17 =	sadd.s32 $0xA, s6;
	s5 =	sadd.s32 s5, s11;
	[dreg:$0x11] =	wrdreg s30  }
0x17: {  	s0 =	sshrl.u32 s23, $0x3;
	s23 =	sadd.s32 $0x5000, s22;
	[dreg:$0x12] =	wrdreg s5  }
0x18: {  	s14 =	sshrl.u32 s13, $0x3;
	s20 =	sadd.s32 s11, s17;
	[dreg:$0x1f] =	wrdreg s23  }
0x19: {  	s6 =	sadd.s32 $0x14, s6;
	s7 =	sadd.s32 s12, s17;
	[dreg:$0x9] =	wrdreg s20  }
0x1a: {  	s13 =	simm.s32 $0x14000;
	s21 =	sadd.s32 s11, s6;
	[dreg:$0xa] =	wrdreg s7  }
0x1b: {  	s18 =	simm.s32 $0x4;
	s6 =	sadd.s32 s12, s6;
	[dreg:$0xb] =	wrdreg s21  }
0x1c: {  	s26 =	simm.s32 $0x19000;
	s25 =	sadd.s32 s0, s12;
	[dreg:$0xc] =	wrdreg s6  }
0x1d: {  	s24 =	simm.s32 $0x1E100;
	s0 =	sadd.s32 s0, s11;
	[dreg:$0xf] =	wrdreg s25  }
0x1e: {  	s5 =	sshrl.u32 s9, $0x3;
	s16 =	sadd.s32 s14, s12;
	[dreg:$0x10] =	wrdreg s0  }
0x1f: {  	s17 =	sadd.s32 $0xF0, s3;
	s30 =	sadd.s32 $0xF000, s22;
	[dreg:$0x19] =	wrdreg s16  }
0x20: {  	s23 =	simm.s32 $0x19;
	s6 =	sadd.s32 s31, s12;
	[smem:$0x7FC] =	sst s30  }
0x21: {  	s9 =	simm.s32 $0x13;
	s0 =	sadd.s32 s31, s11;
	[dreg:$0x13] =	wrdreg s6  }
0x22: {  	s7 =	sadd.s32 $0x140, s3;
	s15 =	sadd.s32 s5, s12;
	[dreg:$0x14] =	wrdreg s0  }
0x23: {  	s5 =	sadd.s32 s5, s11;
	s19 =	sshrl.u32 s17, $0x3;
	[dreg:$0x17] =	wrdreg s15  }
0x24: {  	s21 =	sadd.s32 $0x2800, s22;
	s25 =	sadd.s32 $0xA000, s22;
	[dreg:$0x18] =	wrdreg s5  }
0x25: {  	s31 =	sadd.s32 $0x11800, s22;
	s3 =	simm.s32 $0xC;
	[dreg:$0x1e] =	wrdreg s21  }
0x26: {  	s16 =	simm.s32 $0xD;
	s17 =	simm.s32 $0x14;
	[smem:$0x7FA] =	sst s25  }
0x27: {  	s8 =	sshrl.u32 s7, $0x3;
	s20 =	sadd.s32 s19, s12;
	[smem:$0x7FD] =	sst s31  }
0x28: {  	s5 =	simm.s32 $0x1;
	s25 =	simm.s32 $0xB;
	s15 =	simm.s32 $0x2  }
0x29: {  	s7 =	simm.s32 $0x0;
	s10 =	sadd.s32 s8, s12;
	[dreg:$0x1c] =	wrdreg s20  }
.Ltmp0:
0x2a: {  	s0 =	sadd.s32 s8, s11;
	[dreg:$0x15] =	wrdreg s10;
	(pc) =	sbr.rel .LBB2_1-.Ltmp0, $4  }
0x2b: {  	s8 =	simm.s32 $0x1B800;
	s12 =	simm.s32 $0x5;
	[dreg:$0x16] =	wrdreg s0  }
0x2c: {  	s0 =	sadd.s32 s14, s11;
	s10 =	simm.s32 $0x3;
	s14 =	simm.s32 $0x1E600  }
0x2d: {  	[dreg:$0x1a] =	wrdreg s0;
	s0 =	sadd.s32 s19, s11;
	s11 =	simm.s32 $0x50  }
0x2e: {  	v0 =	vimm.f32 $0.0e+00;
	s19 =	simm.s32 $0x15;
	[dreg:$0x1d] =	wrdreg s0;
	s0 =	simm.s32 $0x16800  }
.LBB2_7:
0x2f: {  	s6 =	simm.s32 $0x6  }
0x30: {  	_ =	swait.ge [sflag:s6], $0x2800  }
0x31: {  	[sflag:s6] =	ssyncset.done $0x0  }
0x32: {  	s22 =	simm.s32 $0x7;
	[sflag:s6] =	ssyncadd.s32 $0xFFFFD800  }
0x33: {  	_ =	swait.ge [sflag:s22], $0x2800  }
0x34: {  	[sflag:s22] =	ssyncset.done $0x0  }
0x35: {  	s23 =	simm.s32 $0x8;
	[sflag:s22] =	ssyncadd.s32 $0xFFFFD800  }
0x36: {  	_ =	swait.ge [sflag:s23], $0x2800  }
0x37: {  	[sflag:s23] =	ssyncset.done $0x0  }
0x38: {  	[sflag:s23] =	ssyncadd.s32 $0xFFFFD800  }
0x39: {  	_ =	swait.ge [sflag:s12], $0x2800  }
0x3a: {  	[sflag:s12] =	ssyncset.done $0x0  }
0x3b: {  	s30 =	stileid.u32;
	[sflag:s12] =	ssyncadd.s32 $0xFFFFD800  }
0x3c: {  	s6 =	sshll.u32 s30, $0x6;
	[bflag:$0x0] =	sbarrier.arrive $0xFFFF  }
0x3d: {  	s6 =	sor.u32 $0x1C19, s6;
	s22 =	rddreg [dreg:$0x6]  }
0x3e: {  	s23 =	simm.s32 $0x19;
	s21 =	rddreg [dreg:$0xd];
	s20 =	sshrl.u32 s22, $0x3  }
0x3f: {  	[hbm:s21], [sflag:s6] =	dma.local [spmem:s20], $0x2800  }
0x40: {  	_ =	swait.ge [sflag:s23], $0x2800  }
0x41: {  	s7 =	sld [smem:$0x7F8];
	_ =	sdelay $0x2  }
0x42: {  	s31 =	rddreg [dreg:$0xe];
	s7 =	sadd.s32 $0x1, s7  }
0x43: {  	p0 =	sne.s32 s7, s31  }
.Ltmp1:
0x44: {  	_ = 	snop;
	(pc) =	sbr.rel @!p0 .LBB2_8-.Ltmp1, $3  }
0x45: {  	_ =	sdelay $0x1  }
0x46: {  	[sflag:s23] =	ssyncset.done $0x0  }
0x47: {  	[sflag:s23] =	ssyncadd.s32 $0xFFFFD800  }
.LBB2_1:
0x48: {  	[smem:$0x7F8] =	sst s7;
	s20 =	simm.s32 $0x0;
	s21 =	simm.s32 $0x200  }
.LBB2_2:
0x49: {  	p0 =	sne.s32 s21, $0x9E00;
	[tilespmem:s20+$0x14070] =	vst v0  }
0x4a: {  	[tilespmem:s20+$0x14000] =	vst v0  }
0x4b: {  	[tilespmem:s20+$0x14010] =	vst v0  }
.Ltmp2:
0x4c: {  	[tilespmem:s20+$0x14020] =	vst v0;
	(pc) =	sbr.rel @p0 .LBB2_2-.Ltmp2, $4  }
0x4d: {  	[tilespmem:s20+$0x14030] =	vst v0  }
0x4e: {  	[tilespmem:s20+$0x14040] =	vst v0  }
0x4f: {  	[tilespmem:s20+$0x14050] =	vst v0  }
0x50: {  	[tilespmem:s20+$0x14060] =	vst v0;
	s20 =	sshra.s32 s21, $0x2;
	s21 =	sadd.s32 $0x200, s21  }
0x51: {  	[tilespmem:s20+$0x14070] =	vst v0  }
0x52: {  	[tilespmem:s20+$0x14000] =	vst v0  }
0x53: {  	[tilespmem:s20+$0x14010] =	vst v0  }
0x54: {  	[tilespmem:s20+$0x14020] =	vst v0  }
0x55: {  	[tilespmem:s20+$0x14030] =	vst v0  }
0x56: {  	[tilespmem:s20+$0x14040] =	vst v0  }
0x57: {  	[tilespmem:s20+$0x14050] =	vst v0  }
0x58: {  	[tilespmem:s20+$0x14060] =	vst v0  }
0x59: {  	[spmem:s22] =	stream.linear.scatter [tilespmem:s13], [sflag:$0x19], $0x2800, $0x38;
	[tilespmem:$0x1E800] =	vst v63  }
0x5a: {  	_ =	swait.ge [sflag:s23], $0x2800  }
0x5b: {  	[sflag:s23] =	ssyncset.done $0x0  }
0x5c: {  	s6 =	rddreg [dreg:$0x1e];
	[sflag:s23] =	ssyncadd.s32 $0xFFFFD800  }
0x5d: {  	[spmem:s6] =	stream.linear.scatter [tilespmem:s13], [sflag:$0x19], $0x2800, $0x38;
	[tilespmem:$0x1E800] =	vst v63  }
0x5e: {  	_ =	swait.ge [sflag:s23], $0x2800  }
0x5f: {  	[sflag:s23] =	ssyncset.done $0x0  }
0x60: {  	s7 =	rddreg [dreg:$0x1f];
	[sflag:s23] =	ssyncadd.s32 $0xFFFFD800  }
0x61: {  	[spmem:s7] =	stream.linear.scatter [tilespmem:s13], [sflag:$0x19], $0x2800, $0x38;
	[tilespmem:$0x1E800] =	vst v63  }
0x62: {  	_ =	swait.ge [sflag:s23], $0x2800  }
0x63: {  	s20 =	sld [smem:$0x7F9]  }
0x64: {  	[sflag:s23] =	ssyncset.done $0x0  }
0x65: {  	[sflag:s23] =	ssyncadd.s32 $0xFFFFD800  }
0x66: {  	[spmem:s20] =	stream.linear.scatter [tilespmem:s13], [sflag:$0x19], $0x2800, $0x38;
	[tilespmem:$0x1E800] =	vst v63  }
0x67: {  	_ =	swait.ge [sflag:s23], $0x2800  }
0x68: {  	s21 =	sld [smem:$0x7FA]  }
0x69: {  	[sflag:s23] =	ssyncset.done $0x0  }
0x6a: {  	[sflag:s23] =	ssyncadd.s32 $0xFFFFD800  }
0x6b: {  	[spmem:s21] =	stream.linear.scatter [tilespmem:s13], [sflag:$0x19], $0x2800, $0x38;
	[tilespmem:$0x1E800] =	vst v63  }
0x6c: {  	_ =	swait.ge [sflag:s23], $0x2800  }
0x6d: {  	s22 =	sld [smem:$0x7FB]  }
0x6e: {  	[sflag:s23] =	ssyncset.done $0x0  }
0x6f: {  	[sflag:s23] =	ssyncadd.s32 $0xFFFFD800  }
0x70: {  	[spmem:s22] =	stream.linear.scatter [tilespmem:s13], [sflag:$0x19], $0x2800, $0x38;
	[tilespmem:$0x1E800] =	vst v63  }
0x71: {  	_ =	swait.ge [sflag:s23], $0x2800  }
0x72: {  	s30 =	sld [smem:$0x7FC]  }
0x73: {  	[sflag:s23] =	ssyncset.done $0x0  }
0x74: {  	[sflag:s23] =	ssyncadd.s32 $0xFFFFD800  }
0x75: {  	[spmem:s30] =	stream.linear.scatter [tilespmem:s13], [sflag:$0x19], $0x2800, $0x38;
	[tilespmem:$0x1E800] =	vst v63  }
0x76: {  	_ =	swait.ge [sflag:s23], $0x2800  }
0x77: {  	s31 =	sld [smem:$0x7FD]  }
0x78: {  	[sflag:s23] =	ssyncset.done $0x0  }
0x79: {  	[sflag:s23] =	ssyncadd.s32 $0xFFFFD800  }
0x7a: {  	[spmem:s31] =	stream.linear.scatter [tilespmem:s13], [sflag:$0x19], $0x2800, $0x38;
	[tilespmem:$0x1E800] =	vst v63  }
0x7b: {  	_ =	swait.ge [sflag:s23], $0x2800  }
0x7c: {  	[sflag:s23] =	ssyncset.done $0x0  }
0x7d: {  	[sflag:s23] =	ssyncadd.s32 $0xFFFFD800  }
0x7e: {  	[bflag:$0x0] =	sbarrier.arrive $0xFFFF  }
0x7f: {  	s20 =	simm.s32 $0x0;
	s21 =	simm.s32 $0x1E000;
	s7 =	rddreg [dreg:$0x7]  }
0x80: {  	[tilespmem:s21], [sflag:$0x9] =	stream.linear.gather [hbm4b:s7+s20], $0x50, $0x38;
	[tilespmem:$0x1E800] =	vst v63  }
0x81: {  	s23 =	simm.s32 $0x1E400;
	s22 =	rddreg [dreg:$0x8]  }
0x82: {  	[tilespmem:s23], [sflag:$0x11] =	stream.linear.gather [hbm4b:s22+s20], $0x50, $0x38;
	[tilespmem:$0x1E800] =	vst v63  }
0x83: {  	s30 =	rddreg [dreg:$0x9];
	s22 =	simm.s32 $0x1E080  }
0x84: {  	[tilespmem:s22], [sflag:$0xA] =	stream.linear.gather [hbm4b:s30+s20], $0x50, $0x38;
	[tilespmem:$0x1E800] =	vst v63  }
0x85: {  	s31 =	rddreg [dreg:$0xa];
	s7 =	simm.s32 $0x1E480  }
0x86: {  	[tilespmem:s7], [sflag:$0x12] =	stream.linear.gather [hbm4b:s31+s20], $0x50, $0x38;
	[tilespmem:$0x1E800] =	vst v63  }
0x87: {  	s30 =	rddreg [dreg:$0xb]  }
0x88: {  	[tilespmem:s24], [sflag:$0xB] =	stream.linear.gather [hbm4b:s30+s20], $0x50, $0x38;
	[tilespmem:$0x1E800] =	vst v63  }
0x89: {  	s31 =	rddreg [dreg:$0xc];
	s7 =	simm.s32 $0x1E500;
	s30 =	simm.s32 $0x9  }
0x8a: {  	[tilespmem:s7], [sflag:$0x13] =	stream.linear.gather [hbm4b:s31+s20], $0x50, $0x38;
	[tilespmem:$0x1E800] =	vst v63  }
0x8b: {  	_ =	swait.ge [sflag:s30], $0x50  }
0x8c: {  	[sflag:s30] =	ssyncset.done $0x0  }
0x8d: {  	s31 =	simm.s32 $0xA;
	[sflag:s30] =	ssyncadd.s32 $0xFFFFFFB0  }
0x8e: {  	[tilespmem:s13], [sflag:$0x1] =	stream.indirect.gather [hbm4b:s1+s11], $0x80, s21, s11, $0xb8;
	[tilespmem:$0x1E800] =	vst v63  }
.Ltmp3:
0x8f: {  	_ =	swait.ge [sflag:s31], $0x50;
	(pc) =	sbr.rel .LBB2_4-.Ltmp3, $4  }
0x90: {  	[sflag:s31] =	ssyncset.done $0x0  }
0x91: {  	[sflag:s31] =	ssyncadd.s32 $0xFFFFFFB0  }
0x92: {  	[tilespmem:s0], [sflag:$0x2] =	stream.indirect.gather [hbm4b:s1+s11], $0x80, s22, s11, $0xb8;
	[tilespmem:$0x1E800] =	vst v63  }
0x93: {  	s23 =	simm.s32 $0x0;
	s21 =	simm.s32 $0x7;
	s22 =	rddreg [dreg:$0x1b]  }
.LBB2_6:
0x94: {  	s20 =	sadd.s32 $0x50, s20  }
0x95: {  	p0 =	sne.s32 s20, $0x500  }
.Ltmp4:
0x96: {  	_ = 	snop;
	(pc) =	sbr.rel @!p0 .LBB2_7-.Ltmp4, $2  }
0x97: {  	_ =	sdelay $0x2  }
0x98: {  	s23 =	sadd.s32 $0x1, s23;
	s21 =	sadd.s32 $0x8, s21;
	s22 =	sadd.s32 $0x280, s22  }
.LBB2_4:
0x99: {  	s6 =	simm.s32 $0x11  }
0x9a: {  	_ =	swait.ge [sflag:s6], $0x50  }
0x9b: {  	[sflag:s6] =	ssyncset.done $0x0  }
0x9c: {  	[sflag:s6] =	ssyncadd.s32 $0xFFFFFFB0  }
0x9d: {  	_ =	swait.ge [sflag:s5], $0x2800  }
0x9e: {  	[sflag:s5] =	ssyncset.done $0x0  }
0x9f: {  	s31 =	simm.s32 $0x1E400;
	s7 =	rddreg [dreg:$0x1d];
	[sflag:s5] =	ssyncadd.s32 $0xFFFFD800  }
0xa0: {  	[spmem:s2] =	stream.indirect.scatter.add.f32 [tilespmem:s13], [sflag:$0x5], $0x80, s31, s11, $0xb8;
	[tilespmem:$0x1E800] =	vst v63  }
0xa1: {  	s30 =	sadd.s32 s20, s7;
	s31 =	simm.s32 $0x1E180  }
0xa2: {  	[tilespmem:s31], [sflag:$0xC] =	stream.linear.gather [hbm4b:s30+s4], $0x50, $0x38;
	[tilespmem:$0x1E800] =	vst v63  }
0xa3: {  	p0 =	seq.s32 s20, $0x0;
	s30 =	rddreg [dreg:$0x1c]  }
0xa4: {  	s7 =	simm.s32 $0x1E580;
	s6 =	sadd.s32 s20, s30;
	s30 =	simm.s32 @!p0 $0x7  }
0xa5: {  	[tilespmem:s7], [sflag:$0x14] =	stream.linear.gather [hbm4b:s6+s4], $0x50, $0x38;
	[tilespmem:$0x1E800] =	vst v63  }
0xa6: {  	_ =	swait.ge @!p0 [sflag:s30], $0x2800  }
0xa7: {  	[sflag:s30] =	ssyncset.done @!p0 $0x0  }
0xa8: {  	[sflag:s30] =	ssyncadd.s32 @!p0 $0xFFFFD800  }
0xa9: {  	_ =	swait.ge [sflag:s25], $0x50  }
0xaa: {  	[sflag:s25] =	ssyncset.done $0x0  }
0xab: {  	[sflag:s25] =	ssyncadd.s32 $0xFFFFFFB0  }
0xac: {  	[tilespmem:s26], [sflag:$0x3] =	stream.indirect.gather [hbm4b:s1+s11], $0x80, s24, s11, $0xb8;
	[tilespmem:$0x1E800] =	vst v63  }
0xad: {  	_ =	swait.ge [sflag:s28], $0x50  }
0xae: {  	[sflag:s28] =	ssyncset.done $0x0  }
0xaf: {  	[sflag:s28] =	ssyncadd.s32 $0xFFFFFFB0  }
0xb0: {  	_ =	swait.ge [sflag:s15], $0x2800  }
0xb1: {  	[sflag:s15] =	ssyncset.done $0x0  }
0xb2: {  	s30 =	simm.s32 $0x1E480;
	[sflag:s15] =	ssyncadd.s32 $0xFFFFD800  }
0xb3: {  	[spmem:s2] =	stream.indirect.scatter.add.f32 [tilespmem:s0], [sflag:$0x6], $0x80, s30, s11, $0xb8;
	[tilespmem:$0x1E800] =	vst v63  }
0xb4: {  	s30 =	rddreg [dreg:$0x16]  }
0xb5: {  	s6 =	sadd.s32 s20, s30;
	s30 =	rddreg [dreg:$0x15]  }
0xb6: {  	[tilespmem:s29], [sflag:$0xD] =	stream.linear.gather [hbm4b:s6+s4], $0x50, $0x38;
	[tilespmem:$0x1E800] =	vst v63  }
0xb7: {  	s6 =	sadd.s32 s20, s30;
	s30 =	simm.s32 @!p0 $0x8  }
0xb8: {  	[tilespmem:s14], [sflag:$0x15] =	stream.linear.gather [hbm4b:s6+s4], $0x50, $0x38;
	[tilespmem:$0x1E800] =	vst v63  }
0xb9: {  	_ =	swait.ge @!p0 [sflag:s30], $0x2800  }
0xba: {  	[sflag:s30] =	ssyncset.done @!p0 $0x0  }
0xbb: {  	[sflag:s30] =	ssyncadd.s32 @!p0 $0xFFFFD800  }
0xbc: {  	_ =	swait.ge [sflag:s3], $0x50  }
0xbd: {  	[sflag:s3] =	ssyncset.done $0x0  }
0xbe: {  	[sflag:s3] =	ssyncadd.s32 $0xFFFFFFB0  }
0xbf: {  	[tilespmem:s8], [sflag:$0x4] =	stream.indirect.gather [hbm4b:s1+s11], $0x80, s31, s11, $0xb8;
	[tilespmem:$0x1E800] =	vst v63  }
0xc0: {  	_ =	swait.ge [sflag:s9], $0x50  }
0xc1: {  	[sflag:s9] =	ssyncset.done $0x0  }
0xc2: {  	[sflag:s9] =	ssyncadd.s32 $0xFFFFFFB0  }
0xc3: {  	s6 =	sadd.s32 $0xFFFFFFFE, s21;
	_ =	swait.ge [sflag:s10], $0x2800  }
0xc4: {  	p0 =	sgt.u32 s6, $0x7C;
	[sflag:s10] =	ssyncset.done $0x0  }
0xc5: {  	s31 =	simm.s32 $0x1E500;
	s6 =	rddreg [dreg:$0x14];
	[sflag:s10] =	ssyncadd.s32 $0xFFFFD800  }
0xc6: {  	[spmem:s2] =	stream.indirect.scatter.add.f32 [tilespmem:s26], [sflag:$0x7], $0x80, s31, s11, $0xb8;
	[tilespmem:$0x1E800] =	vst v63  }
0xc7: {  	s30 =	sadd.s32 @!p0 s20, s6;
	s6 =	simm.s32 @!p0 $0x1E280;
	s31 =	simm.s32 @!p0 $0x0  }
0xc8: {  	[tilespmem:s6], [sflag:$0xE] =	stream.linear.gather @!p0 [hbm4b:s30+s31], $0x50, $0x38;
	[tilespmem:$0x1E800] =	vst v63  }
0xc9: {  	s6 =	rddreg [dreg:$0x13]  }
0xca: {  	s30 =	simm.s32 @!p0 $0x1E680;
	s6 =	sadd.s32 @!p0 s20, s6  }
0xcb: {  	[tilespmem:s30], [sflag:$0x16] =	stream.linear.gather @!p0 [hbm4b:s6+s31], $0x50, $0x38;
	[tilespmem:$0x1E800] =	vst v63  }
0xcc: {  	_ =	swait.ge [sflag:s12], $0x2800  }
0xcd: {  	[sflag:s12] =	ssyncset.done $0x0  }
0xce: {  	[sflag:s12] =	ssyncadd.s32 $0xFFFFD800  }
0xcf: {  	_ =	swait.ge [sflag:s16], $0x50  }
0xd0: {  	[sflag:s16] =	ssyncset.done $0x0  }
0xd1: {  	[sflag:s16] =	ssyncadd.s32 $0xFFFFFFB0  }
0xd2: {  	[tilespmem:s13], [sflag:$0x1] =	stream.indirect.gather [hbm4b:s1+s11], $0x80, s29, s11, $0xb8;
	[tilespmem:$0x1E800] =	vst v63  }
0xd3: {  	_ =	swait.ge [sflag:s17], $0x50  }
0xd4: {  	[sflag:s17] =	ssyncset.done $0x0  }
0xd5: {  	[sflag:s17] =	ssyncadd.s32 $0xFFFFFFB0  }
0xd6: {  	_ =	swait.ge [sflag:s18], $0x2800  }
0xd7: {  	s31 =	sadd.s32 $0xFFFFFFFF, s21;
	[sflag:s18] =	ssyncset.done $0x0  }
0xd8: {  	p0 =	sgt.u32 s31, $0x7C;
	s6 =	rddreg [dreg:$0x12];
	[sflag:s18] =	ssyncadd.s32 $0xFFFFD800  }
0xd9: {  	[spmem:s2] =	stream.indirect.scatter.add.f32 [tilespmem:s8], [sflag:$0x8], $0x80, s7, s11, $0xb8;
	[tilespmem:$0x1E800] =	vst v63  }
0xda: {  	s30 =	simm.s32 @!p0 $0x0;
	s31 =	simm.s32 @!p0 $0x1E300;
	s6 =	sadd.s32 @!p0 s20, s6  }
0xdb: {  	[tilespmem:s31], [sflag:$0xF] =	stream.linear.gather @!p0 [hbm4b:s6+s30], $0x50, $0x38;
	[tilespmem:$0x1E800] =	vst v63  }
0xdc: {  	s6 =	rddreg [dreg:$0x11]  }
0xdd: {  	s31 =	simm.s32 @!p0 $0x1E700;
	s6 =	sadd.s32 @!p0 s20, s6  }
0xde: {  	[tilespmem:s31], [sflag:$0x17] =	stream.linear.gather @!p0 [hbm4b:s6+s30], $0x50, $0x38;
	[tilespmem:$0x1E800] =	vst v63  }
0xdf: {  	p0 =	sgt.u32 s23, $0xE  }
0xe0: {  	s6 =	simm.s32 @!p0 $0x6  }
0xe1: {  	_ =	swait.ge @!p0 [sflag:s6], $0x2800  }
0xe2: {  	[sflag:s6] =	ssyncset.done @!p0 $0x0  }
0xe3: {  	[sflag:s6] =	ssyncadd.s32 @!p0 $0xFFFFD800;
	s6 =	simm.s32 @!p0 $0xE  }
0xe4: {  	_ =	swait.ge @!p0 [sflag:s6], $0x50  }
0xe5: {  	s30 =	simm.s32 @!p0 $0x1E280;
	[sflag:s6] =	ssyncset.done @!p0 $0x0  }
0xe6: {  	s31 =	simm.s32 @!p0 $0x16800;
	[sflag:s6] =	ssyncadd.s32 @!p0 $0xFFFFFFB0;
	s6 =	simm.s32 @!p0 $0x50  }
0xe7: {  	[tilespmem:s31], [sflag:$0x2] =	stream.indirect.gather @!p0 [hbm4b:s1+s6], $0x80, s30, s6, $0xb8;
	[tilespmem:$0x1E800] =	vst v63  }
0xe8: {  	_ =	swait.ge [sflag:s19], $0x50  }
0xe9: {  	[sflag:s19] =	ssyncset.done $0x0  }
0xea: {  	[sflag:s19] =	ssyncadd.s32 $0xFFFFFFB0  }
0xeb: {  	_ =	swait.ge [sflag:s5], $0x2800  }
0xec: {  	p1 =	sgt.u32 s21, $0x7C;
	[sflag:s5] =	ssyncset.done $0x0  }
0xed: {  	s30 =	simm.s32 @!p1 $0x0;
	s6 =	rddreg [dreg:$0x10];
	[sflag:s5] =	ssyncadd.s32 $0xFFFFD800  }
0xee: {  	[spmem:s2] =	stream.indirect.scatter.add.f32 [tilespmem:s13], [sflag:$0x5], $0x80, s14, s11, $0xb8;
	[tilespmem:$0x1E800] =	vst v63  }
.Ltmp5:
0xef: {  	s31 =	simm.s32 @!p1 $0x1E380;
	s6 =	sadd.s32 @!p1 s20, s6;
	(pc) =	sbr.rel @p0 .LBB2_6-.Ltmp5, $4  }
0xf0: {  	[tilespmem:s31], [sflag:$0x10] =	stream.linear.gather @!p1 [hbm4b:s6+s30], $0x50, $0x38;
	[tilespmem:$0x1E800] =	vst v63  }
0xf1: {  	s6 =	rddreg [dreg:$0xf]  }
0xf2: {  	s31 =	simm.s32 @!p1 $0x1E780;
	s6 =	sadd.s32 @!p1 s20, s6  }
0xf3: {  	[tilespmem:s31], [sflag:$0x18] =	stream.linear.gather @!p1 [hbm4b:s6+s30], $0x50, $0x38;
	[tilespmem:$0x1E800] =	vst v63  }
0xf4: {  	s0 =	simm.s32 $0x7  }
0xf5: {  	_ =	swait.ge [sflag:s0], $0x2800  }
0xf6: {  	[sflag:s0] =	ssyncset.done $0x0  }
0xf7: {  	s24 =	simm.s32 $0xF;
	[sflag:s0] =	ssyncadd.s32 $0xFFFFD800  }
0xf8: {  	_ =	swait.ge [sflag:s24], $0x50  }
0xf9: {  	[sflag:s24] =	ssyncset.done $0x0  }
0xfa: {  	s30 =	simm.s32 $0x1E300;
	s31 =	simm.s32 $0x16;
	[sflag:s24] =	ssyncadd.s32 $0xFFFFFFB0  }
0xfb: {  	[tilespmem:s26], [sflag:$0x3] =	stream.indirect.gather [hbm4b:s1+s11], $0x80, s30, s11, $0xb8;
	[tilespmem:$0x1E800] =	vst v63  }
0xfc: {  	_ =	swait.ge [sflag:s31], $0x50  }
0xfd: {  	[sflag:s31] =	ssyncset.done $0x0  }
0xfe: {  	[sflag:s31] =	ssyncadd.s32 $0xFFFFFFB0  }
0xff: {  	_ =	swait.ge [sflag:s15], $0x2800  }
0x100: {  	[sflag:s15] =	ssyncset.done $0x0  }
0x101: {  	s7 =	simm.s32 $0x16800;
	s6 =	simm.s32 $0x1E680;
	[sflag:s15] =	ssyncadd.s32 $0xFFFFD800  }
0x102: {  	[spmem:s2] =	stream.indirect.scatter.add.f32 [tilespmem:s7], [sflag:$0x6], $0x80, s6, s11, $0xb8;
	[tilespmem:$0x1E800] =	vst v63  }
0x103: {  	s30 =	rddreg [dreg:$0x4];
	s6 =	sshrl.u32 s22, $0x3  }
0x104: {  	s31 =	simm.s32 $0x1E000;
	s24 =	rddreg [dreg:$0x5];
	s30 =	sadd.s32 s30, s6  }
0x105: {  	[tilespmem:s31], [sflag:$0x9] =	stream.linear.gather [hbm4b:s30+s4], $0x50, $0x38;
	[tilespmem:$0x1E800] =	vst v63  }
0x106: {  	s0 =	simm.s32 $0x1E400;
	s6 =	sadd.s32 s24, s6;
	s24 =	simm.s32 $0x8  }
0x107: {  	[tilespmem:s0], [sflag:$0x11] =	stream.linear.gather [hbm4b:s6+s4], $0x50, $0x38;
	[tilespmem:$0x1E800] =	vst v63  }
0x108: {  	_ =	swait.ge [sflag:s24], $0x2800  }
0x109: {  	[sflag:s24] =	ssyncset.done $0x0  }
0x10a: {  	s30 =	simm.s32 $0x10;
	[sflag:s24] =	ssyncadd.s32 $0xFFFFD800  }
0x10b: {  	_ =	swait.ge [sflag:s30], $0x50  }
0x10c: {  	[sflag:s30] =	ssyncset.done $0x0  }
0x10d: {  	s6 =	simm.s32 $0x1E380;
	s24 =	simm.s32 $0x17;
	[sflag:s30] =	ssyncadd.s32 $0xFFFFFFB0  }
0x10e: {  	[tilespmem:s8], [sflag:$0x4] =	stream.indirect.gather [hbm4b:s1+s11], $0x80, s6, s11, $0xb8;
	[tilespmem:$0x1E800] =	vst v63  }
0x10f: {  	_ =	swait.ge [sflag:s24], $0x50  }
0x110: {  	[sflag:s24] =	ssyncset.done $0x0  }
0x111: {  	[sflag:s24] =	ssyncadd.s32 $0xFFFFFFB0  }
0x112: {  	_ =	swait.ge [sflag:s10], $0x2800  }
0x113: {  	[sflag:s10] =	ssyncset.done $0x0  }
0x114: {  	s30 =	simm.s32 $0x1E700;
	s0 =	rddreg [dreg:$0x1a];
	[sflag:s10] =	ssyncadd.s32 $0xFFFFD800  }
0x115: {  	[spmem:s2] =	stream.indirect.scatter.add.f32 [tilespmem:s26], [sflag:$0x7], $0x80, s30, s11, $0xb8;
	[tilespmem:$0x1E800] =	vst v63  }
0x116: {  	s24 =	rddreg [dreg:$0x19];
	s6 =	sadd.s32 s20, s0;
	s30 =	simm.s32 $0x1E080  }
0x117: {  	[tilespmem:s30], [sflag:$0xA] =	stream.linear.gather [hbm4b:s6+s4], $0x50, $0x38;
	[tilespmem:$0x1E800] =	vst v63  }
0x118: {  	s6 =	sadd.s32 s20, s24;
	s24 =	simm.s32 $0x1E480  }
0x119: {  	[tilespmem:s24], [sflag:$0x12] =	stream.linear.gather [hbm4b:s6+s4], $0x50, $0x38;
	[tilespmem:$0x1E800] =	vst v63  }
0x11a: {  	_ =	swait.ge [sflag:s12], $0x2800  }
0x11b: {  	[sflag:s12] =	ssyncset.done $0x0  }
0x11c: {  	s0 =	simm.s32 $0x9;
	[sflag:s12] =	ssyncadd.s32 $0xFFFFD800  }
0x11d: {  	_ =	swait.ge [sflag:s0], $0x50  }
0x11e: {  	[sflag:s0] =	ssyncset.done $0x0  }
0x11f: {  	s6 =	simm.s32 $0x18;
	[sflag:s0] =	ssyncadd.s32 $0xFFFFFFB0  }
0x120: {  	[tilespmem:s13], [sflag:$0x1] =	stream.indirect.gather [hbm4b:s1+s11], $0x80, s31, s11, $0xb8;
	[tilespmem:$0x1E800] =	vst v63  }
0x121: {  	_ =	swait.ge [sflag:s6], $0x50  }
0x122: {  	[sflag:s6] =	ssyncset.done $0x0  }
0x123: {  	[sflag:s6] =	ssyncadd.s32 $0xFFFFFFB0  }
0x124: {  	_ =	swait.ge [sflag:s18], $0x2800  }
0x125: {  	[sflag:s18] =	ssyncset.done $0x0  }
0x126: {  	s31 =	simm.s32 $0x1E780;
	s0 =	rddreg [dreg:$0x18];
	[sflag:s18] =	ssyncadd.s32 $0xFFFFD800  }
0x127: {  	[spmem:s2] =	stream.indirect.scatter.add.f32 [tilespmem:s8], [sflag:$0x8], $0x80, s31, s11, $0xb8;
	[tilespmem:$0x1E800] =	vst v63  }
0x128: {  	s24 =	simm.s32 $0x1E100;
	s6 =	sadd.s32 s20, s0;
	s31 =	rddreg [dreg:$0x17]  }
0x129: {  	[tilespmem:s24], [sflag:$0xB] =	stream.linear.gather [hbm4b:s6+s4], $0x50, $0x38;
	[tilespmem:$0x1E800] =	vst v63  }
0x12a: {  	s0 =	simm.s32 $0x1E500;
	s6 =	sadd.s32 s20, s31  }
0x12b: {  	[tilespmem:s0], [sflag:$0x13] =	stream.linear.gather [hbm4b:s6+s4], $0x50, $0x38;
	[tilespmem:$0x1E800] =	vst v63  }
0x12c: {  	s6 =	simm.s32 $0x6  }
0x12d: {  	_ =	swait.ge [sflag:s6], $0x2800  }
0x12e: {  	[sflag:s6] =	ssyncset.done $0x0  }
.Ltmp6:
0x12f: {  	s31 =	simm.s32 $0xA;
	[sflag:s6] =	ssyncadd.s32 $0xFFFFD800;
	(pc) =	sbr.rel .LBB2_6-.Ltmp6, $4  }
0x130: {  	_ =	swait.ge [sflag:s31], $0x50  }
0x131: {  	[sflag:s31] =	ssyncset.done $0x0  }
0x132: {  	s0 =	simm.s32 $0x16800;
	[sflag:s31] =	ssyncadd.s32 $0xFFFFFFB0  }
0x133: {  	[tilespmem:s7], [sflag:$0x2] =	stream.indirect.gather [hbm4b:s1+s11], $0x80, s30, s11, $0xb8;
	[tilespmem:$0x1E800] =	vst v63  }
.LBB2_8:
0x134: {  	_ =	sfence.sel $0x180000  }
0x135: {  	[bflag:$0x0] =	sbarrier.arrive $0xFFFF  }
0x136: {  	_ =	strace $0x9000004A  }
0x137: {  	s0 =	stileid.u32;
	[bflag:$0x2] =	sbarrier.arrive $0xFFFF  }
0x138: {  	p0 =	sne.s32 s0, $0x0;
	s0 =	rddreg [dreg:$0x3]  }
0x139: {  	s0 =	sadd.s32 @!p0 $0x100000, s0  }
0x13a: {  	[sflag:s0] =	ssyncadd.tile.s32 @!p0 $0x1;
	_ =	shalt  }
.Lfunc_end2:
_tile_overlayer_lowered:
.L_overlay_start_2:
0x13b: {  	(tag) =	ssettag $0x2  }
0x13c: {  	s0 =	rddreg [dreg:$0x0];
	s2 =	stileid.u32  }
0x13d: {  	s1 =	rddreg [dreg:$0x1];
	p0 =	sne.s32 s2, $0x0  }
0x13e: {  	s3 =	rddreg [dreg:$0x2];
	[bflag:$0x3] =	sbarrier.arrive $0xFFFF;
	s2 =	simm.s32 @!p0 $0x1C19  }
0x13f: {  	[timem:s3], [sflag:s2] =	dma.local @!p0 [hbm:s0], s1  }
0x140: {  	s0 =	simm.s32 @!p0 $0x19  }
0x141: {  	_ =	swait.ge @!p0 [sflag:s0], s1  }
0x142: {  	s1 =	ssub.s32 @!p0 $0x0, s1;
	[sflag:s0] =	ssyncset.done @!p0 $0x0  }
0x143: {  	[sflag:s0] =	ssyncadd.s32 @!p0 s1  }
0x144: {  	[bflag:$0x3] =	sbarrier.arrive $0xFFFF  }
0x145: {  	_ =	shalt  }

// kernel: kernel.16.cloned.1.call-start
scs
__scs_entry_jumppad:
0x0: {  	(pc) =	sbr.rel $0x88, $3  }
0x1: {  	(tag) =	ssettag $0x0;
	lr =	simm.s32 $0x1  }
0x2: {  	[smem:$0x3F92] =	sst lr;
	_ =	strace $0xD0000000  }
0x3: {  	_ = 	snop  }
0x4: {  	_ = 	snop  }
0x5: {  	_ = 	snop  }
0x6: {  	_ = 	snop  }
0x7: {  	_ = 	snop  }
__scs_overlays_trampoline_lowered:
0x8: {  	[smem:$0x3FA1] =	sst s0  }
0x9: {  	[smem:$0x3FA2] =	sst s1  }
0xa: {  	[smem:$0x3FA3] =	sst s2  }
0xb: {  	[smem:$0x3FA4] =	sst s3  }
0xc: {  	[smem:$0x3FA5] =	sst s4  }
0xd: {  	[smem:$0x3FA6] =	sst s5  }
0xe: {  	[smem:$0x3FA7] =	sst s6  }
0xf: {  	[smem:$0x3FA8] =	sst s7  }
0x10: {  	[smem:$0x3FA9] =	sst s8  }
0x11: {  	[smem:$0x3FAA] =	sst s9;
	s0 =	simm.s32 @!p0 $0x0  }
0x12: {  	s1 =	sld [smem:$0x3F90];
	s0 =	simm.s32 @p0 $0x1  }
0x13: {  	[smem:$0x3FAB] =	sst s0;
	s0 =	simm.s32 @!p1 $0x0  }
0x14: {  	s2 =	sld [smem:$0x3F8F];
	s0 =	simm.s32 @p1 $0x1  }
0x15: {  	[smem:$0x3FAC] =	sst s0;
	s0 =	simm.s32 @!p2 $0x0  }
0x16: {  	s3 =	sld [smem:$0x3FDB];
	s0 =	simm.s32 @p2 $0x1  }
0x17: {  	s4 =	simm.s32 $0x1BF5;
	[smem:$0x3FAE] =	sst s0  }
0x18: {  	s0 =	sld [smem:$0x3F91];
	_ =	swait.ge [sflag:s4], $0x0  }
0x19: {  	s7 =	sld [smem:$0x3F92]  }
0x1a: {  	s8 =	sadd.s32 $0xFFFFE003, lr  }
0x1b: {  	s9 =	sadd.s32 $0xFFFFFEF7, lr;
	s5 =	simm.s32 $0xFFFFFFFF;
	p2 =	slt.u32 s8, $0xFFFFF086  }
0x1c: {  	p1 =	slt.u32 s9, $0xF7A;
	s5 =	simm.s32 @!p2 $0x0  }
0x1d: {  	s5 =	simm.s32 @p1 $0x1;
	p0 =	seq.s32 s7, s2  }
0x1e: {  	s7 =	smul.u32 @!p0 $0xF7A, s2;
	p2 =	seq.s32 @!p0 s5, $0x0  }
0x1f: {  	s9 =	smul.u32 $0xF7A, s1;
	s8 =	simm.s32 @!p0 $0x1BF5;
	p2 =	por !p2, p0  }
0x20: {  	[sflag:s8] =	ssyncset.s32 @!p0 $0xFFFFF086;
	s6 =	sadd.s32 @!p0 s3, s7;
	s7 =	simm.s32 @!p0 $0x108  }
0x21: {  	s3 =	sadd.s32 s3, s9;
	s6 =	sadd.s32 @!p0 $0x88, s6;
	s7 =	simm.s32 @p2 $0x1082  }
0x22: {  	[simem:s7], [sflag:s8] =	dma.local @!p0 [hbm:s6], $0xF7A  }
0x23: {  	s9 =	sor.u32 $0xD0000000, s2;
	s6 =	simm.s32 $0x108;
	_ =	swait.ge @!p0 [sflag:s8], $0x0  }
0x24: {  	s3 =	sadd.s32 $0x88, s3;
	s6 =	simm.s32 @!p1 $0x1082;
	[sflag:s4] =	ssyncset.s32 $0xFFFFF086  }
0x25: {  	[simem:s6], [sflag:s4] =	dma.local [hbm:s3], $0xF7A  }
0x26: {  	[smem:$0x3F92] =	sst s1;
	(tag) =	ssettag s2;
	_ =	strace s9  }
0x27: {  	s1 =	sld [smem:$0x3FA2]  }
0x28: {  	s2 =	sld [smem:$0x3FA3]  }
0x29: {  	s4 =	sld [smem:$0x3FA5]  }
0x2a: {  	p0 =	seq.s32 s5, $0x0;
	s5 =	sld [smem:$0x3FA6]  }
0x2b: {  	s6 =	sld [smem:$0x3FA7]  }
0x2c: {  	s7 =	sld [smem:$0x3FA8]  }
0x2d: {  	s3 =	simm.s32 $0x108;
	s8 =	sld [smem:$0x3FA9]  }
0x2e: {  	s3 =	simm.s32 @!p0 $0x1082;
	s9 =	sld [smem:$0x3FAA]  }
0x2f: {  	lr =	sadd.s32 s0, s3;
	s0 =	sld [smem:$0x3FA1]  }
0x30: {  	s3 =	sld [smem:$0x3FA4]  }
0x31: {  	[smem:$0x3FAD] =	sst s10  }
0x32: {  	s10 =	sld [smem:$0x3FAB];
	_ =	sdelay $0x3  }
0x33: {  	p0 =	seq.s32 s10, $0x1;
	s10 =	sld [smem:$0x3FAD];
	_ =	sdelay $0x3  }
0x34: {  	[smem:$0x3FAD] =	sst s10  }
0x35: {  	s10 =	sld [smem:$0x3FAC];
	_ =	sdelay $0x3  }
0x36: {  	p1 =	seq.s32 s10, $0x1;
	s10 =	sld [smem:$0x3FAD];
	_ =	sdelay $0x3  }
0x37: {  	[smem:$0x3FAD] =	sst s10  }
0x38: {  	s10 =	sld [smem:$0x3FAE]  }
0x39: {  	_ = 	snop;
	(pc) =	sbr.ind lr, $3  }
0x3a: {  	_ = 	snop  }
0x3b: {  	_ = 	snop  }
0x3c: {  	p2 =	seq.s32 s10, $0x1;
	s10 =	sld [smem:$0x3FAD]  }
0x3d: {  	_ =	shalt  }
0x3e: {  	_ =	shalt  }
0x3f: {  	_ =	shalt  }
0x40: {  	_ =	shalt  }
0x41: {  	_ =	shalt  }
0x42: {  	_ =	shalt  }
0x43: {  	_ =	shalt  }
0x44: {  	_ =	shalt  }
0x45: {  	_ =	shalt  }
0x46: {  	_ =	shalt  }
0x47: {  	_ =	shalt  }
0x48: {  	_ =	shalt  }
0x49: {  	_ =	shalt  }
0x4a: {  	_ =	shalt  }
0x4b: {  	_ =	shalt  }
0x4c: {  	_ =	shalt  }
0x4d: {  	_ =	shalt  }
0x4e: {  	_ =	shalt  }
0x4f: {  	_ =	shalt  }
0x50: {  	_ =	shalt  }
0x51: {  	_ =	shalt  }
0x52: {  	_ =	shalt  }
0x53: {  	_ =	shalt  }
0x54: {  	_ =	shalt  }
0x55: {  	_ =	shalt  }
0x56: {  	_ =	shalt  }
0x57: {  	_ =	shalt  }
0x58: {  	_ =	shalt  }
0x59: {  	_ =	shalt  }
0x5a: {  	_ =	shalt  }
0x5b: {  	_ =	shalt  }
0x5c: {  	_ =	shalt  }
0x5d: {  	_ =	shalt  }
0x5e: {  	_ =	shalt  }
0x5f: {  	_ =	shalt  }
0x60: {  	_ =	shalt  }
0x61: {  	_ =	shalt  }
0x62: {  	_ =	shalt  }
0x63: {  	_ =	shalt  }
0x64: {  	_ =	shalt  }
0x65: {  	_ =	shalt  }
0x66: {  	_ =	shalt  }
0x67: {  	_ =	shalt  }
0x68: {  	_ =	shalt  }
0x69: {  	_ =	shalt  }
0x6a: {  	_ =	shalt  }
0x6b: {  	_ =	shalt  }
0x6c: {  	_ =	shalt  }
0x6d: {  	_ =	shalt  }
0x6e: {  	_ =	shalt  }
0x6f: {  	_ =	shalt  }
0x70: {  	_ =	shalt  }
0x71: {  	_ =	shalt  }
0x72: {  	_ =	shalt  }
0x73: {  	_ =	shalt  }
0x74: {  	_ =	shalt  }
0x75: {  	_ =	shalt  }
0x76: {  	_ =	shalt  }
0x77: {  	_ =	shalt  }
0x78: {  	_ =	shalt  }
0x79: {  	_ =	shalt  }
0x7a: {  	_ =	shalt  }
0x7b: {  	_ =	shalt  }
0x7c: {  	_ =	shalt  }
0x7d: {  	_ =	shalt  }
0x7e: {  	_ =	shalt  }
0x7f: {  	_ =	shalt  }
0x80: {  	_ =	shalt  }
0x81: {  	_ =	shalt  }
0x82: {  	_ =	shalt  }
0x83: {  	_ =	shalt  }
0x84: {  	_ =	shalt  }
0x85: {  	_ =	shalt  }
0x86: {  	_ =	shalt  }
0x87: {  	_ =	shalt  }
.Lfunc_end0:
.L_simem_size_0:
called_computation.2_lowered:
.L_overlay_start_0:
0x88: {  	s2 =	sld [smem:$0x3FD9]  }
0x89: {  	s3 =	sld [smem:$0x3FFE];
	_ =	sdelay $0x1  }
0x8a: {  	s1 =	srdreg.scid  }
0x8b: {  	s0 =	sand.u32 $0x1, s1  }
0x8c: {  	s17 =	sshll.u32 s0, $0xA;
	s2 =	sadd.s32 s3, s2  }
0x8d: {  	s2 =	sadd.s32 s2, s17  }
0x8e: {  	[smem:$0x3FB9] =	sst s2  }
0x8f: {  	_ = 	snop  }
0x90: {  	s2 =	sld [smem:$0x3FD0];
	(tm) =	ssettm $0x1  }
0x91: {  	s18 =	sld [smem:$0x3FFB];
	_ =	sdelay $0x3  }
0x92: {  	_ =	strace s18  }
0x93: {  	s3 =	sld [smem:$0x3FFC];
	_ =	sdelay $0x3  }
0x94: {  	_ =	strace s3  }
0x95: {  	s3 =	sld [smem:$0x3FFD];
	_ =	sdelay $0x3  }
0x96: {  	_ =	strace s3  }
0x97: {  	_ =	strace $0x8FFFFFFF  }
0x98: {  	s19 =	sld [smem:$0x3FDB];
	_ =	sdelay $0x1  }
0x99: {  	s4 =	simm.s32 $_scs_section_size  }
0x9a: {  	s5 =	simm.s32 $_size__tile_overlayer_lowered;
	s6 =	simm.s32 $_tile_overlayer_lowered  }
0x9b: {  	s22 =	simm.s32 $0x1BFF;
	s21 =	sshll.u32 s6, $0x1;
	s3 =	sadd.s32 s4, s19  }
0x9c: {  	s7 =	simm.s32 $0x0;
	s20 =	sshll.u32 s5, $0x1;
	s5 =	sadd.s32 s21, s3  }
0x9d: {  	[timem:s7], [sflag:s22] =	dma.local [hbm:s5], s20  }
0x9e: {  	_ =	swait.ge [sflag:s22], s20  }
0x9f: {  	s4 =	ssub.s32 $0x0, s20;
	[sflag:s22] =	ssyncset.done $0x0  }
0xa0: {  	[sflag:s22] =	ssyncadd.s32 s4;
	_ =	sdelay $0x1  }
0xa1: {  	s23 =	simm.s32 $0x1B8B  }
0xa2: {  	_ =	swait.ge [sflag:s23], $0x1  }
0xa3: {  	[sflag:s23] =	ssyncset.done $0x0  }
0xa4: {  	s25 =	simm.s32 $0x1B8E;
	s24 =	sld [smem:$0x3FFE];
	[sflag:s23] =	ssyncadd.s32 $0xFFFFFFFF  }
0xa5: {  	s26 =	simm.s32 $execute0_lowered;
	[smem:$0x3FD2] =	sst s25  }
0xa6: {  	s5 =	sshll.u32 s26, $0x1;
	_ =	strace $0x8000004C;
	[dreg:$0x1] =	wrdreg $0xFFFFFFFF  }
0xa7: {  	s28 =	simm.s32 $_size_execute0_lowered;
	s3 =	sadd.s32 s3, s5;
	[dreg:$0x0] =	wrdreg $0x0  }
0xa8: {  	s5 =	sshll.u32 s28, $0x1;
	[dreg:$0x2] =	wrdreg s3  }
0xa9: {  	[dreg:$0x3] =	wrdreg s5  }
0xaa: {  	[dreg:$0x4] =	wrdreg $0xC0  }
0xab: {  	_ =	task [dreg:s7], $0x5FFFF  }
0xac: {  	[dreg:$0x1] =	wrdreg $0xFFFFFFFF  }
0xad: {  	[dreg:$0x0] =	wrdreg $0x60  }
0xae: {  	[dreg:$0x2] =	wrdreg s2  }
0xaf: {  	[dreg:$0x3] =	wrdreg s24  }
0xb0: {  	[dreg:$0x4] =	wrdreg $0x0  }
0xb1: {  	[dreg:$0x5] =	wrdreg $0x9  }
0xb2: {  	_ =	task.clear_ibuf [dreg:s7], $0x6FFFF;
	_ =	strace $0x9000004C  }
0xb3: {  	s29 =	simm.s32 $0x9;
	_ =	strace $0x8000004E  }
0xb4: {  	_ =	swait.ge [sflag:s29], $0x1  }
0xb5: {  	[sflag:s29] =	ssyncadd.s32 $0xFFFFFFFF  }
0xb6: {  	_ =	strace $0x9000004E  }
0xb7: {  	_ =	sfence  }
0xb8: {  	s30 =	sld [smem:$0x0];
	_ =	sdelay $0x2  }
0xb9: {  	s31 =	sshll.u32 s1, $0xD;
	s1 =	sshrl.u32 s1, $0x2  }
0xba: {  	s3 =	sand.u32 $0x4000, s31;
	s1 =	sadd.s32 s1, s30  }
0xbb: {  	s0 =	sor.u32 s3, s0;
	s1 =	sshll.u32 s1, $0x11  }
0xbc: {  	s0 =	sor.u32 s1, s0  }
0xbd: {  	s0 =	sadd.s32 $0x8F2B, s0  }
0xbe: {  	[sflag:s0] =	ssyncadd.remote.s32 $0x1  }
0xbf: {  	_ =	sfence.sel $0xFFFF  }
0xc0: {  	[dreg:$0x0] =	wrdreg $0xFFFFFFFF;
	(pc) =	sbr.abs _section_cstart, $3  }
0xc1: {  	[dreg:$0x1] =	wrdreg $0xFFFFFFFF  }
0xc2: {  	_ =	task.clear_ibuf [dreg:s7], $0x2FFFF;
	_ =	strace $0x9FFFFFFF  }
0xc3: {  	(tm) =	ssettm $0x7FFFFFFF  }
tec
execute0_lowered:
.L_overlay_start_1:
0x0: {  	(tag) =	ssettag $0x1  }
0x1: {  	s1 =	rddreg [dreg:$0x0]  }
0x2: {  	s0 =	rddreg [dreg:$0x1]  }
0x3: {  	s2 =	rddreg [dreg:$0x2]  }
0x4: {  	s3 =	srdreg.scid;
	s10 =	stileid.u32  }
0x5: {  	s4 =	simm.s32 $0x0;
	s28 =	simm.s32 $0x12;
	s6 =	smul.u32 $0x14000, s10  }
0x6: {  	s29 =	simm.s32 $0x1E200;
	s3 =	sand.u32 $0x1, s3;
	s8 =	smul.u32 $0x50000, s10  }
0x7: {  	[smem:$0x7FF] =	sst s4;
	s11 =	sadd.s32 $0x4200, s0;
	s18 =	smul.u32 $0x2710, s10  }
0x8: {  	s12 =	sadd.s32 $0xE000, s0;
	s5 =	smul.u32 $0x140000, s3;
	_ =	strace $0x8000004D  }
0x9: {  	s13 =	sshll.u32 s3, $0x4;
	s7 =	ssub.s32 $0x2, s3;
	[dreg:$0x5] =	wrdreg s12  }
0xa: {  	s3 =	smul.u32 $0x27100, s3;
	[dreg:$0x4] =	wrdreg s11;
	s9 =	sshrl.u32 s7, $0x1  }
0xb: {  	s15 =	sshrl.u32 s8, $0x2;
	s5 =	sadd.s32 s6, s5;
	s6 =	sor.u32 s10, s13  }
0xc: {  	s14 =	ssub.s32 s7, s9;
	s22 =	sadd.s32 s15, s2;
	s3 =	sadd.s32 s18, s3  }
0xd: {  	s5 =	sshrl.u32 s5, $0x3;
	s6 =	smul.u32 $0x2710, s6;
	s24 =	sadd.s32 $0x1E0, s3  }
0xe: {  	s26 =	sadd.s32 $0x190, s3;
	s18 =	sadd.s32 $0x280, s3;
	[dreg:$0x6] =	wrdreg s22  }
0xf: {  	s0 =	sadd.s32 s5, s0;
	s5 =	smax.u32 s14, $0x1;
	[dreg:$0x1b] =	wrdreg s18  }
0x10: {  	s31 =	sshrl.u32 s26, $0x3;
	s26 =	sadd.s32 $0xC800, s22;
	[dreg:$0xe] =	wrdreg s5  }
0x11: {  	s6 =	sshrl.u32 s6, $0x3;
	s0 =	sadd.s32 $0x17E00, s0;
	[smem:$0x7FB] =	sst s26  }
0x12: {  	s5 =	sshrl.u32 s24, $0x3;
	s24 =	sadd.s32 $0x7800, s22;
	[dreg:$0xd] =	wrdreg s0  }
0x13: {  	s23 =	sadd.s32 $0x230, s3;
	s16 =	sadd.s32 s11, s6;
	[smem:$0x7F9] =	sst s24  }
0x14: {  	s9 =	sadd.s32 $0x320, s3;
	s19 =	sadd.s32 s12, s6;
	[dreg:$0x7] =	wrdreg s16  }
0x15: {  	s13 =	sadd.s32 $0x2D0, s3;
	s30 =	sadd.s32 s5, s12;
	[dreg:$0x8] =	wrdreg s19  }
0x16: {  	s17 =	sadd.s32 $0xA, s6;
	s5 =	sadd.s32 s5, s11;
	[dreg:$0x11] =	wrdreg s30  }
0x17: {  	s0 =	sshrl.u32 s23, $0x3;
	s23 =	sadd.s32 $0x5000, s22;
	[dreg:$0x12] =	wrdreg s5  }
0x18: {  	s14 =	sshrl.u32 s13, $0x3;
	s20 =	sadd.s32 s11, s17;
	[dreg:$0x1f] =	wrdreg s23  }
0x19: {  	s6 =	sadd.s32 $0x14, s6;
	s7 =	sadd.s32 s12, s17;
	[dreg:$0x9] =	wrdreg s20  }
0x1a: {  	s13 =	simm.s32 $0x14000;
	s21 =	sadd.s32 s11, s6;
	[dreg:$0xa] =	wrdreg s7  }
0x1b: {  	s18 =	simm.s32 $0x4;
	s6 =	sadd.s32 s12, s6;
	[dreg:$0xb] =	wrdreg s21  }
0x1c: {  	s26 =	simm.s32 $0x19000;
	s25 =	sadd.s32 s0, s12;
	[dreg:$0xc] =	wrdreg s6  }
0x1d: {  	s24 =	simm.s32 $0x1E100;
	s0 =	sadd.s32 s0, s11;
	[dreg:$0xf] =	wrdreg s25  }
0x1e: {  	s5 =	sshrl.u32 s9, $0x3;
	s16 =	sadd.s32 s14, s12;
	[dreg:$0x10] =	wrdreg s0  }
0x1f: {  	s17 =	sadd.s32 $0xF0, s3;
	s30 =	sadd.s32 $0xF000, s22;
	[dreg:$0x19] =	wrdreg s16  }
0x20: {  	s23 =	simm.s32 $0x19;
	s6 =	sadd.s32 s31, s12;
	[smem:$0x7FC] =	sst s30  }
0x21: {  	s9 =	simm.s32 $0x13;
	s0 =	sadd.s32 s31, s11;
	[dreg:$0x13] =	wrdreg s6  }
0x22: {  	s7 =	sadd.s32 $0x140, s3;
	s15 =	sadd.s32 s5, s12;
	[dreg:$0x14] =	wrdreg s0  }
0x23: {  	s5 =	sadd.s32 s5, s11;
	s19 =	sshrl.u32 s17, $0x3;
	[dreg:$0x17] =	wrdreg s15  }
0x24: {  	s21 =	sadd.s32 $0x2800, s22;
	s25 =	sadd.s32 $0xA000, s22;
	[dreg:$0x18] =	wrdreg s5  }
0x25: {  	s31 =	sadd.s32 $0x11800, s22;
	s3 =	simm.s32 $0xC;
	[dreg:$0x1e] =	wrdreg s21  }
0x26: {  	s16 =	simm.s32 $0xD;
	s17 =	simm.s32 $0x14;
	[smem:$0x7FA] =	sst s25  }
0x27: {  	s8 =	sshrl.u32 s7, $0x3;
	s20 =	sadd.s32 s19, s12;
	[smem:$0x7FD] =	sst s31  }
0x28: {  	s5 =	simm.s32 $0x1;
	s25 =	simm.s32 $0xB;
	s15 =	simm.s32 $0x2  }
0x29: {  	s7 =	simm.s32 $0x0;
	s10 =	sadd.s32 s8, s12;
	[dreg:$0x1c] =	wrdreg s20  }
.Ltmp0:
0x2a: {  	s0 =	sadd.s32 s8, s11;
	[dreg:$0x15] =	wrdreg s10;
	(pc) =	sbr.rel .LBB2_1-.Ltmp0, $4  }
0x2b: {  	s8 =	simm.s32 $0x1B800;
	s12 =	simm.s32 $0x5;
	[dreg:$0x16] =	wrdreg s0  }
0x2c: {  	s0 =	sadd.s32 s14, s11;
	s10 =	simm.s32 $0x3;
	s14 =	simm.s32 $0x1E600  }
0x2d: {  	[dreg:$0x1a] =	wrdreg s0;
	s0 =	sadd.s32 s19, s11;
	s11 =	simm.s32 $0x50  }
0x2e: {  	v0 =	vimm.f32 $0.0e+00;
	s19 =	simm.s32 $0x15;
	[dreg:$0x1d] =	wrdreg s0;
	s0 =	simm.s32 $0x16800  }
.LBB2_7:
0x2f: {  	s6 =	simm.s32 $0x6  }
0x30: {  	_ =	swait.ge [sflag:s6], $0x2800  }
0x31: {  	[sflag:s6] =	ssyncset.done $0x0  }
0x32: {  	s22 =	simm.s32 $0x7;
	[sflag:s6] =	ssyncadd.s32 $0xFFFFD800  }
0x33: {  	_ =	swait.ge [sflag:s22], $0x2800  }
0x34: {  	[sflag:s22] =	ssyncset.done $0x0  }
0x35: {  	s23 =	simm.s32 $0x8;
	[sflag:s22] =	ssyncadd.s32 $0xFFFFD800  }
0x36: {  	_ =	swait.ge [sflag:s23], $0x2800  }
0x37: {  	[sflag:s23] =	ssyncset.done $0x0  }
0x38: {  	[sflag:s23] =	ssyncadd.s32 $0xFFFFD800  }
0x39: {  	_ =	swait.ge [sflag:s12], $0x2800  }
0x3a: {  	[sflag:s12] =	ssyncset.done $0x0  }
0x3b: {  	s30 =	stileid.u32;
	[sflag:s12] =	ssyncadd.s32 $0xFFFFD800  }
0x3c: {  	s6 =	sshll.u32 s30, $0x6;
	[bflag:$0x0] =	sbarrier.arrive $0xFFFF  }
0x3d: {  	s6 =	sor.u32 $0x1C19, s6;
	s22 =	rddreg [dreg:$0x6]  }
0x3e: {  	s23 =	simm.s32 $0x19;
	s21 =	rddreg [dreg:$0xd];
	s20 =	sshrl.u32 s22, $0x3  }
0x3f: {  	[hbm:s21], [sflag:s6] =	dma.local [spmem:s20], $0x2800  }
0x40: {  	_ =	swait.ge [sflag:s23], $0x2800  }
0x41: {  	s7 =	sld [smem:$0x7F8];
	_ =	sdelay $0x2  }
0x42: {  	s31 =	rddreg [dreg:$0xe];
	s7 =	sadd.s32 $0x1, s7  }
0x43: {  	p0 =	sne.s32 s7, s31  }
.Ltmp1:
0x44: {  	_ = 	snop;
	(pc) =	sbr.rel @!p0 .LBB2_8-.Ltmp1, $3  }
0x45: {  	_ =	sdelay $0x1  }
0x46: {  	[sflag:s23] =	ssyncset.done $0x0  }
0x47: {  	[sflag:s23] =	ssyncadd.s32 $0xFFFFD800  }
.LBB2_1:
0x48: {  	[smem:$0x7F8] =	sst s7;
	s20 =	simm.s32 $0x0;
	s21 =	simm.s32 $0x200  }
.LBB2_2:
0x49: {  	p0 =	sne.s32 s21, $0x9E00;
	[tilespmem:s20+$0x14070] =	vst v0  }
0x4a: {  	[tilespmem:s20+$0x14000] =	vst v0  }
0x4b: {  	[tilespmem:s20+$0x14010] =	vst v0  }
.Ltmp2:
0x4c: {  	[tilespmem:s20+$0x14020] =	vst v0;
	(pc) =	sbr.rel @p0 .LBB2_2-.Ltmp2, $4  }
0x4d: {  	[tilespmem:s20+$0x14030] =	vst v0  }
0x4e: {  	[tilespmem:s20+$0x14040] =	vst v0  }
0x4f: {  	[tilespmem:s20+$0x14050] =	vst v0  }
0x50: {  	[tilespmem:s20+$0x14060] =	vst v0;
	s20 =	sshra.s32 s21, $0x2;
	s21 =	sadd.s32 $0x200, s21  }
0x51: {  	[tilespmem:s20+$0x14070] =	vst v0  }
0x52: {  	[tilespmem:s20+$0x14000] =	vst v0  }
0x53: {  	[tilespmem:s20+$0x14010] =	vst v0  }
0x54: {  	[tilespmem:s20+$0x14020] =	vst v0  }
0x55: {  	[tilespmem:s20+$0x14030] =	vst v0  }
0x56: {  	[tilespmem:s20+$0x14040] =	vst v0  }
0x57: {  	[tilespmem:s20+$0x14050] =	vst v0  }
0x58: {  	[tilespmem:s20+$0x14060] =	vst v0  }
0x59: {  	[spmem:s22] =	stream.linear.scatter [tilespmem:s13], [sflag:$0x19], $0x2800, $0x38;
	[tilespmem:$0x1E800] =	vst v63  }
0x5a: {  	_ =	swait.ge [sflag:s23], $0x2800  }
0x5b: {  	[sflag:s23] =	ssyncset.done $0x0  }
0x5c: {  	s6 =	rddreg [dreg:$0x1e];
	[sflag:s23] =	ssyncadd.s32 $0xFFFFD800  }
0x5d: {  	[spmem:s6] =	stream.linear.scatter [tilespmem:s13], [sflag:$0x19], $0x2800, $0x38;
	[tilespmem:$0x1E800] =	vst v63  }
0x5e: {  	_ =	swait.ge [sflag:s23], $0x2800  }
0x5f: {  	[sflag:s23] =	ssyncset.done $0x0  }
0x60: {  	s7 =	rddreg [dreg:$0x1f];
	[sflag:s23] =	ssyncadd.s32 $0xFFFFD800  }
0x61: {  	[spmem:s7] =	stream.linear.scatter [tilespmem:s13], [sflag:$0x19], $0x2800, $0x38;
	[tilespmem:$0x1E800] =	vst v63  }
0x62: {  	_ =	swait.ge [sflag:s23], $0x2800  }
0x63: {  	s20 =	sld [smem:$0x7F9]  }
0x64: {  	[sflag:s23] =	ssyncset.done $0x0  }
0x65: {  	[sflag:s23] =	ssyncadd.s32 $0xFFFFD800  }
0x66: {  	[spmem:s20] =	stream.linear.scatter [tilespmem:s13], [sflag:$0x19], $0x2800, $0x38;
	[tilespmem:$0x1E800] =	vst v63  }
0x67: {  	_ =	swait.ge [sflag:s23], $0x2800  }
0x68: {  	s21 =	sld [smem:$0x7FA]  }
0x69: {  	[sflag:s23] =	ssyncset.done $0x0  }
0x6a: {  	[sflag:s23] =	ssyncadd.s32 $0xFFFFD800  }
0x6b: {  	[spmem:s21] =	stream.linear.scatter [tilespmem:s13], [sflag:$0x19], $0x2800, $0x38;
	[tilespmem:$0x1E800] =	vst v63  }
0x6c: {  	_ =	swait.ge [sflag:s23], $0x2800  }
0x6d: {  	s22 =	sld [smem:$0x7FB]  }
0x6e: {  	[sflag:s23] =	ssyncset.done $0x0  }
0x6f: {  	[sflag:s23] =	ssyncadd.s32 $0xFFFFD800  }
0x70: {  	[spmem:s22] =	stream.linear.scatter [tilespmem:s13], [sflag:$0x19], $0x2800, $0x38;
	[tilespmem:$0x1E800] =	vst v63  }
0x71: {  	_ =	swait.ge [sflag:s23], $0x2800  }
0x72: {  	s30 =	sld [smem:$0x7FC]  }
0x73: {  	[sflag:s23] =	ssyncset.done $0x0  }
0x74: {  	[sflag:s23] =	ssyncadd.s32 $0xFFFFD800  }
0x75: {  	[spmem:s30] =	stream.linear.scatter [tilespmem:s13], [sflag:$0x19], $0x2800, $0x38;
	[tilespmem:$0x1E800] =	vst v63  }
0x76: {  	_ =	swait.ge [sflag:s23], $0x2800  }
0x77: {  	s31 =	sld [smem:$0x7FD]  }
0x78: {  	[sflag:s23] =	ssyncset.done $0x0  }
0x79: {  	[sflag:s23] =	ssyncadd.s32 $0xFFFFD800  }
0x7a: {  	[spmem:s31] =	stream.linear.scatter [tilespmem:s13], [sflag:$0x19], $0x2800, $0x38;
	[tilespmem:$0x1E800] =	vst v63  }
0x7b: {  	_ =	swait.ge [sflag:s23], $0x2800  }
0x7c: {  	[sflag:s23] =	ssyncset.done $0x0  }
0x7d: {  	[sflag:s23] =	ssyncadd.s32 $0xFFFFD800  }
0x7e: {  	[bflag:$0x0] =	sbarrier.arrive $0xFFFF  }
0x7f: {  	s20 =	simm.s32 $0x0;
	s21 =	simm.s32 $0x1E000;
	s7 =	rddreg [dreg:$0x7]  }
0x80: {  	[tilespmem:s21], [sflag:$0x9] =	stream.linear.gather [hbm4b:s7+s20], $0x50, $0x38;
	[tilespmem:$0x1E800] =	vst v63  }
0x81: {  	s23 =	simm.s32 $0x1E400;
	s22 =	rddreg [dreg:$0x8]  }
0x82: {  	[tilespmem:s23], [sflag:$0x11] =	stream.linear.gather [hbm4b:s22+s20], $0x50, $0x38;
	[tilespmem:$0x1E800] =	vst v63  }
0x83: {  	s30 =	rddreg [dreg:$0x9];
	s22 =	simm.s32 $0x1E080  }
0x84: {  	[tilespmem:s22], [sflag:$0xA] =	stream.linear.gather [hbm4b:s30+s20], $0x50, $0x38;
	[tilespmem:$0x1E800] =	vst v63  }
0x85: {  	s31 =	rddreg [dreg:$0xa];
	s7 =	simm.s32 $0x1E480  }
0x86: {  	[tilespmem:s7], [sflag:$0x12] =	stream.linear.gather [hbm4b:s31+s20], $0x50, $0x38;
	[tilespmem:$0x1E800] =	vst v63  }
0x87: {  	s30 =	rddreg [dreg:$0xb]  }
0x88: {  	[tilespmem:s24], [sflag:$0xB] =	stream.linear.gather [hbm4b:s30+s20], $0x50, $0x38;
	[tilespmem:$0x1E800] =	vst v63  }
0x89: {  	s31 =	rddreg [dreg:$0xc];
	s7 =	simm.s32 $0x1E500;
	s30 =	simm.s32 $0x9  }
0x8a: {  	[tilespmem:s7], [sflag:$0x13] =	stream.linear.gather [hbm4b:s31+s20], $0x50, $0x38;
	[tilespmem:$0x1E800] =	vst v63  }
0x8b: {  	_ =	swait.ge [sflag:s30], $0x50  }
0x8c: {  	[sflag:s30] =	ssyncset.done $0x0  }
0x8d: {  	s31 =	simm.s32 $0xA;
	[sflag:s30] =	ssyncadd.s32 $0xFFFFFFB0  }
0x8e: {  	[tilespmem:s13], [sflag:$0x1] =	stream.indirect.gather [hbm4b:s1+s11], $0x80, s21, s11, $0xb8;
	[tilespmem:$0x1E800] =	vst v63  }
.Ltmp3:
0x8f: {  	_ =	swait.ge [sflag:s31], $0x50;
	(pc) =	sbr.rel .LBB2_4-.Ltmp3, $4  }
0x90: {  	[sflag:s31] =	ssyncset.done $0x0  }
0x91: {  	[sflag:s31] =	ssyncadd.s32 $0xFFFFFFB0  }
0x92: {  	[tilespmem:s0], [sflag:$0x2] =	stream.indirect.gather [hbm4b:s1+s11], $0x80, s22, s11, $0xb8;
	[tilespmem:$0x1E800] =	vst v63  }
0x93: {  	s23 =	simm.s32 $0x0;
	s21 =	simm.s32 $0x7;
	s22 =	rddreg [dreg:$0x1b]  }
.LBB2_6:
0x94: {  	s20 =	sadd.s32 $0x50, s20  }
0x95: {  	p0 =	sne.s32 s20, $0x500  }
.Ltmp4:
0x96: {  	_ = 	snop;
	(pc) =	sbr.rel @!p0 .LBB2_7-.Ltmp4, $2  }
0x97: {  	_ =	sdelay $0x2  }
0x98: {  	s23 =	sadd.s32 $0x1, s23;
	s21 =	sadd.s32 $0x8, s21;
	s22 =	sadd.s32 $0x280, s22  }
.LBB2_4:
0x99: {  	s6 =	simm.s32 $0x11  }
0x9a: {  	_ =	swait.ge [sflag:s6], $0x50  }
0x9b: {  	[sflag:s6] =	ssyncset.done $0x0  }
0x9c: {  	[sflag:s6] =	ssyncadd.s32 $0xFFFFFFB0  }
0x9d: {  	_ =	swait.ge [sflag:s5], $0x2800  }
0x9e: {  	[sflag:s5] =	ssyncset.done $0x0  }
0x9f: {  	s31 =	simm.s32 $0x1E400;
	s7 =	rddreg [dreg:$0x1d];
	[sflag:s5] =	ssyncadd.s32 $0xFFFFD800  }
0xa0: {  	[spmem:s2] =	stream.indirect.scatter.add.f32 [tilespmem:s13], [sflag:$0x5], $0x80, s31, s11, $0xb8;
	[tilespmem:$0x1E800] =	vst v63  }
0xa1: {  	s30 =	sadd.s32 s20, s7;
	s31 =	simm.s32 $0x1E180  }
0xa2: {  	[tilespmem:s31], [sflag:$0xC] =	stream.linear.gather [hbm4b:s30+s4], $0x50, $0x38;
	[tilespmem:$0x1E800] =	vst v63  }
0xa3: {  	p0 =	seq.s32 s20, $0x0;
	s30 =	rddreg [dreg:$0x1c]  }
0xa4: {  	s7 =	simm.s32 $0x1E580;
	s6 =	sadd.s32 s20, s30;
	s30 =	simm.s32 @!p0 $0x7  }
0xa5: {  	[tilespmem:s7], [sflag:$0x14] =	stream.linear.gather [hbm4b:s6+s4], $0x50, $0x38;
	[tilespmem:$0x1E800] =	vst v63  }
0xa6: {  	_ =	swait.ge @!p0 [sflag:s30], $0x2800  }
0xa7: {  	[sflag:s30] =	ssyncset.done @!p0 $0x0  }
0xa8: {  	[sflag:s30] =	ssyncadd.s32 @!p0 $0xFFFFD800  }
0xa9: {  	_ =	swait.ge [sflag:s25], $0x50  }
0xaa: {  	[sflag:s25] =	ssyncset.done $0x0  }
0xab: {  	[sflag:s25] =	ssyncadd.s32 $0xFFFFFFB0  }
0xac: {  	[tilespmem:s26], [sflag:$0x3] =	stream.indirect.gather [hbm4b:s1+s11], $0x80, s24, s11, $0xb8;
	[tilespmem:$0x1E800] =	vst v63  }
0xad: {  	_ =	swait.ge [sflag:s28], $0x50  }
0xae: {  	[sflag:s28] =	ssyncset.done $0x0  }
0xaf: {  	[sflag:s28] =	ssyncadd.s32 $0xFFFFFFB0  }
0xb0: {  	_ =	swait.ge [sflag:s15], $0x2800  }
0xb1: {  	[sflag:s15] =	ssyncset.done $0x0  }
0xb2: {  	s30 =	simm.s32 $0x1E480;
	[sflag:s15] =	ssyncadd.s32 $0xFFFFD800  }
0xb3: {  	[spmem:s2] =	stream.indirect.scatter.add.f32 [tilespmem:s0], [sflag:$0x6], $0x80, s30, s11, $0xb8;
	[tilespmem:$0x1E800] =	vst v63  }
0xb4: {  	s30 =	rddreg [dreg:$0x16]  }
0xb5: {  	s6 =	sadd.s32 s20, s30;
	s30 =	rddreg [dreg:$0x15]  }
0xb6: {  	[tilespmem:s29], [sflag:$0xD] =	stream.linear.gather [hbm4b:s6+s4], $0x50, $0x38;
	[tilespmem:$0x1E800] =	vst v63  }
0xb7: {  	s6 =	sadd.s32 s20, s30;
	s30 =	simm.s32 @!p0 $0x8  }
0xb8: {  	[tilespmem:s14], [sflag:$0x15] =	stream.linear.gather [hbm4b:s6+s4], $0x50, $0x38;
	[tilespmem:$0x1E800] =	vst v63  }
0xb9: {  	_ =	swait.ge @!p0 [sflag:s30], $0x2800  }
0xba: {  	[sflag:s30] =	ssyncset.done @!p0 $0x0  }
0xbb: {  	[sflag:s30] =	ssyncadd.s32 @!p0 $0xFFFFD800  }
0xbc: {  	_ =	swait.ge [sflag:s3], $0x50  }
0xbd: {  	[sflag:s3] =	ssyncset.done $0x0  }
0xbe: {  	[sflag:s3] =	ssyncadd.s32 $0xFFFFFFB0  }
0xbf: {  	[tilespmem:s8], [sflag:$0x4] =	stream.indirect.gather [hbm4b:s1+s11], $0x80, s31, s11, $0xb8;
	[tilespmem:$0x1E800] =	vst v63  }
0xc0: {  	_ =	swait.ge [sflag:s9], $0x50  }
0xc1: {  	[sflag:s9] =	ssyncset.done $0x0  }
0xc2: {  	[sflag:s9] =	ssyncadd.s32 $0xFFFFFFB0  }
0xc3: {  	s6 =	sadd.s32 $0xFFFFFFFE, s21;
	_ =	swait.ge [sflag:s10], $0x2800  }
0xc4: {  	p0 =	sgt.u32 s6, $0x7C;
	[sflag:s10] =	ssyncset.done $0x0  }
0xc5: {  	s31 =	simm.s32 $0x1E500;
	s6 =	rddreg [dreg:$0x14];
	[sflag:s10] =	ssyncadd.s32 $0xFFFFD800  }
0xc6: {  	[spmem:s2] =	stream.indirect.scatter.add.f32 [tilespmem:s26], [sflag:$0x7], $0x80, s31, s11, $0xb8;
	[tilespmem:$0x1E800] =	vst v63  }
0xc7: {  	s30 =	sadd.s32 @!p0 s20, s6;
	s6 =	simm.s32 @!p0 $0x1E280;
	s31 =	simm.s32 @!p0 $0x0  }
0xc8: {  	[tilespmem:s6], [sflag:$0xE] =	stream.linear.gather @!p0 [hbm4b:s30+s31], $0x50, $0x38;
	[tilespmem:$0x1E800] =	vst v63  }
0xc9: {  	s6 =	rddreg [dreg:$0x13]  }
0xca: {  	s30 =	simm.s32 @!p0 $0x1E680;
	s6 =	sadd.s32 @!p0 s20, s6  }
0xcb: {  	[tilespmem:s30], [sflag:$0x16] =	stream.linear.gather @!p0 [hbm4b:s6+s31], $0x50, $0x38;
	[tilespmem:$0x1E800] =	vst v63  }
0xcc: {  	_ =	swait.ge [sflag:s12], $0x2800  }
0xcd: {  	[sflag:s12] =	ssyncset.done $0x0  }
0xce: {  	[sflag:s12] =	ssyncadd.s32 $0xFFFFD800  }
0xcf: {  	_ =	swait.ge [sflag:s16], $0x50  }
0xd0: {  	[sflag:s16] =	ssyncset.done $0x0  }
0xd1: {  	[sflag:s16] =	ssyncadd.s32 $0xFFFFFFB0  }
0xd2: {  	[tilespmem:s13], [sflag:$0x1] =	stream.indirect.gather [hbm4b:s1+s11], $0x80, s29, s11, $0xb8;
	[tilespmem:$0x1E800] =	vst v63  }
0xd3: {  	_ =	swait.ge [sflag:s17], $0x50  }
0xd4: {  	[sflag:s17] =	ssyncset.done $0x0  }
0xd5: {  	[sflag:s17] =	ssyncadd.s32 $0xFFFFFFB0  }
0xd6: {  	_ =	swait.ge [sflag:s18], $0x2800  }
0xd7: {  	s31 =	sadd.s32 $0xFFFFFFFF, s21;
	[sflag:s18] =	ssyncset.done $0x0  }
0xd8: {  	p0 =	sgt.u32 s31, $0x7C;
	s6 =	rddreg [dreg:$0x12];
	[sflag:s18] =	ssyncadd.s32 $0xFFFFD800  }
0xd9: {  	[spmem:s2] =	stream.indirect.scatter.add.f32 [tilespmem:s8], [sflag:$0x8], $0x80, s7, s11, $0xb8;
	[tilespmem:$0x1E800] =	vst v63  }
0xda: {  	s30 =	simm.s32 @!p0 $0x0;
	s31 =	simm.s32 @!p0 $0x1E300;
	s6 =	sadd.s32 @!p0 s20, s6  }
0xdb: {  	[tilespmem:s31], [sflag:$0xF] =	stream.linear.gather @!p0 [hbm4b:s6+s30], $0x50, $0x38;
	[tilespmem:$0x1E800] =	vst v63  }
0xdc: {  	s6 =	rddreg [dreg:$0x11]  }
0xdd: {  	s31 =	simm.s32 @!p0 $0x1E700;
	s6 =	sadd.s32 @!p0 s20, s6  }
0xde: {  	[tilespmem:s31], [sflag:$0x17] =	stream.linear.gather @!p0 [hbm4b:s6+s30], $0x50, $0x38;
	[tilespmem:$0x1E800] =	vst v63  }
0xdf: {  	p0 =	sgt.u32 s23, $0xE  }
0xe0: {  	s6 =	simm.s32 @!p0 $0x6  }
0xe1: {  	_ =	swait.ge @!p0 [sflag:s6], $0x2800  }
0xe2: {  	[sflag:s6] =	ssyncset.done @!p0 $0x0  }
0xe3: {  	[sflag:s6] =	ssyncadd.s32 @!p0 $0xFFFFD800;
	s6 =	simm.s32 @!p0 $0xE  }
0xe4: {  	_ =	swait.ge @!p0 [sflag:s6], $0x50  }
0xe5: {  	s30 =	simm.s32 @!p0 $0x1E280;
	[sflag:s6] =	ssyncset.done @!p0 $0x0  }
0xe6: {  	s31 =	simm.s32 @!p0 $0x16800;
	[sflag:s6] =	ssyncadd.s32 @!p0 $0xFFFFFFB0;
	s6 =	simm.s32 @!p0 $0x50  }
0xe7: {  	[tilespmem:s31], [sflag:$0x2] =	stream.indirect.gather @!p0 [hbm4b:s1+s6], $0x80, s30, s6, $0xb8;
	[tilespmem:$0x1E800] =	vst v63  }
0xe8: {  	_ =	swait.ge [sflag:s19], $0x50  }
0xe9: {  	[sflag:s19] =	ssyncset.done $0x0  }
0xea: {  	[sflag:s19] =	ssyncadd.s32 $0xFFFFFFB0  }
0xeb: {  	_ =	swait.ge [sflag:s5], $0x2800  }
0xec: {  	p1 =	sgt.u32 s21, $0x7C;
	[sflag:s5] =	ssyncset.done $0x0  }
0xed: {  	s30 =	simm.s32 @!p1 $0x0;
	s6 =	rddreg [dreg:$0x10];
	[sflag:s5] =	ssyncadd.s32 $0xFFFFD800  }
0xee: {  	[spmem:s2] =	stream.indirect.scatter.add.f32 [tilespmem:s13], [sflag:$0x5], $0x80, s14, s11, $0xb8;
	[tilespmem:$0x1E800] =	vst v63  }
.Ltmp5:
0xef: {  	s31 =	simm.s32 @!p1 $0x1E380;
	s6 =	sadd.s32 @!p1 s20, s6;
	(pc) =	sbr.rel @p0 .LBB2_6-.Ltmp5, $4  }
0xf0: {  	[tilespmem:s31], [sflag:$0x10] =	stream.linear.gather @!p1 [hbm4b:s6+s30], $0x50, $0x38;
	[tilespmem:$0x1E800] =	vst v63  }
0xf1: {  	s6 =	rddreg [dreg:$0xf]  }
0xf2: {  	s31 =	simm.s32 @!p1 $0x1E780;
	s6 =	sadd.s32 @!p1 s20, s6  }
0xf3: {  	[tilespmem:s31], [sflag:$0x18] =	stream.linear.gather @!p1 [hbm4b:s6+s30], $0x50, $0x38;
	[tilespmem:$0x1E800] =	vst v63  }
0xf4: {  	s0 =	simm.s32 $0x7  }
0xf5: {  	_ =	swait.ge [sflag:s0], $0x2800  }
0xf6: {  	[sflag:s0] =	ssyncset.done $0x0  }
0xf7: {  	s24 =	simm.s32 $0xF;
	[sflag:s0] =	ssyncadd.s32 $0xFFFFD800  }
0xf8: {  	_ =	swait.ge [sflag:s24], $0x50  }
0xf9: {  	[sflag:s24] =	ssyncset.done $0x0  }
0xfa: {  	s30 =	simm.s32 $0x1E300;
	s31 =	simm.s32 $0x16;
	[sflag:s24] =	ssyncadd.s32 $0xFFFFFFB0  }
0xfb: {  	[tilespmem:s26], [sflag:$0x3] =	stream.indirect.gather [hbm4b:s1+s11], $0x80, s30, s11, $0xb8;
	[tilespmem:$0x1E800] =	vst v63  }
0xfc: {  	_ =	swait.ge [sflag:s31], $0x50  }
0xfd: {  	[sflag:s31] =	ssyncset.done $0x0  }
0xfe: {  	[sflag:s31] =	ssyncadd.s32 $0xFFFFFFB0  }
0xff: {  	_ =	swait.ge [sflag:s15], $0x2800  }
0x100: {  	[sflag:s15] =	ssyncset.done $0x0  }
0x101: {  	s7 =	simm.s32 $0x16800;
	s6 =	simm.s32 $0x1E680;
	[sflag:s15] =	ssyncadd.s32 $0xFFFFD800  }
0x102: {  	[spmem:s2] =	stream.indirect.scatter.add.f32 [tilespmem:s7], [sflag:$0x6], $0x80, s6, s11, $0xb8;
	[tilespmem:$0x1E800] =	vst v63  }
0x103: {  	s30 =	rddreg [dreg:$0x4];
	s6 =	sshrl.u32 s22, $0x3  }
0x104: {  	s31 =	simm.s32 $0x1E000;
	s24 =	rddreg [dreg:$0x5];
	s30 =	sadd.s32 s30, s6  }
0x105: {  	[tilespmem:s31], [sflag:$0x9] =	stream.linear.gather [hbm4b:s30+s4], $0x50, $0x38;
	[tilespmem:$0x1E800] =	vst v63  }
0x106: {  	s0 =	simm.s32 $0x1E400;
	s6 =	sadd.s32 s24, s6;
	s24 =	simm.s32 $0x8  }
0x107: {  	[tilespmem:s0], [sflag:$0x11] =	stream.linear.gather [hbm4b:s6+s4], $0x50, $0x38;
	[tilespmem:$0x1E800] =	vst v63  }
0x108: {  	_ =	swait.ge [sflag:s24], $0x2800  }
0x109: {  	[sflag:s24] =	ssyncset.done $0x0  }
0x10a: {  	s30 =	simm.s32 $0x10;
	[sflag:s24] =	ssyncadd.s32 $0xFFFFD800  }
0x10b: {  	_ =	swait.ge [sflag:s30], $0x50  }
0x10c: {  	[sflag:s30] =	ssyncset.done $0x0  }
0x10d: {  	s6 =	simm.s32 $0x1E380;
	s24 =	simm.s32 $0x17;
	[sflag:s30] =	ssyncadd.s32 $0xFFFFFFB0  }
0x10e: {  	[tilespmem:s8], [sflag:$0x4] =	stream.indirect.gather [hbm4b:s1+s11], $0x80, s6, s11, $0xb8;
	[tilespmem:$0x1E800] =	vst v63  }
0x10f: {  	_ =	swait.ge [sflag:s24], $0x50  }
0x110: {  	[sflag:s24] =	ssyncset.done $0x0  }
0x111: {  	[sflag:s24] =	ssyncadd.s32 $0xFFFFFFB0  }
0x112: {  	_ =	swait.ge [sflag:s10], $0x2800  }
0x113: {  	[sflag:s10] =	ssyncset.done $0x0  }
0x114: {  	s30 =	simm.s32 $0x1E700;
	s0 =	rddreg [dreg:$0x1a];
	[sflag:s10] =	ssyncadd.s32 $0xFFFFD800  }
0x115: {  	[spmem:s2] =	stream.indirect.scatter.add.f32 [tilespmem:s26], [sflag:$0x7], $0x80, s30, s11, $0xb8;
	[tilespmem:$0x1E800] =	vst v63  }
0x116: {  	s24 =	rddreg [dreg:$0x19];
	s6 =	sadd.s32 s20, s0;
	s30 =	simm.s32 $0x1E080  }
0x117: {  	[tilespmem:s30], [sflag:$0xA] =	stream.linear.gather [hbm4b:s6+s4], $0x50, $0x38;
	[tilespmem:$0x1E800] =	vst v63  }
0x118: {  	s6 =	sadd.s32 s20, s24;
	s24 =	simm.s32 $0x1E480  }
0x119: {  	[tilespmem:s24], [sflag:$0x12] =	stream.linear.gather [hbm4b:s6+s4], $0x50, $0x38;
	[tilespmem:$0x1E800] =	vst v63  }
0x11a: {  	_ =	swait.ge [sflag:s12], $0x2800  }
0x11b: {  	[sflag:s12] =	ssyncset.done $0x0  }
0x11c: {  	s0 =	simm.s32 $0x9;
	[sflag:s12] =	ssyncadd.s32 $0xFFFFD800  }
0x11d: {  	_ =	swait.ge [sflag:s0], $0x50  }
0x11e: {  	[sflag:s0] =	ssyncset.done $0x0  }
0x11f: {  	s6 =	simm.s32 $0x18;
	[sflag:s0] =	ssyncadd.s32 $0xFFFFFFB0  }
0x120: {  	[tilespmem:s13], [sflag:$0x1] =	stream.indirect.gather [hbm4b:s1+s11], $0x80, s31, s11, $0xb8;
	[tilespmem:$0x1E800] =	vst v63  }
0x121: {  	_ =	swait.ge [sflag:s6], $0x50  }
0x122: {  	[sflag:s6] =	ssyncset.done $0x0  }
0x123: {  	[sflag:s6] =	ssyncadd.s32 $0xFFFFFFB0  }
0x124: {  	_ =	swait.ge [sflag:s18], $0x2800  }
0x125: {  	[sflag:s18] =	ssyncset.done $0x0  }
0x126: {  	s31 =	simm.s32 $0x1E780;
	s0 =	rddreg [dreg:$0x18];
	[sflag:s18] =	ssyncadd.s32 $0xFFFFD800  }
0x127: {  	[spmem:s2] =	stream.indirect.scatter.add.f32 [tilespmem:s8], [sflag:$0x8], $0x80, s31, s11, $0xb8;
	[tilespmem:$0x1E800] =	vst v63  }
0x128: {  	s24 =	simm.s32 $0x1E100;
	s6 =	sadd.s32 s20, s0;
	s31 =	rddreg [dreg:$0x17]  }
0x129: {  	[tilespmem:s24], [sflag:$0xB] =	stream.linear.gather [hbm4b:s6+s4], $0x50, $0x38;
	[tilespmem:$0x1E800] =	vst v63  }
0x12a: {  	s0 =	simm.s32 $0x1E500;
	s6 =	sadd.s32 s20, s31  }
0x12b: {  	[tilespmem:s0], [sflag:$0x13] =	stream.linear.gather [hbm4b:s6+s4], $0x50, $0x38;
	[tilespmem:$0x1E800] =	vst v63  }
0x12c: {  	s6 =	simm.s32 $0x6  }
0x12d: {  	_ =	swait.ge [sflag:s6], $0x2800  }
0x12e: {  	[sflag:s6] =	ssyncset.done $0x0  }
.Ltmp6:
0x12f: {  	s31 =	simm.s32 $0xA;
	[sflag:s6] =	ssyncadd.s32 $0xFFFFD800;
	(pc) =	sbr.rel .LBB2_6-.Ltmp6, $4  }
0x130: {  	_ =	swait.ge [sflag:s31], $0x50  }
0x131: {  	[sflag:s31] =	ssyncset.done $0x0  }
0x132: {  	s0 =	simm.s32 $0x16800;
	[sflag:s31] =	ssyncadd.s32 $0xFFFFFFB0  }
0x133: {  	[tilespmem:s7], [sflag:$0x2] =	stream.indirect.gather [hbm4b:s1+s11], $0x80, s30, s11, $0xb8;
	[tilespmem:$0x1E800] =	vst v63  }
.LBB2_8:
0x134: {  	_ =	sfence.sel $0x180000  }
0x135: {  	[bflag:$0x0] =	sbarrier.arrive $0xFFFF  }
0x136: {  	_ =	strace $0x9000004D  }
0x137: {  	s0 =	stileid.u32;
	[bflag:$0x2] =	sbarrier.arrive $0xFFFF  }
0x138: {  	p0 =	sne.s32 s0, $0x0;
	s0 =	rddreg [dreg:$0x3]  }
0x139: {  	s0 =	sadd.s32 @!p0 $0x100000, s0  }
0x13a: {  	[sflag:s0] =	ssyncadd.tile.s32 @!p0 $0x1;
	_ =	shalt  }
.Lfunc_end2:
_tile_overlayer_lowered:
.L_overlay_start_2:
0x13b: {  	(tag) =	ssettag $0x2  }
0x13c: {  	s0 =	rddreg [dreg:$0x0];
	s2 =	stileid.u32  }
0x13d: {  	s1 =	rddreg [dreg:$0x1];
	p0 =	sne.s32 s2, $0x0  }
0x13e: {  	s3 =	rddreg [dreg:$0x2];
	[bflag:$0x3] =	sbarrier.arrive $0xFFFF;
	s2 =	simm.s32 @!p0 $0x1C19  }
0x13f: {  	[timem:s3], [sflag:s2] =	dma.local @!p0 [hbm:s0], s1  }
0x140: {  	s0 =	simm.s32 @!p0 $0x19  }
0x141: {  	_ =	swait.ge @!p0 [sflag:s0], s1  }
0x142: {  	s1 =	ssub.s32 @!p0 $0x0, s1;
	[sflag:s0] =	ssyncset.done @!p0 $0x0  }
0x143: {  	[sflag:s0] =	ssyncadd.s32 @!p0 s1  }
0x144: {  	[bflag:$0x3] =	sbarrier.arrive $0xFFFF  }
0x145: {  	_ =	shalt  }

// kernel: kernel.19.cloned.1.call-start
scs
__scs_entry_jumppad:
0x0: {  	(pc) =	sbr.rel $0x88, $3  }
0x1: {  	(tag) =	ssettag $0x0;
	lr =	simm.s32 $0x1  }
0x2: {  	[smem:$0x3F92] =	sst lr;
	_ =	strace $0xD0000000  }
0x3: {  	_ = 	snop  }
0x4: {  	_ = 	snop  }
0x5: {  	_ = 	snop  }
0x6: {  	_ = 	snop  }
0x7: {  	_ = 	snop  }
__scs_overlays_trampoline_lowered:
0x8: {  	[smem:$0x3FA1] =	sst s0  }
0x9: {  	[smem:$0x3FA2] =	sst s1  }
0xa: {  	[smem:$0x3FA3] =	sst s2  }
0xb: {  	[smem:$0x3FA4] =	sst s3  }
0xc: {  	[smem:$0x3FA5] =	sst s4  }
0xd: {  	[smem:$0x3FA6] =	sst s5  }
0xe: {  	[smem:$0x3FA7] =	sst s6  }
0xf: {  	[smem:$0x3FA8] =	sst s7  }
0x10: {  	[smem:$0x3FA9] =	sst s8  }
0x11: {  	[smem:$0x3FAA] =	sst s9;
	s0 =	simm.s32 @!p0 $0x0  }
0x12: {  	s1 =	sld [smem:$0x3F90];
	s0 =	simm.s32 @p0 $0x1  }
0x13: {  	[smem:$0x3FAB] =	sst s0;
	s0 =	simm.s32 @!p1 $0x0  }
0x14: {  	s2 =	sld [smem:$0x3F8F];
	s0 =	simm.s32 @p1 $0x1  }
0x15: {  	[smem:$0x3FAC] =	sst s0;
	s0 =	simm.s32 @!p2 $0x0  }
0x16: {  	s3 =	sld [smem:$0x3FDB];
	s0 =	simm.s32 @p2 $0x1  }
0x17: {  	s4 =	simm.s32 $0x1BF5;
	[smem:$0x3FAE] =	sst s0  }
0x18: {  	s0 =	sld [smem:$0x3F91];
	_ =	swait.ge [sflag:s4], $0x0  }
0x19: {  	s7 =	sld [smem:$0x3F92]  }
0x1a: {  	s8 =	sadd.s32 $0xFFFFE003, lr  }
0x1b: {  	s9 =	sadd.s32 $0xFFFFFEF7, lr;
	s5 =	simm.s32 $0xFFFFFFFF;
	p2 =	slt.u32 s8, $0xFFFFF086  }
0x1c: {  	p1 =	slt.u32 s9, $0xF7A;
	s5 =	simm.s32 @!p2 $0x0  }
0x1d: {  	s5 =	simm.s32 @p1 $0x1;
	p0 =	seq.s32 s7, s2  }
0x1e: {  	s7 =	smul.u32 @!p0 $0xF7A, s2;
	p2 =	seq.s32 @!p0 s5, $0x0  }
0x1f: {  	s9 =	smul.u32 $0xF7A, s1;
	s8 =	simm.s32 @!p0 $0x1BF5;
	p2 =	por !p2, p0  }
0x20: {  	[sflag:s8] =	ssyncset.s32 @!p0 $0xFFFFF086;
	s6 =	sadd.s32 @!p0 s3, s7;
	s7 =	simm.s32 @!p0 $0x108  }
0x21: {  	s3 =	sadd.s32 s3, s9;
	s6 =	sadd.s32 @!p0 $0x88, s6;
	s7 =	simm.s32 @p2 $0x1082  }
0x22: {  	[simem:s7], [sflag:s8] =	dma.local @!p0 [hbm:s6], $0xF7A  }
0x23: {  	s9 =	sor.u32 $0xD0000000, s2;
	s6 =	simm.s32 $0x108;
	_ =	swait.ge @!p0 [sflag:s8], $0x0  }
0x24: {  	s3 =	sadd.s32 $0x88, s3;
	s6 =	simm.s32 @!p1 $0x1082;
	[sflag:s4] =	ssyncset.s32 $0xFFFFF086  }
0x25: {  	[simem:s6], [sflag:s4] =	dma.local [hbm:s3], $0xF7A  }
0x26: {  	[smem:$0x3F92] =	sst s1;
	(tag) =	ssettag s2;
	_ =	strace s9  }
0x27: {  	s1 =	sld [smem:$0x3FA2]  }
0x28: {  	s2 =	sld [smem:$0x3FA3]  }
0x29: {  	s4 =	sld [smem:$0x3FA5]  }
0x2a: {  	p0 =	seq.s32 s5, $0x0;
	s5 =	sld [smem:$0x3FA6]  }
0x2b: {  	s6 =	sld [smem:$0x3FA7]  }
0x2c: {  	s7 =	sld [smem:$0x3FA8]  }
0x2d: {  	s3 =	simm.s32 $0x108;
	s8 =	sld [smem:$0x3FA9]  }
0x2e: {  	s3 =	simm.s32 @!p0 $0x1082;
	s9 =	sld [smem:$0x3FAA]  }
0x2f: {  	lr =	sadd.s32 s0, s3;
	s0 =	sld [smem:$0x3FA1]  }
0x30: {  	s3 =	sld [smem:$0x3FA4]  }
0x31: {  	[smem:$0x3FAD] =	sst s10  }
0x32: {  	s10 =	sld [smem:$0x3FAB];
	_ =	sdelay $0x3  }
0x33: {  	p0 =	seq.s32 s10, $0x1;
	s10 =	sld [smem:$0x3FAD];
	_ =	sdelay $0x3  }
0x34: {  	[smem:$0x3FAD] =	sst s10  }
0x35: {  	s10 =	sld [smem:$0x3FAC];
	_ =	sdelay $0x3  }
0x36: {  	p1 =	seq.s32 s10, $0x1;
	s10 =	sld [smem:$0x3FAD];
	_ =	sdelay $0x3  }
0x37: {  	[smem:$0x3FAD] =	sst s10  }
0x38: {  	s10 =	sld [smem:$0x3FAE]  }
0x39: {  	_ = 	snop;
	(pc) =	sbr.ind lr, $3  }
0x3a: {  	_ = 	snop  }
0x3b: {  	_ = 	snop  }
0x3c: {  	p2 =	seq.s32 s10, $0x1;
	s10 =	sld [smem:$0x3FAD]  }
0x3d: {  	_ =	shalt  }
0x3e: {  	_ =	shalt  }
0x3f: {  	_ =	shalt  }
0x40: {  	_ =	shalt  }
0x41: {  	_ =	shalt  }
0x42: {  	_ =	shalt  }
0x43: {  	_ =	shalt  }
0x44: {  	_ =	shalt  }
0x45: {  	_ =	shalt  }
0x46: {  	_ =	shalt  }
0x47: {  	_ =	shalt  }
0x48: {  	_ =	shalt  }
0x49: {  	_ =	shalt  }
0x4a: {  	_ =	shalt  }
0x4b: {  	_ =	shalt  }
0x4c: {  	_ =	shalt  }
0x4d: {  	_ =	shalt  }
0x4e: {  	_ =	shalt  }
0x4f: {  	_ =	shalt  }
0x50: {  	_ =	shalt  }
0x51: {  	_ =	shalt  }
0x52: {  	_ =	shalt  }
0x53: {  	_ =	shalt  }
0x54: {  	_ =	shalt  }
0x55: {  	_ =	shalt  }
0x56: {  	_ =	shalt  }
0x57: {  	_ =	shalt  }
0x58: {  	_ =	shalt  }
0x59: {  	_ =	shalt  }
0x5a: {  	_ =	shalt  }
0x5b: {  	_ =	shalt  }
0x5c: {  	_ =	shalt  }
0x5d: {  	_ =	shalt  }
0x5e: {  	_ =	shalt  }
0x5f: {  	_ =	shalt  }
0x60: {  	_ =	shalt  }
0x61: {  	_ =	shalt  }
0x62: {  	_ =	shalt  }
0x63: {  	_ =	shalt  }
0x64: {  	_ =	shalt  }
0x65: {  	_ =	shalt  }
0x66: {  	_ =	shalt  }
0x67: {  	_ =	shalt  }
0x68: {  	_ =	shalt  }
0x69: {  	_ =	shalt  }
0x6a: {  	_ =	shalt  }
0x6b: {  	_ =	shalt  }
0x6c: {  	_ =	shalt  }
0x6d: {  	_ =	shalt  }
0x6e: {  	_ =	shalt  }
0x6f: {  	_ =	shalt  }
0x70: {  	_ =	shalt  }
0x71: {  	_ =	shalt  }
0x72: {  	_ =	shalt  }
0x73: {  	_ =	shalt  }
0x74: {  	_ =	shalt  }
0x75: {  	_ =	shalt  }
0x76: {  	_ =	shalt  }
0x77: {  	_ =	shalt  }
0x78: {  	_ =	shalt  }
0x79: {  	_ =	shalt  }
0x7a: {  	_ =	shalt  }
0x7b: {  	_ =	shalt  }
0x7c: {  	_ =	shalt  }
0x7d: {  	_ =	shalt  }
0x7e: {  	_ =	shalt  }
0x7f: {  	_ =	shalt  }
0x80: {  	_ =	shalt  }
0x81: {  	_ =	shalt  }
0x82: {  	_ =	shalt  }
0x83: {  	_ =	shalt  }
0x84: {  	_ =	shalt  }
0x85: {  	_ =	shalt  }
0x86: {  	_ =	shalt  }
0x87: {  	_ =	shalt  }
.Lfunc_end0:
.L_simem_size_0:
called_computation.3_lowered:
.L_overlay_start_0:
0x88: {  	s2 =	sld [smem:$0x3FD9]  }
0x89: {  	s3 =	sld [smem:$0x3FFE];
	_ =	sdelay $0x1  }
0x8a: {  	s1 =	srdreg.scid  }
0x8b: {  	s0 =	sand.u32 $0x1, s1  }
0x8c: {  	s17 =	sshll.u32 s0, $0xA;
	s2 =	sadd.s32 s3, s2  }
0x8d: {  	s2 =	sadd.s32 s2, s17  }
0x8e: {  	[smem:$0x3FB9] =	sst s2  }
0x8f: {  	_ = 	snop  }
0x90: {  	s2 =	sld [smem:$0x3FD0];
	(tm) =	ssettm $0x1  }
0x91: {  	s18 =	sld [smem:$0x3FFB];
	_ =	sdelay $0x3  }
0x92: {  	_ =	strace s18  }
0x93: {  	s3 =	sld [smem:$0x3FFC];
	_ =	sdelay $0x3  }
0x94: {  	_ =	strace s3  }
0x95: {  	s3 =	sld [smem:$0x3FFD];
	_ =	sdelay $0x3  }
0x96: {  	_ =	strace s3  }
0x97: {  	_ =	strace $0x8FFFFFFF  }
0x98: {  	s19 =	sld [smem:$0x3FDB];
	_ =	sdelay $0x1  }
0x99: {  	s4 =	simm.s32 $_scs_section_size  }
0x9a: {  	s5 =	simm.s32 $_size__tile_overlayer_lowered;
	s6 =	simm.s32 $_tile_overlayer_lowered  }
0x9b: {  	s22 =	simm.s32 $0x1BFF;
	s21 =	sshll.u32 s6, $0x1;
	s3 =	sadd.s32 s4, s19  }
0x9c: {  	s7 =	simm.s32 $0x0;
	s20 =	sshll.u32 s5, $0x1;
	s5 =	sadd.s32 s21, s3  }
0x9d: {  	[timem:s7], [sflag:s22] =	dma.local [hbm:s5], s20  }
0x9e: {  	_ =	swait.ge [sflag:s22], s20  }
0x9f: {  	s4 =	ssub.s32 $0x0, s20;
	[sflag:s22] =	ssyncset.done $0x0  }
0xa0: {  	[sflag:s22] =	ssyncadd.s32 s4;
	_ =	sdelay $0x1  }
0xa1: {  	s23 =	simm.s32 $0x1B8B  }
0xa2: {  	_ =	swait.ge [sflag:s23], $0x1  }
0xa3: {  	[sflag:s23] =	ssyncset.done $0x0  }
0xa4: {  	s25 =	simm.s32 $0x1B8E;
	s24 =	sld [smem:$0x3FFE];
	[sflag:s23] =	ssyncadd.s32 $0xFFFFFFFF  }
0xa5: {  	s26 =	simm.s32 $execute0_lowered;
	[smem:$0x3FD2] =	sst s25  }
0xa6: {  	s5 =	sshll.u32 s26, $0x1;
	_ =	strace $0x8000004F;
	[dreg:$0x1] =	wrdreg $0xFFFFFFFF  }
0xa7: {  	s28 =	simm.s32 $_size_execute0_lowered;
	s3 =	sadd.s32 s3, s5;
	[dreg:$0x0] =	wrdreg $0x0  }
0xa8: {  	s5 =	sshll.u32 s28, $0x1;
	[dreg:$0x2] =	wrdreg s3  }
0xa9: {  	[dreg:$0x3] =	wrdreg s5  }
0xaa: {  	[dreg:$0x4] =	wrdreg $0xC0  }
0xab: {  	_ =	task [dreg:s7], $0x5FFFF  }
0xac: {  	[dreg:$0x1] =	wrdreg $0xFFFFFFFF  }
0xad: {  	[dreg:$0x0] =	wrdreg $0x60  }
0xae: {  	[dreg:$0x2] =	wrdreg s2  }
0xaf: {  	[dreg:$0x3] =	wrdreg s24  }
0xb0: {  	[dreg:$0x4] =	wrdreg $0x0  }
0xb1: {  	[dreg:$0x5] =	wrdreg $0x9  }
0xb2: {  	_ =	task.clear_ibuf [dreg:s7], $0x6FFFF;
	_ =	strace $0x9000004F  }
0xb3: {  	s29 =	simm.s32 $0x9;
	_ =	strace $0x80000051  }
0xb4: {  	_ =	swait.ge [sflag:s29], $0x1  }
0xb5: {  	[sflag:s29] =	ssyncadd.s32 $0xFFFFFFFF  }
0xb6: {  	_ =	strace $0x90000051  }
0xb7: {  	_ =	sfence  }
0xb8: {  	s30 =	sld [smem:$0x0];
	_ =	sdelay $0x2  }
0xb9: {  	s31 =	sshll.u32 s1, $0xD;
	s1 =	sshrl.u32 s1, $0x2  }
0xba: {  	s3 =	sand.u32 $0x4000, s31;
	s1 =	sadd.s32 s1, s30  }
0xbb: {  	s0 =	sor.u32 s3, s0;
	s1 =	sshll.u32 s1, $0x11  }
0xbc: {  	s0 =	sor.u32 s1, s0  }
0xbd: {  	s0 =	sadd.s32 $0x8F2B, s0  }
0xbe: {  	[sflag:s0] =	ssyncadd.remote.s32 $0x1  }
0xbf: {  	_ =	sfence.sel $0xFFFF  }
0xc0: {  	[dreg:$0x0] =	wrdreg $0xFFFFFFFF;
	(pc) =	sbr.abs _section_cstart, $3  }
0xc1: {  	[dreg:$0x1] =	wrdreg $0xFFFFFFFF  }
0xc2: {  	_ =	task.clear_ibuf [dreg:s7], $0x2FFFF;
	_ =	strace $0x9FFFFFFF  }
0xc3: {  	(tm) =	ssettm $0x7FFFFFFF  }
tec
execute0_lowered:
.L_overlay_start_1:
0x0: {  	(tag) =	ssettag $0x1  }
0x1: {  	s1 =	rddreg [dreg:$0x0]  }
0x2: {  	s0 =	rddreg [dreg:$0x1]  }
0x3: {  	s2 =	rddreg [dreg:$0x2]  }
0x4: {  	s3 =	srdreg.scid;
	s10 =	stileid.u32  }
0x5: {  	s4 =	simm.s32 $0x0;
	s28 =	simm.s32 $0x12;
	s6 =	smul.u32 $0x14000, s10  }
0x6: {  	s29 =	simm.s32 $0x1E200;
	s3 =	sand.u32 $0x1, s3;
	s8 =	smul.u32 $0x50000, s10  }
0x7: {  	[smem:$0x7FF] =	sst s4;
	s11 =	sadd.s32 $0x4200, s0;
	s18 =	smul.u32 $0x2710, s10  }
0x8: {  	s12 =	sadd.s32 $0xE000, s0;
	s5 =	smul.u32 $0x140000, s3;
	_ =	strace $0x80000050  }
0x9: {  	s13 =	sshll.u32 s3, $0x4;
	s7 =	ssub.s32 $0x2, s3;
	[dreg:$0x5] =	wrdreg s12  }
0xa: {  	s3 =	smul.u32 $0x27100, s3;
	[dreg:$0x4] =	wrdreg s11;
	s9 =	sshrl.u32 s7, $0x1  }
0xb: {  	s15 =	sshrl.u32 s8, $0x2;
	s5 =	sadd.s32 s6, s5;
	s6 =	sor.u32 s10, s13  }
0xc: {  	s14 =	ssub.s32 s7, s9;
	s22 =	sadd.s32 s15, s2;
	s3 =	sadd.s32 s18, s3  }
0xd: {  	s5 =	sshrl.u32 s5, $0x3;
	s6 =	smul.u32 $0x2710, s6;
	s24 =	sadd.s32 $0x1E0, s3  }
0xe: {  	s26 =	sadd.s32 $0x190, s3;
	s18 =	sadd.s32 $0x280, s3;
	[dreg:$0x6] =	wrdreg s22  }
0xf: {  	s0 =	sadd.s32 s5, s0;
	s5 =	smax.u32 s14, $0x1;
	[dreg:$0x1b] =	wrdreg s18  }
0x10: {  	s31 =	sshrl.u32 s26, $0x3;
	s26 =	sadd.s32 $0xC800, s22;
	[dreg:$0xe] =	wrdreg s5  }
0x11: {  	s6 =	sshrl.u32 s6, $0x3;
	s0 =	sadd.s32 $0x17E00, s0;
	[smem:$0x7FB] =	sst s26  }
0x12: {  	s5 =	sshrl.u32 s24, $0x3;
	s24 =	sadd.s32 $0x7800, s22;
	[dreg:$0xd] =	wrdreg s0  }
0x13: {  	s23 =	sadd.s32 $0x230, s3;
	s16 =	sadd.s32 s11, s6;
	[smem:$0x7F9] =	sst s24  }
0x14: {  	s9 =	sadd.s32 $0x320, s3;
	s19 =	sadd.s32 s12, s6;
	[dreg:$0x7] =	wrdreg s16  }
0x15: {  	s13 =	sadd.s32 $0x2D0, s3;
	s30 =	sadd.s32 s5, s12;
	[dreg:$0x8] =	wrdreg s19  }
0x16: {  	s17 =	sadd.s32 $0xA, s6;
	s5 =	sadd.s32 s5, s11;
	[dreg:$0x11] =	wrdreg s30  }
0x17: {  	s0 =	sshrl.u32 s23, $0x3;
	s23 =	sadd.s32 $0x5000, s22;
	[dreg:$0x12] =	wrdreg s5  }
0x18: {  	s14 =	sshrl.u32 s13, $0x3;
	s20 =	sadd.s32 s11, s17;
	[dreg:$0x1f] =	wrdreg s23  }
0x19: {  	s6 =	sadd.s32 $0x14, s6;
	s7 =	sadd.s32 s12, s17;
	[dreg:$0x9] =	wrdreg s20  }
0x1a: {  	s13 =	simm.s32 $0x14000;
	s21 =	sadd.s32 s11, s6;
	[dreg:$0xa] =	wrdreg s7  }
0x1b: {  	s18 =	simm.s32 $0x4;
	s6 =	sadd.s32 s12, s6;
	[dreg:$0xb] =	wrdreg s21  }
0x1c: {  	s26 =	simm.s32 $0x19000;
	s25 =	sadd.s32 s0, s12;
	[dreg:$0xc] =	wrdreg s6  }
0x1d: {  	s24 =	simm.s32 $0x1E100;
	s0 =	sadd.s32 s0, s11;
	[dreg:$0xf] =	wrdreg s25  }
0x1e: {  	s5 =	sshrl.u32 s9, $0x3;
	s16 =	sadd.s32 s14, s12;
	[dreg:$0x10] =	wrdreg s0  }
0x1f: {  	s17 =	sadd.s32 $0xF0, s3;
	s30 =	sadd.s32 $0xF000, s22;
	[dreg:$0x19] =	wrdreg s16  }
0x20: {  	s23 =	simm.s32 $0x19;
	s6 =	sadd.s32 s31, s12;
	[smem:$0x7FC] =	sst s30  }
0x21: {  	s9 =	simm.s32 $0x13;
	s0 =	sadd.s32 s31, s11;
	[dreg:$0x13] =	wrdreg s6  }
0x22: {  	s7 =	sadd.s32 $0x140, s3;
	s15 =	sadd.s32 s5, s12;
	[dreg:$0x14] =	wrdreg s0  }
0x23: {  	s5 =	sadd.s32 s5, s11;
	s19 =	sshrl.u32 s17, $0x3;
	[dreg:$0x17] =	wrdreg s15  }
0x24: {  	s21 =	sadd.s32 $0x2800, s22;
	s25 =	sadd.s32 $0xA000, s22;
	[dreg:$0x18] =	wrdreg s5  }
0x25: {  	s31 =	sadd.s32 $0x11800, s22;
	s3 =	simm.s32 $0xC;
	[dreg:$0x1e] =	wrdreg s21  }
0x26: {  	s16 =	simm.s32 $0xD;
	s17 =	simm.s32 $0x14;
	[smem:$0x7FA] =	sst s25  }
0x27: {  	s8 =	sshrl.u32 s7, $0x3;
	s20 =	sadd.s32 s19, s12;
	[smem:$0x7FD] =	sst s31  }
0x28: {  	s5 =	simm.s32 $0x1;
	s25 =	simm.s32 $0xB;
	s15 =	simm.s32 $0x2  }
0x29: {  	s7 =	simm.s32 $0x0;
	s10 =	sadd.s32 s8, s12;
	[dreg:$0x1c] =	wrdreg s20  }
.Ltmp0:
0x2a: {  	s0 =	sadd.s32 s8, s11;
	[dreg:$0x15] =	wrdreg s10;
	(pc) =	sbr.rel .LBB2_1-.Ltmp0, $4  }
0x2b: {  	s8 =	simm.s32 $0x1B800;
	s12 =	simm.s32 $0x5;
	[dreg:$0x16] =	wrdreg s0  }
0x2c: {  	s0 =	sadd.s32 s14, s11;
	s10 =	simm.s32 $0x3;
	s14 =	simm.s32 $0x1E600  }
0x2d: {  	[dreg:$0x1a] =	wrdreg s0;
	s0 =	sadd.s32 s19, s11;
	s11 =	simm.s32 $0x50  }
0x2e: {  	v0 =	vimm.f32 $0.0e+00;
	s19 =	simm.s32 $0x15;
	[dreg:$0x1d] =	wrdreg s0;
	s0 =	simm.s32 $0x16800  }
.LBB2_7:
0x2f: {  	s6 =	simm.s32 $0x6  }
0x30: {  	_ =	swait.ge [sflag:s6], $0x2800  }
0x31: {  	[sflag:s6] =	ssyncset.done $0x0  }
0x32: {  	s22 =	simm.s32 $0x7;
	[sflag:s6] =	ssyncadd.s32 $0xFFFFD800  }
0x33: {  	_ =	swait.ge [sflag:s22], $0x2800  }
0x34: {  	[sflag:s22] =	ssyncset.done $0x0  }
0x35: {  	s23 =	simm.s32 $0x8;
	[sflag:s22] =	ssyncadd.s32 $0xFFFFD800  }
0x36: {  	_ =	swait.ge [sflag:s23], $0x2800  }
0x37: {  	[sflag:s23] =	ssyncset.done $0x0  }
0x38: {  	[sflag:s23] =	ssyncadd.s32 $0xFFFFD800  }
0x39: {  	_ =	swait.ge [sflag:s12], $0x2800  }
0x3a: {  	[sflag:s12] =	ssyncset.done $0x0  }
0x3b: {  	s30 =	stileid.u32;
	[sflag:s12] =	ssyncadd.s32 $0xFFFFD800  }
0x3c: {  	s6 =	sshll.u32 s30, $0x6;
	[bflag:$0x0] =	sbarrier.arrive $0xFFFF  }
0x3d: {  	s6 =	sor.u32 $0x1C19, s6;
	s22 =	rddreg [dreg:$0x6]  }
0x3e: {  	s23 =	simm.s32 $0x19;
	s21 =	rddreg [dreg:$0xd];
	s20 =	sshrl.u32 s22, $0x3  }
0x3f: {  	[hbm:s21], [sflag:s6] =	dma.local [spmem:s20], $0x2800  }
0x40: {  	_ =	swait.ge [sflag:s23], $0x2800  }
0x41: {  	s7 =	sld [smem:$0x7F8];
	_ =	sdelay $0x2  }
0x42: {  	s31 =	rddreg [dreg:$0xe];
	s7 =	sadd.s32 $0x1, s7  }
0x43: {  	p0 =	sne.s32 s7, s31  }
.Ltmp1:
0x44: {  	_ = 	snop;
	(pc) =	sbr.rel @!p0 .LBB2_8-.Ltmp1, $3  }
0x45: {  	_ =	sdelay $0x1  }
0x46: {  	[sflag:s23] =	ssyncset.done $0x0  }
0x47: {  	[sflag:s23] =	ssyncadd.s32 $0xFFFFD800  }
.LBB2_1:
0x48: {  	[smem:$0x7F8] =	sst s7;
	s20 =	simm.s32 $0x0;
	s21 =	simm.s32 $0x200  }
.LBB2_2:
0x49: {  	p0 =	sne.s32 s21, $0x9E00;
	[tilespmem:s20+$0x14070] =	vst v0  }
0x4a: {  	[tilespmem:s20+$0x14000] =	vst v0  }
0x4b: {  	[tilespmem:s20+$0x14010] =	vst v0  }
.Ltmp2:
0x4c: {  	[tilespmem:s20+$0x14020] =	vst v0;
	(pc) =	sbr.rel @p0 .LBB2_2-.Ltmp2, $4  }
0x4d: {  	[tilespmem:s20+$0x14030] =	vst v0  }
0x4e: {  	[tilespmem:s20+$0x14040] =	vst v0  }
0x4f: {  	[tilespmem:s20+$0x14050] =	vst v0  }
0x50: {  	[tilespmem:s20+$0x14060] =	vst v0;
	s20 =	sshra.s32 s21, $0x2;
	s21 =	sadd.s32 $0x200, s21  }
0x51: {  	[tilespmem:s20+$0x14070] =	vst v0  }
0x52: {  	[tilespmem:s20+$0x14000] =	vst v0  }
0x53: {  	[tilespmem:s20+$0x14010] =	vst v0  }
0x54: {  	[tilespmem:s20+$0x14020] =	vst v0  }
0x55: {  	[tilespmem:s20+$0x14030] =	vst v0  }
0x56: {  	[tilespmem:s20+$0x14040] =	vst v0  }
0x57: {  	[tilespmem:s20+$0x14050] =	vst v0  }
0x58: {  	[tilespmem:s20+$0x14060] =	vst v0  }
0x59: {  	[spmem:s22] =	stream.linear.scatter [tilespmem:s13], [sflag:$0x19], $0x2800, $0x38;
	[tilespmem:$0x1E800] =	vst v63  }
0x5a: {  	_ =	swait.ge [sflag:s23], $0x2800  }
0x5b: {  	[sflag:s23] =	ssyncset.done $0x0  }
0x5c: {  	s6 =	rddreg [dreg:$0x1e];
	[sflag:s23] =	ssyncadd.s32 $0xFFFFD800  }
0x5d: {  	[spmem:s6] =	stream.linear.scatter [tilespmem:s13], [sflag:$0x19], $0x2800, $0x38;
	[tilespmem:$0x1E800] =	vst v63  }
0x5e: {  	_ =	swait.ge [sflag:s23], $0x2800  }
0x5f: {  	[sflag:s23] =	ssyncset.done $0x0  }
0x60: {  	s7 =	rddreg [dreg:$0x1f];
	[sflag:s23] =	ssyncadd.s32 $0xFFFFD800  }
0x61: {  	[spmem:s7] =	stream.linear.scatter [tilespmem:s13], [sflag:$0x19], $0x2800, $0x38;
	[tilespmem:$0x1E800] =	vst v63  }
0x62: {  	_ =	swait.ge [sflag:s23], $0x2800  }
0x63: {  	s20 =	sld [smem:$0x7F9]  }
0x64: {  	[sflag:s23] =	ssyncset.done $0x0  }
0x65: {  	[sflag:s23] =	ssyncadd.s32 $0xFFFFD800  }
0x66: {  	[spmem:s20] =	stream.linear.scatter [tilespmem:s13], [sflag:$0x19], $0x2800, $0x38;
	[tilespmem:$0x1E800] =	vst v63  }
0x67: {  	_ =	swait.ge [sflag:s23], $0x2800  }
0x68: {  	s21 =	sld [smem:$0x7FA]  }
0x69: {  	[sflag:s23] =	ssyncset.done $0x0  }
0x6a: {  	[sflag:s23] =	ssyncadd.s32 $0xFFFFD800  }
0x6b: {  	[spmem:s21] =	stream.linear.scatter [tilespmem:s13], [sflag:$0x19], $0x2800, $0x38;
	[tilespmem:$0x1E800] =	vst v63  }
0x6c: {  	_ =	swait.ge [sflag:s23], $0x2800  }
0x6d: {  	s22 =	sld [smem:$0x7FB]  }
0x6e: {  	[sflag:s23] =	ssyncset.done $0x0  }
0x6f: {  	[sflag:s23] =	ssyncadd.s32 $0xFFFFD800  }
0x70: {  	[spmem:s22] =	stream.linear.scatter [tilespmem:s13], [sflag:$0x19], $0x2800, $0x38;
	[tilespmem:$0x1E800] =	vst v63  }
0x71: {  	_ =	swait.ge [sflag:s23], $0x2800  }
0x72: {  	s30 =	sld [smem:$0x7FC]  }
0x73: {  	[sflag:s23] =	ssyncset.done $0x0  }
0x74: {  	[sflag:s23] =	ssyncadd.s32 $0xFFFFD800  }
0x75: {  	[spmem:s30] =	stream.linear.scatter [tilespmem:s13], [sflag:$0x19], $0x2800, $0x38;
	[tilespmem:$0x1E800] =	vst v63  }
0x76: {  	_ =	swait.ge [sflag:s23], $0x2800  }
0x77: {  	s31 =	sld [smem:$0x7FD]  }
0x78: {  	[sflag:s23] =	ssyncset.done $0x0  }
0x79: {  	[sflag:s23] =	ssyncadd.s32 $0xFFFFD800  }
0x7a: {  	[spmem:s31] =	stream.linear.scatter [tilespmem:s13], [sflag:$0x19], $0x2800, $0x38;
	[tilespmem:$0x1E800] =	vst v63  }
0x7b: {  	_ =	swait.ge [sflag:s23], $0x2800  }
0x7c: {  	[sflag:s23] =	ssyncset.done $0x0  }
0x7d: {  	[sflag:s23] =	ssyncadd.s32 $0xFFFFD800  }
0x7e: {  	[bflag:$0x0] =	sbarrier.arrive $0xFFFF  }
0x7f: {  	s20 =	simm.s32 $0x0;
	s21 =	simm.s32 $0x1E000;
	s7 =	rddreg [dreg:$0x7]  }
0x80: {  	[tilespmem:s21], [sflag:$0x9] =	stream.linear.gather [hbm4b:s7+s20], $0x50, $0x38;
	[tilespmem:$0x1E800] =	vst v63  }
0x81: {  	s23 =	simm.s32 $0x1E400;
	s22 =	rddreg [dreg:$0x8]  }
0x82: {  	[tilespmem:s23], [sflag:$0x11] =	stream.linear.gather [hbm4b:s22+s20], $0x50, $0x38;
	[tilespmem:$0x1E800] =	vst v63  }
0x83: {  	s30 =	rddreg [dreg:$0x9];
	s22 =	simm.s32 $0x1E080  }
0x84: {  	[tilespmem:s22], [sflag:$0xA] =	stream.linear.gather [hbm4b:s30+s20], $0x50, $0x38;
	[tilespmem:$0x1E800] =	vst v63  }
0x85: {  	s31 =	rddreg [dreg:$0xa];
	s7 =	simm.s32 $0x1E480  }
0x86: {  	[tilespmem:s7], [sflag:$0x12] =	stream.linear.gather [hbm4b:s31+s20], $0x50, $0x38;
	[tilespmem:$0x1E800] =	vst v63  }
0x87: {  	s30 =	rddreg [dreg:$0xb]  }
0x88: {  	[tilespmem:s24], [sflag:$0xB] =	stream.linear.gather [hbm4b:s30+s20], $0x50, $0x38;
	[tilespmem:$0x1E800] =	vst v63  }
0x89: {  	s31 =	rddreg [dreg:$0xc];
	s7 =	simm.s32 $0x1E500;
	s30 =	simm.s32 $0x9  }
0x8a: {  	[tilespmem:s7], [sflag:$0x13] =	stream.linear.gather [hbm4b:s31+s20], $0x50, $0x38;
	[tilespmem:$0x1E800] =	vst v63  }
0x8b: {  	_ =	swait.ge [sflag:s30], $0x50  }
0x8c: {  	[sflag:s30] =	ssyncset.done $0x0  }
0x8d: {  	s31 =	simm.s32 $0xA;
	[sflag:s30] =	ssyncadd.s32 $0xFFFFFFB0  }
0x8e: {  	[tilespmem:s13], [sflag:$0x1] =	stream.indirect.gather [hbm4b:s1+s11], $0x80, s21, s11, $0xb8;
	[tilespmem:$0x1E800] =	vst v63  }
.Ltmp3:
0x8f: {  	_ =	swait.ge [sflag:s31], $0x50;
	(pc) =	sbr.rel .LBB2_4-.Ltmp3, $4  }
0x90: {  	[sflag:s31] =	ssyncset.done $0x0  }
0x91: {  	[sflag:s31] =	ssyncadd.s32 $0xFFFFFFB0  }
0x92: {  	[tilespmem:s0], [sflag:$0x2] =	stream.indirect.gather [hbm4b:s1+s11], $0x80, s22, s11, $0xb8;
	[tilespmem:$0x1E800] =	vst v63  }
0x93: {  	s23 =	simm.s32 $0x0;
	s21 =	simm.s32 $0x7;
	s22 =	rddreg [dreg:$0x1b]  }
.LBB2_6:
0x94: {  	s20 =	sadd.s32 $0x50, s20  }
0x95: {  	p0 =	sne.s32 s20, $0x500  }
.Ltmp4:
0x96: {  	_ = 	snop;
	(pc) =	sbr.rel @!p0 .LBB2_7-.Ltmp4, $2  }
0x97: {  	_ =	sdelay $0x2  }
0x98: {  	s23 =	sadd.s32 $0x1, s23;
	s21 =	sadd.s32 $0x8, s21;
	s22 =	sadd.s32 $0x280, s22  }
.LBB2_4:
0x99: {  	s6 =	simm.s32 $0x11  }
0x9a: {  	_ =	swait.ge [sflag:s6], $0x50  }
0x9b: {  	[sflag:s6] =	ssyncset.done $0x0  }
0x9c: {  	[sflag:s6] =	ssyncadd.s32 $0xFFFFFFB0  }
0x9d: {  	_ =	swait.ge [sflag:s5], $0x2800  }
0x9e: {  	[sflag:s5] =	ssyncset.done $0x0  }
0x9f: {  	s31 =	simm.s32 $0x1E400;
	s7 =	rddreg [dreg:$0x1d];
	[sflag:s5] =	ssyncadd.s32 $0xFFFFD800  }
0xa0: {  	[spmem:s2] =	stream.indirect.scatter.add.f32 [tilespmem:s13], [sflag:$0x5], $0x80, s31, s11, $0xb8;
	[tilespmem:$0x1E800] =	vst v63  }
0xa1: {  	s30 =	sadd.s32 s20, s7;
	s31 =	simm.s32 $0x1E180  }
0xa2: {  	[tilespmem:s31], [sflag:$0xC] =	stream.linear.gather [hbm4b:s30+s4], $0x50, $0x38;
	[tilespmem:$0x1E800] =	vst v63  }
0xa3: {  	p0 =	seq.s32 s20, $0x0;
	s30 =	rddreg [dreg:$0x1c]  }
0xa4: {  	s7 =	simm.s32 $0x1E580;
	s6 =	sadd.s32 s20, s30;
	s30 =	simm.s32 @!p0 $0x7  }
0xa5: {  	[tilespmem:s7], [sflag:$0x14] =	stream.linear.gather [hbm4b:s6+s4], $0x50, $0x38;
	[tilespmem:$0x1E800] =	vst v63  }
0xa6: {  	_ =	swait.ge @!p0 [sflag:s30], $0x2800  }
0xa7: {  	[sflag:s30] =	ssyncset.done @!p0 $0x0  }
0xa8: {  	[sflag:s30] =	ssyncadd.s32 @!p0 $0xFFFFD800  }
0xa9: {  	_ =	swait.ge [sflag:s25], $0x50  }
0xaa: {  	[sflag:s25] =	ssyncset.done $0x0  }
0xab: {  	[sflag:s25] =	ssyncadd.s32 $0xFFFFFFB0  }
0xac: {  	[tilespmem:s26], [sflag:$0x3] =	stream.indirect.gather [hbm4b:s1+s11], $0x80, s24, s11, $0xb8;
	[tilespmem:$0x1E800] =	vst v63  }
0xad: {  	_ =	swait.ge [sflag:s28], $0x50  }
0xae: {  	[sflag:s28] =	ssyncset.done $0x0  }
0xaf: {  	[sflag:s28] =	ssyncadd.s32 $0xFFFFFFB0  }
0xb0: {  	_ =	swait.ge [sflag:s15], $0x2800  }
0xb1: {  	[sflag:s15] =	ssyncset.done $0x0  }
0xb2: {  	s30 =	simm.s32 $0x1E480;
	[sflag:s15] =	ssyncadd.s32 $0xFFFFD800  }
0xb3: {  	[spmem:s2] =	stream.indirect.scatter.add.f32 [tilespmem:s0], [sflag:$0x6], $0x80, s30, s11, $0xb8;
	[tilespmem:$0x1E800] =	vst v63  }
0xb4: {  	s30 =	rddreg [dreg:$0x16]  }
0xb5: {  	s6 =	sadd.s32 s20, s30;
	s30 =	rddreg [dreg:$0x15]  }
0xb6: {  	[tilespmem:s29], [sflag:$0xD] =	stream.linear.gather [hbm4b:s6+s4], $0x50, $0x38;
	[tilespmem:$0x1E800] =	vst v63  }
0xb7: {  	s6 =	sadd.s32 s20, s30;
	s30 =	simm.s32 @!p0 $0x8  }
0xb8: {  	[tilespmem:s14], [sflag:$0x15] =	stream.linear.gather [hbm4b:s6+s4], $0x50, $0x38;
	[tilespmem:$0x1E800] =	vst v63  }
0xb9: {  	_ =	swait.ge @!p0 [sflag:s30], $0x2800  }
0xba: {  	[sflag:s30] =	ssyncset.done @!p0 $0x0  }
0xbb: {  	[sflag:s30] =	ssyncadd.s32 @!p0 $0xFFFFD800  }
0xbc: {  	_ =	swait.ge [sflag:s3], $0x50  }
0xbd: {  	[sflag:s3] =	ssyncset.done $0x0  }
0xbe: {  	[sflag:s3] =	ssyncadd.s32 $0xFFFFFFB0  }
0xbf: {  	[tilespmem:s8], [sflag:$0x4] =	stream.indirect.gather [hbm4b:s1+s11], $0x80, s31, s11, $0xb8;
	[tilespmem:$0x1E800] =	vst v63  }
0xc0: {  	_ =	swait.ge [sflag:s9], $0x50  }
0xc1: {  	[sflag:s9] =	ssyncset.done $0x0  }
0xc2: {  	[sflag:s9] =	ssyncadd.s32 $0xFFFFFFB0  }
0xc3: {  	s6 =	sadd.s32 $0xFFFFFFFE, s21;
	_ =	swait.ge [sflag:s10], $0x2800  }
0xc4: {  	p0 =	sgt.u32 s6, $0x7C;
	[sflag:s10] =	ssyncset.done $0x0  }
0xc5: {  	s31 =	simm.s32 $0x1E500;
	s6 =	rddreg [dreg:$0x14];
	[sflag:s10] =	ssyncadd.s32 $0xFFFFD800  }
0xc6: {  	[spmem:s2] =	stream.indirect.scatter.add.f32 [tilespmem:s26], [sflag:$0x7], $0x80, s31, s11, $0xb8;
	[tilespmem:$0x1E800] =	vst v63  }
0xc7: {  	s30 =	sadd.s32 @!p0 s20, s6;
	s6 =	simm.s32 @!p0 $0x1E280;
	s31 =	simm.s32 @!p0 $0x0  }
0xc8: {  	[tilespmem:s6], [sflag:$0xE] =	stream.linear.gather @!p0 [hbm4b:s30+s31], $0x50, $0x38;
	[tilespmem:$0x1E800] =	vst v63  }
0xc9: {  	s6 =	rddreg [dreg:$0x13]  }
0xca: {  	s30 =	simm.s32 @!p0 $0x1E680;
	s6 =	sadd.s32 @!p0 s20, s6  }
0xcb: {  	[tilespmem:s30], [sflag:$0x16] =	stream.linear.gather @!p0 [hbm4b:s6+s31], $0x50, $0x38;
	[tilespmem:$0x1E800] =	vst v63  }
0xcc: {  	_ =	swait.ge [sflag:s12], $0x2800  }
0xcd: {  	[sflag:s12] =	ssyncset.done $0x0  }
0xce: {  	[sflag:s12] =	ssyncadd.s32 $0xFFFFD800  }
0xcf: {  	_ =	swait.ge [sflag:s16], $0x50  }
0xd0: {  	[sflag:s16] =	ssyncset.done $0x0  }
0xd1: {  	[sflag:s16] =	ssyncadd.s32 $0xFFFFFFB0  }
0xd2: {  	[tilespmem:s13], [sflag:$0x1] =	stream.indirect.gather [hbm4b:s1+s11], $0x80, s29, s11, $0xb8;
	[tilespmem:$0x1E800] =	vst v63  }
0xd3: {  	_ =	swait.ge [sflag:s17], $0x50  }
0xd4: {  	[sflag:s17] =	ssyncset.done $0x0  }
0xd5: {  	[sflag:s17] =	ssyncadd.s32 $0xFFFFFFB0  }
0xd6: {  	_ =	swait.ge [sflag:s18], $0x2800  }
0xd7: {  	s31 =	sadd.s32 $0xFFFFFFFF, s21;
	[sflag:s18] =	ssyncset.done $0x0  }
0xd8: {  	p0 =	sgt.u32 s31, $0x7C;
	s6 =	rddreg [dreg:$0x12];
	[sflag:s18] =	ssyncadd.s32 $0xFFFFD800  }
0xd9: {  	[spmem:s2] =	stream.indirect.scatter.add.f32 [tilespmem:s8], [sflag:$0x8], $0x80, s7, s11, $0xb8;
	[tilespmem:$0x1E800] =	vst v63  }
0xda: {  	s30 =	simm.s32 @!p0 $0x0;
	s31 =	simm.s32 @!p0 $0x1E300;
	s6 =	sadd.s32 @!p0 s20, s6  }
0xdb: {  	[tilespmem:s31], [sflag:$0xF] =	stream.linear.gather @!p0 [hbm4b:s6+s30], $0x50, $0x38;
	[tilespmem:$0x1E800] =	vst v63  }
0xdc: {  	s6 =	rddreg [dreg:$0x11]  }
0xdd: {  	s31 =	simm.s32 @!p0 $0x1E700;
	s6 =	sadd.s32 @!p0 s20, s6  }
0xde: {  	[tilespmem:s31], [sflag:$0x17] =	stream.linear.gather @!p0 [hbm4b:s6+s30], $0x50, $0x38;
	[tilespmem:$0x1E800] =	vst v63  }
0xdf: {  	p0 =	sgt.u32 s23, $0xE  }
0xe0: {  	s6 =	simm.s32 @!p0 $0x6  }
0xe1: {  	_ =	swait.ge @!p0 [sflag:s6], $0x2800  }
0xe2: {  	[sflag:s6] =	ssyncset.done @!p0 $0x0  }
0xe3: {  	[sflag:s6] =	ssyncadd.s32 @!p0 $0xFFFFD800;
	s6 =	simm.s32 @!p0 $0xE  }
0xe4: {  	_ =	swait.ge @!p0 [sflag:s6], $0x50  }
0xe5: {  	s30 =	simm.s32 @!p0 $0x1E280;
	[sflag:s6] =	ssyncset.done @!p0 $0x0  }
0xe6: {  	s31 =	simm.s32 @!p0 $0x16800;
	[sflag:s6] =	ssyncadd.s32 @!p0 $0xFFFFFFB0;
	s6 =	simm.s32 @!p0 $0x50  }
0xe7: {  	[tilespmem:s31], [sflag:$0x2] =	stream.indirect.gather @!p0 [hbm4b:s1+s6], $0x80, s30, s6, $0xb8;
	[tilespmem:$0x1E800] =	vst v63  }
0xe8: {  	_ =	swait.ge [sflag:s19], $0x50  }
0xe9: {  	[sflag:s19] =	ssyncset.done $0x0  }
0xea: {  	[sflag:s19] =	ssyncadd.s32 $0xFFFFFFB0  }
0xeb: {  	_ =	swait.ge [sflag:s5], $0x2800  }
0xec: {  	p1 =	sgt.u32 s21, $0x7C;
	[sflag:s5] =	ssyncset.done $0x0  }
0xed: {  	s30 =	simm.s32 @!p1 $0x0;
	s6 =	rddreg [dreg:$0x10];
	[sflag:s5] =	ssyncadd.s32 $0xFFFFD800  }
0xee: {  	[spmem:s2] =	stream.indirect.scatter.add.f32 [tilespmem:s13], [sflag:$0x5], $0x80, s14, s11, $0xb8;
	[tilespmem:$0x1E800] =	vst v63  }
.Ltmp5:
0xef: {  	s31 =	simm.s32 @!p1 $0x1E380;
	s6 =	sadd.s32 @!p1 s20, s6;
	(pc) =	sbr.rel @p0 .LBB2_6-.Ltmp5, $4  }
0xf0: {  	[tilespmem:s31], [sflag:$0x10] =	stream.linear.gather @!p1 [hbm4b:s6+s30], $0x50, $0x38;
	[tilespmem:$0x1E800] =	vst v63  }
0xf1: {  	s6 =	rddreg [dreg:$0xf]  }
0xf2: {  	s31 =	simm.s32 @!p1 $0x1E780;
	s6 =	sadd.s32 @!p1 s20, s6  }
0xf3: {  	[tilespmem:s31], [sflag:$0x18] =	stream.linear.gather @!p1 [hbm4b:s6+s30], $0x50, $0x38;
	[tilespmem:$0x1E800] =	vst v63  }
0xf4: {  	s0 =	simm.s32 $0x7  }
0xf5: {  	_ =	swait.ge [sflag:s0], $0x2800  }
0xf6: {  	[sflag:s0] =	ssyncset.done $0x0  }
0xf7: {  	s24 =	simm.s32 $0xF;
	[sflag:s0] =	ssyncadd.s32 $0xFFFFD800  }
0xf8: {  	_ =	swait.ge [sflag:s24], $0x50  }
0xf9: {  	[sflag:s24] =	ssyncset.done $0x0  }
0xfa: {  	s30 =	simm.s32 $0x1E300;
	s31 =	simm.s32 $0x16;
	[sflag:s24] =	ssyncadd.s32 $0xFFFFFFB0  }
0xfb: {  	[tilespmem:s26], [sflag:$0x3] =	stream.indirect.gather [hbm4b:s1+s11], $0x80, s30, s11, $0xb8;
	[tilespmem:$0x1E800] =	vst v63  }
0xfc: {  	_ =	swait.ge [sflag:s31], $0x50  }
0xfd: {  	[sflag:s31] =	ssyncset.done $0x0  }
0xfe: {  	[sflag:s31] =	ssyncadd.s32 $0xFFFFFFB0  }
0xff: {  	_ =	swait.ge [sflag:s15], $0x2800  }
0x100: {  	[sflag:s15] =	ssyncset.done $0x0  }
0x101: {  	s7 =	simm.s32 $0x16800;
	s6 =	simm.s32 $0x1E680;
	[sflag:s15] =	ssyncadd.s32 $0xFFFFD800  }
0x102: {  	[spmem:s2] =	stream.indirect.scatter.add.f32 [tilespmem:s7], [sflag:$0x6], $0x80, s6, s11, $0xb8;
	[tilespmem:$0x1E800] =	vst v63  }
0x103: {  	s30 =	rddreg [dreg:$0x4];
	s6 =	sshrl.u32 s22, $0x3  }
0x104: {  	s31 =	simm.s32 $0x1E000;
	s24 =	rddreg [dreg:$0x5];
	s30 =	sadd.s32 s30, s6  }
0x105: {  	[tilespmem:s31], [sflag:$0x9] =	stream.linear.gather [hbm4b:s30+s4], $0x50, $0x38;
	[tilespmem:$0x1E800] =	vst v63  }
0x106: {  	s0 =	simm.s32 $0x1E400;
	s6 =	sadd.s32 s24, s6;
	s24 =	simm.s32 $0x8  }
0x107: {  	[tilespmem:s0], [sflag:$0x11] =	stream.linear.gather [hbm4b:s6+s4], $0x50, $0x38;
	[tilespmem:$0x1E800] =	vst v63  }
0x108: {  	_ =	swait.ge [sflag:s24], $0x2800  }
0x109: {  	[sflag:s24] =	ssyncset.done $0x0  }
0x10a: {  	s30 =	simm.s32 $0x10;
	[sflag:s24] =	ssyncadd.s32 $0xFFFFD800  }
0x10b: {  	_ =	swait.ge [sflag:s30], $0x50  }
0x10c: {  	[sflag:s30] =	ssyncset.done $0x0  }
0x10d: {  	s6 =	simm.s32 $0x1E380;
	s24 =	simm.s32 $0x17;
	[sflag:s30] =	ssyncadd.s32 $0xFFFFFFB0  }
0x10e: {  	[tilespmem:s8], [sflag:$0x4] =	stream.indirect.gather [hbm4b:s1+s11], $0x80, s6, s11, $0xb8;
	[tilespmem:$0x1E800] =	vst v63  }
0x10f: {  	_ =	swait.ge [sflag:s24], $0x50  }
0x110: {  	[sflag:s24] =	ssyncset.done $0x0  }
0x111: {  	[sflag:s24] =	ssyncadd.s32 $0xFFFFFFB0  }
0x112: {  	_ =	swait.ge [sflag:s10], $0x2800  }
0x113: {  	[sflag:s10] =	ssyncset.done $0x0  }
0x114: {  	s30 =	simm.s32 $0x1E700;
	s0 =	rddreg [dreg:$0x1a];
	[sflag:s10] =	ssyncadd.s32 $0xFFFFD800  }
0x115: {  	[spmem:s2] =	stream.indirect.scatter.add.f32 [tilespmem:s26], [sflag:$0x7], $0x80, s30, s11, $0xb8;
	[tilespmem:$0x1E800] =	vst v63  }
0x116: {  	s24 =	rddreg [dreg:$0x19];
	s6 =	sadd.s32 s20, s0;
	s30 =	simm.s32 $0x1E080  }
0x117: {  	[tilespmem:s30], [sflag:$0xA] =	stream.linear.gather [hbm4b:s6+s4], $0x50, $0x38;
	[tilespmem:$0x1E800] =	vst v63  }
0x118: {  	s6 =	sadd.s32 s20, s24;
	s24 =	simm.s32 $0x1E480  }
0x119: {  	[tilespmem:s24], [sflag:$0x12] =	stream.linear.gather [hbm4b:s6+s4], $0x50, $0x38;
	[tilespmem:$0x1E800] =	vst v63  }
0x11a: {  	_ =	swait.ge [sflag:s12], $0x2800  }
0x11b: {  	[sflag:s12] =	ssyncset.done $0x0  }
0x11c: {  	s0 =	simm.s32 $0x9;
	[sflag:s12] =	ssyncadd.s32 $0xFFFFD800  }
0x11d: {  	_ =	swait.ge [sflag:s0], $0x50  }
0x11e: {  	[sflag:s0] =	ssyncset.done $0x0  }
0x11f: {  	s6 =	simm.s32 $0x18;
	[sflag:s0] =	ssyncadd.s32 $0xFFFFFFB0  }
0x120: {  	[tilespmem:s13], [sflag:$0x1] =	stream.indirect.gather [hbm4b:s1+s11], $0x80, s31, s11, $0xb8;
	[tilespmem:$0x1E800] =	vst v63  }
0x121: {  	_ =	swait.ge [sflag:s6], $0x50  }
0x122: {  	[sflag:s6] =	ssyncset.done $0x0  }
0x123: {  	[sflag:s6] =	ssyncadd.s32 $0xFFFFFFB0  }
0x124: {  	_ =	swait.ge [sflag:s18], $0x2800  }
0x125: {  	[sflag:s18] =	ssyncset.done $0x0  }
0x126: {  	s31 =	simm.s32 $0x1E780;
	s0 =	rddreg [dreg:$0x18];
	[sflag:s18] =	ssyncadd.s32 $0xFFFFD800  }
0x127: {  	[spmem:s2] =	stream.indirect.scatter.add.f32 [tilespmem:s8], [sflag:$0x8], $0x80, s31, s11, $0xb8;
	[tilespmem:$0x1E800] =	vst v63  }
0x128: {  	s24 =	simm.s32 $0x1E100;
	s6 =	sadd.s32 s20, s0;
	s31 =	rddreg [dreg:$0x17]  }
0x129: {  	[tilespmem:s24], [sflag:$0xB] =	stream.linear.gather [hbm4b:s6+s4], $0x50, $0x38;
	[tilespmem:$0x1E800] =	vst v63  }
0x12a: {  	s0 =	simm.s32 $0x1E500;
	s6 =	sadd.s32 s20, s31  }
0x12b: {  	[tilespmem:s0], [sflag:$0x13] =	stream.linear.gather [hbm4b:s6+s4], $0x50, $0x38;
	[tilespmem:$0x1E800] =	vst v63  }
0x12c: {  	s6 =	simm.s32 $0x6  }
0x12d: {  	_ =	swait.ge [sflag:s6], $0x2800  }
0x12e: {  	[sflag:s6] =	ssyncset.done $0x0  }
.Ltmp6:
0x12f: {  	s31 =	simm.s32 $0xA;
	[sflag:s6] =	ssyncadd.s32 $0xFFFFD800;
	(pc) =	sbr.rel .LBB2_6-.Ltmp6, $4  }
0x130: {  	_ =	swait.ge [sflag:s31], $0x50  }
0x131: {  	[sflag:s31] =	ssyncset.done $0x0  }
0x132: {  	s0 =	simm.s32 $0x16800;
	[sflag:s31] =	ssyncadd.s32 $0xFFFFFFB0  }
0x133: {  	[tilespmem:s7], [sflag:$0x2] =	stream.indirect.gather [hbm4b:s1+s11], $0x80, s30, s11, $0xb8;
	[tilespmem:$0x1E800] =	vst v63  }
.LBB2_8:
0x134: {  	_ =	sfence.sel $0x180000  }
0x135: {  	[bflag:$0x0] =	sbarrier.arrive $0xFFFF  }
0x136: {  	_ =	strace $0x90000050  }
0x137: {  	s0 =	stileid.u32;
	[bflag:$0x2] =	sbarrier.arrive $0xFFFF  }
0x138: {  	p0 =	sne.s32 s0, $0x0;
	s0 =	rddreg [dreg:$0x3]  }
0x139: {  	s0 =	sadd.s32 @!p0 $0x100000, s0  }
0x13a: {  	[sflag:s0] =	ssyncadd.tile.s32 @!p0 $0x1;
	_ =	shalt  }
.Lfunc_end2:
_tile_overlayer_lowered:
.L_overlay_start_2:
0x13b: {  	(tag) =	ssettag $0x2  }
0x13c: {  	s0 =	rddreg [dreg:$0x0];
	s2 =	stileid.u32  }
0x13d: {  	s1 =	rddreg [dreg:$0x1];
	p0 =	sne.s32 s2, $0x0  }
0x13e: {  	s3 =	rddreg [dreg:$0x2];
	[bflag:$0x3] =	sbarrier.arrive $0xFFFF;
	s2 =	simm.s32 @!p0 $0x1C19  }
0x13f: {  	[timem:s3], [sflag:s2] =	dma.local @!p0 [hbm:s0], s1  }
0x140: {  	s0 =	simm.s32 @!p0 $0x19  }
0x141: {  	_ =	swait.ge @!p0 [sflag:s0], s1  }
0x142: {  	s1 =	ssub.s32 @!p0 $0x0, s1;
	[sflag:s0] =	ssyncset.done @!p0 $0x0  }
0x143: {  	[sflag:s0] =	ssyncadd.s32 @!p0 s1  }
0x144: {  	[bflag:$0x3] =	sbarrier.arrive $0xFFFF  }
0x145: {  	_ =	shalt  }

</sc_bundles>
